<compile_context>
chip_gen: v7x
topology: tpu7x:2x2x1
jax: 0.10.2.dev20260603
libtpu: 0.0.44.dev20260713+nightly
codegen_flags: <defaults>
</compile_context>

<pallas_src>
import functools

import jax
import jax.numpy as jnp
from jax import lax
from jax.experimental import pallas as pl
from jax.experimental.pallas import tpu as pltpu
from jax.experimental.pallas import tpu_sc as plsc

N = 100000
D = 128
B = 128
MARGIN = 0.0
EPS = 1e-06

NC = 2
NS = 16
NW = NC * NS
CHM = 128
DUMMY = 3 * B

CK = 2048
NBK = 20
N_TC = NBK * CK
N_SC = N - N_TC

Q8 = N_SC // 8
B8 = Q8 // NW
R8 = Q8 % NW
NSMALL = NW - R8
SPAN = 8 * (B8 + 1)
NKM = SPAN // CHM
CHT = SPAN - NKM * CHM


def _sc_pool_body(im_hbm, it_hbm, a_hbm, p_hbm, n_hbm, out_hbm,
                  acc_sh, buf, idxm, idxt, zbuf, sem0, sem1, ssem0, ssem1):
    cid = lax.axis_index("c")
    sid = lax.axis_index("s")
    wid = cid * NS + sid
    s0 = N_TC + 8 * (B8 * wid + jnp.maximum(0, wid - NSMALL))
    sems = (sem0, sem1)
    ssems = (ssem0, ssem1)

    def _z(i, _):
        zbuf[i // 8, pl.ds((i % 8) * 16, 16)] = jnp.zeros((16,), jnp.float32)
        return 0
    lax.fori_loop(0, B * 8, _z, 0)

    @pl.when(sid == 0)
    def _():
        for t in range(3):
            pltpu.sync_copy(zbuf, acc_sh.at[pl.ds(t * B, B), :])
        pltpu.sync_copy(zbuf.at[pl.ds(0, 8), :],
                        acc_sh.at[pl.ds(3 * B, 8), :])

    plsc.subcore_barrier()

    pltpu.sync_copy(im_hbm.at[wid], idxm)
    pltpu.sync_copy(it_hbm.at[wid], idxt)

    xs = (a_hbm, p_hbm, n_hbm)
    steps = [(t, k) for t in range(3) for k in range(NKM + 1)]

    def _start(c, pb):
        t, k = steps[c]
        sz = CHM if k < NKM else CHT
        row0 = s0 + CHM * k
        return pltpu.async_copy(xs[t].at[pl.ds(row0, sz), :],
                                buf.at[pb, pl.ds(0, sz), :], sems[pb])

    def _scat(c, pb):
        t, k = steps[c]
        if k < NKM:
            return pltpu.async_copy(buf.at[pb], acc_sh.at[idxm.at[t, k]],
                                    ssems[pb], add=True)
        return pltpu.async_copy(buf.at[pb, pl.ds(0, CHT), :],
                                acc_sh.at[idxt.at[t]], ssems[pb], add=True)

    nsteps = len(steps)
    copies = [None] * nsteps
    scats = [None] * nsteps
    copies[0] = _start(0, 0)
    for c in range(nsteps):
        pb = c % 2
        if c + 1 < nsteps:
            if c >= 1:
                scats[c - 1].wait()
            copies[c + 1] = _start(c + 1, (c + 1) % 2)
        copies[c].wait()
        scats[c] = _scat(c, pb)
    scats[nsteps - 2].wait()
    scats[nsteps - 1].wait()

    plsc.subcore_barrier()

    @pl.when(sid == 0)
    def _():
        pltpu.sync_copy(acc_sh.at[pl.ds(0, 3 * B), :], out_hbm.at[cid])


_sc_pool = functools.partial(
    pl.kernel,
    out_type=jax.ShapeDtypeStruct((NC, 3 * B, D), jnp.float32),
    mesh=plsc.VectorSubcoreMesh(core_axis_name="c", subcore_axis_name="s"),
    scratch_types=[
        pltpu.VMEM_SHARED((3 * B + 8, D), jnp.float32),
        pltpu.VMEM((2, CHM, D), jnp.float32),
        pltpu.VMEM((3, NKM, CHM), jnp.int32),
        pltpu.VMEM((8, CHT), jnp.int32),
        pltpu.VMEM((B, D), jnp.float32),
        pltpu.SemaphoreType.DMA,
        pltpu.SemaphoreType.DMA,
        pltpu.SemaphoreType.DMA,
        pltpu.SemaphoreType.DMA,
    ],
)(_sc_pool_body)


def _pool_tc_body(idx_ref, x_ref, out_ref):
    i = pl.program_id(0)
    idx = idx_ref[...].reshape(1, CK)
    oh = (lax.broadcasted_iota(jnp.int32, (B, CK), 0) == idx)
    y = jnp.dot(oh.astype(jnp.float32), x_ref[...],
                preferred_element_type=jnp.float32)

    @pl.when(i == 0)
    def _():
        out_ref[...] = jnp.zeros_like(out_ref)

    out_ref[...] += y


_pool_tc = pl.pallas_call(
    _pool_tc_body,
    grid=(NBK,),
    in_specs=[pl.BlockSpec((1, 1, CK), lambda i: (i, 0, 0)),
              pl.BlockSpec((CK, D), lambda i: (i, 0))],
    out_specs=pl.BlockSpec((B, D), lambda i: (0, 0)),
    out_shape=jax.ShapeDtypeStruct((B, D), jnp.float32),
)


def _loss_body(part_ref, ta_ref, tp_ref, tn_ref,
               agt_ref, pgt_ref, ngt_ref, out_ref):
    pooled = part_ref[0] + part_ref[1]
    a_p = pooled[0:B, :] + ta_ref[...]
    p_p = pooled[B:2 * B, :] + tp_ref[...]
    n_p = pooled[2 * B:3 * B, :] + tn_ref[...]
    pos_d = jnp.sqrt(jnp.sum((p_p - a_p) ** 2, axis=1, keepdims=True))
    neg_d = jnp.sqrt(jnp.sum((n_p - a_p) ** 2, axis=1, keepdims=True))
    agt = agt_ref[...]
    coeff = jnp.abs(ngt_ref[...] - agt) / (jnp.abs(pgt_ref[...] - agt) + EPS)
    loss = jnp.maximum(pos_d - coeff * neg_d + MARGIN, 0.0)
    out_ref[...] = (jnp.sum(loss) / B).reshape(1, 1)


_loss = pl.pallas_call(
    _loss_body,
    out_shape=jax.ShapeDtypeStruct((1, 1), jnp.float32),
)


def _prep_idx(ab, pb, nb):
    mains, tails, tcs = [], [], []
    dummy8 = jnp.full((NSMALL, 8), DUMMY, jnp.int32)
    lo_n = NSMALL * (SPAN - 8)
    for t, b in enumerate((ab, pb, nb)):
        raw = b.astype(jnp.int32)
        tcs.append(raw[:N_TC].reshape(NBK, 1, CK))
        arr = raw[N_TC:] + t * B
        lo = arr[:lo_n].reshape(NSMALL, SPAN - 8)
        hi = arr[lo_n:].reshape(R8, SPAN)
        main = jnp.concatenate([lo[:, :NKM * CHM], hi[:, :NKM * CHM]])
        mains.append(main.reshape(NW, NKM, CHM))
        tail_lo = jnp.concatenate([lo[:, NKM * CHM:], dummy8], axis=1)
        tails.append(jnp.concatenate([tail_lo, hi[:, NKM * CHM:]]))
    idx_main = jnp.stack(mains, axis=1)
    tail = jnp.stack(tails, axis=1)
    pad = jnp.full((NW, 5, CHT), DUMMY, jnp.int32)
    idx_tail = jnp.concatenate([tail, pad], axis=1)
    return idx_main, idx_tail, tcs


def kernel(anchor_batch, negative_batch, positive_batch, anchor, negative,
           positive, anchor_gt, negative_gt, positive_gt):
    idx_main, idx_tail, tcs = _prep_idx(anchor_batch, positive_batch,
                                        negative_batch)
    parts = _sc_pool(idx_main, idx_tail, anchor, positive, negative)
    tc_a = _pool_tc(tcs[0], anchor)
    tc_p = _pool_tc(tcs[1], positive)
    tc_n = _pool_tc(tcs[2], negative)
    out = _loss(parts, tc_a, tc_p, tc_n,
                anchor_gt.reshape(B, 1),
                positive_gt.reshape(B, 1),
                negative_gt.reshape(B, 1))
    return out[0, 0]

# --- scband reference (transcript-rebuilt; emitter-appended) ---
"""Pipeline reference for scband-triplet-loss-regression-13546326851923 (READ-ONLY COPY).

The authoritative reference and input builder live on the scoring server;
editing this copy changes nothing except your own understanding.
"""

import jax, jax.numpy as jnp
import numpy as np

N = 100000
D = 128
B = 128
MARGIN = 0.0
EPS = 1e-06

def setup_inputs(seed: int = 0) -> dict:
    key = jax.random.key(seed)
    ks = jax.random.split(key, 9)
    anchor_batch = jnp.sort(jax.random.randint(ks[0], (N,), 0, B)).astype(jnp.int64)
    negative_batch = jnp.sort(jax.random.randint(ks[1], (N,), 0, B)).astype(jnp.int64)
    positive_batch = jnp.sort(jax.random.randint(ks[2], (N,), 0, B)).astype(jnp.int64)
    anchor = jax.random.normal(ks[3], (N, D), dtype=jnp.float32)
    negative = jax.random.normal(ks[4], (N, D), dtype=jnp.float32)
    positive = jax.random.normal(ks[5], (N, D), dtype=jnp.float32)
    anchor_gt = jax.random.normal(ks[6], (B,), dtype=jnp.float32)
    negative_gt = jax.random.normal(ks[7], (B,), dtype=jnp.float32)
    positive_gt = jax.random.normal(ks[8], (B,), dtype=jnp.float32)
    return {
        "anchor_batch": anchor_batch,
        "negative_batch": negative_batch,
        "positive_batch": positive_batch,
        "anchor": anchor,
        "negative": negative,
        "positive": positive,
        "anchor_gt": anchor_gt,
        "negative_gt": negative_gt,
        "positive_gt": positive_gt,
    }

def global_add_pool(x, batch, num_segments):
    return jax.ops.segment_sum(x, batch, num_segments=num_segments)

def reference(anchor_batch, negative_batch, positive_batch, anchor, negative, positive, anchor_gt, negative_gt, positive_gt):
    anchor_p = global_add_pool(anchor, anchor_batch, B)
    positive_p = global_add_pool(positive, positive_batch, B)
    negative_p = global_add_pool(negative, negative_batch, B)
    pos_distance = jnp.linalg.norm(positive_p - anchor_p, axis=1)
    negative_distance = jnp.linalg.norm(negative_p - anchor_p, axis=1)
    coeff = jnp.abs(negative_gt - anchor_gt) / (jnp.abs(positive_gt - anchor_gt) + EPS)
    loss = jax.nn.relu(pos_distance - coeff * negative_distance + MARGIN)
    return jnp.mean(loss)

if __name__ == "__main__":
    import jax
    _d = setup_inputs()
    print(jax.jit(kernel)(*tuple(_d.values())))

</pallas_src>

<mosaic_0001>
#map = affine_map<(d0, d1) -> (0, 0, 0, 0)>
#map1 = affine_map<(d0, d1) -> (0, 0, 0)>
#map2 = affine_map<(d0, d1) -> (0, 0)>
module attributes {stable_mosaic.version = 14 : i64} {
  func.func @_sc_pool_body(%arg0: i32, %arg1: i32, %arg2: memref<32x3x14x128xi32, #tpu.memory_space<hbm>>, %arg3: memref<32x8x56xi32, #tpu.memory_space<hbm>>, %arg4: memref<100000x128xf32, #tpu.memory_space<hbm>>, %arg5: memref<100000x128xf32, #tpu.memory_space<hbm>>, %arg6: memref<100000x128xf32, #tpu.memory_space<hbm>>, %arg7: memref<2x384x128xf32, #tpu.memory_space<hbm>>, %arg8: memref<392x128xf32, #tpu.memory_space<vmem_shared>>, %arg9: memref<2x128x128xf32, #tpu.memory_space<vmem>>, %arg10: memref<3x14x128xi32, #tpu.memory_space<vmem>>, %arg11: memref<8x56xi32, #tpu.memory_space<vmem>>, %arg12: memref<128x128xf32, #tpu.memory_space<vmem>>, %arg13: memref<!tpu.dma_semaphore, #tpu.memory_space<semaphore_mem>>, %arg14: memref<!tpu.dma_semaphore, #tpu.memory_space<semaphore_mem>>, %arg15: memref<!tpu.dma_semaphore, #tpu.memory_space<semaphore_mem>>, %arg16: memref<!tpu.dma_semaphore, #tpu.memory_space<semaphore_mem>>) attributes {dimension_semantics = [#tpu.dimension_semantics<core_parallel>, #tpu.dimension_semantics<subcore_parallel>], iteration_bounds = array<i64: 2, 16>, scalar_prefetch = 0 : i64, scratch_operands = 9 : i64, tpu.core_type = #tpu.core_type<sc_vector_subcore>, window_params = [{transform_indices = #map}, {transform_indices = #map1}, {transform_indices = #map2}, {transform_indices = #map2}, {transform_indices = #map2}, {transform_indices = #map1}]} {
    %mul3A = arith.constant 16 : i32
    %mul3A_0 = arith.muli %arg0, %mul3A : i32
    %add3A = arith.addi %mul3A_0, %arg1 : i32
    %mul3A_1 = arith.constant 230 : i32
    %mul3A_2 = arith.muli %mul3A_1, %add3A : i32
    %sub3A = arith.constant 12 : i32
    %sub3A_3 = arith.subi %add3A, %sub3A : i32
    %max3A = arith.constant 0 : i32
    %max3A_4 = arith.maxsi %max3A, %sub3A_3 : i32
    %add3A_5 = arith.addi %mul3A_2, %max3A_4 : i32
    %mul3A_6 = arith.constant 8 : i32
    %mul3A_7 = arith.muli %mul3A_6, %add3A_5 : i32
    %add3A_8 = arith.constant 40960 : i32
    %add3A_9 = arith.addi %add3A_8, %mul3A_7 : i32
    %scan3A = arith.constant 0 : i32
    %scan3A_10 = arith.constant 0 : i32
    %scan3A_11 = arith.constant 1024 : i32
    %scan3A_12 = arith.addi %scan3A_10, %scan3A_11 : i32
    %scan3A_13 = arith.constant 1 : i32
    %scan3A_14 = scf.for %scan3A_2446 = %scan3A_10 to %scan3A_12 step %scan3A_13 iter_args(%scan3A_2447 = %scan3A) -> (i32)  : i32 {
      %broadcast_in_dim3A = arith.constant 0.000000e+00 : f32
      %broadcast_in_dim3A_2448 = vector.broadcast %broadcast_in_dim3A : f32 to vector<16xf32>
      %jit3A = arith.constant 8 : i32
      %div3A = arith.divsi %scan3A_2446, %jit3A : i32
      %sign3A = arith.constant 0 : i32
      %sign3A_2449 = arith.cmpi sgt, %scan3A_2446, %sign3A : i32
      %sign3A_2450 = arith.extui %sign3A_2449 : i1 to i32
      %sign3A_2451 = arith.constant 0 : i32
      %sign3A_2452 = arith.cmpi slt, %scan3A_2446, %sign3A_2451 : i32
      %sign3A_2453 = arith.extui %sign3A_2452 : i1 to i32
      %sign3A_2454 = arith.subi %sign3A_2450, %sign3A_2453 : i32
      %sign3A_2455 = arith.constant 0 : i32
      %sign3A_2456 = arith.cmpi sgt, %jit3A, %sign3A_2455 : i32
      %sign3A_2457 = arith.extui %sign3A_2456 : i1 to i32
      %sign3A_2458 = arith.constant 0 : i32
      %sign3A_2459 = arith.cmpi slt, %jit3A, %sign3A_2458 : i32
      %sign3A_2460 = arith.extui %sign3A_2459 : i1 to i32
      %sign3A_2461 = arith.subi %sign3A_2457, %sign3A_2460 : i32
      %ne3A = arith.cmpi ne, %sign3A_2454, %sign3A_2461 : i32
      %rem3A = arith.remsi %scan3A_2446, %jit3A : i32
      %ne3A_2462 = arith.constant 0 : i32
      %ne3A_2463 = arith.cmpi ne, %rem3A, %ne3A_2462 : i32
      %and3A = arith.andi %ne3A, %ne3A_2463 : i1
      %sub3A_2464 = arith.constant 1 : i32
      %sub3A_2465 = arith.subi %div3A, %sub3A_2464 : i32
      %select_n3A = arith.select %and3A, %sub3A_2465, %div3A : i32
      %jit3A_2466 = arith.constant 8 : i32
      %eq3A_2467 = arith.constant 0 : i32
      %eq3A_2468 = arith.cmpi eq, %jit3A_2466, %eq3A_2467 : i32
      %jit3A_2469 = arith.constant 1 : i32
      %select_n3A_2470 = arith.select %eq3A_2468, %jit3A_2469, %jit3A_2466 : i32
      %rem3A_2471 = arith.remsi %scan3A_2446, %select_n3A_2470 : i32
      %ne3A_2472 = arith.constant 0 : i32
      %ne3A_2473 = arith.cmpi ne, %rem3A_2471, %ne3A_2472 : i32
      %lt3A = arith.constant 0 : i32
      %lt3A_2474 = arith.cmpi slt, %rem3A_2471, %lt3A : i32
      %lt3A_2475 = arith.constant 0 : i32
      %lt3A_2476 = arith.cmpi slt, %select_n3A_2470, %lt3A_2475 : i32
      %ne3A_2477 = arith.xori %lt3A_2474, %lt3A_2476 : i1
      %and3A_2478 = arith.andi %ne3A_2477, %ne3A_2473 : i1
      %add3A_2479 = arith.addi %rem3A_2471, %select_n3A_2470 : i32
      %select_n3A_2480 = arith.select %and3A_2478, %add3A_2479, %rem3A_2471 : i32
      %mul3A_2481 = arith.constant 16 : i32
      %mul3A_2482 = arith.muli %select_n3A_2480, %mul3A_2481 : i32
      %swap3A = arith.index_cast %select_n3A : i32 to index
      %swap3A_2483 = arith.index_cast %mul3A_2482 : i32 to index
      %swap3A_2484 = tpu.vector_load %arg12[%swap3A, %swap3A_2483] {strides = array<i32>} : memref<128x128xf32, #tpu.memory_space<vmem>>, vector<1x16xf32>,
      %swap3A_2485 = vector.shape_cast %swap3A_2484 : vector<1x16xf32> to vector<16xf32>
      %swap3A_2486 = vector.shape_cast %broadcast_in_dim3A_2448 : vector<16xf32> to vector<1x16xf32>
      tpu.vector_store %arg12[%swap3A, %swap3A_2483], %swap3A_2486 {strides = array<i32>} : memref<128x128xf32, #tpu.memory_space<vmem>>, vector<1x16xf32>,
      %scan3A_2487 = arith.constant 0 : i32
      scf.yield %scan3A_2487 : i32
    }
    %scan3A_15 = arith.constant 1024 : i32
    %eq3A = arith.constant 0 : i32
    %eq3A_16 = arith.cmpi eq, %arg1, %eq3A : i32
    %convert_element_type3A = arith.extui %eq3A_16 : i1 to i32
    %cond3A = arith.constant 0 : i32
    %cond3A_17 = arith.cmpi ne, %convert_element_type3A, %cond3A : i32
    scf.if %cond3A_17 {
      "tpu.region"() ({
        %run_scoped3A = tpu.sem_alloc : memref<!tpu.dma_semaphore, #tpu.memory_space<semaphore_mem>>
        %dma_start3A_2446 = arith.constant 0 : i32
        %dma_start3A_2447 = arith.constant 0 : i32
        %dma_start3A_2448 = tpu.memref_slice %arg8[%dma_start3A_2446, %dma_start3A_2447] : memref<392x128xf32, #tpu.memory_space<vmem_shared>> -> memref<128x128xf32, #tpu.memory_space<vmem_shared>>
        %dma_start3A_2449 = arith.constant 0 : i32
        %dma_start3A_2450 = arith.constant 0 : i32
        %dma_start3A_2451 = tpu.memref_slice %arg8[%dma_start3A_2449, %dma_start3A_2450] : memref<392x128xf32, #tpu.memory_space<vmem_shared>> -> memref<128x128xf32, #tpu.memory_space<vmem_shared>>
        tpu.enqueue_dma source(%arg12 : memref<128x128xf32, #tpu.memory_space<vmem>>) target(%dma_start3A_2451 : memref<128x128xf32, #tpu.memory_space<vmem_shared>>) target_semaphore(%run_scoped3A : memref<!tpu.dma_semaphore, #tpu.memory_space<semaphore_mem>>)
        %dma_wait3A_2452 = arith.constant 0 : i32
        %dma_wait3A_2453 = arith.constant 0 : i32
        %dma_wait3A_2454 = tpu.memref_slice %arg8[%dma_wait3A_2452, %dma_wait3A_2453] : memref<392x128xf32, #tpu.memory_space<vmem_shared>> -> memref<128x128xf32, #tpu.memory_space<vmem_shared>>
        %dma_wait3A_2455 = arith.constant 0 : i32
        %dma_wait3A_2456 = arith.constant 0 : i32
        %dma_wait3A_2457 = tpu.memref_slice %arg8[%dma_wait3A_2455, %dma_wait3A_2456] : memref<392x128xf32, #tpu.memory_space<vmem_shared>> -> memref<128x128xf32, #tpu.memory_space<vmem_shared>>
        tpu.wait_dma2 semaphore(%run_scoped3A : memref<!tpu.dma_semaphore, #tpu.memory_space<semaphore_mem>>) src(%arg12 : memref<128x128xf32, #tpu.memory_space<vmem>>) dst(%dma_wait3A_2457 : memref<128x128xf32, #tpu.memory_space<vmem_shared>>)
        tpu.yield
      }) : () -> ()
      "tpu.region"() ({
        %run_scoped3A = tpu.sem_alloc : memref<!tpu.dma_semaphore, #tpu.memory_space<semaphore_mem>>
        %dma_start3A_2446 = arith.constant 128 : i32
        %dma_start3A_2447 = arith.constant 0 : i32
        %dma_start3A_2448 = tpu.memref_slice %arg8[%dma_start3A_2446, %dma_start3A_2447] : memref<392x128xf32, #tpu.memory_space<vmem_shared>> -> memref<128x128xf32, #tpu.memory_space<vmem_shared>>
        %dma_start3A_2449 = arith.constant 128 : i32
        %dma_start3A_2450 = arith.constant 0 : i32
        %dma_start3A_2451 = tpu.memref_slice %arg8[%dma_start3A_2449, %dma_start3A_2450] : memref<392x128xf32, #tpu.memory_space<vmem_shared>> -> memref<128x128xf32, #tpu.memory_space<vmem_shared>>
        tpu.enqueue_dma source(%arg12 : memref<128x128xf32, #tpu.memory_space<vmem>>) target(%dma_start3A_2451 : memref<128x128xf32, #tpu.memory_space<vmem_shared>>) target_semaphore(%run_scoped3A : memref<!tpu.dma_semaphore, #tpu.memory_space<semaphore_mem>>)
        %dma_wait3A_2452 = arith.constant 128 : i32
        %dma_wait3A_2453 = arith.constant 0 : i32
        %dma_wait3A_2454 = tpu.memref_slice %arg8[%dma_wait3A_2452, %dma_wait3A_2453] : memref<392x128xf32, #tpu.memory_space<vmem_shared>> -> memref<128x128xf32, #tpu.memory_space<vmem_shared>>
        %dma_wait3A_2455 = arith.constant 128 : i32
        %dma_wait3A_2456 = arith.constant 0 : i32
        %dma_wait3A_2457 = tpu.memref_slice %arg8[%dma_wait3A_2455, %dma_wait3A_2456] : memref<392x128xf32, #tpu.memory_space<vmem_shared>> -> memref<128x128xf32, #tpu.memory_space<vmem_shared>>
        tpu.wait_dma2 semaphore(%run_scoped3A : memref<!tpu.dma_semaphore, #tpu.memory_space<semaphore_mem>>) src(%arg12 : memref<128x128xf32, #tpu.memory_space<vmem>>) dst(%dma_wait3A_2457 : memref<128x128xf32, #tpu.memory_space<vmem_shared>>)
        tpu.yield
      }) : () -> ()
      "tpu.region"() ({
        %run_scoped3A = tpu.sem_alloc : memref<!tpu.dma_semaphore, #tpu.memory_space<semaphore_mem>>
        %dma_start3A_2446 = arith.constant 256 : i32
        %dma_start3A_2447 = arith.constant 0 : i32
        %dma_start3A_2448 = tpu.memref_slice %arg8[%dma_start3A_2446, %dma_start3A_2447] : memref<392x128xf32, #tpu.memory_space<vmem_shared>> -> memref<128x128xf32, #tpu.memory_space<vmem_shared>>
        %dma_start3A_2449 = arith.constant 256 : i32
        %dma_start3A_2450 = arith.constant 0 : i32
        %dma_start3A_2451 = tpu.memref_slice %arg8[%dma_start3A_2449, %dma_start3A_2450] : memref<392x128xf32, #tpu.memory_space<vmem_shared>> -> memref<128x128xf32, #tpu.memory_space<vmem_shared>>
        tpu.enqueue_dma source(%arg12 : memref<128x128xf32, #tpu.memory_space<vmem>>) target(%dma_start3A_2451 : memref<128x128xf32, #tpu.memory_space<vmem_shared>>) target_semaphore(%run_scoped3A : memref<!tpu.dma_semaphore, #tpu.memory_space<semaphore_mem>>)
        %dma_wait3A_2452 = arith.constant 256 : i32
        %dma_wait3A_2453 = arith.constant 0 : i32
        %dma_wait3A_2454 = tpu.memref_slice %arg8[%dma_wait3A_2452, %dma_wait3A_2453] : memref<392x128xf32, #tpu.memory_space<vmem_shared>> -> memref<128x128xf32, #tpu.memory_space<vmem_shared>>
        %dma_wait3A_2455 = arith.constant 256 : i32
        %dma_wait3A_2456 = arith.constant 0 : i32
        %dma_wait3A_2457 = tpu.memref_slice %arg8[%dma_wait3A_2455, %dma_wait3A_2456] : memref<392x128xf32, #tpu.memory_space<vmem_shared>> -> memref<128x128xf32, #tpu.memory_space<vmem_shared>>
        tpu.wait_dma2 semaphore(%run_scoped3A : memref<!tpu.dma_semaphore, #tpu.memory_space<semaphore_mem>>) src(%arg12 : memref<128x128xf32, #tpu.memory_space<vmem>>) dst(%dma_wait3A_2457 : memref<128x128xf32, #tpu.memory_space<vmem_shared>>)
        tpu.yield
      }) : () -> ()
      "tpu.region"() ({
        %run_scoped3A = tpu.sem_alloc : memref<!tpu.dma_semaphore, #tpu.memory_space<semaphore_mem>>
        %dma_start3A_2446 = arith.constant 0 : i32
        %dma_start3A_2447 = arith.constant 0 : i32
        %dma_start3A_2448 = tpu.memref_slice %arg12[%dma_start3A_2446, %dma_start3A_2447] : memref<128x128xf32, #tpu.memory_space<vmem>> -> memref<8x128xf32, #tpu.memory_space<vmem>>
        %dma_start3A_2449 = arith.constant 384 : i32
        %dma_start3A_2450 = arith.constant 0 : i32
        %dma_start3A_2451 = tpu.memref_slice %arg8[%dma_start3A_2449, %dma_start3A_2450] : memref<392x128xf32, #tpu.memory_space<vmem_shared>> -> memref<8x128xf32, #tpu.memory_space<vmem_shared>>
        %dma_start3A_2452 = arith.constant 384 : i32
        %dma_start3A_2453 = arith.constant 0 : i32
        %dma_start3A_2454 = tpu.memref_slice %arg8[%dma_start3A_2452, %dma_start3A_2453] : memref<392x128xf32, #tpu.memory_space<vmem_shared>> -> memref<8x128xf32, #tpu.memory_space<vmem_shared>>
        %dma_start3A_2455 = arith.constant 0 : i32
        %dma_start3A_2456 = arith.constant 0 : i32
        %dma_start3A_2457 = tpu.memref_slice %arg12[%dma_start3A_2455, %dma_start3A_2456] : memref<128x128xf32, #tpu.memory_space<vmem>> -> memref<8x128xf32, #tpu.memory_space<vmem>>
        tpu.enqueue_dma source(%dma_start3A_2457 : memref<8x128xf32, #tpu.memory_space<vmem>>) target(%dma_start3A_2454 : memref<8x128xf32, #tpu.memory_space<vmem_shared>>) target_semaphore(%run_scoped3A : memref<!tpu.dma_semaphore, #tpu.memory_space<semaphore_mem>>)
        %dma_wait3A_2458 = arith.constant 0 : i32
        %dma_wait3A_2459 = arith.constant 0 : i32
        %dma_wait3A_2460 = tpu.memref_slice %arg12[%dma_wait3A_2458, %dma_wait3A_2459] : memref<128x128xf32, #tpu.memory_space<vmem>> -> memref<8x128xf32, #tpu.memory_space<vmem>>
        %dma_wait3A_2461 = arith.constant 384 : i32
        %dma_wait3A_2462 = arith.constant 0 : i32
        %dma_wait3A_2463 = tpu.memref_slice %arg8[%dma_wait3A_2461, %dma_wait3A_2462] : memref<392x128xf32, #tpu.memory_space<vmem_shared>> -> memref<8x128xf32, #tpu.memory_space<vmem_shared>>
        %dma_wait3A_2464 = arith.constant 384 : i32
        %dma_wait3A_2465 = arith.constant 0 : i32
        %dma_wait3A_2466 = tpu.memref_slice %arg8[%dma_wait3A_2464, %dma_wait3A_2465] : memref<392x128xf32, #tpu.memory_space<vmem_shared>> -> memref<8x128xf32, #tpu.memory_space<vmem_shared>>
        %dma_wait3A_2467 = arith.constant 0 : i32
        %dma_wait3A_2468 = arith.constant 0 : i32
        %dma_wait3A_2469 = tpu.memref_slice %arg12[%dma_wait3A_2467, %dma_wait3A_2468] : memref<128x128xf32, #tpu.memory_space<vmem>> -> memref<8x128xf32, #tpu.memory_space<vmem>>
        tpu.wait_dma2 semaphore(%run_scoped3A : memref<!tpu.dma_semaphore, #tpu.memory_space<semaphore_mem>>) src(%dma_wait3A_2469 : memref<8x128xf32, #tpu.memory_space<vmem>>) dst(%dma_wait3A_2466 : memref<8x128xf32, #tpu.memory_space<vmem_shared>>)
        tpu.yield
      }) : () -> ()
    } else {
    }
    %barrier3A = arith.constant 0 : index
    tpu.barrier barrier_id(%barrier3A)
    "tpu.region"() ({
      %run_scoped3A = tpu.sem_alloc : memref<!tpu.dma_semaphore, #tpu.memory_space<semaphore_mem>>
      %dma_start3A_2446 = arith.constant 0 : i32
      %dma_start3A_2447 = arith.constant 0 : i32
      %dma_start3A_2448 = arith.constant 0 : i32
      %dma_start3A_2449 = tpu.memref_slice %arg2[%add3A, %dma_start3A_2446, %dma_start3A_2447, %dma_start3A_2448] : memref<32x3x14x128xi32, #tpu.memory_space<hbm>> -> memref<1x3x14x128xi32, #tpu.memory_space<hbm>>
      %dma_start3A_2450 = tpu.memref_squeeze %dma_start3A_2449 : memref<1x3x14x128xi32, #tpu.memory_space<hbm>> -> memref<3x14x128xi32, #tpu.memory_space<hbm>>
      %dma_start3A_2451 = arith.constant 0 : i32
      %dma_start3A_2452 = arith.constant 0 : i32
      %dma_start3A_2453 = arith.constant 0 : i32
      %dma_start3A_2454 = tpu.memref_slice %arg2[%add3A, %dma_start3A_2451, %dma_start3A_2452, %dma_start3A_2453] : memref<32x3x14x128xi32, #tpu.memory_space<hbm>> -> memref<1x3x14x128xi32, #tpu.memory_space<hbm>>
      %dma_start3A_2455 = tpu.memref_squeeze %dma_start3A_2454 : memref<1x3x14x128xi32, #tpu.memory_space<hbm>> -> memref<3x14x128xi32, #tpu.memory_space<hbm>>
      tpu.enqueue_dma source(%dma_start3A_2455 : memref<3x14x128xi32, #tpu.memory_space<hbm>>) target(%arg10 : memref<3x14x128xi32, #tpu.memory_space<vmem>>) target_semaphore(%run_scoped3A : memref<!tpu.dma_semaphore, #tpu.memory_space<semaphore_mem>>)
      %dma_wait3A_2456 = arith.constant 0 : i32
      %dma_wait3A_2457 = arith.constant 0 : i32
      %dma_wait3A_2458 = arith.constant 0 : i32
      %dma_wait3A_2459 = tpu.memref_slice %arg2[%add3A, %dma_wait3A_2456, %dma_wait3A_2457, %dma_wait3A_2458] : memref<32x3x14x128xi32, #tpu.memory_space<hbm>> -> memref<1x3x14x128xi32, #tpu.memory_space<hbm>>
      %dma_wait3A_2460 = tpu.memref_squeeze %dma_wait3A_2459 : memref<1x3x14x128xi32, #tpu.memory_space<hbm>> -> memref<3x14x128xi32, #tpu.memory_space<hbm>>
      %dma_wait3A_2461 = arith.constant 0 : i32
      %dma_wait3A_2462 = arith.constant 0 : i32
      %dma_wait3A_2463 = arith.constant 0 : i32
      %dma_wait3A_2464 = tpu.memref_slice %arg2[%add3A, %dma_wait3A_2461, %dma_wait3A_2462, %dma_wait3A_2463] : memref<32x3x14x128xi32, #tpu.memory_space<hbm>> -> memref<1x3x14x128xi32, #tpu.memory_space<hbm>>
      %dma_wait3A_2465 = tpu.memref_squeeze %dma_wait3A_2464 : memref<1x3x14x128xi32, #tpu.memory_space<hbm>> -> memref<3x14x128xi32, #tpu.memory_space<hbm>>
      tpu.wait_dma2 semaphore(%run_scoped3A : memref<!tpu.dma_semaphore, #tpu.memory_space<semaphore_mem>>) src(%dma_wait3A_2465 : memref<3x14x128xi32, #tpu.memory_space<hbm>>) dst(%arg10 : memref<3x14x128xi32, #tpu.memory_space<vmem>>)
      tpu.yield
    }) : () -> ()
    "tpu.region"() ({
      %run_scoped3A = tpu.sem_alloc : memref<!tpu.dma_semaphore, #tpu.memory_space<semaphore_mem>>
      %dma_start3A_2446 = arith.constant 0 : i32
      %dma_start3A_2447 = arith.constant 0 : i32
      %dma_start3A_2448 = tpu.memref_slice %arg3[%add3A, %dma_start3A_2446, %dma_start3A_2447] : memref<32x8x56xi32, #tpu.memory_space<hbm>> -> memref<1x8x56xi32, #tpu.memory_space<hbm>>
      %dma_start3A_2449 = tpu.memref_squeeze %dma_start3A_2448 : memref<1x8x56xi32, #tpu.memory_space<hbm>> -> memref<8x56xi32, #tpu.memory_space<hbm>>
      %dma_start3A_2450 = arith.constant 0 : i32
      %dma_start3A_2451 = arith.constant 0 : i32
      %dma_start3A_2452 = tpu.memref_slice %arg3[%add3A, %dma_start3A_2450, %dma_start3A_2451] : memref<32x8x56xi32, #tpu.memory_space<hbm>> -> memref<1x8x56xi32, #tpu.memory_space<hbm>>
      %dma_start3A_2453 = tpu.memref_squeeze %dma_start3A_2452 : memref<1x8x56xi32, #tpu.memory_space<hbm>> -> memref<8x56xi32, #tpu.memory_space<hbm>>
      tpu.enqueue_dma source(%dma_start3A_2453 : memref<8x56xi32, #tpu.memory_space<hbm>>) target(%arg11 : memref<8x56xi32, #tpu.memory_space<vmem>>) target_semaphore(%run_scoped3A : memref<!tpu.dma_semaphore, #tpu.memory_space<semaphore_mem>>)
      %dma_wait3A_2454 = arith.constant 0 : i32
      %dma_wait3A_2455 = arith.constant 0 : i32
      %dma_wait3A_2456 = tpu.memref_slice %arg3[%add3A, %dma_wait3A_2454, %dma_wait3A_2455] : memref<32x8x56xi32, #tpu.memory_space<hbm>> -> memref<1x8x56xi32, #tpu.memory_space<hbm>>
      %dma_wait3A_2457 = tpu.memref_squeeze %dma_wait3A_2456 : memref<1x8x56xi32, #tpu.memory_space<hbm>> -> memref<8x56xi32, #tpu.memory_space<hbm>>
      %dma_wait3A_2458 = arith.constant 0 : i32
      %dma_wait3A_2459 = arith.constant 0 : i32
      %dma_wait3A_2460 = tpu.memref_slice %arg3[%add3A, %dma_wait3A_2458, %dma_wait3A_2459] : memref<32x8x56xi32, #tpu.memory_space<hbm>> -> memref<1x8x56xi32, #tpu.memory_space<hbm>>
      %dma_wait3A_2461 = tpu.memref_squeeze %dma_wait3A_2460 : memref<1x8x56xi32, #tpu.memory_space<hbm>> -> memref<8x56xi32, #tpu.memory_space<hbm>>
      tpu.wait_dma2 semaphore(%run_scoped3A : memref<!tpu.dma_semaphore, #tpu.memory_space<semaphore_mem>>) src(%dma_wait3A_2461 : memref<8x56xi32, #tpu.memory_space<hbm>>) dst(%arg11 : memref<8x56xi32, #tpu.memory_space<vmem>>)
      tpu.yield
    }) : () -> ()
    %add3A_18 = arith.constant 0 : i32
    %add3A_19 = arith.addi %add3A_9, %add3A_18 : i32
    %dma_start3A = arith.constant 0 : i32
    %dma_start3A_20 = arith.constant 0 : i32
    %dma_start3A_21 = arith.constant 0 : i32
    %dma_start3A_22 = tpu.memref_slice %arg9[%dma_start3A, %dma_start3A_20, %dma_start3A_21] : memref<2x128x128xf32, #tpu.memory_space<vmem>> -> memref<1x128x128xf32, #tpu.memory_space<vmem>>
    %dma_start3A_23 = tpu.memref_squeeze %dma_start3A_22 : memref<1x128x128xf32, #tpu.memory_space<vmem>> -> memref<128x128xf32, #tpu.memory_space<vmem>>
    %dma_start3A_24 = arith.constant 0 : i32
    %dma_start3A_25 = tpu.memref_slice %arg4[%add3A_19, %dma_start3A_24] : memref<100000x128xf32, #tpu.memory_space<hbm>> -> memref<128x128xf32, #tpu.memory_space<hbm>>
    %dma_start3A_26 = arith.constant 0 : i32
    %dma_start3A_27 = arith.constant 0 : i32
    %dma_start3A_28 = tpu.memref_slice %arg9[%dma_start3A, %dma_start3A_26, %dma_start3A_27] : memref<2x128x128xf32, #tpu.memory_space<vmem>> -> memref<1x128x128xf32, #tpu.memory_space<vmem>>
    %dma_start3A_29 = tpu.memref_squeeze %dma_start3A_28 : memref<1x128x128xf32, #tpu.memory_space<vmem>> -> memref<128x128xf32, #tpu.memory_space<vmem>>
    %dma_start3A_30 = arith.constant 0 : i32
    %dma_start3A_31 = tpu.memref_slice %arg4[%add3A_19, %dma_start3A_30] : memref<100000x128xf32, #tpu.memory_space<hbm>> -> memref<128x128xf32, #tpu.memory_space<hbm>>
    tpu.enqueue_dma source(%dma_start3A_31 : memref<128x128xf32, #tpu.memory_space<hbm>>) target(%dma_start3A_29 : memref<128x128xf32, #tpu.memory_space<vmem>>) target_semaphore(%arg13 : memref<!tpu.dma_semaphore, #tpu.memory_space<semaphore_mem>>)
    %add3A_32 = arith.constant 128 : i32
    %add3A_33 = arith.addi %add3A_9, %add3A_32 : i32
    %dma_start3A_34 = arith.constant 1 : i32
    %dma_start3A_35 = arith.constant 0 : i32
    %dma_start3A_36 = arith.constant 0 : i32
    %dma_start3A_37 = tpu.memref_slice %arg9[%dma_start3A_34, %dma_start3A_35, %dma_start3A_36] : memref<2x128x128xf32, #tpu.memory_space<vmem>> -> memref<1x128x128xf32, #tpu.memory_space<vmem>>
    %dma_start3A_38 = tpu.memref_squeeze %dma_start3A_37 : memref<1x128x128xf32, #tpu.memory_space<vmem>> -> memref<128x128xf32, #tpu.memory_space<vmem>>
    %dma_start3A_39 = arith.constant 0 : i32
    %dma_start3A_40 = tpu.memref_slice %arg4[%add3A_33, %dma_start3A_39] : memref<100000x128xf32, #tpu.memory_space<hbm>> -> memref<128x128xf32, #tpu.memory_space<hbm>>
    %dma_start3A_41 = arith.constant 0 : i32
    %dma_start3A_42 = arith.constant 0 : i32
    %dma_start3A_43 = tpu.memref_slice %arg9[%dma_start3A_34, %dma_start3A_41, %dma_start3A_42] : memref<2x128x128xf32, #tpu.memory_space<vmem>> -> memref<1x128x128xf32, #tpu.memory_space<vmem>>
    %dma_start3A_44 = tpu.memref_squeeze %dma_start3A_43 : memref<1x128x128xf32, #tpu.memory_space<vmem>> -> memref<128x128xf32, #tpu.memory_space<vmem>>
    %dma_start3A_45 = arith.constant 0 : i32
    %dma_start3A_46 = tpu.memref_slice %arg4[%add3A_33, %dma_start3A_45] : memref<100000x128xf32, #tpu.memory_space<hbm>> -> memref<128x128xf32, #tpu.memory_space<hbm>>
    tpu.enqueue_dma source(%dma_start3A_46 : memref<128x128xf32, #tpu.memory_space<hbm>>) target(%dma_start3A_44 : memref<128x128xf32, #tpu.memory_space<vmem>>) target_semaphore(%arg14 : memref<!tpu.dma_semaphore, #tpu.memory_space<semaphore_mem>>)
    %dma_wait3A = arith.constant 0 : i32
    %dma_wait3A_47 = arith.constant 0 : i32
    %dma_wait3A_48 = arith.constant 0 : i32
    %dma_wait3A_49 = tpu.memref_slice %arg9[%dma_wait3A, %dma_wait3A_47, %dma_wait3A_48] : memref<2x128x128xf32, #tpu.memory_space<vmem>> -> memref<1x128x128xf32, #tpu.memory_space<vmem>>
    %dma_wait3A_50 = tpu.memref_squeeze %dma_wait3A_49 : memref<1x128x128xf32, #tpu.memory_space<vmem>> -> memref<128x128xf32, #tpu.memory_space<vmem>>
    %dma_wait3A_51 = arith.constant 0 : i32
    %dma_wait3A_52 = tpu.memref_slice %arg4[%add3A_19, %dma_wait3A_51] : memref<100000x128xf32, #tpu.memory_space<hbm>> -> memref<128x128xf32, #tpu.memory_space<hbm>>
    %dma_wait3A_53 = arith.constant 0 : i32
    %dma_wait3A_54 = arith.constant 0 : i32
    %dma_wait3A_55 = tpu.memref_slice %arg9[%dma_wait3A, %dma_wait3A_53, %dma_wait3A_54] : memref<2x128x128xf32, #tpu.memory_space<vmem>> -> memref<1x128x128xf32, #tpu.memory_space<vmem>>
    %dma_wait3A_56 = tpu.memref_squeeze %dma_wait3A_55 : memref<1x128x128xf32, #tpu.memory_space<vmem>> -> memref<128x128xf32, #tpu.memory_space<vmem>>
    %dma_wait3A_57 = arith.constant 0 : i32
    %dma_wait3A_58 = tpu.memref_slice %arg4[%add3A_19, %dma_wait3A_57] : memref<100000x128xf32, #tpu.memory_space<hbm>> -> memref<128x128xf32, #tpu.memory_space<hbm>>
    tpu.wait_dma2 semaphore(%arg13 : memref<!tpu.dma_semaphore, #tpu.memory_space<semaphore_mem>>) src(%dma_wait3A_58 : memref<128x128xf32, #tpu.memory_space<hbm>>) dst(%dma_wait3A_56 : memref<128x128xf32, #tpu.memory_space<vmem>>)
    %dma_start3A_59 = arith.constant 0 : i32
    %dma_start3A_60 = arith.constant 0 : i32
    %dma_start3A_61 = arith.constant 0 : i32
    %dma_start3A_62 = arith.constant 0 : i32
    %dma_start3A_63 = arith.constant 0 : i32
    %dma_start3A_64 = tpu.memref_slice %arg9[%dma_start3A_59, %dma_start3A_62, %dma_start3A_63] : memref<2x128x128xf32, #tpu.memory_space<vmem>> -> memref<1x128x128xf32, #tpu.memory_space<vmem>>
    %dma_start3A_65 = tpu.memref_squeeze %dma_start3A_64 : memref<1x128x128xf32, #tpu.memory_space<vmem>> -> memref<128x128xf32, #tpu.memory_space<vmem>>
    %dma_start3A_66 = arith.constant 0 : i32
    %dma_start3A_67 = tpu.memref_slice %arg10[%dma_start3A_60, %dma_start3A_61, %dma_start3A_66] : memref<3x14x128xi32, #tpu.memory_space<vmem>> -> memref<1x1x128xi32, #tpu.memory_space<vmem>>
    %dma_start3A_68 = tpu.memref_squeeze %dma_start3A_67 : memref<1x1x128xi32, #tpu.memory_space<vmem>> -> memref<128xi32, #tpu.memory_space<vmem>>
    %dma_start3A_69 = arith.constant 0 : i32
    %dma_start3A_70 = arith.constant 0 : i32
    %dma_start3A_71 = tpu.memref_slice %arg8[%dma_start3A_69, %dma_start3A_70] : memref<392x128xf32, #tpu.memory_space<vmem_shared>> -> memref<392x128xf32, #tpu.memory_space<vmem_shared>>
    tpu.enqueue_indirect_dma source(%dma_start3A_65 : memref<128x128xf32, #tpu.memory_space<vmem>>) target(%dma_start3A_71 : memref<392x128xf32, #tpu.memory_space<vmem_shared>>) offsets(%dma_start3A_68 : memref<128xi32, #tpu.memory_space<vmem>>) semaphore(%arg15 : memref<!tpu.dma_semaphore, #tpu.memory_space<semaphore_mem>>) {add = true}
    %dma_wait3A_72 = arith.constant 0 : i32
    %dma_wait3A_73 = arith.constant 0 : i32
    %dma_wait3A_74 = arith.constant 0 : i32
    %dma_wait3A_75 = arith.constant 0 : i32
    %dma_wait3A_76 = arith.constant 0 : i32
    %dma_wait3A_77 = tpu.memref_slice %arg9[%dma_wait3A_72, %dma_wait3A_75, %dma_wait3A_76] : memref<2x128x128xf32, #tpu.memory_space<vmem>> -> memref<1x128x128xf32, #tpu.memory_space<vmem>>
    %dma_wait3A_78 = tpu.memref_squeeze %dma_wait3A_77 : memref<1x128x128xf32, #tpu.memory_space<vmem>> -> memref<128x128xf32, #tpu.memory_space<vmem>>
    %dma_wait3A_79 = arith.constant 0 : i32
    %dma_wait3A_80 = tpu.memref_slice %arg10[%dma_wait3A_73, %dma_wait3A_74, %dma_wait3A_79] : memref<3x14x128xi32, #tpu.memory_space<vmem>> -> memref<1x1x128xi32, #tpu.memory_space<vmem>>
    %dma_wait3A_81 = tpu.memref_squeeze %dma_wait3A_80 : memref<1x1x128xi32, #tpu.memory_space<vmem>> -> memref<128xi32, #tpu.memory_space<vmem>>
    %dma_wait3A_82 = arith.constant 0 : i32
    %dma_wait3A_83 = arith.constant 0 : i32
    %dma_wait3A_84 = tpu.memref_slice %arg8[%dma_wait3A_82, %dma_wait3A_83] : memref<392x128xf32, #tpu.memory_space<vmem_shared>> -> memref<392x128xf32, #tpu.memory_space<vmem_shared>>
    tpu.wait_indirect_dma semaphore(%arg15 : memref<!tpu.dma_semaphore, #tpu.memory_space<semaphore_mem>>) src(%dma_wait3A_78 : memref<128x128xf32, #tpu.memory_space<vmem>>) dst(%dma_wait3A_84 : memref<392x128xf32, #tpu.memory_space<vmem_shared>>)
    %add3A_85 = arith.constant 256 : i32
    %add3A_86 = arith.addi %add3A_9, %add3A_85 : i32
    %dma_start3A_87 = arith.constant 0 : i32
    %dma_start3A_88 = arith.constant 0 : i32
    %dma_start3A_89 = arith.constant 0 : i32
    %dma_start3A_90 = tpu.memref_slice %arg9[%dma_start3A_87, %dma_start3A_88, %dma_start3A_89] : memref<2x128x128xf32, #tpu.memory_space<vmem>> -> memref<1x128x128xf32, #tpu.memory_space<vmem>>
    %dma_start3A_91 = tpu.memref_squeeze %dma_start3A_90 : memref<1x128x128xf32, #tpu.memory_space<vmem>> -> memref<128x128xf32, #tpu.memory_space<vmem>>
    %dma_start3A_92 = arith.constant 0 : i32
    %dma_start3A_93 = tpu.memref_slice %arg4[%add3A_86, %dma_start3A_92] : memref<100000x128xf32, #tpu.memory_space<hbm>> -> memref<128x128xf32, #tpu.memory_space<hbm>>
    %dma_start3A_94 = arith.constant 0 : i32
    %dma_start3A_95 = arith.constant 0 : i32
    %dma_start3A_96 = tpu.memref_slice %arg9[%dma_start3A_87, %dma_start3A_94, %dma_start3A_95] : memref<2x128x128xf32, #tpu.memory_space<vmem>> -> memref<1x128x128xf32, #tpu.memory_space<vmem>>
    %dma_start3A_97 = tpu.memref_squeeze %dma_start3A_96 : memref<1x128x128xf32, #tpu.memory_space<vmem>> -> memref<128x128xf32, #tpu.memory_space<vmem>>
    %dma_start3A_98 = arith.constant 0 : i32
    %dma_start3A_99 = tpu.memref_slice %arg4[%add3A_86, %dma_start3A_98] : memref<100000x128xf32, #tpu.memory_space<hbm>> -> memref<128x128xf32, #tpu.memory_space<hbm>>
    tpu.enqueue_dma source(%dma_start3A_99 : memref<128x128xf32, #tpu.memory_space<hbm>>) target(%dma_start3A_97 : memref<128x128xf32, #tpu.memory_space<vmem>>) target_semaphore(%arg13 : memref<!tpu.dma_semaphore, #tpu.memory_space<semaphore_mem>>)
    %dma_wait3A_100 = arith.constant 1 : i32
    %dma_wait3A_101 = arith.constant 0 : i32
    %dma_wait3A_102 = arith.constant 0 : i32
    %dma_wait3A_103 = tpu.memref_slice %arg9[%dma_wait3A_100, %dma_wait3A_101, %dma_wait3A_102] : memref<2x128x128xf32, #tpu.memory_space<vmem>> -> memref<1x128x128xf32, #tpu.memory_space<vmem>>
    %dma_wait3A_104 = tpu.memref_squeeze %dma_wait3A_103 : memref<1x128x128xf32, #tpu.memory_space<vmem>> -> memref<128x128xf32, #tpu.memory_space<vmem>>
    %dma_wait3A_105 = arith.constant 0 : i32
    %dma_wait3A_106 = tpu.memref_slice %arg4[%add3A_33, %dma_wait3A_105] : memref<100000x128xf32, #tpu.memory_space<hbm>> -> memref<128x128xf32, #tpu.memory_space<hbm>>
    %dma_wait3A_107 = arith.constant 0 : i32
    %dma_wait3A_108 = arith.constant 0 : i32
    %dma_wait3A_109 = tpu.memref_slice %arg9[%dma_wait3A_100, %dma_wait3A_107, %dma_wait3A_108] : memref<2x128x128xf32, #tpu.memory_space<vmem>> -> memref<1x128x128xf32, #tpu.memory_space<vmem>>
    %dma_wait3A_110 = tpu.memref_squeeze %dma_wait3A_109 : memref<1x128x128xf32, #tpu.memory_space<vmem>> -> memref<128x128xf32, #tpu.memory_space<vmem>>
    %dma_wait3A_111 = arith.constant 0 : i32
    %dma_wait3A_112 = tpu.memref_slice %arg4[%add3A_33, %dma_wait3A_111] : memref<100000x128xf32, #tpu.memory_space<hbm>> -> memref<128x128xf32, #tpu.memory_space<hbm>>
    tpu.wait_dma2 semaphore(%arg14 : memref<!tpu.dma_semaphore, #tpu.memory_space<semaphore_mem>>) src(%dma_wait3A_112 : memref<128x128xf32, #tpu.memory_space<hbm>>) dst(%dma_wait3A_110 : memref<128x128xf32, #tpu.memory_space<vmem>>)
    %dma_start3A_113 = arith.constant 1 : i32
    %dma_start3A_114 = arith.constant 0 : i32
    %dma_start3A_115 = arith.constant 1 : i32
    %dma_start3A_116 = arith.constant 0 : i32
    %dma_start3A_117 = arith.constant 0 : i32
    %dma_start3A_118 = tpu.memref_slice %arg9[%dma_start3A_113, %dma_start3A_116, %dma_start3A_117] : memref<2x128x128xf32, #tpu.memory_space<vmem>> -> memref<1x128x128xf32, #tpu.memory_space<vmem>>
    %dma_start3A_119 = tpu.memref_squeeze %dma_start3A_118 : memref<1x128x128xf32, #tpu.memory_space<vmem>> -> memref<128x128xf32, #tpu.memory_space<vmem>>
    %dma_start3A_120 = arith.constant 0 : i32
    %dma_start3A_121 = tpu.memref_slice %arg10[%dma_start3A_114, %dma_start3A_115, %dma_start3A_120] : memref<3x14x128xi32, #tpu.memory_space<vmem>> -> memref<1x1x128xi32, #tpu.memory_space<vmem>>
    %dma_start3A_122 = tpu.memref_squeeze %dma_start3A_121 : memref<1x1x128xi32, #tpu.memory_space<vmem>> -> memref<128xi32, #tpu.memory_space<vmem>>
    %dma_start3A_123 = arith.constant 0 : i32
    %dma_start3A_124 = arith.constant 0 : i32
    %dma_start3A_125 = tpu.memref_slice %arg8[%dma_start3A_123, %dma_start3A_124] : memref<392x128xf32, #tpu.memory_space<vmem_shared>> -> memref<392x128xf32, #tpu.memory_space<vmem_shared>>
    tpu.enqueue_indirect_dma source(%dma_start3A_119 : memref<128x128xf32, #tpu.memory_space<vmem>>) target(%dma_start3A_125 : memref<392x128xf32, #tpu.memory_space<vmem_shared>>) offsets(%dma_start3A_122 : memref<128xi32, #tpu.memory_space<vmem>>) semaphore(%arg16 : memref<!tpu.dma_semaphore, #tpu.memory_space<semaphore_mem>>) {add = true}
    %dma_wait3A_126 = arith.constant 1 : i32
    %dma_wait3A_127 = arith.constant 0 : i32
    %dma_wait3A_128 = arith.constant 1 : i32
    %dma_wait3A_129 = arith.constant 0 : i32
    %dma_wait3A_130 = arith.constant 0 : i32
    %dma_wait3A_131 = tpu.memref_slice %arg9[%dma_wait3A_126, %dma_wait3A_129, %dma_wait3A_130] : memref<2x128x128xf32, #tpu.memory_space<vmem>> -> memref<1x128x128xf32, #tpu.memory_space<vmem>>
    %dma_wait3A_132 = tpu.memref_squeeze %dma_wait3A_131 : memref<1x128x128xf32, #tpu.memory_space<vmem>> -> memref<128x128xf32, #tpu.memory_space<vmem>>
    %dma_wait3A_133 = arith.constant 0 : i32
    %dma_wait3A_134 = tpu.memref_slice %arg10[%dma_wait3A_127, %dma_wait3A_128, %dma_wait3A_133] : memref<3x14x128xi32, #tpu.memory_space<vmem>> -> memref<1x1x128xi32, #tpu.memory_space<vmem>>
    %dma_wait3A_135 = tpu.memref_squeeze %dma_wait3A_134 : memref<1x1x128xi32, #tpu.memory_space<vmem>> -> memref<128xi32, #tpu.memory_space<vmem>>
    %dma_wait3A_136 = arith.constant 0 : i32
    %dma_wait3A_137 = arith.constant 0 : i32
    %dma_wait3A_138 = tpu.memref_slice %arg8[%dma_wait3A_136, %dma_wait3A_137] : memref<392x128xf32, #tpu.memory_space<vmem_shared>> -> memref<392x128xf32, #tpu.memory_space<vmem_shared>>
    tpu.wait_indirect_dma semaphore(%arg16 : memref<!tpu.dma_semaphore, #tpu.memory_space<semaphore_mem>>) src(%dma_wait3A_132 : memref<128x128xf32, #tpu.memory_space<vmem>>) dst(%dma_wait3A_138 : memref<392x128xf32, #tpu.memory_space<vmem_shared>>)
    %add3A_139 = arith.constant 384 : i32
    %add3A_140 = arith.addi %add3A_9, %add3A_139 : i32
    %dma_start3A_141 = arith.constant 1 : i32
    %dma_start3A_142 = arith.constant 0 : i32
    %dma_start3A_143 = arith.constant 0 : i32
    %dma_start3A_144 = tpu.memref_slice %arg9[%dma_start3A_141, %dma_start3A_142, %dma_start3A_143] : memref<2x128x128xf32, #tpu.memory_space<vmem>> -> memref<1x128x128xf32, #tpu.memory_space<vmem>>
    %dma_start3A_145 = tpu.memref_squeeze %dma_start3A_144 : memref<1x128x128xf32, #tpu.memory_space<vmem>> -> memref<128x128xf32, #tpu.memory_space<vmem>>
    %dma_start3A_146 = arith.constant 0 : i32
    %dma_start3A_147 = tpu.memref_slice %arg4[%add3A_140, %dma_start3A_146] : memref<100000x128xf32, #tpu.memory_space<hbm>> -> memref<128x128xf32, #tpu.memory_space<hbm>>
    %dma_start3A_148 = arith.constant 0 : i32
    %dma_start3A_149 = arith.constant 0 : i32
    %dma_start3A_150 = tpu.memref_slice %arg9[%dma_start3A_141, %dma_start3A_148, %dma_start3A_149] : memref<2x128x128xf32, #tpu.memory_space<vmem>> -> memref<1x128x128xf32, #tpu.memory_space<vmem>>
    %dma_start3A_151 = tpu.memref_squeeze %dma_start3A_150 : memref<1x128x128xf32, #tpu.memory_space<vmem>> -> memref<128x128xf32, #tpu.memory_space<vmem>>
    %dma_start3A_152 = arith.constant 0 : i32
    %dma_start3A_153 = tpu.memref_slice %arg4[%add3A_140, %dma_start3A_152] : memref<100000x128xf32, #tpu.memory_space<hbm>> -> memref<128x128xf32, #tpu.memory_space<hbm>>
    tpu.enqueue_dma source(%dma_start3A_153 : memref<128x128xf32, #tpu.memory_space<hbm>>) target(%dma_start3A_151 : memref<128x128xf32, #tpu.memory_space<vmem>>) target_semaphore(%arg14 : memref<!tpu.dma_semaphore, #tpu.memory_space<semaphore_mem>>)
    %dma_wait3A_154 = arith.constant 0 : i32
    %dma_wait3A_155 = arith.constant 0 : i32
    %dma_wait3A_156 = arith.constant 0 : i32
    %dma_wait3A_157 = tpu.memref_slice %arg9[%dma_wait3A_154, %dma_wait3A_155, %dma_wait3A_156] : memref<2x128x128xf32, #tpu.memory_space<vmem>> -> memref<1x128x128xf32, #tpu.memory_space<vmem>>
    %dma_wait3A_158 = tpu.memref_squeeze %dma_wait3A_157 : memref<1x128x128xf32, #tpu.memory_space<vmem>> -> memref<128x128xf32, #tpu.memory_space<vmem>>
    %dma_wait3A_159 = arith.constant 0 : i32
    %dma_wait3A_160 = tpu.memref_slice %arg4[%add3A_86, %dma_wait3A_159] : memref<100000x128xf32, #tpu.memory_space<hbm>> -> memref<128x128xf32, #tpu.memory_space<hbm>>
    %dma_wait3A_161 = arith.constant 0 : i32
    %dma_wait3A_162 = arith.constant 0 : i32
    %dma_wait3A_163 = tpu.memref_slice %arg9[%dma_wait3A_154, %dma_wait3A_161, %dma_wait3A_162] : memref<2x128x128xf32, #tpu.memory_space<vmem>> -> memref<1x128x128xf32, #tpu.memory_space<vmem>>
    %dma_wait3A_164 = tpu.memref_squeeze %dma_wait3A_163 : memref<1x128x128xf32, #tpu.memory_space<vmem>> -> memref<128x128xf32, #tpu.memory_space<vmem>>
    %dma_wait3A_165 = arith.constant 0 : i32
    %dma_wait3A_166 = tpu.memref_slice %arg4[%add3A_86, %dma_wait3A_165] : memref<100000x128xf32, #tpu.memory_space<hbm>> -> memref<128x128xf32, #tpu.memory_space<hbm>>
    tpu.wait_dma2 semaphore(%arg13 : memref<!tpu.dma_semaphore, #tpu.memory_space<semaphore_mem>>) src(%dma_wait3A_166 : memref<128x128xf32, #tpu.memory_space<hbm>>) dst(%dma_wait3A_164 : memref<128x128xf32, #tpu.memory_space<vmem>>)
    %dma_start3A_167 = arith.constant 0 : i32
    %dma_start3A_168 = arith.constant 0 : i32
    %dma_start3A_169 = arith.constant 2 : i32
    %dma_start3A_170 = arith.constant 0 : i32
    %dma_start3A_171 = arith.constant 0 : i32
    %dma_start3A_172 = tpu.memref_slice %arg9[%dma_start3A_167, %dma_start3A_170, %dma_start3A_171] : memref<2x128x128xf32, #tpu.memory_space<vmem>> -> memref<1x128x128xf32, #tpu.memory_space<vmem>>
    %dma_start3A_173 = tpu.memref_squeeze %dma_start3A_172 : memref<1x128x128xf32, #tpu.memory_space<vmem>> -> memref<128x128xf32, #tpu.memory_space<vmem>>
    %dma_start3A_174 = arith.constant 0 : i32
    %dma_start3A_175 = tpu.memref_slice %arg10[%dma_start3A_168, %dma_start3A_169, %dma_start3A_174] : memref<3x14x128xi32, #tpu.memory_space<vmem>> -> memref<1x1x128xi32, #tpu.memory_space<vmem>>
    %dma_start3A_176 = tpu.memref_squeeze %dma_start3A_175 : memref<1x1x128xi32, #tpu.memory_space<vmem>> -> memref<128xi32, #tpu.memory_space<vmem>>
    %dma_start3A_177 = arith.constant 0 : i32
    %dma_start3A_178 = arith.constant 0 : i32
    %dma_start3A_179 = tpu.memref_slice %arg8[%dma_start3A_177, %dma_start3A_178] : memref<392x128xf32, #tpu.memory_space<vmem_shared>> -> memref<392x128xf32, #tpu.memory_space<vmem_shared>>
    tpu.enqueue_indirect_dma source(%dma_start3A_173 : memref<128x128xf32, #tpu.memory_space<vmem>>) target(%dma_start3A_179 : memref<392x128xf32, #tpu.memory_space<vmem_shared>>) offsets(%dma_start3A_176 : memref<128xi32, #tpu.memory_space<vmem>>) semaphore(%arg15 : memref<!tpu.dma_semaphore, #tpu.memory_space<semaphore_mem>>) {add = true}
    %dma_wait3A_180 = arith.constant 0 : i32
    %dma_wait3A_181 = arith.constant 0 : i32
    %dma_wait3A_182 = arith.constant 2 : i32
    %dma_wait3A_183 = arith.constant 0 : i32
    %dma_wait3A_184 = arith.constant 0 : i32
    %dma_wait3A_185 = tpu.memref_slice %arg9[%dma_wait3A_180, %dma_wait3A_183, %dma_wait3A_184] : memref<2x128x128xf32, #tpu.memory_space<vmem>> -> memref<1x128x128xf32, #tpu.memory_space<vmem>>
    %dma_wait3A_186 = tpu.memref_squeeze %dma_wait3A_185 : memref<1x128x128xf32, #tpu.memory_space<vmem>> -> memref<128x128xf32, #tpu.memory_space<vmem>>
    %dma_wait3A_187 = arith.constant 0 : i32
    %dma_wait3A_188 = tpu.memref_slice %arg10[%dma_wait3A_181, %dma_wait3A_182, %dma_wait3A_187] : memref<3x14x128xi32, #tpu.memory_space<vmem>> -> memref<1x1x128xi32, #tpu.memory_space<vmem>>
    %dma_wait3A_189 = tpu.memref_squeeze %dma_wait3A_188 : memref<1x1x128xi32, #tpu.memory_space<vmem>> -> memref<128xi32, #tpu.memory_space<vmem>>
    %dma_wait3A_190 = arith.constant 0 : i32
    %dma_wait3A_191 = arith.constant 0 : i32
    %dma_wait3A_192 = tpu.memref_slice %arg8[%dma_wait3A_190, %dma_wait3A_191] : memref<392x128xf32, #tpu.memory_space<vmem_shared>> -> memref<392x128xf32, #tpu.memory_space<vmem_shared>>
    tpu.wait_indirect_dma semaphore(%arg15 : memref<!tpu.dma_semaphore, #tpu.memory_space<semaphore_mem>>) src(%dma_wait3A_186 : memref<128x128xf32, #tpu.memory_space<vmem>>) dst(%dma_wait3A_192 : memref<392x128xf32, #tpu.memory_space<vmem_shared>>)
    %add3A_193 = arith.constant 512 : i32
    %add3A_194 = arith.addi %add3A_9, %add3A_193 : i32
    %dma_start3A_195 = arith.constant 0 : i32
    %dma_start3A_196 = arith.constant 0 : i32
    %dma_start3A_197 = arith.constant 0 : i32
    %dma_start3A_198 = tpu.memref_slice %arg9[%dma_start3A_195, %dma_start3A_196, %dma_start3A_197] : memref<2x128x128xf32, #tpu.memory_space<vmem>> -> memref<1x128x128xf32, #tpu.memory_space<vmem>>
    %dma_start3A_199 = tpu.memref_squeeze %dma_start3A_198 : memref<1x128x128xf32, #tpu.memory_space<vmem>> -> memref<128x128xf32, #tpu.memory_space<vmem>>
    %dma_start3A_200 = arith.constant 0 : i32
    %dma_start3A_201 = tpu.memref_slice %arg4[%add3A_194, %dma_start3A_200] : memref<100000x128xf32, #tpu.memory_space<hbm>> -> memref<128x128xf32, #tpu.memory_space<hbm>>
    %dma_start3A_202 = arith.constant 0 : i32
    %dma_start3A_203 = arith.constant 0 : i32
    %dma_start3A_204 = tpu.memref_slice %arg9[%dma_start3A_195, %dma_start3A_202, %dma_start3A_203] : memref<2x128x128xf32, #tpu.memory_space<vmem>> -> memref<1x128x128xf32, #tpu.memory_space<vmem>>
    %dma_start3A_205 = tpu.memref_squeeze %dma_start3A_204 : memref<1x128x128xf32, #tpu.memory_space<vmem>> -> memref<128x128xf32, #tpu.memory_space<vmem>>
    %dma_start3A_206 = arith.constant 0 : i32
    %dma_start3A_207 = tpu.memref_slice %arg4[%add3A_194, %dma_start3A_206] : memref<100000x128xf32, #tpu.memory_space<hbm>> -> memref<128x128xf32, #tpu.memory_space<hbm>>
    tpu.enqueue_dma source(%dma_start3A_207 : memref<128x128xf32, #tpu.memory_space<hbm>>) target(%dma_start3A_205 : memref<128x128xf32, #tpu.memory_space<vmem>>) target_semaphore(%arg13 : memref<!tpu.dma_semaphore, #tpu.memory_space<semaphore_mem>>)
    %dma_wait3A_208 = arith.constant 1 : i32
    %dma_wait3A_209 = arith.constant 0 : i32
    %dma_wait3A_210 = arith.constant 0 : i32
    %dma_wait3A_211 = tpu.memref_slice %arg9[%dma_wait3A_208, %dma_wait3A_209, %dma_wait3A_210] : memref<2x128x128xf32, #tpu.memory_space<vmem>> -> memref<1x128x128xf32, #tpu.memory_space<vmem>>
    %dma_wait3A_212 = tpu.memref_squeeze %dma_wait3A_211 : memref<1x128x128xf32, #tpu.memory_space<vmem>> -> memref<128x128xf32, #tpu.memory_space<vmem>>
    %dma_wait3A_213 = arith.constant 0 : i32
    %dma_wait3A_214 = tpu.memref_slice %arg4[%add3A_140, %dma_wait3A_213] : memref<100000x128xf32, #tpu.memory_space<hbm>> -> memref<128x128xf32, #tpu.memory_space<hbm>>
    %dma_wait3A_215 = arith.constant 0 : i32
    %dma_wait3A_216 = arith.constant 0 : i32
    %dma_wait3A_217 = tpu.memref_slice %arg9[%dma_wait3A_208, %dma_wait3A_215, %dma_wait3A_216] : memref<2x128x128xf32, #tpu.memory_space<vmem>> -> memref<1x128x128xf32, #tpu.memory_space<vmem>>
    %dma_wait3A_218 = tpu.memref_squeeze %dma_wait3A_217 : memref<1x128x128xf32, #tpu.memory_space<vmem>> -> memref<128x128xf32, #tpu.memory_space<vmem>>
    %dma_wait3A_219 = arith.constant 0 : i32
    %dma_wait3A_220 = tpu.memref_slice %arg4[%add3A_140, %dma_wait3A_219] : memref<100000x128xf32, #tpu.memory_space<hbm>> -> memref<128x128xf32, #tpu.memory_space<hbm>>
    tpu.wait_dma2 semaphore(%arg14 : memref<!tpu.dma_semaphore, #tpu.memory_space<semaphore_mem>>) src(%dma_wait3A_220 : memref<128x128xf32, #tpu.memory_space<hbm>>) dst(%dma_wait3A_218 : memref<128x128xf32, #tpu.memory_space<vmem>>)
    %dma_start3A_221 = arith.constant 1 : i32
    %dma_start3A_222 = arith.constant 0 : i32
    %dma_start3A_223 = arith.constant 3 : i32
    %dma_start3A_224 = arith.constant 0 : i32
    %dma_start3A_225 = arith.constant 0 : i32
    %dma_start3A_226 = tpu.memref_slice %arg9[%dma_start3A_221, %dma_start3A_224, %dma_start3A_225] : memref<2x128x128xf32, #tpu.memory_space<vmem>> -> memref<1x128x128xf32, #tpu.memory_space<vmem>>
    %dma_start3A_227 = tpu.memref_squeeze %dma_start3A_226 : memref<1x128x128xf32, #tpu.memory_space<vmem>> -> memref<128x128xf32, #tpu.memory_space<vmem>>
    %dma_start3A_228 = arith.constant 0 : i32
    %dma_start3A_229 = tpu.memref_slice %arg10[%dma_start3A_222, %dma_start3A_223, %dma_start3A_228] : memref<3x14x128xi32, #tpu.memory_space<vmem>> -> memref<1x1x128xi32, #tpu.memory_space<vmem>>
    %dma_start3A_230 = tpu.memref_squeeze %dma_start3A_229 : memref<1x1x128xi32, #tpu.memory_space<vmem>> -> memref<128xi32, #tpu.memory_space<vmem>>
    %dma_start3A_231 = arith.constant 0 : i32
    %dma_start3A_232 = arith.constant 0 : i32
    %dma_start3A_233 = tpu.memref_slice %arg8[%dma_start3A_231, %dma_start3A_232] : memref<392x128xf32, #tpu.memory_space<vmem_shared>> -> memref<392x128xf32, #tpu.memory_space<vmem_shared>>
    tpu.enqueue_indirect_dma source(%dma_start3A_227 : memref<128x128xf32, #tpu.memory_space<vmem>>) target(%dma_start3A_233 : memref<392x128xf32, #tpu.memory_space<vmem_shared>>) offsets(%dma_start3A_230 : memref<128xi32, #tpu.memory_space<vmem>>) semaphore(%arg16 : memref<!tpu.dma_semaphore, #tpu.memory_space<semaphore_mem>>) {add = true}
    %dma_wait3A_234 = arith.constant 1 : i32
    %dma_wait3A_235 = arith.constant 0 : i32
    %dma_wait3A_236 = arith.constant 3 : i32
    %dma_wait3A_237 = arith.constant 0 : i32
    %dma_wait3A_238 = arith.constant 0 : i32
    %dma_wait3A_239 = tpu.memref_slice %arg9[%dma_wait3A_234, %dma_wait3A_237, %dma_wait3A_238] : memref<2x128x128xf32, #tpu.memory_space<vmem>> -> memref<1x128x128xf32, #tpu.memory_space<vmem>>
    %dma_wait3A_240 = tpu.memref_squeeze %dma_wait3A_239 : memref<1x128x128xf32, #tpu.memory_space<vmem>> -> memref<128x128xf32, #tpu.memory_space<vmem>>
    %dma_wait3A_241 = arith.constant 0 : i32
    %dma_wait3A_242 = tpu.memref_slice %arg10[%dma_wait3A_235, %dma_wait3A_236, %dma_wait3A_241] : memref<3x14x128xi32, #tpu.memory_space<vmem>> -> memref<1x1x128xi32, #tpu.memory_space<vmem>>
    %dma_wait3A_243 = tpu.memref_squeeze %dma_wait3A_242 : memref<1x1x128xi32, #tpu.memory_space<vmem>> -> memref<128xi32, #tpu.memory_space<vmem>>
    %dma_wait3A_244 = arith.constant 0 : i32
    %dma_wait3A_245 = arith.constant 0 : i32
    %dma_wait3A_246 = tpu.memref_slice %arg8[%dma_wait3A_244, %dma_wait3A_245] : memref<392x128xf32, #tpu.memory_space<vmem_shared>> -> memref<392x128xf32, #tpu.memory_space<vmem_shared>>
    tpu.wait_indirect_dma semaphore(%arg16 : memref<!tpu.dma_semaphore, #tpu.memory_space<semaphore_mem>>) src(%dma_wait3A_240 : memref<128x128xf32, #tpu.memory_space<vmem>>) dst(%dma_wait3A_246 : memref<392x128xf32, #tpu.memory_space<vmem_shared>>)
    %add3A_247 = arith.constant 640 : i32
    %add3A_248 = arith.addi %add3A_9, %add3A_247 : i32
    %dma_start3A_249 = arith.constant 1 : i32
    %dma_start3A_250 = arith.constant 0 : i32
    %dma_start3A_251 = arith.constant 0 : i32
    %dma_start3A_252 = tpu.memref_slice %arg9[%dma_start3A_249, %dma_start3A_250, %dma_start3A_251] : memref<2x128x128xf32, #tpu.memory_space<vmem>> -> memref<1x128x128xf32, #tpu.memory_space<vmem>>
    %dma_start3A_253 = tpu.memref_squeeze %dma_start3A_252 : memref<1x128x128xf32, #tpu.memory_space<vmem>> -> memref<128x128xf32, #tpu.memory_space<vmem>>
    %dma_start3A_254 = arith.constant 0 : i32
    %dma_start3A_255 = tpu.memref_slice %arg4[%add3A_248, %dma_start3A_254] : memref<100000x128xf32, #tpu.memory_space<hbm>> -> memref<128x128xf32, #tpu.memory_space<hbm>>
    %dma_start3A_256 = arith.constant 0 : i32
    %dma_start3A_257 = arith.constant 0 : i32
    %dma_start3A_258 = tpu.memref_slice %arg9[%dma_start3A_249, %dma_start3A_256, %dma_start3A_257] : memref<2x128x128xf32, #tpu.memory_space<vmem>> -> memref<1x128x128xf32, #tpu.memory_space<vmem>>
    %dma_start3A_259 = tpu.memref_squeeze %dma_start3A_258 : memref<1x128x128xf32, #tpu.memory_space<vmem>> -> memref<128x128xf32, #tpu.memory_space<vmem>>
    %dma_start3A_260 = arith.constant 0 : i32
    %dma_start3A_261 = tpu.memref_slice %arg4[%add3A_248, %dma_start3A_260] : memref<100000x128xf32, #tpu.memory_space<hbm>> -> memref<128x128xf32, #tpu.memory_space<hbm>>
    tpu.enqueue_dma source(%dma_start3A_261 : memref<128x128xf32, #tpu.memory_space<hbm>>) target(%dma_start3A_259 : memref<128x128xf32, #tpu.memory_space<vmem>>) target_semaphore(%arg14 : memref<!tpu.dma_semaphore, #tpu.memory_space<semaphore_mem>>)
    %dma_wait3A_262 = arith.constant 0 : i32
    %dma_wait3A_263 = arith.constant 0 : i32
    %dma_wait3A_264 = arith.constant 0 : i32
    %dma_wait3A_265 = tpu.memref_slice %arg9[%dma_wait3A_262, %dma_wait3A_263, %dma_wait3A_264] : memref<2x128x128xf32, #tpu.memory_space<vmem>> -> memref<1x128x128xf32, #tpu.memory_space<vmem>>
    %dma_wait3A_266 = tpu.memref_squeeze %dma_wait3A_265 : memref<1x128x128xf32, #tpu.memory_space<vmem>> -> memref<128x128xf32, #tpu.memory_space<vmem>>
    %dma_wait3A_267 = arith.constant 0 : i32
    %dma_wait3A_268 = tpu.memref_slice %arg4[%add3A_194, %dma_wait3A_267] : memref<100000x128xf32, #tpu.memory_space<hbm>> -> memref<128x128xf32, #tpu.memory_space<hbm>>
    %dma_wait3A_269 = arith.constant 0 : i32
    %dma_wait3A_270 = arith.constant 0 : i32
    %dma_wait3A_271 = tpu.memref_slice %arg9[%dma_wait3A_262, %dma_wait3A_269, %dma_wait3A_270] : memref<2x128x128xf32, #tpu.memory_space<vmem>> -> memref<1x128x128xf32, #tpu.memory_space<vmem>>
    %dma_wait3A_272 = tpu.memref_squeeze %dma_wait3A_271 : memref<1x128x128xf32, #tpu.memory_space<vmem>> -> memref<128x128xf32, #tpu.memory_space<vmem>>
    %dma_wait3A_273 = arith.constant 0 : i32
    %dma_wait3A_274 = tpu.memref_slice %arg4[%add3A_194, %dma_wait3A_273] : memref<100000x128xf32, #tpu.memory_space<hbm>> -> memref<128x128xf32, #tpu.memory_space<hbm>>
    tpu.wait_dma2 semaphore(%arg13 : memref<!tpu.dma_semaphore, #tpu.memory_space<semaphore_mem>>) src(%dma_wait3A_274 : memref<128x128xf32, #tpu.memory_space<hbm>>) dst(%dma_wait3A_272 : memref<128x128xf32, #tpu.memory_space<vmem>>)
    %dma_start3A_275 = arith.constant 0 : i32
    %dma_start3A_276 = arith.constant 0 : i32
    %dma_start3A_277 = arith.constant 4 : i32
    %dma_start3A_278 = arith.constant 0 : i32
    %dma_start3A_279 = arith.constant 0 : i32
    %dma_start3A_280 = tpu.memref_slice %arg9[%dma_start3A_275, %dma_start3A_278, %dma_start3A_279] : memref<2x128x128xf32, #tpu.memory_space<vmem>> -> memref<1x128x128xf32, #tpu.memory_space<vmem>>
    %dma_start3A_281 = tpu.memref_squeeze %dma_start3A_280 : memref<1x128x128xf32, #tpu.memory_space<vmem>> -> memref<128x128xf32, #tpu.memory_space<vmem>>
    %dma_start3A_282 = arith.constant 0 : i32
    %dma_start3A_283 = tpu.memref_slice %arg10[%dma_start3A_276, %dma_start3A_277, %dma_start3A_282] : memref<3x14x128xi32, #tpu.memory_space<vmem>> -> memref<1x1x128xi32, #tpu.memory_space<vmem>>
    %dma_start3A_284 = tpu.memref_squeeze %dma_start3A_283 : memref<1x1x128xi32, #tpu.memory_space<vmem>> -> memref<128xi32, #tpu.memory_space<vmem>>
    %dma_start3A_285 = arith.constant 0 : i32
    %dma_start3A_286 = arith.constant 0 : i32
    %dma_start3A_287 = tpu.memref_slice %arg8[%dma_start3A_285, %dma_start3A_286] : memref<392x128xf32, #tpu.memory_space<vmem_shared>> -> memref<392x128xf32, #tpu.memory_space<vmem_shared>>
    tpu.enqueue_indirect_dma source(%dma_start3A_281 : memref<128x128xf32, #tpu.memory_space<vmem>>) target(%dma_start3A_287 : memref<392x128xf32, #tpu.memory_space<vmem_shared>>) offsets(%dma_start3A_284 : memref<128xi32, #tpu.memory_space<vmem>>) semaphore(%arg15 : memref<!tpu.dma_semaphore, #tpu.memory_space<semaphore_mem>>) {add = true}
    %dma_wait3A_288 = arith.constant 0 : i32
    %dma_wait3A_289 = arith.constant 0 : i32
    %dma_wait3A_290 = arith.constant 4 : i32
    %dma_wait3A_291 = arith.constant 0 : i32
    %dma_wait3A_292 = arith.constant 0 : i32
    %dma_wait3A_293 = tpu.memref_slice %arg9[%dma_wait3A_288, %dma_wait3A_291, %dma_wait3A_292] : memref<2x128x128xf32, #tpu.memory_space<vmem>> -> memref<1x128x128xf32, #tpu.memory_space<vmem>>
    %dma_wait3A_294 = tpu.memref_squeeze %dma_wait3A_293 : memref<1x128x128xf32, #tpu.memory_space<vmem>> -> memref<128x128xf32, #tpu.memory_space<vmem>>
    %dma_wait3A_295 = arith.constant 0 : i32
    %dma_wait3A_296 = tpu.memref_slice %arg10[%dma_wait3A_289, %dma_wait3A_290, %dma_wait3A_295] : memref<3x14x128xi32, #tpu.memory_space<vmem>> -> memref<1x1x128xi32, #tpu.memory_space<vmem>>
    %dma_wait3A_297 = tpu.memref_squeeze %dma_wait3A_296 : memref<1x1x128xi32, #tpu.memory_space<vmem>> -> memref<128xi32, #tpu.memory_space<vmem>>
    %dma_wait3A_298 = arith.constant 0 : i32
    %dma_wait3A_299 = arith.constant 0 : i32
    %dma_wait3A_300 = tpu.memref_slice %arg8[%dma_wait3A_298, %dma_wait3A_299] : memref<392x128xf32, #tpu.memory_space<vmem_shared>> -> memref<392x128xf32, #tpu.memory_space<vmem_shared>>
    tpu.wait_indirect_dma semaphore(%arg15 : memref<!tpu.dma_semaphore, #tpu.memory_space<semaphore_mem>>) src(%dma_wait3A_294 : memref<128x128xf32, #tpu.memory_space<vmem>>) dst(%dma_wait3A_300 : memref<392x128xf32, #tpu.memory_space<vmem_shared>>)
    %add3A_301 = arith.constant 768 : i32
    %add3A_302 = arith.addi %add3A_9, %add3A_301 : i32
    %dma_start3A_303 = arith.constant 0 : i32
    %dma_start3A_304 = arith.constant 0 : i32
    %dma_start3A_305 = arith.constant 0 : i32
    %dma_start3A_306 = tpu.memref_slice %arg9[%dma_start3A_303, %dma_start3A_304, %dma_start3A_305] : memref<2x128x128xf32, #tpu.memory_space<vmem>> -> memref<1x128x128xf32, #tpu.memory_space<vmem>>
    %dma_start3A_307 = tpu.memref_squeeze %dma_start3A_306 : memref<1x128x128xf32, #tpu.memory_space<vmem>> -> memref<128x128xf32, #tpu.memory_space<vmem>>
    %dma_start3A_308 = arith.constant 0 : i32
    %dma_start3A_309 = tpu.memref_slice %arg4[%add3A_302, %dma_start3A_308] : memref<100000x128xf32, #tpu.memory_space<hbm>> -> memref<128x128xf32, #tpu.memory_space<hbm>>
    %dma_start3A_310 = arith.constant 0 : i32
    %dma_start3A_311 = arith.constant 0 : i32
    %dma_start3A_312 = tpu.memref_slice %arg9[%dma_start3A_303, %dma_start3A_310, %dma_start3A_311] : memref<2x128x128xf32, #tpu.memory_space<vmem>> -> memref<1x128x128xf32, #tpu.memory_space<vmem>>
    %dma_start3A_313 = tpu.memref_squeeze %dma_start3A_312 : memref<1x128x128xf32, #tpu.memory_space<vmem>> -> memref<128x128xf32, #tpu.memory_space<vmem>>
    %dma_start3A_314 = arith.constant 0 : i32
    %dma_start3A_315 = tpu.memref_slice %arg4[%add3A_302, %dma_start3A_314] : memref<100000x128xf32, #tpu.memory_space<hbm>> -> memref<128x128xf32, #tpu.memory_space<hbm>>
    tpu.enqueue_dma source(%dma_start3A_315 : memref<128x128xf32, #tpu.memory_space<hbm>>) target(%dma_start3A_313 : memref<128x128xf32, #tpu.memory_space<vmem>>) target_semaphore(%arg13 : memref<!tpu.dma_semaphore, #tpu.memory_space<semaphore_mem>>)
    %dma_wait3A_316 = arith.constant 1 : i32
    %dma_wait3A_317 = arith.constant 0 : i32
    %dma_wait3A_318 = arith.constant 0 : i32
    %dma_wait3A_319 = tpu.memref_slice %arg9[%dma_wait3A_316, %dma_wait3A_317, %dma_wait3A_318] : memref<2x128x128xf32, #tpu.memory_space<vmem>> -> memref<1x128x128xf32, #tpu.memory_space<vmem>>
    %dma_wait3A_320 = tpu.memref_squeeze %dma_wait3A_319 : memref<1x128x128xf32, #tpu.memory_space<vmem>> -> memref<128x128xf32, #tpu.memory_space<vmem>>
    %dma_wait3A_321 = arith.constant 0 : i32
    %dma_wait3A_322 = tpu.memref_slice %arg4[%add3A_248, %dma_wait3A_321] : memref<100000x128xf32, #tpu.memory_space<hbm>> -> memref<128x128xf32, #tpu.memory_space<hbm>>
    %dma_wait3A_323 = arith.constant 0 : i32
    %dma_wait3A_324 = arith.constant 0 : i32
    %dma_wait3A_325 = tpu.memref_slice %arg9[%dma_wait3A_316, %dma_wait3A_323, %dma_wait3A_324] : memref<2x128x128xf32, #tpu.memory_space<vmem>> -> memref<1x128x128xf32, #tpu.memory_space<vmem>>
    %dma_wait3A_326 = tpu.memref_squeeze %dma_wait3A_325 : memref<1x128x128xf32, #tpu.memory_space<vmem>> -> memref<128x128xf32, #tpu.memory_space<vmem>>
    %dma_wait3A_327 = arith.constant 0 : i32
    %dma_wait3A_328 = tpu.memref_slice %arg4[%add3A_248, %dma_wait3A_327] : memref<100000x128xf32, #tpu.memory_space<hbm>> -> memref<128x128xf32, #tpu.memory_space<hbm>>
    tpu.wait_dma2 semaphore(%arg14 : memref<!tpu.dma_semaphore, #tpu.memory_space<semaphore_mem>>) src(%dma_wait3A_328 : memref<128x128xf32, #tpu.memory_space<hbm>>) dst(%dma_wait3A_326 : memref<128x128xf32, #tpu.memory_space<vmem>>)
    %dma_start3A_329 = arith.constant 1 : i32
    %dma_start3A_330 = arith.constant 0 : i32
    %dma_start3A_331 = arith.constant 5 : i32
    %dma_start3A_332 = arith.constant 0 : i32
    %dma_start3A_333 = arith.constant 0 : i32
    %dma_start3A_334 = tpu.memref_slice %arg9[%dma_start3A_329, %dma_start3A_332, %dma_start3A_333] : memref<2x128x128xf32, #tpu.memory_space<vmem>> -> memref<1x128x128xf32, #tpu.memory_space<vmem>>
    %dma_start3A_335 = tpu.memref_squeeze %dma_start3A_334 : memref<1x128x128xf32, #tpu.memory_space<vmem>> -> memref<128x128xf32, #tpu.memory_space<vmem>>
    %dma_start3A_336 = arith.constant 0 : i32
    %dma_start3A_337 = tpu.memref_slice %arg10[%dma_start3A_330, %dma_start3A_331, %dma_start3A_336] : memref<3x14x128xi32, #tpu.memory_space<vmem>> -> memref<1x1x128xi32, #tpu.memory_space<vmem>>
    %dma_start3A_338 = tpu.memref_squeeze %dma_start3A_337 : memref<1x1x128xi32, #tpu.memory_space<vmem>> -> memref<128xi32, #tpu.memory_space<vmem>>
    %dma_start3A_339 = arith.constant 0 : i32
    %dma_start3A_340 = arith.constant 0 : i32
    %dma_start3A_341 = tpu.memref_slice %arg8[%dma_start3A_339, %dma_start3A_340] : memref<392x128xf32, #tpu.memory_space<vmem_shared>> -> memref<392x128xf32, #tpu.memory_space<vmem_shared>>
    tpu.enqueue_indirect_dma source(%dma_start3A_335 : memref<128x128xf32, #tpu.memory_space<vmem>>) target(%dma_start3A_341 : memref<392x128xf32, #tpu.memory_space<vmem_shared>>) offsets(%dma_start3A_338 : memref<128xi32, #tpu.memory_space<vmem>>) semaphore(%arg16 : memref<!tpu.dma_semaphore, #tpu.memory_space<semaphore_mem>>) {add = true}
    %dma_wait3A_342 = arith.constant 1 : i32
    %dma_wait3A_343 = arith.constant 0 : i32
    %dma_wait3A_344 = arith.constant 5 : i32
    %dma_wait3A_345 = arith.constant 0 : i32
    %dma_wait3A_346 = arith.constant 0 : i32
    %dma_wait3A_347 = tpu.memref_slice %arg9[%dma_wait3A_342, %dma_wait3A_345, %dma_wait3A_346] : memref<2x128x128xf32, #tpu.memory_space<vmem>> -> memref<1x128x128xf32, #tpu.memory_space<vmem>>
    %dma_wait3A_348 = tpu.memref_squeeze %dma_wait3A_347 : memref<1x128x128xf32, #tpu.memory_space<vmem>> -> memref<128x128xf32, #tpu.memory_space<vmem>>
    %dma_wait3A_349 = arith.constant 0 : i32
    %dma_wait3A_350 = tpu.memref_slice %arg10[%dma_wait3A_343, %dma_wait3A_344, %dma_wait3A_349] : memref<3x14x128xi32, #tpu.memory_space<vmem>> -> memref<1x1x128xi32, #tpu.memory_space<vmem>>
    %dma_wait3A_351 = tpu.memref_squeeze %dma_wait3A_350 : memref<1x1x128xi32, #tpu.memory_space<vmem>> -> memref<128xi32, #tpu.memory_space<vmem>>
    %dma_wait3A_352 = arith.constant 0 : i32
    %dma_wait3A_353 = arith.constant 0 : i32
    %dma_wait3A_354 = tpu.memref_slice %arg8[%dma_wait3A_352, %dma_wait3A_353] : memref<392x128xf32, #tpu.memory_space<vmem_shared>> -> memref<392x128xf32, #tpu.memory_space<vmem_shared>>
    tpu.wait_indirect_dma semaphore(%arg16 : memref<!tpu.dma_semaphore, #tpu.memory_space<semaphore_mem>>) src(%dma_wait3A_348 : memref<128x128xf32, #tpu.memory_space<vmem>>) dst(%dma_wait3A_354 : memref<392x128xf32, #tpu.memory_space<vmem_shared>>)
    %add3A_355 = arith.constant 896 : i32
    %add3A_356 = arith.addi %add3A_9, %add3A_355 : i32
    %dma_start3A_357 = arith.constant 1 : i32
    %dma_start3A_358 = arith.constant 0 : i32
    %dma_start3A_359 = arith.constant 0 : i32
    %dma_start3A_360 = tpu.memref_slice %arg9[%dma_start3A_357, %dma_start3A_358, %dma_start3A_359] : memref<2x128x128xf32, #tpu.memory_space<vmem>> -> memref<1x128x128xf32, #tpu.memory_space<vmem>>
    %dma_start3A_361 = tpu.memref_squeeze %dma_start3A_360 : memref<1x128x128xf32, #tpu.memory_space<vmem>> -> memref<128x128xf32, #tpu.memory_space<vmem>>
    %dma_start3A_362 = arith.constant 0 : i32
    %dma_start3A_363 = tpu.memref_slice %arg4[%add3A_356, %dma_start3A_362] : memref<100000x128xf32, #tpu.memory_space<hbm>> -> memref<128x128xf32, #tpu.memory_space<hbm>>
    %dma_start3A_364 = arith.constant 0 : i32
    %dma_start3A_365 = arith.constant 0 : i32
    %dma_start3A_366 = tpu.memref_slice %arg9[%dma_start3A_357, %dma_start3A_364, %dma_start3A_365] : memref<2x128x128xf32, #tpu.memory_space<vmem>> -> memref<1x128x128xf32, #tpu.memory_space<vmem>>
    %dma_start3A_367 = tpu.memref_squeeze %dma_start3A_366 : memref<1x128x128xf32, #tpu.memory_space<vmem>> -> memref<128x128xf32, #tpu.memory_space<vmem>>
    %dma_start3A_368 = arith.constant 0 : i32
    %dma_start3A_369 = tpu.memref_slice %arg4[%add3A_356, %dma_start3A_368] : memref<100000x128xf32, #tpu.memory_space<hbm>> -> memref<128x128xf32, #tpu.memory_space<hbm>>
    tpu.enqueue_dma source(%dma_start3A_369 : memref<128x128xf32, #tpu.memory_space<hbm>>) target(%dma_start3A_367 : memref<128x128xf32, #tpu.memory_space<vmem>>) target_semaphore(%arg14 : memref<!tpu.dma_semaphore, #tpu.memory_space<semaphore_mem>>)
    %dma_wait3A_370 = arith.constant 0 : i32
    %dma_wait3A_371 = arith.constant 0 : i32
    %dma_wait3A_372 = arith.constant 0 : i32
    %dma_wait3A_373 = tpu.memref_slice %arg9[%dma_wait3A_370, %dma_wait3A_371, %dma_wait3A_372] : memref<2x128x128xf32, #tpu.memory_space<vmem>> -> memref<1x128x128xf32, #tpu.memory_space<vmem>>
    %dma_wait3A_374 = tpu.memref_squeeze %dma_wait3A_373 : memref<1x128x128xf32, #tpu.memory_space<vmem>> -> memref<128x128xf32, #tpu.memory_space<vmem>>
    %dma_wait3A_375 = arith.constant 0 : i32
    %dma_wait3A_376 = tpu.memref_slice %arg4[%add3A_302, %dma_wait3A_375] : memref<100000x128xf32, #tpu.memory_space<hbm>> -> memref<128x128xf32, #tpu.memory_space<hbm>>
    %dma_wait3A_377 = arith.constant 0 : i32
    %dma_wait3A_378 = arith.constant 0 : i32
    %dma_wait3A_379 = tpu.memref_slice %arg9[%dma_wait3A_370, %dma_wait3A_377, %dma_wait3A_378] : memref<2x128x128xf32, #tpu.memory_space<vmem>> -> memref<1x128x128xf32, #tpu.memory_space<vmem>>
    %dma_wait3A_380 = tpu.memref_squeeze %dma_wait3A_379 : memref<1x128x128xf32, #tpu.memory_space<vmem>> -> memref<128x128xf32, #tpu.memory_space<vmem>>
    %dma_wait3A_381 = arith.constant 0 : i32
    %dma_wait3A_382 = tpu.memref_slice %arg4[%add3A_302, %dma_wait3A_381] : memref<100000x128xf32, #tpu.memory_space<hbm>> -> memref<128x128xf32, #tpu.memory_space<hbm>>
    tpu.wait_dma2 semaphore(%arg13 : memref<!tpu.dma_semaphore, #tpu.memory_space<semaphore_mem>>) src(%dma_wait3A_382 : memref<128x128xf32, #tpu.memory_space<hbm>>) dst(%dma_wait3A_380 : memref<128x128xf32, #tpu.memory_space<vmem>>)
    %dma_start3A_383 = arith.constant 0 : i32
    %dma_start3A_384 = arith.constant 0 : i32
    %dma_start3A_385 = arith.constant 6 : i32
    %dma_start3A_386 = arith.constant 0 : i32
    %dma_start3A_387 = arith.constant 0 : i32
    %dma_start3A_388 = tpu.memref_slice %arg9[%dma_start3A_383, %dma_start3A_386, %dma_start3A_387] : memref<2x128x128xf32, #tpu.memory_space<vmem>> -> memref<1x128x128xf32, #tpu.memory_space<vmem>>
    %dma_start3A_389 = tpu.memref_squeeze %dma_start3A_388 : memref<1x128x128xf32, #tpu.memory_space<vmem>> -> memref<128x128xf32, #tpu.memory_space<vmem>>
    %dma_start3A_390 = arith.constant 0 : i32
    %dma_start3A_391 = tpu.memref_slice %arg10[%dma_start3A_384, %dma_start3A_385, %dma_start3A_390] : memref<3x14x128xi32, #tpu.memory_space<vmem>> -> memref<1x1x128xi32, #tpu.memory_space<vmem>>
    %dma_start3A_392 = tpu.memref_squeeze %dma_start3A_391 : memref<1x1x128xi32, #tpu.memory_space<vmem>> -> memref<128xi32, #tpu.memory_space<vmem>>
    %dma_start3A_393 = arith.constant 0 : i32
    %dma_start3A_394 = arith.constant 0 : i32
    %dma_start3A_395 = tpu.memref_slice %arg8[%dma_start3A_393, %dma_start3A_394] : memref<392x128xf32, #tpu.memory_space<vmem_shared>> -> memref<392x128xf32, #tpu.memory_space<vmem_shared>>
    tpu.enqueue_indirect_dma source(%dma_start3A_389 : memref<128x128xf32, #tpu.memory_space<vmem>>) target(%dma_start3A_395 : memref<392x128xf32, #tpu.memory_space<vmem_shared>>) offsets(%dma_start3A_392 : memref<128xi32, #tpu.memory_space<vmem>>) semaphore(%arg15 : memref<!tpu.dma_semaphore, #tpu.memory_space<semaphore_mem>>) {add = true}
    %dma_wait3A_396 = arith.constant 0 : i32
    %dma_wait3A_397 = arith.constant 0 : i32
    %dma_wait3A_398 = arith.constant 6 : i32
    %dma_wait3A_399 = arith.constant 0 : i32
    %dma_wait3A_400 = arith.constant 0 : i32
    %dma_wait3A_401 = tpu.memref_slice %arg9[%dma_wait3A_396, %dma_wait3A_399, %dma_wait3A_400] : memref<2x128x128xf32, #tpu.memory_space<vmem>> -> memref<1x128x128xf32, #tpu.memory_space<vmem>>
    %dma_wait3A_402 = tpu.memref_squeeze %dma_wait3A_401 : memref<1x128x128xf32, #tpu.memory_space<vmem>> -> memref<128x128xf32, #tpu.memory_space<vmem>>
    %dma_wait3A_403 = arith.constant 0 : i32
    %dma_wait3A_404 = tpu.memref_slice %arg10[%dma_wait3A_397, %dma_wait3A_398, %dma_wait3A_403] : memref<3x14x128xi32, #tpu.memory_space<vmem>> -> memref<1x1x128xi32, #tpu.memory_space<vmem>>
    %dma_wait3A_405 = tpu.memref_squeeze %dma_wait3A_404 : memref<1x1x128xi32, #tpu.memory_space<vmem>> -> memref<128xi32, #tpu.memory_space<vmem>>
    %dma_wait3A_406 = arith.constant 0 : i32
    %dma_wait3A_407 = arith.constant 0 : i32
    %dma_wait3A_408 = tpu.memref_slice %arg8[%dma_wait3A_406, %dma_wait3A_407] : memref<392x128xf32, #tpu.memory_space<vmem_shared>> -> memref<392x128xf32, #tpu.memory_space<vmem_shared>>
    tpu.wait_indirect_dma semaphore(%arg15 : memref<!tpu.dma_semaphore, #tpu.memory_space<semaphore_mem>>) src(%dma_wait3A_402 : memref<128x128xf32, #tpu.memory_space<vmem>>) dst(%dma_wait3A_408 : memref<392x128xf32, #tpu.memory_space<vmem_shared>>)
    %add3A_409 = arith.constant 1024 : i32
    %add3A_410 = arith.addi %add3A_9, %add3A_409 : i32
    %dma_start3A_411 = arith.constant 0 : i32
    %dma_start3A_412 = arith.constant 0 : i32
    %dma_start3A_413 = arith.constant 0 : i32
    %dma_start3A_414 = tpu.memref_slice %arg9[%dma_start3A_411, %dma_start3A_412, %dma_start3A_413] : memref<2x128x128xf32, #tpu.memory_space<vmem>> -> memref<1x128x128xf32, #tpu.memory_space<vmem>>
    %dma_start3A_415 = tpu.memref_squeeze %dma_start3A_414 : memref<1x128x128xf32, #tpu.memory_space<vmem>> -> memref<128x128xf32, #tpu.memory_space<vmem>>
    %dma_start3A_416 = arith.constant 0 : i32
    %dma_start3A_417 = tpu.memref_slice %arg4[%add3A_410, %dma_start3A_416] : memref<100000x128xf32, #tpu.memory_space<hbm>> -> memref<128x128xf32, #tpu.memory_space<hbm>>
    %dma_start3A_418 = arith.constant 0 : i32
    %dma_start3A_419 = arith.constant 0 : i32
    %dma_start3A_420 = tpu.memref_slice %arg9[%dma_start3A_411, %dma_start3A_418, %dma_start3A_419] : memref<2x128x128xf32, #tpu.memory_space<vmem>> -> memref<1x128x128xf32, #tpu.memory_space<vmem>>
    %dma_start3A_421 = tpu.memref_squeeze %dma_start3A_420 : memref<1x128x128xf32, #tpu.memory_space<vmem>> -> memref<128x128xf32, #tpu.memory_space<vmem>>
    %dma_start3A_422 = arith.constant 0 : i32
    %dma_start3A_423 = tpu.memref_slice %arg4[%add3A_410, %dma_start3A_422] : memref<100000x128xf32, #tpu.memory_space<hbm>> -> memref<128x128xf32, #tpu.memory_space<hbm>>
    tpu.enqueue_dma source(%dma_start3A_423 : memref<128x128xf32, #tpu.memory_space<hbm>>) target(%dma_start3A_421 : memref<128x128xf32, #tpu.memory_space<vmem>>) target_semaphore(%arg13 : memref<!tpu.dma_semaphore, #tpu.memory_space<semaphore_mem>>)
    %dma_wait3A_424 = arith.constant 1 : i32
    %dma_wait3A_425 = arith.constant 0 : i32
    %dma_wait3A_426 = arith.constant 0 : i32
    %dma_wait3A_427 = tpu.memref_slice %arg9[%dma_wait3A_424, %dma_wait3A_425, %dma_wait3A_426] : memref<2x128x128xf32, #tpu.memory_space<vmem>> -> memref<1x128x128xf32, #tpu.memory_space<vmem>>
    %dma_wait3A_428 = tpu.memref_squeeze %dma_wait3A_427 : memref<1x128x128xf32, #tpu.memory_space<vmem>> -> memref<128x128xf32, #tpu.memory_space<vmem>>
    %dma_wait3A_429 = arith.constant 0 : i32
    %dma_wait3A_430 = tpu.memref_slice %arg4[%add3A_356, %dma_wait3A_429] : memref<100000x128xf32, #tpu.memory_space<hbm>> -> memref<128x128xf32, #tpu.memory_space<hbm>>
    %dma_wait3A_431 = arith.constant 0 : i32
    %dma_wait3A_432 = arith.constant 0 : i32
    %dma_wait3A_433 = tpu.memref_slice %arg9[%dma_wait3A_424, %dma_wait3A_431, %dma_wait3A_432] : memref<2x128x128xf32, #tpu.memory_space<vmem>> -> memref<1x128x128xf32, #tpu.memory_space<vmem>>
    %dma_wait3A_434 = tpu.memref_squeeze %dma_wait3A_433 : memref<1x128x128xf32, #tpu.memory_space<vmem>> -> memref<128x128xf32, #tpu.memory_space<vmem>>
    %dma_wait3A_435 = arith.constant 0 : i32
    %dma_wait3A_436 = tpu.memref_slice %arg4[%add3A_356, %dma_wait3A_435] : memref<100000x128xf32, #tpu.memory_space<hbm>> -> memref<128x128xf32, #tpu.memory_space<hbm>>
    tpu.wait_dma2 semaphore(%arg14 : memref<!tpu.dma_semaphore, #tpu.memory_space<semaphore_mem>>) src(%dma_wait3A_436 : memref<128x128xf32, #tpu.memory_space<hbm>>) dst(%dma_wait3A_434 : memref<128x128xf32, #tpu.memory_space<vmem>>)
    %dma_start3A_437 = arith.constant 1 : i32
    %dma_start3A_438 = arith.constant 0 : i32
    %dma_start3A_439 = arith.constant 7 : i32
    %dma_start3A_440 = arith.constant 0 : i32
    %dma_start3A_441 = arith.constant 0 : i32
    %dma_start3A_442 = tpu.memref_slice %arg9[%dma_start3A_437, %dma_start3A_440, %dma_start3A_441] : memref<2x128x128xf32, #tpu.memory_space<vmem>> -> memref<1x128x128xf32, #tpu.memory_space<vmem>>
    %dma_start3A_443 = tpu.memref_squeeze %dma_start3A_442 : memref<1x128x128xf32, #tpu.memory_space<vmem>> -> memref<128x128xf32, #tpu.memory_space<vmem>>
    %dma_start3A_444 = arith.constant 0 : i32
    %dma_start3A_445 = tpu.memref_slice %arg10[%dma_start3A_438, %dma_start3A_439, %dma_start3A_444] : memref<3x14x128xi32, #tpu.memory_space<vmem>> -> memref<1x1x128xi32, #tpu.memory_space<vmem>>
    %dma_start3A_446 = tpu.memref_squeeze %dma_start3A_445 : memref<1x1x128xi32, #tpu.memory_space<vmem>> -> memref<128xi32, #tpu.memory_space<vmem>>
    %dma_start3A_447 = arith.constant 0 : i32
    %dma_start3A_448 = arith.constant 0 : i32
    %dma_start3A_449 = tpu.memref_slice %arg8[%dma_start3A_447, %dma_start3A_448] : memref<392x128xf32, #tpu.memory_space<vmem_shared>> -> memref<392x128xf32, #tpu.memory_space<vmem_shared>>
    tpu.enqueue_indirect_dma source(%dma_start3A_443 : memref<128x128xf32, #tpu.memory_space<vmem>>) target(%dma_start3A_449 : memref<392x128xf32, #tpu.memory_space<vmem_shared>>) offsets(%dma_start3A_446 : memref<128xi32, #tpu.memory_space<vmem>>) semaphore(%arg16 : memref<!tpu.dma_semaphore, #tpu.memory_space<semaphore_mem>>) {add = true}
    %dma_wait3A_450 = arith.constant 1 : i32
    %dma_wait3A_451 = arith.constant 0 : i32
    %dma_wait3A_452 = arith.constant 7 : i32
    %dma_wait3A_453 = arith.constant 0 : i32
    %dma_wait3A_454 = arith.constant 0 : i32
    %dma_wait3A_455 = tpu.memref_slice %arg9[%dma_wait3A_450, %dma_wait3A_453, %dma_wait3A_454] : memref<2x128x128xf32, #tpu.memory_space<vmem>> -> memref<1x128x128xf32, #tpu.memory_space<vmem>>
    %dma_wait3A_456 = tpu.memref_squeeze %dma_wait3A_455 : memref<1x128x128xf32, #tpu.memory_space<vmem>> -> memref<128x128xf32, #tpu.memory_space<vmem>>
    %dma_wait3A_457 = arith.constant 0 : i32
    %dma_wait3A_458 = tpu.memref_slice %arg10[%dma_wait3A_451, %dma_wait3A_452, %dma_wait3A_457] : memref<3x14x128xi32, #tpu.memory_space<vmem>> -> memref<1x1x128xi32, #tpu.memory_space<vmem>>
    %dma_wait3A_459 = tpu.memref_squeeze %dma_wait3A_458 : memref<1x1x128xi32, #tpu.memory_space<vmem>> -> memref<128xi32, #tpu.memory_space<vmem>>
    %dma_wait3A_460 = arith.constant 0 : i32
    %dma_wait3A_461 = arith.constant 0 : i32
    %dma_wait3A_462 = tpu.memref_slice %arg8[%dma_wait3A_460, %dma_wait3A_461] : memref<392x128xf32, #tpu.memory_space<vmem_shared>> -> memref<392x128xf32, #tpu.memory_space<vmem_shared>>
    tpu.wait_indirect_dma semaphore(%arg16 : memref<!tpu.dma_semaphore, #tpu.memory_space<semaphore_mem>>) src(%dma_wait3A_456 : memref<128x128xf32, #tpu.memory_space<vmem>>) dst(%dma_wait3A_462 : memref<392x128xf32, #tpu.memory_space<vmem_shared>>)
    %add3A_463 = arith.constant 1152 : i32
    %add3A_464 = arith.addi %add3A_9, %add3A_463 : i32
    %dma_start3A_465 = arith.constant 1 : i32
    %dma_start3A_466 = arith.constant 0 : i32
    %dma_start3A_467 = arith.constant 0 : i32
    %dma_start3A_468 = tpu.memref_slice %arg9[%dma_start3A_465, %dma_start3A_466, %dma_start3A_467] : memref<2x128x128xf32, #tpu.memory_space<vmem>> -> memref<1x128x128xf32, #tpu.memory_space<vmem>>
    %dma_start3A_469 = tpu.memref_squeeze %dma_start3A_468 : memref<1x128x128xf32, #tpu.memory_space<vmem>> -> memref<128x128xf32, #tpu.memory_space<vmem>>
    %dma_start3A_470 = arith.constant 0 : i32
    %dma_start3A_471 = tpu.memref_slice %arg4[%add3A_464, %dma_start3A_470] : memref<100000x128xf32, #tpu.memory_space<hbm>> -> memref<128x128xf32, #tpu.memory_space<hbm>>
    %dma_start3A_472 = arith.constant 0 : i32
    %dma_start3A_473 = arith.constant 0 : i32
    %dma_start3A_474 = tpu.memref_slice %arg9[%dma_start3A_465, %dma_start3A_472, %dma_start3A_473] : memref<2x128x128xf32, #tpu.memory_space<vmem>> -> memref<1x128x128xf32, #tpu.memory_space<vmem>>
    %dma_start3A_475 = tpu.memref_squeeze %dma_start3A_474 : memref<1x128x128xf32, #tpu.memory_space<vmem>> -> memref<128x128xf32, #tpu.memory_space<vmem>>
    %dma_start3A_476 = arith.constant 0 : i32
    %dma_start3A_477 = tpu.memref_slice %arg4[%add3A_464, %dma_start3A_476] : memref<100000x128xf32, #tpu.memory_space<hbm>> -> memref<128x128xf32, #tpu.memory_space<hbm>>
    tpu.enqueue_dma source(%dma_start3A_477 : memref<128x128xf32, #tpu.memory_space<hbm>>) target(%dma_start3A_475 : memref<128x128xf32, #tpu.memory_space<vmem>>) target_semaphore(%arg14 : memref<!tpu.dma_semaphore, #tpu.memory_space<semaphore_mem>>)
    %dma_wait3A_478 = arith.constant 0 : i32
    %dma_wait3A_479 = arith.constant 0 : i32
    %dma_wait3A_480 = arith.constant 0 : i32
    %dma_wait3A_481 = tpu.memref_slice %arg9[%dma_wait3A_478, %dma_wait3A_479, %dma_wait3A_480] : memref<2x128x128xf32, #tpu.memory_space<vmem>> -> memref<1x128x128xf32, #tpu.memory_space<vmem>>
    %dma_wait3A_482 = tpu.memref_squeeze %dma_wait3A_481 : memref<1x128x128xf32, #tpu.memory_space<vmem>> -> memref<128x128xf32, #tpu.memory_space<vmem>>
    %dma_wait3A_483 = arith.constant 0 : i32
    %dma_wait3A_484 = tpu.memref_slice %arg4[%add3A_410, %dma_wait3A_483] : memref<100000x128xf32, #tpu.memory_space<hbm>> -> memref<128x128xf32, #tpu.memory_space<hbm>>
    %dma_wait3A_485 = arith.constant 0 : i32
    %dma_wait3A_486 = arith.constant 0 : i32
    %dma_wait3A_487 = tpu.memref_slice %arg9[%dma_wait3A_478, %dma_wait3A_485, %dma_wait3A_486] : memref<2x128x128xf32, #tpu.memory_space<vmem>> -> memref<1x128x128xf32, #tpu.memory_space<vmem>>
    %dma_wait3A_488 = tpu.memref_squeeze %dma_wait3A_487 : memref<1x128x128xf32, #tpu.memory_space<vmem>> -> memref<128x128xf32, #tpu.memory_space<vmem>>
    %dma_wait3A_489 = arith.constant 0 : i32
    %dma_wait3A_490 = tpu.memref_slice %arg4[%add3A_410, %dma_wait3A_489] : memref<100000x128xf32, #tpu.memory_space<hbm>> -> memref<128x128xf32, #tpu.memory_space<hbm>>
    tpu.wait_dma2 semaphore(%arg13 : memref<!tpu.dma_semaphore, #tpu.memory_space<semaphore_mem>>) src(%dma_wait3A_490 : memref<128x128xf32, #tpu.memory_space<hbm>>) dst(%dma_wait3A_488 : memref<128x128xf32, #tpu.memory_space<vmem>>)
    %dma_start3A_491 = arith.constant 0 : i32
    %dma_start3A_492 = arith.constant 0 : i32
    %dma_start3A_493 = arith.constant 8 : i32
    %dma_start3A_494 = arith.constant 0 : i32
    %dma_start3A_495 = arith.constant 0 : i32
    %dma_start3A_496 = tpu.memref_slice %arg9[%dma_start3A_491, %dma_start3A_494, %dma_start3A_495] : memref<2x128x128xf32, #tpu.memory_space<vmem>> -> memref<1x128x128xf32, #tpu.memory_space<vmem>>
    %dma_start3A_497 = tpu.memref_squeeze %dma_start3A_496 : memref<1x128x128xf32, #tpu.memory_space<vmem>> -> memref<128x128xf32, #tpu.memory_space<vmem>>
    %dma_start3A_498 = arith.constant 0 : i32
    %dma_start3A_499 = tpu.memref_slice %arg10[%dma_start3A_492, %dma_start3A_493, %dma_start3A_498] : memref<3x14x128xi32, #tpu.memory_space<vmem>> -> memref<1x1x128xi32, #tpu.memory_space<vmem>>
    %dma_start3A_500 = tpu.memref_squeeze %dma_start3A_499 : memref<1x1x128xi32, #tpu.memory_space<vmem>> -> memref<128xi32, #tpu.memory_space<vmem>>
    %dma_start3A_501 = arith.constant 0 : i32
    %dma_start3A_502 = arith.constant 0 : i32
    %dma_start3A_503 = tpu.memref_slice %arg8[%dma_start3A_501, %dma_start3A_502] : memref<392x128xf32, #tpu.memory_space<vmem_shared>> -> memref<392x128xf32, #tpu.memory_space<vmem_shared>>
    tpu.enqueue_indirect_dma source(%dma_start3A_497 : memref<128x128xf32, #tpu.memory_space<vmem>>) target(%dma_start3A_503 : memref<392x128xf32, #tpu.memory_space<vmem_shared>>) offsets(%dma_start3A_500 : memref<128xi32, #tpu.memory_space<vmem>>) semaphore(%arg15 : memref<!tpu.dma_semaphore, #tpu.memory_space<semaphore_mem>>) {add = true}
    %dma_wait3A_504 = arith.constant 0 : i32
    %dma_wait3A_505 = arith.constant 0 : i32
    %dma_wait3A_506 = arith.constant 8 : i32
    %dma_wait3A_507 = arith.constant 0 : i32
    %dma_wait3A_508 = arith.constant 0 : i32
    %dma_wait3A_509 = tpu.memref_slice %arg9[%dma_wait3A_504, %dma_wait3A_507, %dma_wait3A_508] : memref<2x128x128xf32, #tpu.memory_space<vmem>> -> memref<1x128x128xf32, #tpu.memory_space<vmem>>
    %dma_wait3A_510 = tpu.memref_squeeze %dma_wait3A_509 : memref<1x128x128xf32, #tpu.memory_space<vmem>> -> memref<128x128xf32, #tpu.memory_space<vmem>>
    %dma_wait3A_511 = arith.constant 0 : i32
    %dma_wait3A_512 = tpu.memref_slice %arg10[%dma_wait3A_505, %dma_wait3A_506, %dma_wait3A_511] : memref<3x14x128xi32, #tpu.memory_space<vmem>> -> memref<1x1x128xi32, #tpu.memory_space<vmem>>
    %dma_wait3A_513 = tpu.memref_squeeze %dma_wait3A_512 : memref<1x1x128xi32, #tpu.memory_space<vmem>> -> memref<128xi32, #tpu.memory_space<vmem>>
    %dma_wait3A_514 = arith.constant 0 : i32
    %dma_wait3A_515 = arith.constant 0 : i32
    %dma_wait3A_516 = tpu.memref_slice %arg8[%dma_wait3A_514, %dma_wait3A_515] : memref<392x128xf32, #tpu.memory_space<vmem_shared>> -> memref<392x128xf32, #tpu.memory_space<vmem_shared>>
    tpu.wait_indirect_dma semaphore(%arg15 : memref<!tpu.dma_semaphore, #tpu.memory_space<semaphore_mem>>) src(%dma_wait3A_510 : memref<128x128xf32, #tpu.memory_space<vmem>>) dst(%dma_wait3A_516 : memref<392x128xf32, #tpu.memory_space<vmem_shared>>)
    %add3A_517 = arith.constant 1280 : i32
    %add3A_518 = arith.addi %add3A_9, %add3A_517 : i32
    %dma_start3A_519 = arith.constant 0 : i32
    %dma_start3A_520 = arith.constant 0 : i32
    %dma_start3A_521 = arith.constant 0 : i32
    %dma_start3A_522 = tpu.memref_slice %arg9[%dma_start3A_519, %dma_start3A_520, %dma_start3A_521] : memref<2x128x128xf32, #tpu.memory_space<vmem>> -> memref<1x128x128xf32, #tpu.memory_space<vmem>>
    %dma_start3A_523 = tpu.memref_squeeze %dma_start3A_522 : memref<1x128x128xf32, #tpu.memory_space<vmem>> -> memref<128x128xf32, #tpu.memory_space<vmem>>
    %dma_start3A_524 = arith.constant 0 : i32
    %dma_start3A_525 = tpu.memref_slice %arg4[%add3A_518, %dma_start3A_524] : memref<100000x128xf32, #tpu.memory_space<hbm>> -> memref<128x128xf32, #tpu.memory_space<hbm>>
    %dma_start3A_526 = arith.constant 0 : i32
    %dma_start3A_527 = arith.constant 0 : i32
    %dma_start3A_528 = tpu.memref_slice %arg9[%dma_start3A_519, %dma_start3A_526, %dma_start3A_527] : memref<2x128x128xf32, #tpu.memory_space<vmem>> -> memref<1x128x128xf32, #tpu.memory_space<vmem>>
    %dma_start3A_529 = tpu.memref_squeeze %dma_start3A_528 : memref<1x128x128xf32, #tpu.memory_space<vmem>> -> memref<128x128xf32, #tpu.memory_space<vmem>>
    %dma_start3A_530 = arith.constant 0 : i32
    %dma_start3A_531 = tpu.memref_slice %arg4[%add3A_518, %dma_start3A_530] : memref<100000x128xf32, #tpu.memory_space<hbm>> -> memref<128x128xf32, #tpu.memory_space<hbm>>
    tpu.enqueue_dma source(%dma_start3A_531 : memref<128x128xf32, #tpu.memory_space<hbm>>) target(%dma_start3A_529 : memref<128x128xf32, #tpu.memory_space<vmem>>) target_semaphore(%arg13 : memref<!tpu.dma_semaphore, #tpu.memory_space<semaphore_mem>>)
    %dma_wait3A_532 = arith.constant 1 : i32
    %dma_wait3A_533 = arith.constant 0 : i32
    %dma_wait3A_534 = arith.constant 0 : i32
    %dma_wait3A_535 = tpu.memref_slice %arg9[%dma_wait3A_532, %dma_wait3A_533, %dma_wait3A_534] : memref<2x128x128xf32, #tpu.memory_space<vmem>> -> memref<1x128x128xf32, #tpu.memory_space<vmem>>
    %dma_wait3A_536 = tpu.memref_squeeze %dma_wait3A_535 : memref<1x128x128xf32, #tpu.memory_space<vmem>> -> memref<128x128xf32, #tpu.memory_space<vmem>>
    %dma_wait3A_537 = arith.constant 0 : i32
    %dma_wait3A_538 = tpu.memref_slice %arg4[%add3A_464, %dma_wait3A_537] : memref<100000x128xf32, #tpu.memory_space<hbm>> -> memref<128x128xf32, #tpu.memory_space<hbm>>
    %dma_wait3A_539 = arith.constant 0 : i32
    %dma_wait3A_540 = arith.constant 0 : i32
    %dma_wait3A_541 = tpu.memref_slice %arg9[%dma_wait3A_532, %dma_wait3A_539, %dma_wait3A_540] : memref<2x128x128xf32, #tpu.memory_space<vmem>> -> memref<1x128x128xf32, #tpu.memory_space<vmem>>
    %dma_wait3A_542 = tpu.memref_squeeze %dma_wait3A_541 : memref<1x128x128xf32, #tpu.memory_space<vmem>> -> memref<128x128xf32, #tpu.memory_space<vmem>>
    %dma_wait3A_543 = arith.constant 0 : i32
    %dma_wait3A_544 = tpu.memref_slice %arg4[%add3A_464, %dma_wait3A_543] : memref<100000x128xf32, #tpu.memory_space<hbm>> -> memref<128x128xf32, #tpu.memory_space<hbm>>
    tpu.wait_dma2 semaphore(%arg14 : memref<!tpu.dma_semaphore, #tpu.memory_space<semaphore_mem>>) src(%dma_wait3A_544 : memref<128x128xf32, #tpu.memory_space<hbm>>) dst(%dma_wait3A_542 : memref<128x128xf32, #tpu.memory_space<vmem>>)
    %dma_start3A_545 = arith.constant 1 : i32
    %dma_start3A_546 = arith.constant 0 : i32
    %dma_start3A_547 = arith.constant 9 : i32
    %dma_start3A_548 = arith.constant 0 : i32
    %dma_start3A_549 = arith.constant 0 : i32
    %dma_start3A_550 = tpu.memref_slice %arg9[%dma_start3A_545, %dma_start3A_548, %dma_start3A_549] : memref<2x128x128xf32, #tpu.memory_space<vmem>> -> memref<1x128x128xf32, #tpu.memory_space<vmem>>
    %dma_start3A_551 = tpu.memref_squeeze %dma_start3A_550 : memref<1x128x128xf32, #tpu.memory_space<vmem>> -> memref<128x128xf32, #tpu.memory_space<vmem>>
    %dma_start3A_552 = arith.constant 0 : i32
    %dma_start3A_553 = tpu.memref_slice %arg10[%dma_start3A_546, %dma_start3A_547, %dma_start3A_552] : memref<3x14x128xi32, #tpu.memory_space<vmem>> -> memref<1x1x128xi32, #tpu.memory_space<vmem>>
    %dma_start3A_554 = tpu.memref_squeeze %dma_start3A_553 : memref<1x1x128xi32, #tpu.memory_space<vmem>> -> memref<128xi32, #tpu.memory_space<vmem>>
    %dma_start3A_555 = arith.constant 0 : i32
    %dma_start3A_556 = arith.constant 0 : i32
    %dma_start3A_557 = tpu.memref_slice %arg8[%dma_start3A_555, %dma_start3A_556] : memref<392x128xf32, #tpu.memory_space<vmem_shared>> -> memref<392x128xf32, #tpu.memory_space<vmem_shared>>
    tpu.enqueue_indirect_dma source(%dma_start3A_551 : memref<128x128xf32, #tpu.memory_space<vmem>>) target(%dma_start3A_557 : memref<392x128xf32, #tpu.memory_space<vmem_shared>>) offsets(%dma_start3A_554 : memref<128xi32, #tpu.memory_space<vmem>>) semaphore(%arg16 : memref<!tpu.dma_semaphore, #tpu.memory_space<semaphore_mem>>) {add = true}
    %dma_wait3A_558 = arith.constant 1 : i32
    %dma_wait3A_559 = arith.constant 0 : i32
    %dma_wait3A_560 = arith.constant 9 : i32
    %dma_wait3A_561 = arith.constant 0 : i32
    %dma_wait3A_562 = arith.constant 0 : i32
    %dma_wait3A_563 = tpu.memref_slice %arg9[%dma_wait3A_558, %dma_wait3A_561, %dma_wait3A_562] : memref<2x128x128xf32, #tpu.memory_space<vmem>> -> memref<1x128x128xf32, #tpu.memory_space<vmem>>
    %dma_wait3A_564 = tpu.memref_squeeze %dma_wait3A_563 : memref<1x128x128xf32, #tpu.memory_space<vmem>> -> memref<128x128xf32, #tpu.memory_space<vmem>>
    %dma_wait3A_565 = arith.constant 0 : i32
    %dma_wait3A_566 = tpu.memref_slice %arg10[%dma_wait3A_559, %dma_wait3A_560, %dma_wait3A_565] : memref<3x14x128xi32, #tpu.memory_space<vmem>> -> memref<1x1x128xi32, #tpu.memory_space<vmem>>
    %dma_wait3A_567 = tpu.memref_squeeze %dma_wait3A_566 : memref<1x1x128xi32, #tpu.memory_space<vmem>> -> memref<128xi32, #tpu.memory_space<vmem>>
    %dma_wait3A_568 = arith.constant 0 : i32
    %dma_wait3A_569 = arith.constant 0 : i32
    %dma_wait3A_570 = tpu.memref_slice %arg8[%dma_wait3A_568, %dma_wait3A_569] : memref<392x128xf32, #tpu.memory_space<vmem_shared>> -> memref<392x128xf32, #tpu.memory_space<vmem_shared>>
    tpu.wait_indirect_dma semaphore(%arg16 : memref<!tpu.dma_semaphore, #tpu.memory_space<semaphore_mem>>) src(%dma_wait3A_564 : memref<128x128xf32, #tpu.memory_space<vmem>>) dst(%dma_wait3A_570 : memref<392x128xf32, #tpu.memory_space<vmem_shared>>)
    %add3A_571 = arith.constant 1408 : i32
    %add3A_572 = arith.addi %add3A_9, %add3A_571 : i32
    %dma_start3A_573 = arith.constant 1 : i32
    %dma_start3A_574 = arith.constant 0 : i32
    %dma_start3A_575 = arith.constant 0 : i32
    %dma_start3A_576 = tpu.memref_slice %arg9[%dma_start3A_573, %dma_start3A_574, %dma_start3A_575] : memref<2x128x128xf32, #tpu.memory_space<vmem>> -> memref<1x128x128xf32, #tpu.memory_space<vmem>>
    %dma_start3A_577 = tpu.memref_squeeze %dma_start3A_576 : memref<1x128x128xf32, #tpu.memory_space<vmem>> -> memref<128x128xf32, #tpu.memory_space<vmem>>
    %dma_start3A_578 = arith.constant 0 : i32
    %dma_start3A_579 = tpu.memref_slice %arg4[%add3A_572, %dma_start3A_578] : memref<100000x128xf32, #tpu.memory_space<hbm>> -> memref<128x128xf32, #tpu.memory_space<hbm>>
    %dma_start3A_580 = arith.constant 0 : i32
    %dma_start3A_581 = arith.constant 0 : i32
    %dma_start3A_582 = tpu.memref_slice %arg9[%dma_start3A_573, %dma_start3A_580, %dma_start3A_581] : memref<2x128x128xf32, #tpu.memory_space<vmem>> -> memref<1x128x128xf32, #tpu.memory_space<vmem>>
    %dma_start3A_583 = tpu.memref_squeeze %dma_start3A_582 : memref<1x128x128xf32, #tpu.memory_space<vmem>> -> memref<128x128xf32, #tpu.memory_space<vmem>>
    %dma_start3A_584 = arith.constant 0 : i32
    %dma_start3A_585 = tpu.memref_slice %arg4[%add3A_572, %dma_start3A_584] : memref<100000x128xf32, #tpu.memory_space<hbm>> -> memref<128x128xf32, #tpu.memory_space<hbm>>
    tpu.enqueue_dma source(%dma_start3A_585 : memref<128x128xf32, #tpu.memory_space<hbm>>) target(%dma_start3A_583 : memref<128x128xf32, #tpu.memory_space<vmem>>) target_semaphore(%arg14 : memref<!tpu.dma_semaphore, #tpu.memory_space<semaphore_mem>>)
    %dma_wait3A_586 = arith.constant 0 : i32
    %dma_wait3A_587 = arith.constant 0 : i32
    %dma_wait3A_588 = arith.constant 0 : i32
    %dma_wait3A_589 = tpu.memref_slice %arg9[%dma_wait3A_586, %dma_wait3A_587, %dma_wait3A_588] : memref<2x128x128xf32, #tpu.memory_space<vmem>> -> memref<1x128x128xf32, #tpu.memory_space<vmem>>
    %dma_wait3A_590 = tpu.memref_squeeze %dma_wait3A_589 : memref<1x128x128xf32, #tpu.memory_space<vmem>> -> memref<128x128xf32, #tpu.memory_space<vmem>>
    %dma_wait3A_591 = arith.constant 0 : i32
    %dma_wait3A_592 = tpu.memref_slice %arg4[%add3A_518, %dma_wait3A_591] : memref<100000x128xf32, #tpu.memory_space<hbm>> -> memref<128x128xf32, #tpu.memory_space<hbm>>
    %dma_wait3A_593 = arith.constant 0 : i32
    %dma_wait3A_594 = arith.constant 0 : i32
    %dma_wait3A_595 = tpu.memref_slice %arg9[%dma_wait3A_586, %dma_wait3A_593, %dma_wait3A_594] : memref<2x128x128xf32, #tpu.memory_space<vmem>> -> memref<1x128x128xf32, #tpu.memory_space<vmem>>
    %dma_wait3A_596 = tpu.memref_squeeze %dma_wait3A_595 : memref<1x128x128xf32, #tpu.memory_space<vmem>> -> memref<128x128xf32, #tpu.memory_space<vmem>>
    %dma_wait3A_597 = arith.constant 0 : i32
    %dma_wait3A_598 = tpu.memref_slice %arg4[%add3A_518, %dma_wait3A_597] : memref<100000x128xf32, #tpu.memory_space<hbm>> -> memref<128x128xf32, #tpu.memory_space<hbm>>
    tpu.wait_dma2 semaphore(%arg13 : memref<!tpu.dma_semaphore, #tpu.memory_space<semaphore_mem>>) src(%dma_wait3A_598 : memref<128x128xf32, #tpu.memory_space<hbm>>) dst(%dma_wait3A_596 : memref<128x128xf32, #tpu.memory_space<vmem>>)
    %dma_start3A_599 = arith.constant 0 : i32
    %dma_start3A_600 = arith.constant 0 : i32
    %dma_start3A_601 = arith.constant 10 : i32
    %dma_start3A_602 = arith.constant 0 : i32
    %dma_start3A_603 = arith.constant 0 : i32
    %dma_start3A_604 = tpu.memref_slice %arg9[%dma_start3A_599, %dma_start3A_602, %dma_start3A_603] : memref<2x128x128xf32, #tpu.memory_space<vmem>> -> memref<1x128x128xf32, #tpu.memory_space<vmem>>
    %dma_start3A_605 = tpu.memref_squeeze %dma_start3A_604 : memref<1x128x128xf32, #tpu.memory_space<vmem>> -> memref<128x128xf32, #tpu.memory_space<vmem>>
    %dma_start3A_606 = arith.constant 0 : i32
    %dma_start3A_607 = tpu.memref_slice %arg10[%dma_start3A_600, %dma_start3A_601, %dma_start3A_606] : memref<3x14x128xi32, #tpu.memory_space<vmem>> -> memref<1x1x128xi32, #tpu.memory_space<vmem>>
    %dma_start3A_608 = tpu.memref_squeeze %dma_start3A_607 : memref<1x1x128xi32, #tpu.memory_space<vmem>> -> memref<128xi32, #tpu.memory_space<vmem>>
    %dma_start3A_609 = arith.constant 0 : i32
    %dma_start3A_610 = arith.constant 0 : i32
    %dma_start3A_611 = tpu.memref_slice %arg8[%dma_start3A_609, %dma_start3A_610] : memref<392x128xf32, #tpu.memory_space<vmem_shared>> -> memref<392x128xf32, #tpu.memory_space<vmem_shared>>
    tpu.enqueue_indirect_dma source(%dma_start3A_605 : memref<128x128xf32, #tpu.memory_space<vmem>>) target(%dma_start3A_611 : memref<392x128xf32, #tpu.memory_space<vmem_shared>>) offsets(%dma_start3A_608 : memref<128xi32, #tpu.memory_space<vmem>>) semaphore(%arg15 : memref<!tpu.dma_semaphore, #tpu.memory_space<semaphore_mem>>) {add = true}
    %dma_wait3A_612 = arith.constant 0 : i32
    %dma_wait3A_613 = arith.constant 0 : i32
    %dma_wait3A_614 = arith.constant 10 : i32
    %dma_wait3A_615 = arith.constant 0 : i32
    %dma_wait3A_616 = arith.constant 0 : i32
    %dma_wait3A_617 = tpu.memref_slice %arg9[%dma_wait3A_612, %dma_wait3A_615, %dma_wait3A_616] : memref<2x128x128xf32, #tpu.memory_space<vmem>> -> memref<1x128x128xf32, #tpu.memory_space<vmem>>
    %dma_wait3A_618 = tpu.memref_squeeze %dma_wait3A_617 : memref<1x128x128xf32, #tpu.memory_space<vmem>> -> memref<128x128xf32, #tpu.memory_space<vmem>>
    %dma_wait3A_619 = arith.constant 0 : i32
    %dma_wait3A_620 = tpu.memref_slice %arg10[%dma_wait3A_613, %dma_wait3A_614, %dma_wait3A_619] : memref<3x14x128xi32, #tpu.memory_space<vmem>> -> memref<1x1x128xi32, #tpu.memory_space<vmem>>
    %dma_wait3A_621 = tpu.memref_squeeze %dma_wait3A_620 : memref<1x1x128xi32, #tpu.memory_space<vmem>> -> memref<128xi32, #tpu.memory_space<vmem>>
    %dma_wait3A_622 = arith.constant 0 : i32
    %dma_wait3A_623 = arith.constant 0 : i32
    %dma_wait3A_624 = tpu.memref_slice %arg8[%dma_wait3A_622, %dma_wait3A_623] : memref<392x128xf32, #tpu.memory_space<vmem_shared>> -> memref<392x128xf32, #tpu.memory_space<vmem_shared>>
    tpu.wait_indirect_dma semaphore(%arg15 : memref<!tpu.dma_semaphore, #tpu.memory_space<semaphore_mem>>) src(%dma_wait3A_618 : memref<128x128xf32, #tpu.memory_space<vmem>>) dst(%dma_wait3A_624 : memref<392x128xf32, #tpu.memory_space<vmem_shared>>)
    %add3A_625 = arith.constant 1536 : i32
    %add3A_626 = arith.addi %add3A_9, %add3A_625 : i32
    %dma_start3A_627 = arith.constant 0 : i32
    %dma_start3A_628 = arith.constant 0 : i32
    %dma_start3A_629 = arith.constant 0 : i32
    %dma_start3A_630 = tpu.memref_slice %arg9[%dma_start3A_627, %dma_start3A_628, %dma_start3A_629] : memref<2x128x128xf32, #tpu.memory_space<vmem>> -> memref<1x128x128xf32, #tpu.memory_space<vmem>>
    %dma_start3A_631 = tpu.memref_squeeze %dma_start3A_630 : memref<1x128x128xf32, #tpu.memory_space<vmem>> -> memref<128x128xf32, #tpu.memory_space<vmem>>
    %dma_start3A_632 = arith.constant 0 : i32
    %dma_start3A_633 = tpu.memref_slice %arg4[%add3A_626, %dma_start3A_632] : memref<100000x128xf32, #tpu.memory_space<hbm>> -> memref<128x128xf32, #tpu.memory_space<hbm>>
    %dma_start3A_634 = arith.constant 0 : i32
    %dma_start3A_635 = arith.constant 0 : i32
    %dma_start3A_636 = tpu.memref_slice %arg9[%dma_start3A_627, %dma_start3A_634, %dma_start3A_635] : memref<2x128x128xf32, #tpu.memory_space<vmem>> -> memref<1x128x128xf32, #tpu.memory_space<vmem>>
    %dma_start3A_637 = tpu.memref_squeeze %dma_start3A_636 : memref<1x128x128xf32, #tpu.memory_space<vmem>> -> memref<128x128xf32, #tpu.memory_space<vmem>>
    %dma_start3A_638 = arith.constant 0 : i32
    %dma_start3A_639 = tpu.memref_slice %arg4[%add3A_626, %dma_start3A_638] : memref<100000x128xf32, #tpu.memory_space<hbm>> -> memref<128x128xf32, #tpu.memory_space<hbm>>
    tpu.enqueue_dma source(%dma_start3A_639 : memref<128x128xf32, #tpu.memory_space<hbm>>) target(%dma_start3A_637 : memref<128x128xf32, #tpu.memory_space<vmem>>) target_semaphore(%arg13 : memref<!tpu.dma_semaphore, #tpu.memory_space<semaphore_mem>>)
    %dma_wait3A_640 = arith.constant 1 : i32
    %dma_wait3A_641 = arith.constant 0 : i32
    %dma_wait3A_642 = arith.constant 0 : i32
    %dma_wait3A_643 = tpu.memref_slice %arg9[%dma_wait3A_640, %dma_wait3A_641, %dma_wait3A_642] : memref<2x128x128xf32, #tpu.memory_space<vmem>> -> memref<1x128x128xf32, #tpu.memory_space<vmem>>
    %dma_wait3A_644 = tpu.memref_squeeze %dma_wait3A_643 : memref<1x128x128xf32, #tpu.memory_space<vmem>> -> memref<128x128xf32, #tpu.memory_space<vmem>>
    %dma_wait3A_645 = arith.constant 0 : i32
    %dma_wait3A_646 = tpu.memref_slice %arg4[%add3A_572, %dma_wait3A_645] : memref<100000x128xf32, #tpu.memory_space<hbm>> -> memref<128x128xf32, #tpu.memory_space<hbm>>
    %dma_wait3A_647 = arith.constant 0 : i32
    %dma_wait3A_648 = arith.constant 0 : i32
    %dma_wait3A_649 = tpu.memref_slice %arg9[%dma_wait3A_640, %dma_wait3A_647, %dma_wait3A_648] : memref<2x128x128xf32, #tpu.memory_space<vmem>> -> memref<1x128x128xf32, #tpu.memory_space<vmem>>
    %dma_wait3A_650 = tpu.memref_squeeze %dma_wait3A_649 : memref<1x128x128xf32, #tpu.memory_space<vmem>> -> memref<128x128xf32, #tpu.memory_space<vmem>>
    %dma_wait3A_651 = arith.constant 0 : i32
    %dma_wait3A_652 = tpu.memref_slice %arg4[%add3A_572, %dma_wait3A_651] : memref<100000x128xf32, #tpu.memory_space<hbm>> -> memref<128x128xf32, #tpu.memory_space<hbm>>
    tpu.wait_dma2 semaphore(%arg14 : memref<!tpu.dma_semaphore, #tpu.memory_space<semaphore_mem>>) src(%dma_wait3A_652 : memref<128x128xf32, #tpu.memory_space<hbm>>) dst(%dma_wait3A_650 : memref<128x128xf32, #tpu.memory_space<vmem>>)
    %dma_start3A_653 = arith.constant 1 : i32
    %dma_start3A_654 = arith.constant 0 : i32
    %dma_start3A_655 = arith.constant 11 : i32
    %dma_start3A_656 = arith.constant 0 : i32
    %dma_start3A_657 = arith.constant 0 : i32
    %dma_start3A_658 = tpu.memref_slice %arg9[%dma_start3A_653, %dma_start3A_656, %dma_start3A_657] : memref<2x128x128xf32, #tpu.memory_space<vmem>> -> memref<1x128x128xf32, #tpu.memory_space<vmem>>
    %dma_start3A_659 = tpu.memref_squeeze %dma_start3A_658 : memref<1x128x128xf32, #tpu.memory_space<vmem>> -> memref<128x128xf32, #tpu.memory_space<vmem>>
    %dma_start3A_660 = arith.constant 0 : i32
    %dma_start3A_661 = tpu.memref_slice %arg10[%dma_start3A_654, %dma_start3A_655, %dma_start3A_660] : memref<3x14x128xi32, #tpu.memory_space<vmem>> -> memref<1x1x128xi32, #tpu.memory_space<vmem>>
    %dma_start3A_662 = tpu.memref_squeeze %dma_start3A_661 : memref<1x1x128xi32, #tpu.memory_space<vmem>> -> memref<128xi32, #tpu.memory_space<vmem>>
    %dma_start3A_663 = arith.constant 0 : i32
    %dma_start3A_664 = arith.constant 0 : i32
    %dma_start3A_665 = tpu.memref_slice %arg8[%dma_start3A_663, %dma_start3A_664] : memref<392x128xf32, #tpu.memory_space<vmem_shared>> -> memref<392x128xf32, #tpu.memory_space<vmem_shared>>
    tpu.enqueue_indirect_dma source(%dma_start3A_659 : memref<128x128xf32, #tpu.memory_space<vmem>>) target(%dma_start3A_665 : memref<392x128xf32, #tpu.memory_space<vmem_shared>>) offsets(%dma_start3A_662 : memref<128xi32, #tpu.memory_space<vmem>>) semaphore(%arg16 : memref<!tpu.dma_semaphore, #tpu.memory_space<semaphore_mem>>) {add = true}
    %dma_wait3A_666 = arith.constant 1 : i32
    %dma_wait3A_667 = arith.constant 0 : i32
    %dma_wait3A_668 = arith.constant 11 : i32
    %dma_wait3A_669 = arith.constant 0 : i32
    %dma_wait3A_670 = arith.constant 0 : i32
    %dma_wait3A_671 = tpu.memref_slice %arg9[%dma_wait3A_666, %dma_wait3A_669, %dma_wait3A_670] : memref<2x128x128xf32, #tpu.memory_space<vmem>> -> memref<1x128x128xf32, #tpu.memory_space<vmem>>
    %dma_wait3A_672 = tpu.memref_squeeze %dma_wait3A_671 : memref<1x128x128xf32, #tpu.memory_space<vmem>> -> memref<128x128xf32, #tpu.memory_space<vmem>>
    %dma_wait3A_673 = arith.constant 0 : i32
    %dma_wait3A_674 = tpu.memref_slice %arg10[%dma_wait3A_667, %dma_wait3A_668, %dma_wait3A_673] : memref<3x14x128xi32, #tpu.memory_space<vmem>> -> memref<1x1x128xi32, #tpu.memory_space<vmem>>
    %dma_wait3A_675 = tpu.memref_squeeze %dma_wait3A_674 : memref<1x1x128xi32, #tpu.memory_space<vmem>> -> memref<128xi32, #tpu.memory_space<vmem>>
    %dma_wait3A_676 = arith.constant 0 : i32
    %dma_wait3A_677 = arith.constant 0 : i32
    %dma_wait3A_678 = tpu.memref_slice %arg8[%dma_wait3A_676, %dma_wait3A_677] : memref<392x128xf32, #tpu.memory_space<vmem_shared>> -> memref<392x128xf32, #tpu.memory_space<vmem_shared>>
    tpu.wait_indirect_dma semaphore(%arg16 : memref<!tpu.dma_semaphore, #tpu.memory_space<semaphore_mem>>) src(%dma_wait3A_672 : memref<128x128xf32, #tpu.memory_space<vmem>>) dst(%dma_wait3A_678 : memref<392x128xf32, #tpu.memory_space<vmem_shared>>)
    %add3A_679 = arith.constant 1664 : i32
    %add3A_680 = arith.addi %add3A_9, %add3A_679 : i32
    %dma_start3A_681 = arith.constant 1 : i32
    %dma_start3A_682 = arith.constant 0 : i32
    %dma_start3A_683 = arith.constant 0 : i32
    %dma_start3A_684 = tpu.memref_slice %arg9[%dma_start3A_681, %dma_start3A_682, %dma_start3A_683] : memref<2x128x128xf32, #tpu.memory_space<vmem>> -> memref<1x128x128xf32, #tpu.memory_space<vmem>>
    %dma_start3A_685 = tpu.memref_squeeze %dma_start3A_684 : memref<1x128x128xf32, #tpu.memory_space<vmem>> -> memref<128x128xf32, #tpu.memory_space<vmem>>
    %dma_start3A_686 = arith.constant 0 : i32
    %dma_start3A_687 = tpu.memref_slice %arg4[%add3A_680, %dma_start3A_686] : memref<100000x128xf32, #tpu.memory_space<hbm>> -> memref<128x128xf32, #tpu.memory_space<hbm>>
    %dma_start3A_688 = arith.constant 0 : i32
    %dma_start3A_689 = arith.constant 0 : i32
    %dma_start3A_690 = tpu.memref_slice %arg9[%dma_start3A_681, %dma_start3A_688, %dma_start3A_689] : memref<2x128x128xf32, #tpu.memory_space<vmem>> -> memref<1x128x128xf32, #tpu.memory_space<vmem>>
    %dma_start3A_691 = tpu.memref_squeeze %dma_start3A_690 : memref<1x128x128xf32, #tpu.memory_space<vmem>> -> memref<128x128xf32, #tpu.memory_space<vmem>>
    %dma_start3A_692 = arith.constant 0 : i32
    %dma_start3A_693 = tpu.memref_slice %arg4[%add3A_680, %dma_start3A_692] : memref<100000x128xf32, #tpu.memory_space<hbm>> -> memref<128x128xf32, #tpu.memory_space<hbm>>
    tpu.enqueue_dma source(%dma_start3A_693 : memref<128x128xf32, #tpu.memory_space<hbm>>) target(%dma_start3A_691 : memref<128x128xf32, #tpu.memory_space<vmem>>) target_semaphore(%arg14 : memref<!tpu.dma_semaphore, #tpu.memory_space<semaphore_mem>>)
    %dma_wait3A_694 = arith.constant 0 : i32
    %dma_wait3A_695 = arith.constant 0 : i32
    %dma_wait3A_696 = arith.constant 0 : i32
    %dma_wait3A_697 = tpu.memref_slice %arg9[%dma_wait3A_694, %dma_wait3A_695, %dma_wait3A_696] : memref<2x128x128xf32, #tpu.memory_space<vmem>> -> memref<1x128x128xf32, #tpu.memory_space<vmem>>
    %dma_wait3A_698 = tpu.memref_squeeze %dma_wait3A_697 : memref<1x128x128xf32, #tpu.memory_space<vmem>> -> memref<128x128xf32, #tpu.memory_space<vmem>>
    %dma_wait3A_699 = arith.constant 0 : i32
    %dma_wait3A_700 = tpu.memref_slice %arg4[%add3A_626, %dma_wait3A_699] : memref<100000x128xf32, #tpu.memory_space<hbm>> -> memref<128x128xf32, #tpu.memory_space<hbm>>
    %dma_wait3A_701 = arith.constant 0 : i32
    %dma_wait3A_702 = arith.constant 0 : i32
    %dma_wait3A_703 = tpu.memref_slice %arg9[%dma_wait3A_694, %dma_wait3A_701, %dma_wait3A_702] : memref<2x128x128xf32, #tpu.memory_space<vmem>> -> memref<1x128x128xf32, #tpu.memory_space<vmem>>
    %dma_wait3A_704 = tpu.memref_squeeze %dma_wait3A_703 : memref<1x128x128xf32, #tpu.memory_space<vmem>> -> memref<128x128xf32, #tpu.memory_space<vmem>>
    %dma_wait3A_705 = arith.constant 0 : i32
    %dma_wait3A_706 = tpu.memref_slice %arg4[%add3A_626, %dma_wait3A_705] : memref<100000x128xf32, #tpu.memory_space<hbm>> -> memref<128x128xf32, #tpu.memory_space<hbm>>
    tpu.wait_dma2 semaphore(%arg13 : memref<!tpu.dma_semaphore, #tpu.memory_space<semaphore_mem>>) src(%dma_wait3A_706 : memref<128x128xf32, #tpu.memory_space<hbm>>) dst(%dma_wait3A_704 : memref<128x128xf32, #tpu.memory_space<vmem>>)
    %dma_start3A_707 = arith.constant 0 : i32
    %dma_start3A_708 = arith.constant 0 : i32
    %dma_start3A_709 = arith.constant 12 : i32
    %dma_start3A_710 = arith.constant 0 : i32
    %dma_start3A_711 = arith.constant 0 : i32
    %dma_start3A_712 = tpu.memref_slice %arg9[%dma_start3A_707, %dma_start3A_710, %dma_start3A_711] : memref<2x128x128xf32, #tpu.memory_space<vmem>> -> memref<1x128x128xf32, #tpu.memory_space<vmem>>
    %dma_start3A_713 = tpu.memref_squeeze %dma_start3A_712 : memref<1x128x128xf32, #tpu.memory_space<vmem>> -> memref<128x128xf32, #tpu.memory_space<vmem>>
    %dma_start3A_714 = arith.constant 0 : i32
    %dma_start3A_715 = tpu.memref_slice %arg10[%dma_start3A_708, %dma_start3A_709, %dma_start3A_714] : memref<3x14x128xi32, #tpu.memory_space<vmem>> -> memref<1x1x128xi32, #tpu.memory_space<vmem>>
    %dma_start3A_716 = tpu.memref_squeeze %dma_start3A_715 : memref<1x1x128xi32, #tpu.memory_space<vmem>> -> memref<128xi32, #tpu.memory_space<vmem>>
    %dma_start3A_717 = arith.constant 0 : i32
    %dma_start3A_718 = arith.constant 0 : i32
    %dma_start3A_719 = tpu.memref_slice %arg8[%dma_start3A_717, %dma_start3A_718] : memref<392x128xf32, #tpu.memory_space<vmem_shared>> -> memref<392x128xf32, #tpu.memory_space<vmem_shared>>
    tpu.enqueue_indirect_dma source(%dma_start3A_713 : memref<128x128xf32, #tpu.memory_space<vmem>>) target(%dma_start3A_719 : memref<392x128xf32, #tpu.memory_space<vmem_shared>>) offsets(%dma_start3A_716 : memref<128xi32, #tpu.memory_space<vmem>>) semaphore(%arg15 : memref<!tpu.dma_semaphore, #tpu.memory_space<semaphore_mem>>) {add = true}
    %dma_wait3A_720 = arith.constant 0 : i32
    %dma_wait3A_721 = arith.constant 0 : i32
    %dma_wait3A_722 = arith.constant 12 : i32
    %dma_wait3A_723 = arith.constant 0 : i32
    %dma_wait3A_724 = arith.constant 0 : i32
    %dma_wait3A_725 = tpu.memref_slice %arg9[%dma_wait3A_720, %dma_wait3A_723, %dma_wait3A_724] : memref<2x128x128xf32, #tpu.memory_space<vmem>> -> memref<1x128x128xf32, #tpu.memory_space<vmem>>
    %dma_wait3A_726 = tpu.memref_squeeze %dma_wait3A_725 : memref<1x128x128xf32, #tpu.memory_space<vmem>> -> memref<128x128xf32, #tpu.memory_space<vmem>>
    %dma_wait3A_727 = arith.constant 0 : i32
    %dma_wait3A_728 = tpu.memref_slice %arg10[%dma_wait3A_721, %dma_wait3A_722, %dma_wait3A_727] : memref<3x14x128xi32, #tpu.memory_space<vmem>> -> memref<1x1x128xi32, #tpu.memory_space<vmem>>
    %dma_wait3A_729 = tpu.memref_squeeze %dma_wait3A_728 : memref<1x1x128xi32, #tpu.memory_space<vmem>> -> memref<128xi32, #tpu.memory_space<vmem>>
    %dma_wait3A_730 = arith.constant 0 : i32
    %dma_wait3A_731 = arith.constant 0 : i32
    %dma_wait3A_732 = tpu.memref_slice %arg8[%dma_wait3A_730, %dma_wait3A_731] : memref<392x128xf32, #tpu.memory_space<vmem_shared>> -> memref<392x128xf32, #tpu.memory_space<vmem_shared>>
    tpu.wait_indirect_dma semaphore(%arg15 : memref<!tpu.dma_semaphore, #tpu.memory_space<semaphore_mem>>) src(%dma_wait3A_726 : memref<128x128xf32, #tpu.memory_space<vmem>>) dst(%dma_wait3A_732 : memref<392x128xf32, #tpu.memory_space<vmem_shared>>)
    %add3A_733 = arith.constant 1792 : i32
    %add3A_734 = arith.addi %add3A_9, %add3A_733 : i32
    %dma_start3A_735 = arith.constant 0 : i32
    %dma_start3A_736 = arith.constant 0 : i32
    %dma_start3A_737 = arith.constant 0 : i32
    %dma_start3A_738 = tpu.memref_slice %arg9[%dma_start3A_735, %dma_start3A_736, %dma_start3A_737] : memref<2x128x128xf32, #tpu.memory_space<vmem>> -> memref<1x56x128xf32, #tpu.memory_space<vmem>>
    %dma_start3A_739 = tpu.memref_squeeze %dma_start3A_738 : memref<1x56x128xf32, #tpu.memory_space<vmem>> -> memref<56x128xf32, #tpu.memory_space<vmem>>
    %dma_start3A_740 = arith.constant 0 : i32
    %dma_start3A_741 = tpu.memref_slice %arg4[%add3A_734, %dma_start3A_740] : memref<100000x128xf32, #tpu.memory_space<hbm>> -> memref<56x128xf32, #tpu.memory_space<hbm>>
    %dma_start3A_742 = arith.constant 0 : i32
    %dma_start3A_743 = arith.constant 0 : i32
    %dma_start3A_744 = tpu.memref_slice %arg9[%dma_start3A_735, %dma_start3A_742, %dma_start3A_743] : memref<2x128x128xf32, #tpu.memory_space<vmem>> -> memref<1x56x128xf32, #tpu.memory_space<vmem>>
    %dma_start3A_745 = tpu.memref_squeeze %dma_start3A_744 : memref<1x56x128xf32, #tpu.memory_space<vmem>> -> memref<56x128xf32, #tpu.memory_space<vmem>>
    %dma_start3A_746 = arith.constant 0 : i32
    %dma_start3A_747 = tpu.memref_slice %arg4[%add3A_734, %dma_start3A_746] : memref<100000x128xf32, #tpu.memory_space<hbm>> -> memref<56x128xf32, #tpu.memory_space<hbm>>
    tpu.enqueue_dma source(%dma_start3A_747 : memref<56x128xf32, #tpu.memory_space<hbm>>) target(%dma_start3A_745 : memref<56x128xf32, #tpu.memory_space<vmem>>) target_semaphore(%arg13 : memref<!tpu.dma_semaphore, #tpu.memory_space<semaphore_mem>>)
    %dma_wait3A_748 = arith.constant 1 : i32
    %dma_wait3A_749 = arith.constant 0 : i32
    %dma_wait3A_750 = arith.constant 0 : i32
    %dma_wait3A_751 = tpu.memref_slice %arg9[%dma_wait3A_748, %dma_wait3A_749, %dma_wait3A_750] : memref<2x128x128xf32, #tpu.memory_space<vmem>> -> memref<1x128x128xf32, #tpu.memory_space<vmem>>
    %dma_wait3A_752 = tpu.memref_squeeze %dma_wait3A_751 : memref<1x128x128xf32, #tpu.memory_space<vmem>> -> memref<128x128xf32, #tpu.memory_space<vmem>>
    %dma_wait3A_753 = arith.constant 0 : i32
    %dma_wait3A_754 = tpu.memref_slice %arg4[%add3A_680, %dma_wait3A_753] : memref<100000x128xf32, #tpu.memory_space<hbm>> -> memref<128x128xf32, #tpu.memory_space<hbm>>
    %dma_wait3A_755 = arith.constant 0 : i32
    %dma_wait3A_756 = arith.constant 0 : i32
    %dma_wait3A_757 = tpu.memref_slice %arg9[%dma_wait3A_748, %dma_wait3A_755, %dma_wait3A_756] : memref<2x128x128xf32, #tpu.memory_space<vmem>> -> memref<1x128x128xf32, #tpu.memory_space<vmem>>
    %dma_wait3A_758 = tpu.memref_squeeze %dma_wait3A_757 : memref<1x128x128xf32, #tpu.memory_space<vmem>> -> memref<128x128xf32, #tpu.memory_space<vmem>>
    %dma_wait3A_759 = arith.constant 0 : i32
    %dma_wait3A_760 = tpu.memref_slice %arg4[%add3A_680, %dma_wait3A_759] : memref<100000x128xf32, #tpu.memory_space<hbm>> -> memref<128x128xf32, #tpu.memory_space<hbm>>
    tpu.wait_dma2 semaphore(%arg14 : memref<!tpu.dma_semaphore, #tpu.memory_space<semaphore_mem>>) src(%dma_wait3A_760 : memref<128x128xf32, #tpu.memory_space<hbm>>) dst(%dma_wait3A_758 : memref<128x128xf32, #tpu.memory_space<vmem>>)
    %dma_start3A_761 = arith.constant 1 : i32
    %dma_start3A_762 = arith.constant 0 : i32
    %dma_start3A_763 = arith.constant 13 : i32
    %dma_start3A_764 = arith.constant 0 : i32
    %dma_start3A_765 = arith.constant 0 : i32
    %dma_start3A_766 = tpu.memref_slice %arg9[%dma_start3A_761, %dma_start3A_764, %dma_start3A_765] : memref<2x128x128xf32, #tpu.memory_space<vmem>> -> memref<1x128x128xf32, #tpu.memory_space<vmem>>
    %dma_start3A_767 = tpu.memref_squeeze %dma_start3A_766 : memref<1x128x128xf32, #tpu.memory_space<vmem>> -> memref<128x128xf32, #tpu.memory_space<vmem>>
    %dma_start3A_768 = arith.constant 0 : i32
    %dma_start3A_769 = tpu.memref_slice %arg10[%dma_start3A_762, %dma_start3A_763, %dma_start3A_768] : memref<3x14x128xi32, #tpu.memory_space<vmem>> -> memref<1x1x128xi32, #tpu.memory_space<vmem>>
    %dma_start3A_770 = tpu.memref_squeeze %dma_start3A_769 : memref<1x1x128xi32, #tpu.memory_space<vmem>> -> memref<128xi32, #tpu.memory_space<vmem>>
    %dma_start3A_771 = arith.constant 0 : i32
    %dma_start3A_772 = arith.constant 0 : i32
    %dma_start3A_773 = tpu.memref_slice %arg8[%dma_start3A_771, %dma_start3A_772] : memref<392x128xf32, #tpu.memory_space<vmem_shared>> -> memref<392x128xf32, #tpu.memory_space<vmem_shared>>
    tpu.enqueue_indirect_dma source(%dma_start3A_767 : memref<128x128xf32, #tpu.memory_space<vmem>>) target(%dma_start3A_773 : memref<392x128xf32, #tpu.memory_space<vmem_shared>>) offsets(%dma_start3A_770 : memref<128xi32, #tpu.memory_space<vmem>>) semaphore(%arg16 : memref<!tpu.dma_semaphore, #tpu.memory_space<semaphore_mem>>) {add = true}
    %dma_wait3A_774 = arith.constant 1 : i32
    %dma_wait3A_775 = arith.constant 0 : i32
    %dma_wait3A_776 = arith.constant 13 : i32
    %dma_wait3A_777 = arith.constant 0 : i32
    %dma_wait3A_778 = arith.constant 0 : i32
    %dma_wait3A_779 = tpu.memref_slice %arg9[%dma_wait3A_774, %dma_wait3A_777, %dma_wait3A_778] : memref<2x128x128xf32, #tpu.memory_space<vmem>> -> memref<1x128x128xf32, #tpu.memory_space<vmem>>
    %dma_wait3A_780 = tpu.memref_squeeze %dma_wait3A_779 : memref<1x128x128xf32, #tpu.memory_space<vmem>> -> memref<128x128xf32, #tpu.memory_space<vmem>>
    %dma_wait3A_781 = arith.constant 0 : i32
    %dma_wait3A_782 = tpu.memref_slice %arg10[%dma_wait3A_775, %dma_wait3A_776, %dma_wait3A_781] : memref<3x14x128xi32, #tpu.memory_space<vmem>> -> memref<1x1x128xi32, #tpu.memory_space<vmem>>
    %dma_wait3A_783 = tpu.memref_squeeze %dma_wait3A_782 : memref<1x1x128xi32, #tpu.memory_space<vmem>> -> memref<128xi32, #tpu.memory_space<vmem>>
    %dma_wait3A_784 = arith.constant 0 : i32
    %dma_wait3A_785 = arith.constant 0 : i32
    %dma_wait3A_786 = tpu.memref_slice %arg8[%dma_wait3A_784, %dma_wait3A_785] : memref<392x128xf32, #tpu.memory_space<vmem_shared>> -> memref<392x128xf32, #tpu.memory_space<vmem_shared>>
    tpu.wait_indirect_dma semaphore(%arg16 : memref<!tpu.dma_semaphore, #tpu.memory_space<semaphore_mem>>) src(%dma_wait3A_780 : memref<128x128xf32, #tpu.memory_space<vmem>>) dst(%dma_wait3A_786 : memref<392x128xf32, #tpu.memory_space<vmem_shared>>)
    %add3A_787 = arith.constant 0 : i32
    %add3A_788 = arith.addi %add3A_9, %add3A_787 : i32
    %dma_start3A_789 = arith.constant 1 : i32
    %dma_start3A_790 = arith.constant 0 : i32
    %dma_start3A_791 = arith.constant 0 : i32
    %dma_start3A_792 = tpu.memref_slice %arg9[%dma_start3A_789, %dma_start3A_790, %dma_start3A_791] : memref<2x128x128xf32, #tpu.memory_space<vmem>> -> memref<1x128x128xf32, #tpu.memory_space<vmem>>
    %dma_start3A_793 = tpu.memref_squeeze %dma_start3A_792 : memref<1x128x128xf32, #tpu.memory_space<vmem>> -> memref<128x128xf32, #tpu.memory_space<vmem>>
    %dma_start3A_794 = arith.constant 0 : i32
    %dma_start3A_795 = tpu.memref_slice %arg5[%add3A_788, %dma_start3A_794] : memref<100000x128xf32, #tpu.memory_space<hbm>> -> memref<128x128xf32, #tpu.memory_space<hbm>>
    %dma_start3A_796 = arith.constant 0 : i32
    %dma_start3A_797 = arith.constant 0 : i32
    %dma_start3A_798 = tpu.memref_slice %arg9[%dma_start3A_789, %dma_start3A_796, %dma_start3A_797] : memref<2x128x128xf32, #tpu.memory_space<vmem>> -> memref<1x128x128xf32, #tpu.memory_space<vmem>>
    %dma_start3A_799 = tpu.memref_squeeze %dma_start3A_798 : memref<1x128x128xf32, #tpu.memory_space<vmem>> -> memref<128x128xf32, #tpu.memory_space<vmem>>
    %dma_start3A_800 = arith.constant 0 : i32
    %dma_start3A_801 = tpu.memref_slice %arg5[%add3A_788, %dma_start3A_800] : memref<100000x128xf32, #tpu.memory_space<hbm>> -> memref<128x128xf32, #tpu.memory_space<hbm>>
    tpu.enqueue_dma source(%dma_start3A_801 : memref<128x128xf32, #tpu.memory_space<hbm>>) target(%dma_start3A_799 : memref<128x128xf32, #tpu.memory_space<vmem>>) target_semaphore(%arg14 : memref<!tpu.dma_semaphore, #tpu.memory_space<semaphore_mem>>)
    %dma_wait3A_802 = arith.constant 0 : i32
    %dma_wait3A_803 = arith.constant 0 : i32
    %dma_wait3A_804 = arith.constant 0 : i32
    %dma_wait3A_805 = tpu.memref_slice %arg9[%dma_wait3A_802, %dma_wait3A_803, %dma_wait3A_804] : memref<2x128x128xf32, #tpu.memory_space<vmem>> -> memref<1x56x128xf32, #tpu.memory_space<vmem>>
    %dma_wait3A_806 = tpu.memref_squeeze %dma_wait3A_805 : memref<1x56x128xf32, #tpu.memory_space<vmem>> -> memref<56x128xf32, #tpu.memory_space<vmem>>
    %dma_wait3A_807 = arith.constant 0 : i32
    %dma_wait3A_808 = tpu.memref_slice %arg4[%add3A_734, %dma_wait3A_807] : memref<100000x128xf32, #tpu.memory_space<hbm>> -> memref<56x128xf32, #tpu.memory_space<hbm>>
    %dma_wait3A_809 = arith.constant 0 : i32
    %dma_wait3A_810 = arith.constant 0 : i32
    %dma_wait3A_811 = tpu.memref_slice %arg9[%dma_wait3A_802, %dma_wait3A_809, %dma_wait3A_810] : memref<2x128x128xf32, #tpu.memory_space<vmem>> -> memref<1x56x128xf32, #tpu.memory_space<vmem>>
    %dma_wait3A_812 = tpu.memref_squeeze %dma_wait3A_811 : memref<1x56x128xf32, #tpu.memory_space<vmem>> -> memref<56x128xf32, #tpu.memory_space<vmem>>
    %dma_wait3A_813 = arith.constant 0 : i32
    %dma_wait3A_814 = tpu.memref_slice %arg4[%add3A_734, %dma_wait3A_813] : memref<100000x128xf32, #tpu.memory_space<hbm>> -> memref<56x128xf32, #tpu.memory_space<hbm>>
    tpu.wait_dma2 semaphore(%arg13 : memref<!tpu.dma_semaphore, #tpu.memory_space<semaphore_mem>>) src(%dma_wait3A_814 : memref<56x128xf32, #tpu.memory_space<hbm>>) dst(%dma_wait3A_812 : memref<56x128xf32, #tpu.memory_space<vmem>>)
    %dma_start3A_815 = arith.constant 0 : i32
    %dma_start3A_816 = arith.constant 0 : i32
    %dma_start3A_817 = arith.constant 0 : i32
    %dma_start3A_818 = arith.constant 0 : i32
    %dma_start3A_819 = tpu.memref_slice %arg9[%dma_start3A_815, %dma_start3A_817, %dma_start3A_818] : memref<2x128x128xf32, #tpu.memory_space<vmem>> -> memref<1x56x128xf32, #tpu.memory_space<vmem>>
    %dma_start3A_820 = tpu.memref_squeeze %dma_start3A_819 : memref<1x56x128xf32, #tpu.memory_space<vmem>> -> memref<56x128xf32, #tpu.memory_space<vmem>>
    %dma_start3A_821 = arith.constant 0 : i32
    %dma_start3A_822 = tpu.memref_slice %arg11[%dma_start3A_816, %dma_start3A_821] : memref<8x56xi32, #tpu.memory_space<vmem>> -> memref<1x56xi32, #tpu.memory_space<vmem>>
    %dma_start3A_823 = tpu.memref_squeeze %dma_start3A_822 : memref<1x56xi32, #tpu.memory_space<vmem>> -> memref<56xi32, #tpu.memory_space<vmem>>
    %dma_start3A_824 = arith.constant 0 : i32
    %dma_start3A_825 = arith.constant 0 : i32
    %dma_start3A_826 = tpu.memref_slice %arg8[%dma_start3A_824, %dma_start3A_825] : memref<392x128xf32, #tpu.memory_space<vmem_shared>> -> memref<392x128xf32, #tpu.memory_space<vmem_shared>>
    tpu.enqueue_indirect_dma source(%dma_start3A_820 : memref<56x128xf32, #tpu.memory_space<vmem>>) target(%dma_start3A_826 : memref<392x128xf32, #tpu.memory_space<vmem_shared>>) offsets(%dma_start3A_823 : memref<56xi32, #tpu.memory_space<vmem>>) semaphore(%arg15 : memref<!tpu.dma_semaphore, #tpu.memory_space<semaphore_mem>>) {add = true}
    %dma_wait3A_827 = arith.constant 0 : i32
    %dma_wait3A_828 = arith.constant 0 : i32
    %dma_wait3A_829 = arith.constant 0 : i32
    %dma_wait3A_830 = arith.constant 0 : i32
    %dma_wait3A_831 = tpu.memref_slice %arg9[%dma_wait3A_827, %dma_wait3A_829, %dma_wait3A_830] : memref<2x128x128xf32, #tpu.memory_space<vmem>> -> memref<1x56x128xf32, #tpu.memory_space<vmem>>
    %dma_wait3A_832 = tpu.memref_squeeze %dma_wait3A_831 : memref<1x56x128xf32, #tpu.memory_space<vmem>> -> memref<56x128xf32, #tpu.memory_space<vmem>>
    %dma_wait3A_833 = arith.constant 0 : i32
    %dma_wait3A_834 = tpu.memref_slice %arg11[%dma_wait3A_828, %dma_wait3A_833] : memref<8x56xi32, #tpu.memory_space<vmem>> -> memref<1x56xi32, #tpu.memory_space<vmem>>
    %dma_wait3A_835 = tpu.memref_squeeze %dma_wait3A_834 : memref<1x56xi32, #tpu.memory_space<vmem>> -> memref<56xi32, #tpu.memory_space<vmem>>
    %dma_wait3A_836 = arith.constant 0 : i32
    %dma_wait3A_837 = arith.constant 0 : i32
    %dma_wait3A_838 = tpu.memref_slice %arg8[%dma_wait3A_836, %dma_wait3A_837] : memref<392x128xf32, #tpu.memory_space<vmem_shared>> -> memref<392x128xf32, #tpu.memory_space<vmem_shared>>
    tpu.wait_indirect_dma semaphore(%arg15 : memref<!tpu.dma_semaphore, #tpu.memory_space<semaphore_mem>>) src(%dma_wait3A_832 : memref<56x128xf32, #tpu.memory_space<vmem>>) dst(%dma_wait3A_838 : memref<392x128xf32, #tpu.memory_space<vmem_shared>>)
    %add3A_839 = arith.constant 128 : i32
    %add3A_840 = arith.addi %add3A_9, %add3A_839 : i32
    %dma_start3A_841 = arith.constant 0 : i32
    %dma_start3A_842 = arith.constant 0 : i32
    %dma_start3A_843 = arith.constant 0 : i32
    %dma_start3A_844 = tpu.memref_slice %arg9[%dma_start3A_841, %dma_start3A_842, %dma_start3A_843] : memref<2x128x128xf32, #tpu.memory_space<vmem>> -> memref<1x128x128xf32, #tpu.memory_space<vmem>>
    %dma_start3A_845 = tpu.memref_squeeze %dma_start3A_844 : memref<1x128x128xf32, #tpu.memory_space<vmem>> -> memref<128x128xf32, #tpu.memory_space<vmem>>
    %dma_start3A_846 = arith.constant 0 : i32
    %dma_start3A_847 = tpu.memref_slice %arg5[%add3A_840, %dma_start3A_846] : memref<100000x128xf32, #tpu.memory_space<hbm>> -> memref<128x128xf32, #tpu.memory_space<hbm>>
    %dma_start3A_848 = arith.constant 0 : i32
    %dma_start3A_849 = arith.constant 0 : i32
    %dma_start3A_850 = tpu.memref_slice %arg9[%dma_start3A_841, %dma_start3A_848, %dma_start3A_849] : memref<2x128x128xf32, #tpu.memory_space<vmem>> -> memref<1x128x128xf32, #tpu.memory_space<vmem>>
    %dma_start3A_851 = tpu.memref_squeeze %dma_start3A_850 : memref<1x128x128xf32, #tpu.memory_space<vmem>> -> memref<128x128xf32, #tpu.memory_space<vmem>>
    %dma_start3A_852 = arith.constant 0 : i32
    %dma_start3A_853 = tpu.memref_slice %arg5[%add3A_840, %dma_start3A_852] : memref<100000x128xf32, #tpu.memory_space<hbm>> -> memref<128x128xf32, #tpu.memory_space<hbm>>
    tpu.enqueue_dma source(%dma_start3A_853 : memref<128x128xf32, #tpu.memory_space<hbm>>) target(%dma_start3A_851 : memref<128x128xf32, #tpu.memory_space<vmem>>) target_semaphore(%arg13 : memref<!tpu.dma_semaphore, #tpu.memory_space<semaphore_mem>>)
    %dma_wait3A_854 = arith.constant 1 : i32
    %dma_wait3A_855 = arith.constant 0 : i32
    %dma_wait3A_856 = arith.constant 0 : i32
    %dma_wait3A_857 = tpu.memref_slice %arg9[%dma_wait3A_854, %dma_wait3A_855, %dma_wait3A_856] : memref<2x128x128xf32, #tpu.memory_space<vmem>> -> memref<1x128x128xf32, #tpu.memory_space<vmem>>
    %dma_wait3A_858 = tpu.memref_squeeze %dma_wait3A_857 : memref<1x128x128xf32, #tpu.memory_space<vmem>> -> memref<128x128xf32, #tpu.memory_space<vmem>>
    %dma_wait3A_859 = arith.constant 0 : i32
    %dma_wait3A_860 = tpu.memref_slice %arg5[%add3A_788, %dma_wait3A_859] : memref<100000x128xf32, #tpu.memory_space<hbm>> -> memref<128x128xf32, #tpu.memory_space<hbm>>
    %dma_wait3A_861 = arith.constant 0 : i32
    %dma_wait3A_862 = arith.constant 0 : i32
    %dma_wait3A_863 = tpu.memref_slice %arg9[%dma_wait3A_854, %dma_wait3A_861, %dma_wait3A_862] : memref<2x128x128xf32, #tpu.memory_space<vmem>> -> memref<1x128x128xf32, #tpu.memory_space<vmem>>
    %dma_wait3A_864 = tpu.memref_squeeze %dma_wait3A_863 : memref<1x128x128xf32, #tpu.memory_space<vmem>> -> memref<128x128xf32, #tpu.memory_space<vmem>>
    %dma_wait3A_865 = arith.constant 0 : i32
    %dma_wait3A_866 = tpu.memref_slice %arg5[%add3A_788, %dma_wait3A_865] : memref<100000x128xf32, #tpu.memory_space<hbm>> -> memref<128x128xf32, #tpu.memory_space<hbm>>
    tpu.wait_dma2 semaphore(%arg14 : memref<!tpu.dma_semaphore, #tpu.memory_space<semaphore_mem>>) src(%dma_wait3A_866 : memref<128x128xf32, #tpu.memory_space<hbm>>) dst(%dma_wait3A_864 : memref<128x128xf32, #tpu.memory_space<vmem>>)
    %dma_start3A_867 = arith.constant 1 : i32
    %dma_start3A_868 = arith.constant 1 : i32
    %dma_start3A_869 = arith.constant 0 : i32
    %dma_start3A_870 = arith.constant 0 : i32
    %dma_start3A_871 = arith.constant 0 : i32
    %dma_start3A_872 = tpu.memref_slice %arg9[%dma_start3A_867, %dma_start3A_870, %dma_start3A_871] : memref<2x128x128xf32, #tpu.memory_space<vmem>> -> memref<1x128x128xf32, #tpu.memory_space<vmem>>
    %dma_start3A_873 = tpu.memref_squeeze %dma_start3A_872 : memref<1x128x128xf32, #tpu.memory_space<vmem>> -> memref<128x128xf32, #tpu.memory_space<vmem>>
    %dma_start3A_874 = arith.constant 0 : i32
    %dma_start3A_875 = tpu.memref_slice %arg10[%dma_start3A_868, %dma_start3A_869, %dma_start3A_874] : memref<3x14x128xi32, #tpu.memory_space<vmem>> -> memref<1x1x128xi32, #tpu.memory_space<vmem>>
    %dma_start3A_876 = tpu.memref_squeeze %dma_start3A_875 : memref<1x1x128xi32, #tpu.memory_space<vmem>> -> memref<128xi32, #tpu.memory_space<vmem>>
    %dma_start3A_877 = arith.constant 0 : i32
    %dma_start3A_878 = arith.constant 0 : i32
    %dma_start3A_879 = tpu.memref_slice %arg8[%dma_start3A_877, %dma_start3A_878] : memref<392x128xf32, #tpu.memory_space<vmem_shared>> -> memref<392x128xf32, #tpu.memory_space<vmem_shared>>
    tpu.enqueue_indirect_dma source(%dma_start3A_873 : memref<128x128xf32, #tpu.memory_space<vmem>>) target(%dma_start3A_879 : memref<392x128xf32, #tpu.memory_space<vmem_shared>>) offsets(%dma_start3A_876 : memref<128xi32, #tpu.memory_space<vmem>>) semaphore(%arg16 : memref<!tpu.dma_semaphore, #tpu.memory_space<semaphore_mem>>) {add = true}
    %dma_wait3A_880 = arith.constant 1 : i32
    %dma_wait3A_881 = arith.constant 1 : i32
    %dma_wait3A_882 = arith.constant 0 : i32
    %dma_wait3A_883 = arith.constant 0 : i32
    %dma_wait3A_884 = arith.constant 0 : i32
    %dma_wait3A_885 = tpu.memref_slice %arg9[%dma_wait3A_880, %dma_wait3A_883, %dma_wait3A_884] : memref<2x128x128xf32, #tpu.memory_space<vmem>> -> memref<1x128x128xf32, #tpu.memory_space<vmem>>
    %dma_wait3A_886 = tpu.memref_squeeze %dma_wait3A_885 : memref<1x128x128xf32, #tpu.memory_space<vmem>> -> memref<128x128xf32, #tpu.memory_space<vmem>>
    %dma_wait3A_887 = arith.constant 0 : i32
    %dma_wait3A_888 = tpu.memref_slice %arg10[%dma_wait3A_881, %dma_wait3A_882, %dma_wait3A_887] : memref<3x14x128xi32, #tpu.memory_space<vmem>> -> memref<1x1x128xi32, #tpu.memory_space<vmem>>
    %dma_wait3A_889 = tpu.memref_squeeze %dma_wait3A_888 : memref<1x1x128xi32, #tpu.memory_space<vmem>> -> memref<128xi32, #tpu.memory_space<vmem>>
    %dma_wait3A_890 = arith.constant 0 : i32
    %dma_wait3A_891 = arith.constant 0 : i32
    %dma_wait3A_892 = tpu.memref_slice %arg8[%dma_wait3A_890, %dma_wait3A_891] : memref<392x128xf32, #tpu.memory_space<vmem_shared>> -> memref<392x128xf32, #tpu.memory_space<vmem_shared>>
    tpu.wait_indirect_dma semaphore(%arg16 : memref<!tpu.dma_semaphore, #tpu.memory_space<semaphore_mem>>) src(%dma_wait3A_886 : memref<128x128xf32, #tpu.memory_space<vmem>>) dst(%dma_wait3A_892 : memref<392x128xf32, #tpu.memory_space<vmem_shared>>)
    %add3A_893 = arith.constant 256 : i32
    %add3A_894 = arith.addi %add3A_9, %add3A_893 : i32
    %dma_start3A_895 = arith.constant 1 : i32
    %dma_start3A_896 = arith.constant 0 : i32
    %dma_start3A_897 = arith.constant 0 : i32
    %dma_start3A_898 = tpu.memref_slice %arg9[%dma_start3A_895, %dma_start3A_896, %dma_start3A_897] : memref<2x128x128xf32, #tpu.memory_space<vmem>> -> memref<1x128x128xf32, #tpu.memory_space<vmem>>
    %dma_start3A_899 = tpu.memref_squeeze %dma_start3A_898 : memref<1x128x128xf32, #tpu.memory_space<vmem>> -> memref<128x128xf32, #tpu.memory_space<vmem>>
    %dma_start3A_900 = arith.constant 0 : i32
    %dma_start3A_901 = tpu.memref_slice %arg5[%add3A_894, %dma_start3A_900] : memref<100000x128xf32, #tpu.memory_space<hbm>> -> memref<128x128xf32, #tpu.memory_space<hbm>>
    %dma_start3A_902 = arith.constant 0 : i32
    %dma_start3A_903 = arith.constant 0 : i32
    %dma_start3A_904 = tpu.memref_slice %arg9[%dma_start3A_895, %dma_start3A_902, %dma_start3A_903] : memref<2x128x128xf32, #tpu.memory_space<vmem>> -> memref<1x128x128xf32, #tpu.memory_space<vmem>>
    %dma_start3A_905 = tpu.memref_squeeze %dma_start3A_904 : memref<1x128x128xf32, #tpu.memory_space<vmem>> -> memref<128x128xf32, #tpu.memory_space<vmem>>
    %dma_start3A_906 = arith.constant 0 : i32
    %dma_start3A_907 = tpu.memref_slice %arg5[%add3A_894, %dma_start3A_906] : memref<100000x128xf32, #tpu.memory_space<hbm>> -> memref<128x128xf32, #tpu.memory_space<hbm>>
    tpu.enqueue_dma source(%dma_start3A_907 : memref<128x128xf32, #tpu.memory_space<hbm>>) target(%dma_start3A_905 : memref<128x128xf32, #tpu.memory_space<vmem>>) target_semaphore(%arg14 : memref<!tpu.dma_semaphore, #tpu.memory_space<semaphore_mem>>)
    %dma_wait3A_908 = arith.constant 0 : i32
    %dma_wait3A_909 = arith.constant 0 : i32
    %dma_wait3A_910 = arith.constant 0 : i32
    %dma_wait3A_911 = tpu.memref_slice %arg9[%dma_wait3A_908, %dma_wait3A_909, %dma_wait3A_910] : memref<2x128x128xf32, #tpu.memory_space<vmem>> -> memref<1x128x128xf32, #tpu.memory_space<vmem>>
    %dma_wait3A_912 = tpu.memref_squeeze %dma_wait3A_911 : memref<1x128x128xf32, #tpu.memory_space<vmem>> -> memref<128x128xf32, #tpu.memory_space<vmem>>
    %dma_wait3A_913 = arith.constant 0 : i32
    %dma_wait3A_914 = tpu.memref_slice %arg5[%add3A_840, %dma_wait3A_913] : memref<100000x128xf32, #tpu.memory_space<hbm>> -> memref<128x128xf32, #tpu.memory_space<hbm>>
    %dma_wait3A_915 = arith.constant 0 : i32
    %dma_wait3A_916 = arith.constant 0 : i32
    %dma_wait3A_917 = tpu.memref_slice %arg9[%dma_wait3A_908, %dma_wait3A_915, %dma_wait3A_916] : memref<2x128x128xf32, #tpu.memory_space<vmem>> -> memref<1x128x128xf32, #tpu.memory_space<vmem>>
    %dma_wait3A_918 = tpu.memref_squeeze %dma_wait3A_917 : memref<1x128x128xf32, #tpu.memory_space<vmem>> -> memref<128x128xf32, #tpu.memory_space<vmem>>
    %dma_wait3A_919 = arith.constant 0 : i32
    %dma_wait3A_920 = tpu.memref_slice %arg5[%add3A_840, %dma_wait3A_919] : memref<100000x128xf32, #tpu.memory_space<hbm>> -> memref<128x128xf32, #tpu.memory_space<hbm>>
    tpu.wait_dma2 semaphore(%arg13 : memref<!tpu.dma_semaphore, #tpu.memory_space<semaphore_mem>>) src(%dma_wait3A_920 : memref<128x128xf32, #tpu.memory_space<hbm>>) dst(%dma_wait3A_918 : memref<128x128xf32, #tpu.memory_space<vmem>>)
    %dma_start3A_921 = arith.constant 0 : i32
    %dma_start3A_922 = arith.constant 1 : i32
    %dma_start3A_923 = arith.constant 1 : i32
    %dma_start3A_924 = arith.constant 0 : i32
    %dma_start3A_925 = arith.constant 0 : i32
    %dma_start3A_926 = tpu.memref_slice %arg9[%dma_start3A_921, %dma_start3A_924, %dma_start3A_925] : memref<2x128x128xf32, #tpu.memory_space<vmem>> -> memref<1x128x128xf32, #tpu.memory_space<vmem>>
    %dma_start3A_927 = tpu.memref_squeeze %dma_start3A_926 : memref<1x128x128xf32, #tpu.memory_space<vmem>> -> memref<128x128xf32, #tpu.memory_space<vmem>>
    %dma_start3A_928 = arith.constant 0 : i32
    %dma_start3A_929 = tpu.memref_slice %arg10[%dma_start3A_922, %dma_start3A_923, %dma_start3A_928] : memref<3x14x128xi32, #tpu.memory_space<vmem>> -> memref<1x1x128xi32, #tpu.memory_space<vmem>>
    %dma_start3A_930 = tpu.memref_squeeze %dma_start3A_929 : memref<1x1x128xi32, #tpu.memory_space<vmem>> -> memref<128xi32, #tpu.memory_space<vmem>>
    %dma_start3A_931 = arith.constant 0 : i32
    %dma_start3A_932 = arith.constant 0 : i32
    %dma_start3A_933 = tpu.memref_slice %arg8[%dma_start3A_931, %dma_start3A_932] : memref<392x128xf32, #tpu.memory_space<vmem_shared>> -> memref<392x128xf32, #tpu.memory_space<vmem_shared>>
    tpu.enqueue_indirect_dma source(%dma_start3A_927 : memref<128x128xf32, #tpu.memory_space<vmem>>) target(%dma_start3A_933 : memref<392x128xf32, #tpu.memory_space<vmem_shared>>) offsets(%dma_start3A_930 : memref<128xi32, #tpu.memory_space<vmem>>) semaphore(%arg15 : memref<!tpu.dma_semaphore, #tpu.memory_space<semaphore_mem>>) {add = true}
    %dma_wait3A_934 = arith.constant 0 : i32
    %dma_wait3A_935 = arith.constant 1 : i32
    %dma_wait3A_936 = arith.constant 1 : i32
    %dma_wait3A_937 = arith.constant 0 : i32
    %dma_wait3A_938 = arith.constant 0 : i32
    %dma_wait3A_939 = tpu.memref_slice %arg9[%dma_wait3A_934, %dma_wait3A_937, %dma_wait3A_938] : memref<2x128x128xf32, #tpu.memory_space<vmem>> -> memref<1x128x128xf32, #tpu.memory_space<vmem>>
    %dma_wait3A_940 = tpu.memref_squeeze %dma_wait3A_939 : memref<1x128x128xf32, #tpu.memory_space<vmem>> -> memref<128x128xf32, #tpu.memory_space<vmem>>
    %dma_wait3A_941 = arith.constant 0 : i32
    %dma_wait3A_942 = tpu.memref_slice %arg10[%dma_wait3A_935, %dma_wait3A_936, %dma_wait3A_941] : memref<3x14x128xi32, #tpu.memory_space<vmem>> -> memref<1x1x128xi32, #tpu.memory_space<vmem>>
    %dma_wait3A_943 = tpu.memref_squeeze %dma_wait3A_942 : memref<1x1x128xi32, #tpu.memory_space<vmem>> -> memref<128xi32, #tpu.memory_space<vmem>>
    %dma_wait3A_944 = arith.constant 0 : i32
    %dma_wait3A_945 = arith.constant 0 : i32
    %dma_wait3A_946 = tpu.memref_slice %arg8[%dma_wait3A_944, %dma_wait3A_945] : memref<392x128xf32, #tpu.memory_space<vmem_shared>> -> memref<392x128xf32, #tpu.memory_space<vmem_shared>>
    tpu.wait_indirect_dma semaphore(%arg15 : memref<!tpu.dma_semaphore, #tpu.memory_space<semaphore_mem>>) src(%dma_wait3A_940 : memref<128x128xf32, #tpu.memory_space<vmem>>) dst(%dma_wait3A_946 : memref<392x128xf32, #tpu.memory_space<vmem_shared>>)
    %add3A_947 = arith.constant 384 : i32
    %add3A_948 = arith.addi %add3A_9, %add3A_947 : i32
    %dma_start3A_949 = arith.constant 0 : i32
    %dma_start3A_950 = arith.constant 0 : i32
    %dma_start3A_951 = arith.constant 0 : i32
    %dma_start3A_952 = tpu.memref_slice %arg9[%dma_start3A_949, %dma_start3A_950, %dma_start3A_951] : memref<2x128x128xf32, #tpu.memory_space<vmem>> -> memref<1x128x128xf32, #tpu.memory_space<vmem>>
    %dma_start3A_953 = tpu.memref_squeeze %dma_start3A_952 : memref<1x128x128xf32, #tpu.memory_space<vmem>> -> memref<128x128xf32, #tpu.memory_space<vmem>>
    %dma_start3A_954 = arith.constant 0 : i32
    %dma_start3A_955 = tpu.memref_slice %arg5[%add3A_948, %dma_start3A_954] : memref<100000x128xf32, #tpu.memory_space<hbm>> -> memref<128x128xf32, #tpu.memory_space<hbm>>
    %dma_start3A_956 = arith.constant 0 : i32
    %dma_start3A_957 = arith.constant 0 : i32
    %dma_start3A_958 = tpu.memref_slice %arg9[%dma_start3A_949, %dma_start3A_956, %dma_start3A_957] : memref<2x128x128xf32, #tpu.memory_space<vmem>> -> memref<1x128x128xf32, #tpu.memory_space<vmem>>
    %dma_start3A_959 = tpu.memref_squeeze %dma_start3A_958 : memref<1x128x128xf32, #tpu.memory_space<vmem>> -> memref<128x128xf32, #tpu.memory_space<vmem>>
    %dma_start3A_960 = arith.constant 0 : i32
    %dma_start3A_961 = tpu.memref_slice %arg5[%add3A_948, %dma_start3A_960] : memref<100000x128xf32, #tpu.memory_space<hbm>> -> memref<128x128xf32, #tpu.memory_space<hbm>>
    tpu.enqueue_dma source(%dma_start3A_961 : memref<128x128xf32, #tpu.memory_space<hbm>>) target(%dma_start3A_959 : memref<128x128xf32, #tpu.memory_space<vmem>>) target_semaphore(%arg13 : memref<!tpu.dma_semaphore, #tpu.memory_space<semaphore_mem>>)
    %dma_wait3A_962 = arith.constant 1 : i32
    %dma_wait3A_963 = arith.constant 0 : i32
    %dma_wait3A_964 = arith.constant 0 : i32
    %dma_wait3A_965 = tpu.memref_slice %arg9[%dma_wait3A_962, %dma_wait3A_963, %dma_wait3A_964] : memref<2x128x128xf32, #tpu.memory_space<vmem>> -> memref<1x128x128xf32, #tpu.memory_space<vmem>>
    %dma_wait3A_966 = tpu.memref_squeeze %dma_wait3A_965 : memref<1x128x128xf32, #tpu.memory_space<vmem>> -> memref<128x128xf32, #tpu.memory_space<vmem>>
    %dma_wait3A_967 = arith.constant 0 : i32
    %dma_wait3A_968 = tpu.memref_slice %arg5[%add3A_894, %dma_wait3A_967] : memref<100000x128xf32, #tpu.memory_space<hbm>> -> memref<128x128xf32, #tpu.memory_space<hbm>>
    %dma_wait3A_969 = arith.constant 0 : i32
    %dma_wait3A_970 = arith.constant 0 : i32
    %dma_wait3A_971 = tpu.memref_slice %arg9[%dma_wait3A_962, %dma_wait3A_969, %dma_wait3A_970] : memref<2x128x128xf32, #tpu.memory_space<vmem>> -> memref<1x128x128xf32, #tpu.memory_space<vmem>>
    %dma_wait3A_972 = tpu.memref_squeeze %dma_wait3A_971 : memref<1x128x128xf32, #tpu.memory_space<vmem>> -> memref<128x128xf32, #tpu.memory_space<vmem>>
    %dma_wait3A_973 = arith.constant 0 : i32
    %dma_wait3A_974 = tpu.memref_slice %arg5[%add3A_894, %dma_wait3A_973] : memref<100000x128xf32, #tpu.memory_space<hbm>> -> memref<128x128xf32, #tpu.memory_space<hbm>>
    tpu.wait_dma2 semaphore(%arg14 : memref<!tpu.dma_semaphore, #tpu.memory_space<semaphore_mem>>) src(%dma_wait3A_974 : memref<128x128xf32, #tpu.memory_space<hbm>>) dst(%dma_wait3A_972 : memref<128x128xf32, #tpu.memory_space<vmem>>)
    %dma_start3A_975 = arith.constant 1 : i32
    %dma_start3A_976 = arith.constant 1 : i32
    %dma_start3A_977 = arith.constant 2 : i32
    %dma_start3A_978 = arith.constant 0 : i32
    %dma_start3A_979 = arith.constant 0 : i32
    %dma_start3A_980 = tpu.memref_slice %arg9[%dma_start3A_975, %dma_start3A_978, %dma_start3A_979] : memref<2x128x128xf32, #tpu.memory_space<vmem>> -> memref<1x128x128xf32, #tpu.memory_space<vmem>>
    %dma_start3A_981 = tpu.memref_squeeze %dma_start3A_980 : memref<1x128x128xf32, #tpu.memory_space<vmem>> -> memref<128x128xf32, #tpu.memory_space<vmem>>
    %dma_start3A_982 = arith.constant 0 : i32
    %dma_start3A_983 = tpu.memref_slice %arg10[%dma_start3A_976, %dma_start3A_977, %dma_start3A_982] : memref<3x14x128xi32, #tpu.memory_space<vmem>> -> memref<1x1x128xi32, #tpu.memory_space<vmem>>
    %dma_start3A_984 = tpu.memref_squeeze %dma_start3A_983 : memref<1x1x128xi32, #tpu.memory_space<vmem>> -> memref<128xi32, #tpu.memory_space<vmem>>
    %dma_start3A_985 = arith.constant 0 : i32
    %dma_start3A_986 = arith.constant 0 : i32
    %dma_start3A_987 = tpu.memref_slice %arg8[%dma_start3A_985, %dma_start3A_986] : memref<392x128xf32, #tpu.memory_space<vmem_shared>> -> memref<392x128xf32, #tpu.memory_space<vmem_shared>>
    tpu.enqueue_indirect_dma source(%dma_start3A_981 : memref<128x128xf32, #tpu.memory_space<vmem>>) target(%dma_start3A_987 : memref<392x128xf32, #tpu.memory_space<vmem_shared>>) offsets(%dma_start3A_984 : memref<128xi32, #tpu.memory_space<vmem>>) semaphore(%arg16 : memref<!tpu.dma_semaphore, #tpu.memory_space<semaphore_mem>>) {add = true}
    %dma_wait3A_988 = arith.constant 1 : i32
    %dma_wait3A_989 = arith.constant 1 : i32
    %dma_wait3A_990 = arith.constant 2 : i32
    %dma_wait3A_991 = arith.constant 0 : i32
    %dma_wait3A_992 = arith.constant 0 : i32
    %dma_wait3A_993 = tpu.memref_slice %arg9[%dma_wait3A_988, %dma_wait3A_991, %dma_wait3A_992] : memref<2x128x128xf32, #tpu.memory_space<vmem>> -> memref<1x128x128xf32, #tpu.memory_space<vmem>>
    %dma_wait3A_994 = tpu.memref_squeeze %dma_wait3A_993 : memref<1x128x128xf32, #tpu.memory_space<vmem>> -> memref<128x128xf32, #tpu.memory_space<vmem>>
    %dma_wait3A_995 = arith.constant 0 : i32
    %dma_wait3A_996 = tpu.memref_slice %arg10[%dma_wait3A_989, %dma_wait3A_990, %dma_wait3A_995] : memref<3x14x128xi32, #tpu.memory_space<vmem>> -> memref<1x1x128xi32, #tpu.memory_space<vmem>>
    %dma_wait3A_997 = tpu.memref_squeeze %dma_wait3A_996 : memref<1x1x128xi32, #tpu.memory_space<vmem>> -> memref<128xi32, #tpu.memory_space<vmem>>
    %dma_wait3A_998 = arith.constant 0 : i32
    %dma_wait3A_999 = arith.constant 0 : i32
    %dma_wait3A_1000 = tpu.memref_slice %arg8[%dma_wait3A_998, %dma_wait3A_999] : memref<392x128xf32, #tpu.memory_space<vmem_shared>> -> memref<392x128xf32, #tpu.memory_space<vmem_shared>>
    tpu.wait_indirect_dma semaphore(%arg16 : memref<!tpu.dma_semaphore, #tpu.memory_space<semaphore_mem>>) src(%dma_wait3A_994 : memref<128x128xf32, #tpu.memory_space<vmem>>) dst(%dma_wait3A_1000 : memref<392x128xf32, #tpu.memory_space<vmem_shared>>)
    %add3A_1001 = arith.constant 512 : i32
    %add3A_1002 = arith.addi %add3A_9, %add3A_1001 : i32
    %dma_start3A_1003 = arith.constant 1 : i32
    %dma_start3A_1004 = arith.constant 0 : i32
    %dma_start3A_1005 = arith.constant 0 : i32
    %dma_start3A_1006 = tpu.memref_slice %arg9[%dma_start3A_1003, %dma_start3A_1004, %dma_start3A_1005] : memref<2x128x128xf32, #tpu.memory_space<vmem>> -> memref<1x128x128xf32, #tpu.memory_space<vmem>>
    %dma_start3A_1007 = tpu.memref_squeeze %dma_start3A_1006 : memref<1x128x128xf32, #tpu.memory_space<vmem>> -> memref<128x128xf32, #tpu.memory_space<vmem>>
    %dma_start3A_1008 = arith.constant 0 : i32
    %dma_start3A_1009 = tpu.memref_slice %arg5[%add3A_1002, %dma_start3A_1008] : memref<100000x128xf32, #tpu.memory_space<hbm>> -> memref<128x128xf32, #tpu.memory_space<hbm>>
    %dma_start3A_1010 = arith.constant 0 : i32
    %dma_start3A_1011 = arith.constant 0 : i32
    %dma_start3A_1012 = tpu.memref_slice %arg9[%dma_start3A_1003, %dma_start3A_1010, %dma_start3A_1011] : memref<2x128x128xf32, #tpu.memory_space<vmem>> -> memref<1x128x128xf32, #tpu.memory_space<vmem>>
    %dma_start3A_1013 = tpu.memref_squeeze %dma_start3A_1012 : memref<1x128x128xf32, #tpu.memory_space<vmem>> -> memref<128x128xf32, #tpu.memory_space<vmem>>
    %dma_start3A_1014 = arith.constant 0 : i32
    %dma_start3A_1015 = tpu.memref_slice %arg5[%add3A_1002, %dma_start3A_1014] : memref<100000x128xf32, #tpu.memory_space<hbm>> -> memref<128x128xf32, #tpu.memory_space<hbm>>
    tpu.enqueue_dma source(%dma_start3A_1015 : memref<128x128xf32, #tpu.memory_space<hbm>>) target(%dma_start3A_1013 : memref<128x128xf32, #tpu.memory_space<vmem>>) target_semaphore(%arg14 : memref<!tpu.dma_semaphore, #tpu.memory_space<semaphore_mem>>)
    %dma_wait3A_1016 = arith.constant 0 : i32
    %dma_wait3A_1017 = arith.constant 0 : i32
    %dma_wait3A_1018 = arith.constant 0 : i32
    %dma_wait3A_1019 = tpu.memref_slice %arg9[%dma_wait3A_1016, %dma_wait3A_1017, %dma_wait3A_1018] : memref<2x128x128xf32, #tpu.memory_space<vmem>> -> memref<1x128x128xf32, #tpu.memory_space<vmem>>
    %dma_wait3A_1020 = tpu.memref_squeeze %dma_wait3A_1019 : memref<1x128x128xf32, #tpu.memory_space<vmem>> -> memref<128x128xf32, #tpu.memory_space<vmem>>
    %dma_wait3A_1021 = arith.constant 0 : i32
    %dma_wait3A_1022 = tpu.memref_slice %arg5[%add3A_948, %dma_wait3A_1021] : memref<100000x128xf32, #tpu.memory_space<hbm>> -> memref<128x128xf32, #tpu.memory_space<hbm>>
    %dma_wait3A_1023 = arith.constant 0 : i32
    %dma_wait3A_1024 = arith.constant 0 : i32
    %dma_wait3A_1025 = tpu.memref_slice %arg9[%dma_wait3A_1016, %dma_wait3A_1023, %dma_wait3A_1024] : memref<2x128x128xf32, #tpu.memory_space<vmem>> -> memref<1x128x128xf32, #tpu.memory_space<vmem>>
    %dma_wait3A_1026 = tpu.memref_squeeze %dma_wait3A_1025 : memref<1x128x128xf32, #tpu.memory_space<vmem>> -> memref<128x128xf32, #tpu.memory_space<vmem>>
    %dma_wait3A_1027 = arith.constant 0 : i32
    %dma_wait3A_1028 = tpu.memref_slice %arg5[%add3A_948, %dma_wait3A_1027] : memref<100000x128xf32, #tpu.memory_space<hbm>> -> memref<128x128xf32, #tpu.memory_space<hbm>>
    tpu.wait_dma2 semaphore(%arg13 : memref<!tpu.dma_semaphore, #tpu.memory_space<semaphore_mem>>) src(%dma_wait3A_1028 : memref<128x128xf32, #tpu.memory_space<hbm>>) dst(%dma_wait3A_1026 : memref<128x128xf32, #tpu.memory_space<vmem>>)
    %dma_start3A_1029 = arith.constant 0 : i32
    %dma_start3A_1030 = arith.constant 1 : i32
    %dma_start3A_1031 = arith.constant 3 : i32
    %dma_start3A_1032 = arith.constant 0 : i32
    %dma_start3A_1033 = arith.constant 0 : i32
    %dma_start3A_1034 = tpu.memref_slice %arg9[%dma_start3A_1029, %dma_start3A_1032, %dma_start3A_1033] : memref<2x128x128xf32, #tpu.memory_space<vmem>> -> memref<1x128x128xf32, #tpu.memory_space<vmem>>
    %dma_start3A_1035 = tpu.memref_squeeze %dma_start3A_1034 : memref<1x128x128xf32, #tpu.memory_space<vmem>> -> memref<128x128xf32, #tpu.memory_space<vmem>>
    %dma_start3A_1036 = arith.constant 0 : i32
    %dma_start3A_1037 = tpu.memref_slice %arg10[%dma_start3A_1030, %dma_start3A_1031, %dma_start3A_1036] : memref<3x14x128xi32, #tpu.memory_space<vmem>> -> memref<1x1x128xi32, #tpu.memory_space<vmem>>
    %dma_start3A_1038 = tpu.memref_squeeze %dma_start3A_1037 : memref<1x1x128xi32, #tpu.memory_space<vmem>> -> memref<128xi32, #tpu.memory_space<vmem>>
    %dma_start3A_1039 = arith.constant 0 : i32
    %dma_start3A_1040 = arith.constant 0 : i32
    %dma_start3A_1041 = tpu.memref_slice %arg8[%dma_start3A_1039, %dma_start3A_1040] : memref<392x128xf32, #tpu.memory_space<vmem_shared>> -> memref<392x128xf32, #tpu.memory_space<vmem_shared>>
    tpu.enqueue_indirect_dma source(%dma_start3A_1035 : memref<128x128xf32, #tpu.memory_space<vmem>>) target(%dma_start3A_1041 : memref<392x128xf32, #tpu.memory_space<vmem_shared>>) offsets(%dma_start3A_1038 : memref<128xi32, #tpu.memory_space<vmem>>) semaphore(%arg15 : memref<!tpu.dma_semaphore, #tpu.memory_space<semaphore_mem>>) {add = true}
    %dma_wait3A_1042 = arith.constant 0 : i32
    %dma_wait3A_1043 = arith.constant 1 : i32
    %dma_wait3A_1044 = arith.constant 3 : i32
    %dma_wait3A_1045 = arith.constant 0 : i32
    %dma_wait3A_1046 = arith.constant 0 : i32
    %dma_wait3A_1047 = tpu.memref_slice %arg9[%dma_wait3A_1042, %dma_wait3A_1045, %dma_wait3A_1046] : memref<2x128x128xf32, #tpu.memory_space<vmem>> -> memref<1x128x128xf32, #tpu.memory_space<vmem>>
    %dma_wait3A_1048 = tpu.memref_squeeze %dma_wait3A_1047 : memref<1x128x128xf32, #tpu.memory_space<vmem>> -> memref<128x128xf32, #tpu.memory_space<vmem>>
    %dma_wait3A_1049 = arith.constant 0 : i32
    %dma_wait3A_1050 = tpu.memref_slice %arg10[%dma_wait3A_1043, %dma_wait3A_1044, %dma_wait3A_1049] : memref<3x14x128xi32, #tpu.memory_space<vmem>> -> memref<1x1x128xi32, #tpu.memory_space<vmem>>
    %dma_wait3A_1051 = tpu.memref_squeeze %dma_wait3A_1050 : memref<1x1x128xi32, #tpu.memory_space<vmem>> -> memref<128xi32, #tpu.memory_space<vmem>>
    %dma_wait3A_1052 = arith.constant 0 : i32
    %dma_wait3A_1053 = arith.constant 0 : i32
    %dma_wait3A_1054 = tpu.memref_slice %arg8[%dma_wait3A_1052, %dma_wait3A_1053] : memref<392x128xf32, #tpu.memory_space<vmem_shared>> -> memref<392x128xf32, #tpu.memory_space<vmem_shared>>
    tpu.wait_indirect_dma semaphore(%arg15 : memref<!tpu.dma_semaphore, #tpu.memory_space<semaphore_mem>>) src(%dma_wait3A_1048 : memref<128x128xf32, #tpu.memory_space<vmem>>) dst(%dma_wait3A_1054 : memref<392x128xf32, #tpu.memory_space<vmem_shared>>)
    %add3A_1055 = arith.constant 640 : i32
    %add3A_1056 = arith.addi %add3A_9, %add3A_1055 : i32
    %dma_start3A_1057 = arith.constant 0 : i32
    %dma_start3A_1058 = arith.constant 0 : i32
    %dma_start3A_1059 = arith.constant 0 : i32
    %dma_start3A_1060 = tpu.memref_slice %arg9[%dma_start3A_1057, %dma_start3A_1058, %dma_start3A_1059] : memref<2x128x128xf32, #tpu.memory_space<vmem>> -> memref<1x128x128xf32, #tpu.memory_space<vmem>>
    %dma_start3A_1061 = tpu.memref_squeeze %dma_start3A_1060 : memref<1x128x128xf32, #tpu.memory_space<vmem>> -> memref<128x128xf32, #tpu.memory_space<vmem>>
    %dma_start3A_1062 = arith.constant 0 : i32
    %dma_start3A_1063 = tpu.memref_slice %arg5[%add3A_1056, %dma_start3A_1062] : memref<100000x128xf32, #tpu.memory_space<hbm>> -> memref<128x128xf32, #tpu.memory_space<hbm>>
    %dma_start3A_1064 = arith.constant 0 : i32
    %dma_start3A_1065 = arith.constant 0 : i32
    %dma_start3A_1066 = tpu.memref_slice %arg9[%dma_start3A_1057, %dma_start3A_1064, %dma_start3A_1065] : memref<2x128x128xf32, #tpu.memory_space<vmem>> -> memref<1x128x128xf32, #tpu.memory_space<vmem>>
    %dma_start3A_1067 = tpu.memref_squeeze %dma_start3A_1066 : memref<1x128x128xf32, #tpu.memory_space<vmem>> -> memref<128x128xf32, #tpu.memory_space<vmem>>
    %dma_start3A_1068 = arith.constant 0 : i32
    %dma_start3A_1069 = tpu.memref_slice %arg5[%add3A_1056, %dma_start3A_1068] : memref<100000x128xf32, #tpu.memory_space<hbm>> -> memref<128x128xf32, #tpu.memory_space<hbm>>
    tpu.enqueue_dma source(%dma_start3A_1069 : memref<128x128xf32, #tpu.memory_space<hbm>>) target(%dma_start3A_1067 : memref<128x128xf32, #tpu.memory_space<vmem>>) target_semaphore(%arg13 : memref<!tpu.dma_semaphore, #tpu.memory_space<semaphore_mem>>)
    %dma_wait3A_1070 = arith.constant 1 : i32
    %dma_wait3A_1071 = arith.constant 0 : i32
    %dma_wait3A_1072 = arith.constant 0 : i32
    %dma_wait3A_1073 = tpu.memref_slice %arg9[%dma_wait3A_1070, %dma_wait3A_1071, %dma_wait3A_1072] : memref<2x128x128xf32, #tpu.memory_space<vmem>> -> memref<1x128x128xf32, #tpu.memory_space<vmem>>
    %dma_wait3A_1074 = tpu.memref_squeeze %dma_wait3A_1073 : memref<1x128x128xf32, #tpu.memory_space<vmem>> -> memref<128x128xf32, #tpu.memory_space<vmem>>
    %dma_wait3A_1075 = arith.constant 0 : i32
    %dma_wait3A_1076 = tpu.memref_slice %arg5[%add3A_1002, %dma_wait3A_1075] : memref<100000x128xf32, #tpu.memory_space<hbm>> -> memref<128x128xf32, #tpu.memory_space<hbm>>
    %dma_wait3A_1077 = arith.constant 0 : i32
    %dma_wait3A_1078 = arith.constant 0 : i32
    %dma_wait3A_1079 = tpu.memref_slice %arg9[%dma_wait3A_1070, %dma_wait3A_1077, %dma_wait3A_1078] : memref<2x128x128xf32, #tpu.memory_space<vmem>> -> memref<1x128x128xf32, #tpu.memory_space<vmem>>
    %dma_wait3A_1080 = tpu.memref_squeeze %dma_wait3A_1079 : memref<1x128x128xf32, #tpu.memory_space<vmem>> -> memref<128x128xf32, #tpu.memory_space<vmem>>
    %dma_wait3A_1081 = arith.constant 0 : i32
    %dma_wait3A_1082 = tpu.memref_slice %arg5[%add3A_1002, %dma_wait3A_1081] : memref<100000x128xf32, #tpu.memory_space<hbm>> -> memref<128x128xf32, #tpu.memory_space<hbm>>
    tpu.wait_dma2 semaphore(%arg14 : memref<!tpu.dma_semaphore, #tpu.memory_space<semaphore_mem>>) src(%dma_wait3A_1082 : memref<128x128xf32, #tpu.memory_space<hbm>>) dst(%dma_wait3A_1080 : memref<128x128xf32, #tpu.memory_space<vmem>>)
    %dma_start3A_1083 = arith.constant 1 : i32
    %dma_start3A_1084 = arith.constant 1 : i32
    %dma_start3A_1085 = arith.constant 4 : i32
    %dma_start3A_1086 = arith.constant 0 : i32
    %dma_start3A_1087 = arith.constant 0 : i32
    %dma_start3A_1088 = tpu.memref_slice %arg9[%dma_start3A_1083, %dma_start3A_1086, %dma_start3A_1087] : memref<2x128x128xf32, #tpu.memory_space<vmem>> -> memref<1x128x128xf32, #tpu.memory_space<vmem>>
    %dma_start3A_1089 = tpu.memref_squeeze %dma_start3A_1088 : memref<1x128x128xf32, #tpu.memory_space<vmem>> -> memref<128x128xf32, #tpu.memory_space<vmem>>
    %dma_start3A_1090 = arith.constant 0 : i32
    %dma_start3A_1091 = tpu.memref_slice %arg10[%dma_start3A_1084, %dma_start3A_1085, %dma_start3A_1090] : memref<3x14x128xi32, #tpu.memory_space<vmem>> -> memref<1x1x128xi32, #tpu.memory_space<vmem>>
    %dma_start3A_1092 = tpu.memref_squeeze %dma_start3A_1091 : memref<1x1x128xi32, #tpu.memory_space<vmem>> -> memref<128xi32, #tpu.memory_space<vmem>>
    %dma_start3A_1093 = arith.constant 0 : i32
    %dma_start3A_1094 = arith.constant 0 : i32
    %dma_start3A_1095 = tpu.memref_slice %arg8[%dma_start3A_1093, %dma_start3A_1094] : memref<392x128xf32, #tpu.memory_space<vmem_shared>> -> memref<392x128xf32, #tpu.memory_space<vmem_shared>>
    tpu.enqueue_indirect_dma source(%dma_start3A_1089 : memref<128x128xf32, #tpu.memory_space<vmem>>) target(%dma_start3A_1095 : memref<392x128xf32, #tpu.memory_space<vmem_shared>>) offsets(%dma_start3A_1092 : memref<128xi32, #tpu.memory_space<vmem>>) semaphore(%arg16 : memref<!tpu.dma_semaphore, #tpu.memory_space<semaphore_mem>>) {add = true}
    %dma_wait3A_1096 = arith.constant 1 : i32
    %dma_wait3A_1097 = arith.constant 1 : i32
    %dma_wait3A_1098 = arith.constant 4 : i32
    %dma_wait3A_1099 = arith.constant 0 : i32
    %dma_wait3A_1100 = arith.constant 0 : i32
    %dma_wait3A_1101 = tpu.memref_slice %arg9[%dma_wait3A_1096, %dma_wait3A_1099, %dma_wait3A_1100] : memref<2x128x128xf32, #tpu.memory_space<vmem>> -> memref<1x128x128xf32, #tpu.memory_space<vmem>>
    %dma_wait3A_1102 = tpu.memref_squeeze %dma_wait3A_1101 : memref<1x128x128xf32, #tpu.memory_space<vmem>> -> memref<128x128xf32, #tpu.memory_space<vmem>>
    %dma_wait3A_1103 = arith.constant 0 : i32
    %dma_wait3A_1104 = tpu.memref_slice %arg10[%dma_wait3A_1097, %dma_wait3A_1098, %dma_wait3A_1103] : memref<3x14x128xi32, #tpu.memory_space<vmem>> -> memref<1x1x128xi32, #tpu.memory_space<vmem>>
    %dma_wait3A_1105 = tpu.memref_squeeze %dma_wait3A_1104 : memref<1x1x128xi32, #tpu.memory_space<vmem>> -> memref<128xi32, #tpu.memory_space<vmem>>
    %dma_wait3A_1106 = arith.constant 0 : i32
    %dma_wait3A_1107 = arith.constant 0 : i32
    %dma_wait3A_1108 = tpu.memref_slice %arg8[%dma_wait3A_1106, %dma_wait3A_1107] : memref<392x128xf32, #tpu.memory_space<vmem_shared>> -> memref<392x128xf32, #tpu.memory_space<vmem_shared>>
    tpu.wait_indirect_dma semaphore(%arg16 : memref<!tpu.dma_semaphore, #tpu.memory_space<semaphore_mem>>) src(%dma_wait3A_1102 : memref<128x128xf32, #tpu.memory_space<vmem>>) dst(%dma_wait3A_1108 : memref<392x128xf32, #tpu.memory_space<vmem_shared>>)
    %add3A_1109 = arith.constant 768 : i32
    %add3A_1110 = arith.addi %add3A_9, %add3A_1109 : i32
    %dma_start3A_1111 = arith.constant 1 : i32
    %dma_start3A_1112 = arith.constant 0 : i32
    %dma_start3A_1113 = arith.constant 0 : i32
    %dma_start3A_1114 = tpu.memref_slice %arg9[%dma_start3A_1111, %dma_start3A_1112, %dma_start3A_1113] : memref<2x128x128xf32, #tpu.memory_space<vmem>> -> memref<1x128x128xf32, #tpu.memory_space<vmem>>
    %dma_start3A_1115 = tpu.memref_squeeze %dma_start3A_1114 : memref<1x128x128xf32, #tpu.memory_space<vmem>> -> memref<128x128xf32, #tpu.memory_space<vmem>>
    %dma_start3A_1116 = arith.constant 0 : i32
    %dma_start3A_1117 = tpu.memref_slice %arg5[%add3A_1110, %dma_start3A_1116] : memref<100000x128xf32, #tpu.memory_space<hbm>> -> memref<128x128xf32, #tpu.memory_space<hbm>>
    %dma_start3A_1118 = arith.constant 0 : i32
    %dma_start3A_1119 = arith.constant 0 : i32
    %dma_start3A_1120 = tpu.memref_slice %arg9[%dma_start3A_1111, %dma_start3A_1118, %dma_start3A_1119] : memref<2x128x128xf32, #tpu.memory_space<vmem>> -> memref<1x128x128xf32, #tpu.memory_space<vmem>>
    %dma_start3A_1121 = tpu.memref_squeeze %dma_start3A_1120 : memref<1x128x128xf32, #tpu.memory_space<vmem>> -> memref<128x128xf32, #tpu.memory_space<vmem>>
    %dma_start3A_1122 = arith.constant 0 : i32
    %dma_start3A_1123 = tpu.memref_slice %arg5[%add3A_1110, %dma_start3A_1122] : memref<100000x128xf32, #tpu.memory_space<hbm>> -> memref<128x128xf32, #tpu.memory_space<hbm>>
    tpu.enqueue_dma source(%dma_start3A_1123 : memref<128x128xf32, #tpu.memory_space<hbm>>) target(%dma_start3A_1121 : memref<128x128xf32, #tpu.memory_space<vmem>>) target_semaphore(%arg14 : memref<!tpu.dma_semaphore, #tpu.memory_space<semaphore_mem>>)
    %dma_wait3A_1124 = arith.constant 0 : i32
    %dma_wait3A_1125 = arith.constant 0 : i32
    %dma_wait3A_1126 = arith.constant 0 : i32
    %dma_wait3A_1127 = tpu.memref_slice %arg9[%dma_wait3A_1124, %dma_wait3A_1125, %dma_wait3A_1126] : memref<2x128x128xf32, #tpu.memory_space<vmem>> -> memref<1x128x128xf32, #tpu.memory_space<vmem>>
    %dma_wait3A_1128 = tpu.memref_squeeze %dma_wait3A_1127 : memref<1x128x128xf32, #tpu.memory_space<vmem>> -> memref<128x128xf32, #tpu.memory_space<vmem>>
    %dma_wait3A_1129 = arith.constant 0 : i32
    %dma_wait3A_1130 = tpu.memref_slice %arg5[%add3A_1056, %dma_wait3A_1129] : memref<100000x128xf32, #tpu.memory_space<hbm>> -> memref<128x128xf32, #tpu.memory_space<hbm>>
    %dma_wait3A_1131 = arith.constant 0 : i32
    %dma_wait3A_1132 = arith.constant 0 : i32
    %dma_wait3A_1133 = tpu.memref_slice %arg9[%dma_wait3A_1124, %dma_wait3A_1131, %dma_wait3A_1132] : memref<2x128x128xf32, #tpu.memory_space<vmem>> -> memref<1x128x128xf32, #tpu.memory_space<vmem>>
    %dma_wait3A_1134 = tpu.memref_squeeze %dma_wait3A_1133 : memref<1x128x128xf32, #tpu.memory_space<vmem>> -> memref<128x128xf32, #tpu.memory_space<vmem>>
    %dma_wait3A_1135 = arith.constant 0 : i32
    %dma_wait3A_1136 = tpu.memref_slice %arg5[%add3A_1056, %dma_wait3A_1135] : memref<100000x128xf32, #tpu.memory_space<hbm>> -> memref<128x128xf32, #tpu.memory_space<hbm>>
    tpu.wait_dma2 semaphore(%arg13 : memref<!tpu.dma_semaphore, #tpu.memory_space<semaphore_mem>>) src(%dma_wait3A_1136 : memref<128x128xf32, #tpu.memory_space<hbm>>) dst(%dma_wait3A_1134 : memref<128x128xf32, #tpu.memory_space<vmem>>)
    %dma_start3A_1137 = arith.constant 0 : i32
    %dma_start3A_1138 = arith.constant 1 : i32
    %dma_start3A_1139 = arith.constant 5 : i32
    %dma_start3A_1140 = arith.constant 0 : i32
    %dma_start3A_1141 = arith.constant 0 : i32
    %dma_start3A_1142 = tpu.memref_slice %arg9[%dma_start3A_1137, %dma_start3A_1140, %dma_start3A_1141] : memref<2x128x128xf32, #tpu.memory_space<vmem>> -> memref<1x128x128xf32, #tpu.memory_space<vmem>>
    %dma_start3A_1143 = tpu.memref_squeeze %dma_start3A_1142 : memref<1x128x128xf32, #tpu.memory_space<vmem>> -> memref<128x128xf32, #tpu.memory_space<vmem>>
    %dma_start3A_1144 = arith.constant 0 : i32
    %dma_start3A_1145 = tpu.memref_slice %arg10[%dma_start3A_1138, %dma_start3A_1139, %dma_start3A_1144] : memref<3x14x128xi32, #tpu.memory_space<vmem>> -> memref<1x1x128xi32, #tpu.memory_space<vmem>>
    %dma_start3A_1146 = tpu.memref_squeeze %dma_start3A_1145 : memref<1x1x128xi32, #tpu.memory_space<vmem>> -> memref<128xi32, #tpu.memory_space<vmem>>
    %dma_start3A_1147 = arith.constant 0 : i32
    %dma_start3A_1148 = arith.constant 0 : i32
    %dma_start3A_1149 = tpu.memref_slice %arg8[%dma_start3A_1147, %dma_start3A_1148] : memref<392x128xf32, #tpu.memory_space<vmem_shared>> -> memref<392x128xf32, #tpu.memory_space<vmem_shared>>
    tpu.enqueue_indirect_dma source(%dma_start3A_1143 : memref<128x128xf32, #tpu.memory_space<vmem>>) target(%dma_start3A_1149 : memref<392x128xf32, #tpu.memory_space<vmem_shared>>) offsets(%dma_start3A_1146 : memref<128xi32, #tpu.memory_space<vmem>>) semaphore(%arg15 : memref<!tpu.dma_semaphore, #tpu.memory_space<semaphore_mem>>) {add = true}
    %dma_wait3A_1150 = arith.constant 0 : i32
    %dma_wait3A_1151 = arith.constant 1 : i32
    %dma_wait3A_1152 = arith.constant 5 : i32
    %dma_wait3A_1153 = arith.constant 0 : i32
    %dma_wait3A_1154 = arith.constant 0 : i32
    %dma_wait3A_1155 = tpu.memref_slice %arg9[%dma_wait3A_1150, %dma_wait3A_1153, %dma_wait3A_1154] : memref<2x128x128xf32, #tpu.memory_space<vmem>> -> memref<1x128x128xf32, #tpu.memory_space<vmem>>
    %dma_wait3A_1156 = tpu.memref_squeeze %dma_wait3A_1155 : memref<1x128x128xf32, #tpu.memory_space<vmem>> -> memref<128x128xf32, #tpu.memory_space<vmem>>
    %dma_wait3A_1157 = arith.constant 0 : i32
    %dma_wait3A_1158 = tpu.memref_slice %arg10[%dma_wait3A_1151, %dma_wait3A_1152, %dma_wait3A_1157] : memref<3x14x128xi32, #tpu.memory_space<vmem>> -> memref<1x1x128xi32, #tpu.memory_space<vmem>>
    %dma_wait3A_1159 = tpu.memref_squeeze %dma_wait3A_1158 : memref<1x1x128xi32, #tpu.memory_space<vmem>> -> memref<128xi32, #tpu.memory_space<vmem>>
    %dma_wait3A_1160 = arith.constant 0 : i32
    %dma_wait3A_1161 = arith.constant 0 : i32
    %dma_wait3A_1162 = tpu.memref_slice %arg8[%dma_wait3A_1160, %dma_wait3A_1161] : memref<392x128xf32, #tpu.memory_space<vmem_shared>> -> memref<392x128xf32, #tpu.memory_space<vmem_shared>>
    tpu.wait_indirect_dma semaphore(%arg15 : memref<!tpu.dma_semaphore, #tpu.memory_space<semaphore_mem>>) src(%dma_wait3A_1156 : memref<128x128xf32, #tpu.memory_space<vmem>>) dst(%dma_wait3A_1162 : memref<392x128xf32, #tpu.memory_space<vmem_shared>>)
    %add3A_1163 = arith.constant 896 : i32
    %add3A_1164 = arith.addi %add3A_9, %add3A_1163 : i32
    %dma_start3A_1165 = arith.constant 0 : i32
    %dma_start3A_1166 = arith.constant 0 : i32
    %dma_start3A_1167 = arith.constant 0 : i32
    %dma_start3A_1168 = tpu.memref_slice %arg9[%dma_start3A_1165, %dma_start3A_1166, %dma_start3A_1167] : memref<2x128x128xf32, #tpu.memory_space<vmem>> -> memref<1x128x128xf32, #tpu.memory_space<vmem>>
    %dma_start3A_1169 = tpu.memref_squeeze %dma_start3A_1168 : memref<1x128x128xf32, #tpu.memory_space<vmem>> -> memref<128x128xf32, #tpu.memory_space<vmem>>
    %dma_start3A_1170 = arith.constant 0 : i32
    %dma_start3A_1171 = tpu.memref_slice %arg5[%add3A_1164, %dma_start3A_1170] : memref<100000x128xf32, #tpu.memory_space<hbm>> -> memref<128x128xf32, #tpu.memory_space<hbm>>
    %dma_start3A_1172 = arith.constant 0 : i32
    %dma_start3A_1173 = arith.constant 0 : i32
    %dma_start3A_1174 = tpu.memref_slice %arg9[%dma_start3A_1165, %dma_start3A_1172, %dma_start3A_1173] : memref<2x128x128xf32, #tpu.memory_space<vmem>> -> memref<1x128x128xf32, #tpu.memory_space<vmem>>
    %dma_start3A_1175 = tpu.memref_squeeze %dma_start3A_1174 : memref<1x128x128xf32, #tpu.memory_space<vmem>> -> memref<128x128xf32, #tpu.memory_space<vmem>>
    %dma_start3A_1176 = arith.constant 0 : i32
    %dma_start3A_1177 = tpu.memref_slice %arg5[%add3A_1164, %dma_start3A_1176] : memref<100000x128xf32, #tpu.memory_space<hbm>> -> memref<128x128xf32, #tpu.memory_space<hbm>>
    tpu.enqueue_dma source(%dma_start3A_1177 : memref<128x128xf32, #tpu.memory_space<hbm>>) target(%dma_start3A_1175 : memref<128x128xf32, #tpu.memory_space<vmem>>) target_semaphore(%arg13 : memref<!tpu.dma_semaphore, #tpu.memory_space<semaphore_mem>>)
    %dma_wait3A_1178 = arith.constant 1 : i32
    %dma_wait3A_1179 = arith.constant 0 : i32
    %dma_wait3A_1180 = arith.constant 0 : i32
    %dma_wait3A_1181 = tpu.memref_slice %arg9[%dma_wait3A_1178, %dma_wait3A_1179, %dma_wait3A_1180] : memref<2x128x128xf32, #tpu.memory_space<vmem>> -> memref<1x128x128xf32, #tpu.memory_space<vmem>>
    %dma_wait3A_1182 = tpu.memref_squeeze %dma_wait3A_1181 : memref<1x128x128xf32, #tpu.memory_space<vmem>> -> memref<128x128xf32, #tpu.memory_space<vmem>>
    %dma_wait3A_1183 = arith.constant 0 : i32
    %dma_wait3A_1184 = tpu.memref_slice %arg5[%add3A_1110, %dma_wait3A_1183] : memref<100000x128xf32, #tpu.memory_space<hbm>> -> memref<128x128xf32, #tpu.memory_space<hbm>>
    %dma_wait3A_1185 = arith.constant 0 : i32
    %dma_wait3A_1186 = arith.constant 0 : i32
    %dma_wait3A_1187 = tpu.memref_slice %arg9[%dma_wait3A_1178, %dma_wait3A_1185, %dma_wait3A_1186] : memref<2x128x128xf32, #tpu.memory_space<vmem>> -> memref<1x128x128xf32, #tpu.memory_space<vmem>>
    %dma_wait3A_1188 = tpu.memref_squeeze %dma_wait3A_1187 : memref<1x128x128xf32, #tpu.memory_space<vmem>> -> memref<128x128xf32, #tpu.memory_space<vmem>>
    %dma_wait3A_1189 = arith.constant 0 : i32
    %dma_wait3A_1190 = tpu.memref_slice %arg5[%add3A_1110, %dma_wait3A_1189] : memref<100000x128xf32, #tpu.memory_space<hbm>> -> memref<128x128xf32, #tpu.memory_space<hbm>>
    tpu.wait_dma2 semaphore(%arg14 : memref<!tpu.dma_semaphore, #tpu.memory_space<semaphore_mem>>) src(%dma_wait3A_1190 : memref<128x128xf32, #tpu.memory_space<hbm>>) dst(%dma_wait3A_1188 : memref<128x128xf32, #tpu.memory_space<vmem>>)
    %dma_start3A_1191 = arith.constant 1 : i32
    %dma_start3A_1192 = arith.constant 1 : i32
    %dma_start3A_1193 = arith.constant 6 : i32
    %dma_start3A_1194 = arith.constant 0 : i32
    %dma_start3A_1195 = arith.constant 0 : i32
    %dma_start3A_1196 = tpu.memref_slice %arg9[%dma_start3A_1191, %dma_start3A_1194, %dma_start3A_1195] : memref<2x128x128xf32, #tpu.memory_space<vmem>> -> memref<1x128x128xf32, #tpu.memory_space<vmem>>
    %dma_start3A_1197 = tpu.memref_squeeze %dma_start3A_1196 : memref<1x128x128xf32, #tpu.memory_space<vmem>> -> memref<128x128xf32, #tpu.memory_space<vmem>>
    %dma_start3A_1198 = arith.constant 0 : i32
    %dma_start3A_1199 = tpu.memref_slice %arg10[%dma_start3A_1192, %dma_start3A_1193, %dma_start3A_1198] : memref<3x14x128xi32, #tpu.memory_space<vmem>> -> memref<1x1x128xi32, #tpu.memory_space<vmem>>
    %dma_start3A_1200 = tpu.memref_squeeze %dma_start3A_1199 : memref<1x1x128xi32, #tpu.memory_space<vmem>> -> memref<128xi32, #tpu.memory_space<vmem>>
    %dma_start3A_1201 = arith.constant 0 : i32
    %dma_start3A_1202 = arith.constant 0 : i32
    %dma_start3A_1203 = tpu.memref_slice %arg8[%dma_start3A_1201, %dma_start3A_1202] : memref<392x128xf32, #tpu.memory_space<vmem_shared>> -> memref<392x128xf32, #tpu.memory_space<vmem_shared>>
    tpu.enqueue_indirect_dma source(%dma_start3A_1197 : memref<128x128xf32, #tpu.memory_space<vmem>>) target(%dma_start3A_1203 : memref<392x128xf32, #tpu.memory_space<vmem_shared>>) offsets(%dma_start3A_1200 : memref<128xi32, #tpu.memory_space<vmem>>) semaphore(%arg16 : memref<!tpu.dma_semaphore, #tpu.memory_space<semaphore_mem>>) {add = true}
    %dma_wait3A_1204 = arith.constant 1 : i32
    %dma_wait3A_1205 = arith.constant 1 : i32
    %dma_wait3A_1206 = arith.constant 6 : i32
    %dma_wait3A_1207 = arith.constant 0 : i32
    %dma_wait3A_1208 = arith.constant 0 : i32
    %dma_wait3A_1209 = tpu.memref_slice %arg9[%dma_wait3A_1204, %dma_wait3A_1207, %dma_wait3A_1208] : memref<2x128x128xf32, #tpu.memory_space<vmem>> -> memref<1x128x128xf32, #tpu.memory_space<vmem>>
    %dma_wait3A_1210 = tpu.memref_squeeze %dma_wait3A_1209 : memref<1x128x128xf32, #tpu.memory_space<vmem>> -> memref<128x128xf32, #tpu.memory_space<vmem>>
    %dma_wait3A_1211 = arith.constant 0 : i32
    %dma_wait3A_1212 = tpu.memref_slice %arg10[%dma_wait3A_1205, %dma_wait3A_1206, %dma_wait3A_1211] : memref<3x14x128xi32, #tpu.memory_space<vmem>> -> memref<1x1x128xi32, #tpu.memory_space<vmem>>
    %dma_wait3A_1213 = tpu.memref_squeeze %dma_wait3A_1212 : memref<1x1x128xi32, #tpu.memory_space<vmem>> -> memref<128xi32, #tpu.memory_space<vmem>>
    %dma_wait3A_1214 = arith.constant 0 : i32
    %dma_wait3A_1215 = arith.constant 0 : i32
    %dma_wait3A_1216 = tpu.memref_slice %arg8[%dma_wait3A_1214, %dma_wait3A_1215] : memref<392x128xf32, #tpu.memory_space<vmem_shared>> -> memref<392x128xf32, #tpu.memory_space<vmem_shared>>
    tpu.wait_indirect_dma semaphore(%arg16 : memref<!tpu.dma_semaphore, #tpu.memory_space<semaphore_mem>>) src(%dma_wait3A_1210 : memref<128x128xf32, #tpu.memory_space<vmem>>) dst(%dma_wait3A_1216 : memref<392x128xf32, #tpu.memory_space<vmem_shared>>)
    %add3A_1217 = arith.constant 1024 : i32
    %add3A_1218 = arith.addi %add3A_9, %add3A_1217 : i32
    %dma_start3A_1219 = arith.constant 1 : i32
    %dma_start3A_1220 = arith.constant 0 : i32
    %dma_start3A_1221 = arith.constant 0 : i32
    %dma_start3A_1222 = tpu.memref_slice %arg9[%dma_start3A_1219, %dma_start3A_1220, %dma_start3A_1221] : memref<2x128x128xf32, #tpu.memory_space<vmem>> -> memref<1x128x128xf32, #tpu.memory_space<vmem>>
    %dma_start3A_1223 = tpu.memref_squeeze %dma_start3A_1222 : memref<1x128x128xf32, #tpu.memory_space<vmem>> -> memref<128x128xf32, #tpu.memory_space<vmem>>
    %dma_start3A_1224 = arith.constant 0 : i32
    %dma_start3A_1225 = tpu.memref_slice %arg5[%add3A_1218, %dma_start3A_1224] : memref<100000x128xf32, #tpu.memory_space<hbm>> -> memref<128x128xf32, #tpu.memory_space<hbm>>
    %dma_start3A_1226 = arith.constant 0 : i32
    %dma_start3A_1227 = arith.constant 0 : i32
    %dma_start3A_1228 = tpu.memref_slice %arg9[%dma_start3A_1219, %dma_start3A_1226, %dma_start3A_1227] : memref<2x128x128xf32, #tpu.memory_space<vmem>> -> memref<1x128x128xf32, #tpu.memory_space<vmem>>
    %dma_start3A_1229 = tpu.memref_squeeze %dma_start3A_1228 : memref<1x128x128xf32, #tpu.memory_space<vmem>> -> memref<128x128xf32, #tpu.memory_space<vmem>>
    %dma_start3A_1230 = arith.constant 0 : i32
    %dma_start3A_1231 = tpu.memref_slice %arg5[%add3A_1218, %dma_start3A_1230] : memref<100000x128xf32, #tpu.memory_space<hbm>> -> memref<128x128xf32, #tpu.memory_space<hbm>>
    tpu.enqueue_dma source(%dma_start3A_1231 : memref<128x128xf32, #tpu.memory_space<hbm>>) target(%dma_start3A_1229 : memref<128x128xf32, #tpu.memory_space<vmem>>) target_semaphore(%arg14 : memref<!tpu.dma_semaphore, #tpu.memory_space<semaphore_mem>>)
    %dma_wait3A_1232 = arith.constant 0 : i32
    %dma_wait3A_1233 = arith.constant 0 : i32
    %dma_wait3A_1234 = arith.constant 0 : i32
    %dma_wait3A_1235 = tpu.memref_slice %arg9[%dma_wait3A_1232, %dma_wait3A_1233, %dma_wait3A_1234] : memref<2x128x128xf32, #tpu.memory_space<vmem>> -> memref<1x128x128xf32, #tpu.memory_space<vmem>>
    %dma_wait3A_1236 = tpu.memref_squeeze %dma_wait3A_1235 : memref<1x128x128xf32, #tpu.memory_space<vmem>> -> memref<128x128xf32, #tpu.memory_space<vmem>>
    %dma_wait3A_1237 = arith.constant 0 : i32
    %dma_wait3A_1238 = tpu.memref_slice %arg5[%add3A_1164, %dma_wait3A_1237] : memref<100000x128xf32, #tpu.memory_space<hbm>> -> memref<128x128xf32, #tpu.memory_space<hbm>>
    %dma_wait3A_1239 = arith.constant 0 : i32
    %dma_wait3A_1240 = arith.constant 0 : i32
    %dma_wait3A_1241 = tpu.memref_slice %arg9[%dma_wait3A_1232, %dma_wait3A_1239, %dma_wait3A_1240] : memref<2x128x128xf32, #tpu.memory_space<vmem>> -> memref<1x128x128xf32, #tpu.memory_space<vmem>>
    %dma_wait3A_1242 = tpu.memref_squeeze %dma_wait3A_1241 : memref<1x128x128xf32, #tpu.memory_space<vmem>> -> memref<128x128xf32, #tpu.memory_space<vmem>>
    %dma_wait3A_1243 = arith.constant 0 : i32
    %dma_wait3A_1244 = tpu.memref_slice %arg5[%add3A_1164, %dma_wait3A_1243] : memref<100000x128xf32, #tpu.memory_space<hbm>> -> memref<128x128xf32, #tpu.memory_space<hbm>>
    tpu.wait_dma2 semaphore(%arg13 : memref<!tpu.dma_semaphore, #tpu.memory_space<semaphore_mem>>) src(%dma_wait3A_1244 : memref<128x128xf32, #tpu.memory_space<hbm>>) dst(%dma_wait3A_1242 : memref<128x128xf32, #tpu.memory_space<vmem>>)
    %dma_start3A_1245 = arith.constant 0 : i32
    %dma_start3A_1246 = arith.constant 1 : i32
    %dma_start3A_1247 = arith.constant 7 : i32
    %dma_start3A_1248 = arith.constant 0 : i32
    %dma_start3A_1249 = arith.constant 0 : i32
    %dma_start3A_1250 = tpu.memref_slice %arg9[%dma_start3A_1245, %dma_start3A_1248, %dma_start3A_1249] : memref<2x128x128xf32, #tpu.memory_space<vmem>> -> memref<1x128x128xf32, #tpu.memory_space<vmem>>
    %dma_start3A_1251 = tpu.memref_squeeze %dma_start3A_1250 : memref<1x128x128xf32, #tpu.memory_space<vmem>> -> memref<128x128xf32, #tpu.memory_space<vmem>>
    %dma_start3A_1252 = arith.constant 0 : i32
    %dma_start3A_1253 = tpu.memref_slice %arg10[%dma_start3A_1246, %dma_start3A_1247, %dma_start3A_1252] : memref<3x14x128xi32, #tpu.memory_space<vmem>> -> memref<1x1x128xi32, #tpu.memory_space<vmem>>
    %dma_start3A_1254 = tpu.memref_squeeze %dma_start3A_1253 : memref<1x1x128xi32, #tpu.memory_space<vmem>> -> memref<128xi32, #tpu.memory_space<vmem>>
    %dma_start3A_1255 = arith.constant 0 : i32
    %dma_start3A_1256 = arith.constant 0 : i32
    %dma_start3A_1257 = tpu.memref_slice %arg8[%dma_start3A_1255, %dma_start3A_1256] : memref<392x128xf32, #tpu.memory_space<vmem_shared>> -> memref<392x128xf32, #tpu.memory_space<vmem_shared>>
    tpu.enqueue_indirect_dma source(%dma_start3A_1251 : memref<128x128xf32, #tpu.memory_space<vmem>>) target(%dma_start3A_1257 : memref<392x128xf32, #tpu.memory_space<vmem_shared>>) offsets(%dma_start3A_1254 : memref<128xi32, #tpu.memory_space<vmem>>) semaphore(%arg15 : memref<!tpu.dma_semaphore, #tpu.memory_space<semaphore_mem>>) {add = true}
    %dma_wait3A_1258 = arith.constant 0 : i32
    %dma_wait3A_1259 = arith.constant 1 : i32
    %dma_wait3A_1260 = arith.constant 7 : i32
    %dma_wait3A_1261 = arith.constant 0 : i32
    %dma_wait3A_1262 = arith.constant 0 : i32
    %dma_wait3A_1263 = tpu.memref_slice %arg9[%dma_wait3A_1258, %dma_wait3A_1261, %dma_wait3A_1262] : memref<2x128x128xf32, #tpu.memory_space<vmem>> -> memref<1x128x128xf32, #tpu.memory_space<vmem>>
    %dma_wait3A_1264 = tpu.memref_squeeze %dma_wait3A_1263 : memref<1x128x128xf32, #tpu.memory_space<vmem>> -> memref<128x128xf32, #tpu.memory_space<vmem>>
    %dma_wait3A_1265 = arith.constant 0 : i32
    %dma_wait3A_1266 = tpu.memref_slice %arg10[%dma_wait3A_1259, %dma_wait3A_1260, %dma_wait3A_1265] : memref<3x14x128xi32, #tpu.memory_space<vmem>> -> memref<1x1x128xi32, #tpu.memory_space<vmem>>
    %dma_wait3A_1267 = tpu.memref_squeeze %dma_wait3A_1266 : memref<1x1x128xi32, #tpu.memory_space<vmem>> -> memref<128xi32, #tpu.memory_space<vmem>>
    %dma_wait3A_1268 = arith.constant 0 : i32
    %dma_wait3A_1269 = arith.constant 0 : i32
    %dma_wait3A_1270 = tpu.memref_slice %arg8[%dma_wait3A_1268, %dma_wait3A_1269] : memref<392x128xf32, #tpu.memory_space<vmem_shared>> -> memref<392x128xf32, #tpu.memory_space<vmem_shared>>
    tpu.wait_indirect_dma semaphore(%arg15 : memref<!tpu.dma_semaphore, #tpu.memory_space<semaphore_mem>>) src(%dma_wait3A_1264 : memref<128x128xf32, #tpu.memory_space<vmem>>) dst(%dma_wait3A_1270 : memref<392x128xf32, #tpu.memory_space<vmem_shared>>)
    %add3A_1271 = arith.constant 1152 : i32
    %add3A_1272 = arith.addi %add3A_9, %add3A_1271 : i32
    %dma_start3A_1273 = arith.constant 0 : i32
    %dma_start3A_1274 = arith.constant 0 : i32
    %dma_start3A_1275 = arith.constant 0 : i32
    %dma_start3A_1276 = tpu.memref_slice %arg9[%dma_start3A_1273, %dma_start3A_1274, %dma_start3A_1275] : memref<2x128x128xf32, #tpu.memory_space<vmem>> -> memref<1x128x128xf32, #tpu.memory_space<vmem>>
    %dma_start3A_1277 = tpu.memref_squeeze %dma_start3A_1276 : memref<1x128x128xf32, #tpu.memory_space<vmem>> -> memref<128x128xf32, #tpu.memory_space<vmem>>
    %dma_start3A_1278 = arith.constant 0 : i32
    %dma_start3A_1279 = tpu.memref_slice %arg5[%add3A_1272, %dma_start3A_1278] : memref<100000x128xf32, #tpu.memory_space<hbm>> -> memref<128x128xf32, #tpu.memory_space<hbm>>
    %dma_start3A_1280 = arith.constant 0 : i32
    %dma_start3A_1281 = arith.constant 0 : i32
    %dma_start3A_1282 = tpu.memref_slice %arg9[%dma_start3A_1273, %dma_start3A_1280, %dma_start3A_1281] : memref<2x128x128xf32, #tpu.memory_space<vmem>> -> memref<1x128x128xf32, #tpu.memory_space<vmem>>
    %dma_start3A_1283 = tpu.memref_squeeze %dma_start3A_1282 : memref<1x128x128xf32, #tpu.memory_space<vmem>> -> memref<128x128xf32, #tpu.memory_space<vmem>>
    %dma_start3A_1284 = arith.constant 0 : i32
    %dma_start3A_1285 = tpu.memref_slice %arg5[%add3A_1272, %dma_start3A_1284] : memref<100000x128xf32, #tpu.memory_space<hbm>> -> memref<128x128xf32, #tpu.memory_space<hbm>>
    tpu.enqueue_dma source(%dma_start3A_1285 : memref<128x128xf32, #tpu.memory_space<hbm>>) target(%dma_start3A_1283 : memref<128x128xf32, #tpu.memory_space<vmem>>) target_semaphore(%arg13 : memref<!tpu.dma_semaphore, #tpu.memory_space<semaphore_mem>>)
    %dma_wait3A_1286 = arith.constant 1 : i32
    %dma_wait3A_1287 = arith.constant 0 : i32
    %dma_wait3A_1288 = arith.constant 0 : i32
    %dma_wait3A_1289 = tpu.memref_slice %arg9[%dma_wait3A_1286, %dma_wait3A_1287, %dma_wait3A_1288] : memref<2x128x128xf32, #tpu.memory_space<vmem>> -> memref<1x128x128xf32, #tpu.memory_space<vmem>>
    %dma_wait3A_1290 = tpu.memref_squeeze %dma_wait3A_1289 : memref<1x128x128xf32, #tpu.memory_space<vmem>> -> memref<128x128xf32, #tpu.memory_space<vmem>>
    %dma_wait3A_1291 = arith.constant 0 : i32
    %dma_wait3A_1292 = tpu.memref_slice %arg5[%add3A_1218, %dma_wait3A_1291] : memref<100000x128xf32, #tpu.memory_space<hbm>> -> memref<128x128xf32, #tpu.memory_space<hbm>>
    %dma_wait3A_1293 = arith.constant 0 : i32
    %dma_wait3A_1294 = arith.constant 0 : i32
    %dma_wait3A_1295 = tpu.memref_slice %arg9[%dma_wait3A_1286, %dma_wait3A_1293, %dma_wait3A_1294] : memref<2x128x128xf32, #tpu.memory_space<vmem>> -> memref<1x128x128xf32, #tpu.memory_space<vmem>>
    %dma_wait3A_1296 = tpu.memref_squeeze %dma_wait3A_1295 : memref<1x128x128xf32, #tpu.memory_space<vmem>> -> memref<128x128xf32, #tpu.memory_space<vmem>>
    %dma_wait3A_1297 = arith.constant 0 : i32
    %dma_wait3A_1298 = tpu.memref_slice %arg5[%add3A_1218, %dma_wait3A_1297] : memref<100000x128xf32, #tpu.memory_space<hbm>> -> memref<128x128xf32, #tpu.memory_space<hbm>>
    tpu.wait_dma2 semaphore(%arg14 : memref<!tpu.dma_semaphore, #tpu.memory_space<semaphore_mem>>) src(%dma_wait3A_1298 : memref<128x128xf32, #tpu.memory_space<hbm>>) dst(%dma_wait3A_1296 : memref<128x128xf32, #tpu.memory_space<vmem>>)
    %dma_start3A_1299 = arith.constant 1 : i32
    %dma_start3A_1300 = arith.constant 1 : i32
    %dma_start3A_1301 = arith.constant 8 : i32
    %dma_start3A_1302 = arith.constant 0 : i32
    %dma_start3A_1303 = arith.constant 0 : i32
    %dma_start3A_1304 = tpu.memref_slice %arg9[%dma_start3A_1299, %dma_start3A_1302, %dma_start3A_1303] : memref<2x128x128xf32, #tpu.memory_space<vmem>> -> memref<1x128x128xf32, #tpu.memory_space<vmem>>
    %dma_start3A_1305 = tpu.memref_squeeze %dma_start3A_1304 : memref<1x128x128xf32, #tpu.memory_space<vmem>> -> memref<128x128xf32, #tpu.memory_space<vmem>>
    %dma_start3A_1306 = arith.constant 0 : i32
    %dma_start3A_1307 = tpu.memref_slice %arg10[%dma_start3A_1300, %dma_start3A_1301, %dma_start3A_1306] : memref<3x14x128xi32, #tpu.memory_space<vmem>> -> memref<1x1x128xi32, #tpu.memory_space<vmem>>
    %dma_start3A_1308 = tpu.memref_squeeze %dma_start3A_1307 : memref<1x1x128xi32, #tpu.memory_space<vmem>> -> memref<128xi32, #tpu.memory_space<vmem>>
    %dma_start3A_1309 = arith.constant 0 : i32
    %dma_start3A_1310 = arith.constant 0 : i32
    %dma_start3A_1311 = tpu.memref_slice %arg8[%dma_start3A_1309, %dma_start3A_1310] : memref<392x128xf32, #tpu.memory_space<vmem_shared>> -> memref<392x128xf32, #tpu.memory_space<vmem_shared>>
    tpu.enqueue_indirect_dma source(%dma_start3A_1305 : memref<128x128xf32, #tpu.memory_space<vmem>>) target(%dma_start3A_1311 : memref<392x128xf32, #tpu.memory_space<vmem_shared>>) offsets(%dma_start3A_1308 : memref<128xi32, #tpu.memory_space<vmem>>) semaphore(%arg16 : memref<!tpu.dma_semaphore, #tpu.memory_space<semaphore_mem>>) {add = true}
    %dma_wait3A_1312 = arith.constant 1 : i32
    %dma_wait3A_1313 = arith.constant 1 : i32
    %dma_wait3A_1314 = arith.constant 8 : i32
    %dma_wait3A_1315 = arith.constant 0 : i32
    %dma_wait3A_1316 = arith.constant 0 : i32
    %dma_wait3A_1317 = tpu.memref_slice %arg9[%dma_wait3A_1312, %dma_wait3A_1315, %dma_wait3A_1316] : memref<2x128x128xf32, #tpu.memory_space<vmem>> -> memref<1x128x128xf32, #tpu.memory_space<vmem>>
    %dma_wait3A_1318 = tpu.memref_squeeze %dma_wait3A_1317 : memref<1x128x128xf32, #tpu.memory_space<vmem>> -> memref<128x128xf32, #tpu.memory_space<vmem>>
    %dma_wait3A_1319 = arith.constant 0 : i32
    %dma_wait3A_1320 = tpu.memref_slice %arg10[%dma_wait3A_1313, %dma_wait3A_1314, %dma_wait3A_1319] : memref<3x14x128xi32, #tpu.memory_space<vmem>> -> memref<1x1x128xi32, #tpu.memory_space<vmem>>
    %dma_wait3A_1321 = tpu.memref_squeeze %dma_wait3A_1320 : memref<1x1x128xi32, #tpu.memory_space<vmem>> -> memref<128xi32, #tpu.memory_space<vmem>>
    %dma_wait3A_1322 = arith.constant 0 : i32
    %dma_wait3A_1323 = arith.constant 0 : i32
    %dma_wait3A_1324 = tpu.memref_slice %arg8[%dma_wait3A_1322, %dma_wait3A_1323] : memref<392x128xf32, #tpu.memory_space<vmem_shared>> -> memref<392x128xf32, #tpu.memory_space<vmem_shared>>
    tpu.wait_indirect_dma semaphore(%arg16 : memref<!tpu.dma_semaphore, #tpu.memory_space<semaphore_mem>>) src(%dma_wait3A_1318 : memref<128x128xf32, #tpu.memory_space<vmem>>) dst(%dma_wait3A_1324 : memref<392x128xf32, #tpu.memory_space<vmem_shared>>)
    %add3A_1325 = arith.constant 1280 : i32
    %add3A_1326 = arith.addi %add3A_9, %add3A_1325 : i32
    %dma_start3A_1327 = arith.constant 1 : i32
    %dma_start3A_1328 = arith.constant 0 : i32
    %dma_start3A_1329 = arith.constant 0 : i32
    %dma_start3A_1330 = tpu.memref_slice %arg9[%dma_start3A_1327, %dma_start3A_1328, %dma_start3A_1329] : memref<2x128x128xf32, #tpu.memory_space<vmem>> -> memref<1x128x128xf32, #tpu.memory_space<vmem>>
    %dma_start3A_1331 = tpu.memref_squeeze %dma_start3A_1330 : memref<1x128x128xf32, #tpu.memory_space<vmem>> -> memref<128x128xf32, #tpu.memory_space<vmem>>
    %dma_start3A_1332 = arith.constant 0 : i32
    %dma_start3A_1333 = tpu.memref_slice %arg5[%add3A_1326, %dma_start3A_1332] : memref<100000x128xf32, #tpu.memory_space<hbm>> -> memref<128x128xf32, #tpu.memory_space<hbm>>
    %dma_start3A_1334 = arith.constant 0 : i32
    %dma_start3A_1335 = arith.constant 0 : i32
    %dma_start3A_1336 = tpu.memref_slice %arg9[%dma_start3A_1327, %dma_start3A_1334, %dma_start3A_1335] : memref<2x128x128xf32, #tpu.memory_space<vmem>> -> memref<1x128x128xf32, #tpu.memory_space<vmem>>
    %dma_start3A_1337 = tpu.memref_squeeze %dma_start3A_1336 : memref<1x128x128xf32, #tpu.memory_space<vmem>> -> memref<128x128xf32, #tpu.memory_space<vmem>>
    %dma_start3A_1338 = arith.constant 0 : i32
    %dma_start3A_1339 = tpu.memref_slice %arg5[%add3A_1326, %dma_start3A_1338] : memref<100000x128xf32, #tpu.memory_space<hbm>> -> memref<128x128xf32, #tpu.memory_space<hbm>>
    tpu.enqueue_dma source(%dma_start3A_1339 : memref<128x128xf32, #tpu.memory_space<hbm>>) target(%dma_start3A_1337 : memref<128x128xf32, #tpu.memory_space<vmem>>) target_semaphore(%arg14 : memref<!tpu.dma_semaphore, #tpu.memory_space<semaphore_mem>>)
    %dma_wait3A_1340 = arith.constant 0 : i32
    %dma_wait3A_1341 = arith.constant 0 : i32
    %dma_wait3A_1342 = arith.constant 0 : i32
    %dma_wait3A_1343 = tpu.memref_slice %arg9[%dma_wait3A_1340, %dma_wait3A_1341, %dma_wait3A_1342] : memref<2x128x128xf32, #tpu.memory_space<vmem>> -> memref<1x128x128xf32, #tpu.memory_space<vmem>>
    %dma_wait3A_1344 = tpu.memref_squeeze %dma_wait3A_1343 : memref<1x128x128xf32, #tpu.memory_space<vmem>> -> memref<128x128xf32, #tpu.memory_space<vmem>>
    %dma_wait3A_1345 = arith.constant 0 : i32
    %dma_wait3A_1346 = tpu.memref_slice %arg5[%add3A_1272, %dma_wait3A_1345] : memref<100000x128xf32, #tpu.memory_space<hbm>> -> memref<128x128xf32, #tpu.memory_space<hbm>>
    %dma_wait3A_1347 = arith.constant 0 : i32
    %dma_wait3A_1348 = arith.constant 0 : i32
    %dma_wait3A_1349 = tpu.memref_slice %arg9[%dma_wait3A_1340, %dma_wait3A_1347, %dma_wait3A_1348] : memref<2x128x128xf32, #tpu.memory_space<vmem>> -> memref<1x128x128xf32, #tpu.memory_space<vmem>>
    %dma_wait3A_1350 = tpu.memref_squeeze %dma_wait3A_1349 : memref<1x128x128xf32, #tpu.memory_space<vmem>> -> memref<128x128xf32, #tpu.memory_space<vmem>>
    %dma_wait3A_1351 = arith.constant 0 : i32
    %dma_wait3A_1352 = tpu.memref_slice %arg5[%add3A_1272, %dma_wait3A_1351] : memref<100000x128xf32, #tpu.memory_space<hbm>> -> memref<128x128xf32, #tpu.memory_space<hbm>>
    tpu.wait_dma2 semaphore(%arg13 : memref<!tpu.dma_semaphore, #tpu.memory_space<semaphore_mem>>) src(%dma_wait3A_1352 : memref<128x128xf32, #tpu.memory_space<hbm>>) dst(%dma_wait3A_1350 : memref<128x128xf32, #tpu.memory_space<vmem>>)
    %dma_start3A_1353 = arith.constant 0 : i32
    %dma_start3A_1354 = arith.constant 1 : i32
    %dma_start3A_1355 = arith.constant 9 : i32
    %dma_start3A_1356 = arith.constant 0 : i32
    %dma_start3A_1357 = arith.constant 0 : i32
    %dma_start3A_1358 = tpu.memref_slice %arg9[%dma_start3A_1353, %dma_start3A_1356, %dma_start3A_1357] : memref<2x128x128xf32, #tpu.memory_space<vmem>> -> memref<1x128x128xf32, #tpu.memory_space<vmem>>
    %dma_start3A_1359 = tpu.memref_squeeze %dma_start3A_1358 : memref<1x128x128xf32, #tpu.memory_space<vmem>> -> memref<128x128xf32, #tpu.memory_space<vmem>>
    %dma_start3A_1360 = arith.constant 0 : i32
    %dma_start3A_1361 = tpu.memref_slice %arg10[%dma_start3A_1354, %dma_start3A_1355, %dma_start3A_1360] : memref<3x14x128xi32, #tpu.memory_space<vmem>> -> memref<1x1x128xi32, #tpu.memory_space<vmem>>
    %dma_start3A_1362 = tpu.memref_squeeze %dma_start3A_1361 : memref<1x1x128xi32, #tpu.memory_space<vmem>> -> memref<128xi32, #tpu.memory_space<vmem>>
    %dma_start3A_1363 = arith.constant 0 : i32
    %dma_start3A_1364 = arith.constant 0 : i32
    %dma_start3A_1365 = tpu.memref_slice %arg8[%dma_start3A_1363, %dma_start3A_1364] : memref<392x128xf32, #tpu.memory_space<vmem_shared>> -> memref<392x128xf32, #tpu.memory_space<vmem_shared>>
    tpu.enqueue_indirect_dma source(%dma_start3A_1359 : memref<128x128xf32, #tpu.memory_space<vmem>>) target(%dma_start3A_1365 : memref<392x128xf32, #tpu.memory_space<vmem_shared>>) offsets(%dma_start3A_1362 : memref<128xi32, #tpu.memory_space<vmem>>) semaphore(%arg15 : memref<!tpu.dma_semaphore, #tpu.memory_space<semaphore_mem>>) {add = true}
    %dma_wait3A_1366 = arith.constant 0 : i32
    %dma_wait3A_1367 = arith.constant 1 : i32
    %dma_wait3A_1368 = arith.constant 9 : i32
    %dma_wait3A_1369 = arith.constant 0 : i32
    %dma_wait3A_1370 = arith.constant 0 : i32
    %dma_wait3A_1371 = tpu.memref_slice %arg9[%dma_wait3A_1366, %dma_wait3A_1369, %dma_wait3A_1370] : memref<2x128x128xf32, #tpu.memory_space<vmem>> -> memref<1x128x128xf32, #tpu.memory_space<vmem>>
    %dma_wait3A_1372 = tpu.memref_squeeze %dma_wait3A_1371 : memref<1x128x128xf32, #tpu.memory_space<vmem>> -> memref<128x128xf32, #tpu.memory_space<vmem>>
    %dma_wait3A_1373 = arith.constant 0 : i32
    %dma_wait3A_1374 = tpu.memref_slice %arg10[%dma_wait3A_1367, %dma_wait3A_1368, %dma_wait3A_1373] : memref<3x14x128xi32, #tpu.memory_space<vmem>> -> memref<1x1x128xi32, #tpu.memory_space<vmem>>
    %dma_wait3A_1375 = tpu.memref_squeeze %dma_wait3A_1374 : memref<1x1x128xi32, #tpu.memory_space<vmem>> -> memref<128xi32, #tpu.memory_space<vmem>>
    %dma_wait3A_1376 = arith.constant 0 : i32
    %dma_wait3A_1377 = arith.constant 0 : i32
    %dma_wait3A_1378 = tpu.memref_slice %arg8[%dma_wait3A_1376, %dma_wait3A_1377] : memref<392x128xf32, #tpu.memory_space<vmem_shared>> -> memref<392x128xf32, #tpu.memory_space<vmem_shared>>
    tpu.wait_indirect_dma semaphore(%arg15 : memref<!tpu.dma_semaphore, #tpu.memory_space<semaphore_mem>>) src(%dma_wait3A_1372 : memref<128x128xf32, #tpu.memory_space<vmem>>) dst(%dma_wait3A_1378 : memref<392x128xf32, #tpu.memory_space<vmem_shared>>)
    %add3A_1379 = arith.constant 1408 : i32
    %add3A_1380 = arith.addi %add3A_9, %add3A_1379 : i32
    %dma_start3A_1381 = arith.constant 0 : i32
    %dma_start3A_1382 = arith.constant 0 : i32
    %dma_start3A_1383 = arith.constant 0 : i32
    %dma_start3A_1384 = tpu.memref_slice %arg9[%dma_start3A_1381, %dma_start3A_1382, %dma_start3A_1383] : memref<2x128x128xf32, #tpu.memory_space<vmem>> -> memref<1x128x128xf32, #tpu.memory_space<vmem>>
    %dma_start3A_1385 = tpu.memref_squeeze %dma_start3A_1384 : memref<1x128x128xf32, #tpu.memory_space<vmem>> -> memref<128x128xf32, #tpu.memory_space<vmem>>
    %dma_start3A_1386 = arith.constant 0 : i32
    %dma_start3A_1387 = tpu.memref_slice %arg5[%add3A_1380, %dma_start3A_1386] : memref<100000x128xf32, #tpu.memory_space<hbm>> -> memref<128x128xf32, #tpu.memory_space<hbm>>
    %dma_start3A_1388 = arith.constant 0 : i32
    %dma_start3A_1389 = arith.constant 0 : i32
    %dma_start3A_1390 = tpu.memref_slice %arg9[%dma_start3A_1381, %dma_start3A_1388, %dma_start3A_1389] : memref<2x128x128xf32, #tpu.memory_space<vmem>> -> memref<1x128x128xf32, #tpu.memory_space<vmem>>
    %dma_start3A_1391 = tpu.memref_squeeze %dma_start3A_1390 : memref<1x128x128xf32, #tpu.memory_space<vmem>> -> memref<128x128xf32, #tpu.memory_space<vmem>>
    %dma_start3A_1392 = arith.constant 0 : i32
    %dma_start3A_1393 = tpu.memref_slice %arg5[%add3A_1380, %dma_start3A_1392] : memref<100000x128xf32, #tpu.memory_space<hbm>> -> memref<128x128xf32, #tpu.memory_space<hbm>>
    tpu.enqueue_dma source(%dma_start3A_1393 : memref<128x128xf32, #tpu.memory_space<hbm>>) target(%dma_start3A_1391 : memref<128x128xf32, #tpu.memory_space<vmem>>) target_semaphore(%arg13 : memref<!tpu.dma_semaphore, #tpu.memory_space<semaphore_mem>>)
    %dma_wait3A_1394 = arith.constant 1 : i32
    %dma_wait3A_1395 = arith.constant 0 : i32
    %dma_wait3A_1396 = arith.constant 0 : i32
    %dma_wait3A_1397 = tpu.memref_slice %arg9[%dma_wait3A_1394, %dma_wait3A_1395, %dma_wait3A_1396] : memref<2x128x128xf32, #tpu.memory_space<vmem>> -> memref<1x128x128xf32, #tpu.memory_space<vmem>>
    %dma_wait3A_1398 = tpu.memref_squeeze %dma_wait3A_1397 : memref<1x128x128xf32, #tpu.memory_space<vmem>> -> memref<128x128xf32, #tpu.memory_space<vmem>>
    %dma_wait3A_1399 = arith.constant 0 : i32
    %dma_wait3A_1400 = tpu.memref_slice %arg5[%add3A_1326, %dma_wait3A_1399] : memref<100000x128xf32, #tpu.memory_space<hbm>> -> memref<128x128xf32, #tpu.memory_space<hbm>>
    %dma_wait3A_1401 = arith.constant 0 : i32
    %dma_wait3A_1402 = arith.constant 0 : i32
    %dma_wait3A_1403 = tpu.memref_slice %arg9[%dma_wait3A_1394, %dma_wait3A_1401, %dma_wait3A_1402] : memref<2x128x128xf32, #tpu.memory_space<vmem>> -> memref<1x128x128xf32, #tpu.memory_space<vmem>>
    %dma_wait3A_1404 = tpu.memref_squeeze %dma_wait3A_1403 : memref<1x128x128xf32, #tpu.memory_space<vmem>> -> memref<128x128xf32, #tpu.memory_space<vmem>>
    %dma_wait3A_1405 = arith.constant 0 : i32
    %dma_wait3A_1406 = tpu.memref_slice %arg5[%add3A_1326, %dma_wait3A_1405] : memref<100000x128xf32, #tpu.memory_space<hbm>> -> memref<128x128xf32, #tpu.memory_space<hbm>>
    tpu.wait_dma2 semaphore(%arg14 : memref<!tpu.dma_semaphore, #tpu.memory_space<semaphore_mem>>) src(%dma_wait3A_1406 : memref<128x128xf32, #tpu.memory_space<hbm>>) dst(%dma_wait3A_1404 : memref<128x128xf32, #tpu.memory_space<vmem>>)
    %dma_start3A_1407 = arith.constant 1 : i32
    %dma_start3A_1408 = arith.constant 1 : i32
    %dma_start3A_1409 = arith.constant 10 : i32
    %dma_start3A_1410 = arith.constant 0 : i32
    %dma_start3A_1411 = arith.constant 0 : i32
    %dma_start3A_1412 = tpu.memref_slice %arg9[%dma_start3A_1407, %dma_start3A_1410, %dma_start3A_1411] : memref<2x128x128xf32, #tpu.memory_space<vmem>> -> memref<1x128x128xf32, #tpu.memory_space<vmem>>
    %dma_start3A_1413 = tpu.memref_squeeze %dma_start3A_1412 : memref<1x128x128xf32, #tpu.memory_space<vmem>> -> memref<128x128xf32, #tpu.memory_space<vmem>>
    %dma_start3A_1414 = arith.constant 0 : i32
    %dma_start3A_1415 = tpu.memref_slice %arg10[%dma_start3A_1408, %dma_start3A_1409, %dma_start3A_1414] : memref<3x14x128xi32, #tpu.memory_space<vmem>> -> memref<1x1x128xi32, #tpu.memory_space<vmem>>
    %dma_start3A_1416 = tpu.memref_squeeze %dma_start3A_1415 : memref<1x1x128xi32, #tpu.memory_space<vmem>> -> memref<128xi32, #tpu.memory_space<vmem>>
    %dma_start3A_1417 = arith.constant 0 : i32
    %dma_start3A_1418 = arith.constant 0 : i32
    %dma_start3A_1419 = tpu.memref_slice %arg8[%dma_start3A_1417, %dma_start3A_1418] : memref<392x128xf32, #tpu.memory_space<vmem_shared>> -> memref<392x128xf32, #tpu.memory_space<vmem_shared>>
    tpu.enqueue_indirect_dma source(%dma_start3A_1413 : memref<128x128xf32, #tpu.memory_space<vmem>>) target(%dma_start3A_1419 : memref<392x128xf32, #tpu.memory_space<vmem_shared>>) offsets(%dma_start3A_1416 : memref<128xi32, #tpu.memory_space<vmem>>) semaphore(%arg16 : memref<!tpu.dma_semaphore, #tpu.memory_space<semaphore_mem>>) {add = true}
    %dma_wait3A_1420 = arith.constant 1 : i32
    %dma_wait3A_1421 = arith.constant 1 : i32
    %dma_wait3A_1422 = arith.constant 10 : i32
    %dma_wait3A_1423 = arith.constant 0 : i32
    %dma_wait3A_1424 = arith.constant 0 : i32
    %dma_wait3A_1425 = tpu.memref_slice %arg9[%dma_wait3A_1420, %dma_wait3A_1423, %dma_wait3A_1424] : memref<2x128x128xf32, #tpu.memory_space<vmem>> -> memref<1x128x128xf32, #tpu.memory_space<vmem>>
    %dma_wait3A_1426 = tpu.memref_squeeze %dma_wait3A_1425 : memref<1x128x128xf32, #tpu.memory_space<vmem>> -> memref<128x128xf32, #tpu.memory_space<vmem>>
    %dma_wait3A_1427 = arith.constant 0 : i32
    %dma_wait3A_1428 = tpu.memref_slice %arg10[%dma_wait3A_1421, %dma_wait3A_1422, %dma_wait3A_1427] : memref<3x14x128xi32, #tpu.memory_space<vmem>> -> memref<1x1x128xi32, #tpu.memory_space<vmem>>
    %dma_wait3A_1429 = tpu.memref_squeeze %dma_wait3A_1428 : memref<1x1x128xi32, #tpu.memory_space<vmem>> -> memref<128xi32, #tpu.memory_space<vmem>>
    %dma_wait3A_1430 = arith.constant 0 : i32
    %dma_wait3A_1431 = arith.constant 0 : i32
    %dma_wait3A_1432 = tpu.memref_slice %arg8[%dma_wait3A_1430, %dma_wait3A_1431] : memref<392x128xf32, #tpu.memory_space<vmem_shared>> -> memref<392x128xf32, #tpu.memory_space<vmem_shared>>
    tpu.wait_indirect_dma semaphore(%arg16 : memref<!tpu.dma_semaphore, #tpu.memory_space<semaphore_mem>>) src(%dma_wait3A_1426 : memref<128x128xf32, #tpu.memory_space<vmem>>) dst(%dma_wait3A_1432 : memref<392x128xf32, #tpu.memory_space<vmem_shared>>)
    %add3A_1433 = arith.constant 1536 : i32
    %add3A_1434 = arith.addi %add3A_9, %add3A_1433 : i32
    %dma_start3A_1435 = arith.constant 1 : i32
    %dma_start3A_1436 = arith.constant 0 : i32
    %dma_start3A_1437 = arith.constant 0 : i32
    %dma_start3A_1438 = tpu.memref_slice %arg9[%dma_start3A_1435, %dma_start3A_1436, %dma_start3A_1437] : memref<2x128x128xf32, #tpu.memory_space<vmem>> -> memref<1x128x128xf32, #tpu.memory_space<vmem>>
    %dma_start3A_1439 = tpu.memref_squeeze %dma_start3A_1438 : memref<1x128x128xf32, #tpu.memory_space<vmem>> -> memref<128x128xf32, #tpu.memory_space<vmem>>
    %dma_start3A_1440 = arith.constant 0 : i32
    %dma_start3A_1441 = tpu.memref_slice %arg5[%add3A_1434, %dma_start3A_1440] : memref<100000x128xf32, #tpu.memory_space<hbm>> -> memref<128x128xf32, #tpu.memory_space<hbm>>
    %dma_start3A_1442 = arith.constant 0 : i32
    %dma_start3A_1443 = arith.constant 0 : i32
    %dma_start3A_1444 = tpu.memref_slice %arg9[%dma_start3A_1435, %dma_start3A_1442, %dma_start3A_1443] : memref<2x128x128xf32, #tpu.memory_space<vmem>> -> memref<1x128x128xf32, #tpu.memory_space<vmem>>
    %dma_start3A_1445 = tpu.memref_squeeze %dma_start3A_1444 : memref<1x128x128xf32, #tpu.memory_space<vmem>> -> memref<128x128xf32, #tpu.memory_space<vmem>>
    %dma_start3A_1446 = arith.constant 0 : i32
    %dma_start3A_1447 = tpu.memref_slice %arg5[%add3A_1434, %dma_start3A_1446] : memref<100000x128xf32, #tpu.memory_space<hbm>> -> memref<128x128xf32, #tpu.memory_space<hbm>>
    tpu.enqueue_dma source(%dma_start3A_1447 : memref<128x128xf32, #tpu.memory_space<hbm>>) target(%dma_start3A_1445 : memref<128x128xf32, #tpu.memory_space<vmem>>) target_semaphore(%arg14 : memref<!tpu.dma_semaphore, #tpu.memory_space<semaphore_mem>>)
    %dma_wait3A_1448 = arith.constant 0 : i32
    %dma_wait3A_1449 = arith.constant 0 : i32
    %dma_wait3A_1450 = arith.constant 0 : i32
    %dma_wait3A_1451 = tpu.memref_slice %arg9[%dma_wait3A_1448, %dma_wait3A_1449, %dma_wait3A_1450] : memref<2x128x128xf32, #tpu.memory_space<vmem>> -> memref<1x128x128xf32, #tpu.memory_space<vmem>>
    %dma_wait3A_1452 = tpu.memref_squeeze %dma_wait3A_1451 : memref<1x128x128xf32, #tpu.memory_space<vmem>> -> memref<128x128xf32, #tpu.memory_space<vmem>>
    %dma_wait3A_1453 = arith.constant 0 : i32
    %dma_wait3A_1454 = tpu.memref_slice %arg5[%add3A_1380, %dma_wait3A_1453] : memref<100000x128xf32, #tpu.memory_space<hbm>> -> memref<128x128xf32, #tpu.memory_space<hbm>>
    %dma_wait3A_1455 = arith.constant 0 : i32
    %dma_wait3A_1456 = arith.constant 0 : i32
    %dma_wait3A_1457 = tpu.memref_slice %arg9[%dma_wait3A_1448, %dma_wait3A_1455, %dma_wait3A_1456] : memref<2x128x128xf32, #tpu.memory_space<vmem>> -> memref<1x128x128xf32, #tpu.memory_space<vmem>>
    %dma_wait3A_1458 = tpu.memref_squeeze %dma_wait3A_1457 : memref<1x128x128xf32, #tpu.memory_space<vmem>> -> memref<128x128xf32, #tpu.memory_space<vmem>>
    %dma_wait3A_1459 = arith.constant 0 : i32
    %dma_wait3A_1460 = tpu.memref_slice %arg5[%add3A_1380, %dma_wait3A_1459] : memref<100000x128xf32, #tpu.memory_space<hbm>> -> memref<128x128xf32, #tpu.memory_space<hbm>>
    tpu.wait_dma2 semaphore(%arg13 : memref<!tpu.dma_semaphore, #tpu.memory_space<semaphore_mem>>) src(%dma_wait3A_1460 : memref<128x128xf32, #tpu.memory_space<hbm>>) dst(%dma_wait3A_1458 : memref<128x128xf32, #tpu.memory_space<vmem>>)
    %dma_start3A_1461 = arith.constant 0 : i32
    %dma_start3A_1462 = arith.constant 1 : i32
    %dma_start3A_1463 = arith.constant 11 : i32
    %dma_start3A_1464 = arith.constant 0 : i32
    %dma_start3A_1465 = arith.constant 0 : i32
    %dma_start3A_1466 = tpu.memref_slice %arg9[%dma_start3A_1461, %dma_start3A_1464, %dma_start3A_1465] : memref<2x128x128xf32, #tpu.memory_space<vmem>> -> memref<1x128x128xf32, #tpu.memory_space<vmem>>
    %dma_start3A_1467 = tpu.memref_squeeze %dma_start3A_1466 : memref<1x128x128xf32, #tpu.memory_space<vmem>> -> memref<128x128xf32, #tpu.memory_space<vmem>>
    %dma_start3A_1468 = arith.constant 0 : i32
    %dma_start3A_1469 = tpu.memref_slice %arg10[%dma_start3A_1462, %dma_start3A_1463, %dma_start3A_1468] : memref<3x14x128xi32, #tpu.memory_space<vmem>> -> memref<1x1x128xi32, #tpu.memory_space<vmem>>
    %dma_start3A_1470 = tpu.memref_squeeze %dma_start3A_1469 : memref<1x1x128xi32, #tpu.memory_space<vmem>> -> memref<128xi32, #tpu.memory_space<vmem>>
    %dma_start3A_1471 = arith.constant 0 : i32
    %dma_start3A_1472 = arith.constant 0 : i32
    %dma_start3A_1473 = tpu.memref_slice %arg8[%dma_start3A_1471, %dma_start3A_1472] : memref<392x128xf32, #tpu.memory_space<vmem_shared>> -> memref<392x128xf32, #tpu.memory_space<vmem_shared>>
    tpu.enqueue_indirect_dma source(%dma_start3A_1467 : memref<128x128xf32, #tpu.memory_space<vmem>>) target(%dma_start3A_1473 : memref<392x128xf32, #tpu.memory_space<vmem_shared>>) offsets(%dma_start3A_1470 : memref<128xi32, #tpu.memory_space<vmem>>) semaphore(%arg15 : memref<!tpu.dma_semaphore, #tpu.memory_space<semaphore_mem>>) {add = true}
    %dma_wait3A_1474 = arith.constant 0 : i32
    %dma_wait3A_1475 = arith.constant 1 : i32
    %dma_wait3A_1476 = arith.constant 11 : i32
    %dma_wait3A_1477 = arith.constant 0 : i32
    %dma_wait3A_1478 = arith.constant 0 : i32
    %dma_wait3A_1479 = tpu.memref_slice %arg9[%dma_wait3A_1474, %dma_wait3A_1477, %dma_wait3A_1478] : memref<2x128x128xf32, #tpu.memory_space<vmem>> -> memref<1x128x128xf32, #tpu.memory_space<vmem>>
    %dma_wait3A_1480 = tpu.memref_squeeze %dma_wait3A_1479 : memref<1x128x128xf32, #tpu.memory_space<vmem>> -> memref<128x128xf32, #tpu.memory_space<vmem>>
    %dma_wait3A_1481 = arith.constant 0 : i32
    %dma_wait3A_1482 = tpu.memref_slice %arg10[%dma_wait3A_1475, %dma_wait3A_1476, %dma_wait3A_1481] : memref<3x14x128xi32, #tpu.memory_space<vmem>> -> memref<1x1x128xi32, #tpu.memory_space<vmem>>
    %dma_wait3A_1483 = tpu.memref_squeeze %dma_wait3A_1482 : memref<1x1x128xi32, #tpu.memory_space<vmem>> -> memref<128xi32, #tpu.memory_space<vmem>>
    %dma_wait3A_1484 = arith.constant 0 : i32
    %dma_wait3A_1485 = arith.constant 0 : i32
    %dma_wait3A_1486 = tpu.memref_slice %arg8[%dma_wait3A_1484, %dma_wait3A_1485] : memref<392x128xf32, #tpu.memory_space<vmem_shared>> -> memref<392x128xf32, #tpu.memory_space<vmem_shared>>
    tpu.wait_indirect_dma semaphore(%arg15 : memref<!tpu.dma_semaphore, #tpu.memory_space<semaphore_mem>>) src(%dma_wait3A_1480 : memref<128x128xf32, #tpu.memory_space<vmem>>) dst(%dma_wait3A_1486 : memref<392x128xf32, #tpu.memory_space<vmem_shared>>)
    %add3A_1487 = arith.constant 1664 : i32
    %add3A_1488 = arith.addi %add3A_9, %add3A_1487 : i32
    %dma_start3A_1489 = arith.constant 0 : i32
    %dma_start3A_1490 = arith.constant 0 : i32
    %dma_start3A_1491 = arith.constant 0 : i32
    %dma_start3A_1492 = tpu.memref_slice %arg9[%dma_start3A_1489, %dma_start3A_1490, %dma_start3A_1491] : memref<2x128x128xf32, #tpu.memory_space<vmem>> -> memref<1x128x128xf32, #tpu.memory_space<vmem>>
    %dma_start3A_1493 = tpu.memref_squeeze %dma_start3A_1492 : memref<1x128x128xf32, #tpu.memory_space<vmem>> -> memref<128x128xf32, #tpu.memory_space<vmem>>
    %dma_start3A_1494 = arith.constant 0 : i32
    %dma_start3A_1495 = tpu.memref_slice %arg5[%add3A_1488, %dma_start3A_1494] : memref<100000x128xf32, #tpu.memory_space<hbm>> -> memref<128x128xf32, #tpu.memory_space<hbm>>
    %dma_start3A_1496 = arith.constant 0 : i32
    %dma_start3A_1497 = arith.constant 0 : i32
    %dma_start3A_1498 = tpu.memref_slice %arg9[%dma_start3A_1489, %dma_start3A_1496, %dma_start3A_1497] : memref<2x128x128xf32, #tpu.memory_space<vmem>> -> memref<1x128x128xf32, #tpu.memory_space<vmem>>
    %dma_start3A_1499 = tpu.memref_squeeze %dma_start3A_1498 : memref<1x128x128xf32, #tpu.memory_space<vmem>> -> memref<128x128xf32, #tpu.memory_space<vmem>>
    %dma_start3A_1500 = arith.constant 0 : i32
    %dma_start3A_1501 = tpu.memref_slice %arg5[%add3A_1488, %dma_start3A_1500] : memref<100000x128xf32, #tpu.memory_space<hbm>> -> memref<128x128xf32, #tpu.memory_space<hbm>>
    tpu.enqueue_dma source(%dma_start3A_1501 : memref<128x128xf32, #tpu.memory_space<hbm>>) target(%dma_start3A_1499 : memref<128x128xf32, #tpu.memory_space<vmem>>) target_semaphore(%arg13 : memref<!tpu.dma_semaphore, #tpu.memory_space<semaphore_mem>>)
    %dma_wait3A_1502 = arith.constant 1 : i32
    %dma_wait3A_1503 = arith.constant 0 : i32
    %dma_wait3A_1504 = arith.constant 0 : i32
    %dma_wait3A_1505 = tpu.memref_slice %arg9[%dma_wait3A_1502, %dma_wait3A_1503, %dma_wait3A_1504] : memref<2x128x128xf32, #tpu.memory_space<vmem>> -> memref<1x128x128xf32, #tpu.memory_space<vmem>>
    %dma_wait3A_1506 = tpu.memref_squeeze %dma_wait3A_1505 : memref<1x128x128xf32, #tpu.memory_space<vmem>> -> memref<128x128xf32, #tpu.memory_space<vmem>>
    %dma_wait3A_1507 = arith.constant 0 : i32
    %dma_wait3A_1508 = tpu.memref_slice %arg5[%add3A_1434, %dma_wait3A_1507] : memref<100000x128xf32, #tpu.memory_space<hbm>> -> memref<128x128xf32, #tpu.memory_space<hbm>>
    %dma_wait3A_1509 = arith.constant 0 : i32
    %dma_wait3A_1510 = arith.constant 0 : i32
    %dma_wait3A_1511 = tpu.memref_slice %arg9[%dma_wait3A_1502, %dma_wait3A_1509, %dma_wait3A_1510] : memref<2x128x128xf32, #tpu.memory_space<vmem>> -> memref<1x128x128xf32, #tpu.memory_space<vmem>>
    %dma_wait3A_1512 = tpu.memref_squeeze %dma_wait3A_1511 : memref<1x128x128xf32, #tpu.memory_space<vmem>> -> memref<128x128xf32, #tpu.memory_space<vmem>>
    %dma_wait3A_1513 = arith.constant 0 : i32
    %dma_wait3A_1514 = tpu.memref_slice %arg5[%add3A_1434, %dma_wait3A_1513] : memref<100000x128xf32, #tpu.memory_space<hbm>> -> memref<128x128xf32, #tpu.memory_space<hbm>>
    tpu.wait_dma2 semaphore(%arg14 : memref<!tpu.dma_semaphore, #tpu.memory_space<semaphore_mem>>) src(%dma_wait3A_1514 : memref<128x128xf32, #tpu.memory_space<hbm>>) dst(%dma_wait3A_1512 : memref<128x128xf32, #tpu.memory_space<vmem>>)
    %dma_start3A_1515 = arith.constant 1 : i32
    %dma_start3A_1516 = arith.constant 1 : i32
    %dma_start3A_1517 = arith.constant 12 : i32
    %dma_start3A_1518 = arith.constant 0 : i32
    %dma_start3A_1519 = arith.constant 0 : i32
    %dma_start3A_1520 = tpu.memref_slice %arg9[%dma_start3A_1515, %dma_start3A_1518, %dma_start3A_1519] : memref<2x128x128xf32, #tpu.memory_space<vmem>> -> memref<1x128x128xf32, #tpu.memory_space<vmem>>
    %dma_start3A_1521 = tpu.memref_squeeze %dma_start3A_1520 : memref<1x128x128xf32, #tpu.memory_space<vmem>> -> memref<128x128xf32, #tpu.memory_space<vmem>>
    %dma_start3A_1522 = arith.constant 0 : i32
    %dma_start3A_1523 = tpu.memref_slice %arg10[%dma_start3A_1516, %dma_start3A_1517, %dma_start3A_1522] : memref<3x14x128xi32, #tpu.memory_space<vmem>> -> memref<1x1x128xi32, #tpu.memory_space<vmem>>
    %dma_start3A_1524 = tpu.memref_squeeze %dma_start3A_1523 : memref<1x1x128xi32, #tpu.memory_space<vmem>> -> memref<128xi32, #tpu.memory_space<vmem>>
    %dma_start3A_1525 = arith.constant 0 : i32
    %dma_start3A_1526 = arith.constant 0 : i32
    %dma_start3A_1527 = tpu.memref_slice %arg8[%dma_start3A_1525, %dma_start3A_1526] : memref<392x128xf32, #tpu.memory_space<vmem_shared>> -> memref<392x128xf32, #tpu.memory_space<vmem_shared>>
    tpu.enqueue_indirect_dma source(%dma_start3A_1521 : memref<128x128xf32, #tpu.memory_space<vmem>>) target(%dma_start3A_1527 : memref<392x128xf32, #tpu.memory_space<vmem_shared>>) offsets(%dma_start3A_1524 : memref<128xi32, #tpu.memory_space<vmem>>) semaphore(%arg16 : memref<!tpu.dma_semaphore, #tpu.memory_space<semaphore_mem>>) {add = true}
    %dma_wait3A_1528 = arith.constant 1 : i32
    %dma_wait3A_1529 = arith.constant 1 : i32
    %dma_wait3A_1530 = arith.constant 12 : i32
    %dma_wait3A_1531 = arith.constant 0 : i32
    %dma_wait3A_1532 = arith.constant 0 : i32
    %dma_wait3A_1533 = tpu.memref_slice %arg9[%dma_wait3A_1528, %dma_wait3A_1531, %dma_wait3A_1532] : memref<2x128x128xf32, #tpu.memory_space<vmem>> -> memref<1x128x128xf32, #tpu.memory_space<vmem>>
    %dma_wait3A_1534 = tpu.memref_squeeze %dma_wait3A_1533 : memref<1x128x128xf32, #tpu.memory_space<vmem>> -> memref<128x128xf32, #tpu.memory_space<vmem>>
    %dma_wait3A_1535 = arith.constant 0 : i32
    %dma_wait3A_1536 = tpu.memref_slice %arg10[%dma_wait3A_1529, %dma_wait3A_1530, %dma_wait3A_1535] : memref<3x14x128xi32, #tpu.memory_space<vmem>> -> memref<1x1x128xi32, #tpu.memory_space<vmem>>
    %dma_wait3A_1537 = tpu.memref_squeeze %dma_wait3A_1536 : memref<1x1x128xi32, #tpu.memory_space<vmem>> -> memref<128xi32, #tpu.memory_space<vmem>>
    %dma_wait3A_1538 = arith.constant 0 : i32
    %dma_wait3A_1539 = arith.constant 0 : i32
    %dma_wait3A_1540 = tpu.memref_slice %arg8[%dma_wait3A_1538, %dma_wait3A_1539] : memref<392x128xf32, #tpu.memory_space<vmem_shared>> -> memref<392x128xf32, #tpu.memory_space<vmem_shared>>
    tpu.wait_indirect_dma semaphore(%arg16 : memref<!tpu.dma_semaphore, #tpu.memory_space<semaphore_mem>>) src(%dma_wait3A_1534 : memref<128x128xf32, #tpu.memory_space<vmem>>) dst(%dma_wait3A_1540 : memref<392x128xf32, #tpu.memory_space<vmem_shared>>)
    %add3A_1541 = arith.constant 1792 : i32
    %add3A_1542 = arith.addi %add3A_9, %add3A_1541 : i32
    %dma_start3A_1543 = arith.constant 1 : i32
    %dma_start3A_1544 = arith.constant 0 : i32
    %dma_start3A_1545 = arith.constant 0 : i32
    %dma_start3A_1546 = tpu.memref_slice %arg9[%dma_start3A_1543, %dma_start3A_1544, %dma_start3A_1545] : memref<2x128x128xf32, #tpu.memory_space<vmem>> -> memref<1x56x128xf32, #tpu.memory_space<vmem>>
    %dma_start3A_1547 = tpu.memref_squeeze %dma_start3A_1546 : memref<1x56x128xf32, #tpu.memory_space<vmem>> -> memref<56x128xf32, #tpu.memory_space<vmem>>
    %dma_start3A_1548 = arith.constant 0 : i32
    %dma_start3A_1549 = tpu.memref_slice %arg5[%add3A_1542, %dma_start3A_1548] : memref<100000x128xf32, #tpu.memory_space<hbm>> -> memref<56x128xf32, #tpu.memory_space<hbm>>
    %dma_start3A_1550 = arith.constant 0 : i32
    %dma_start3A_1551 = arith.constant 0 : i32
    %dma_start3A_1552 = tpu.memref_slice %arg9[%dma_start3A_1543, %dma_start3A_1550, %dma_start3A_1551] : memref<2x128x128xf32, #tpu.memory_space<vmem>> -> memref<1x56x128xf32, #tpu.memory_space<vmem>>
    %dma_start3A_1553 = tpu.memref_squeeze %dma_start3A_1552 : memref<1x56x128xf32, #tpu.memory_space<vmem>> -> memref<56x128xf32, #tpu.memory_space<vmem>>
    %dma_start3A_1554 = arith.constant 0 : i32
    %dma_start3A_1555 = tpu.memref_slice %arg5[%add3A_1542, %dma_start3A_1554] : memref<100000x128xf32, #tpu.memory_space<hbm>> -> memref<56x128xf32, #tpu.memory_space<hbm>>
    tpu.enqueue_dma source(%dma_start3A_1555 : memref<56x128xf32, #tpu.memory_space<hbm>>) target(%dma_start3A_1553 : memref<56x128xf32, #tpu.memory_space<vmem>>) target_semaphore(%arg14 : memref<!tpu.dma_semaphore, #tpu.memory_space<semaphore_mem>>)
    %dma_wait3A_1556 = arith.constant 0 : i32
    %dma_wait3A_1557 = arith.constant 0 : i32
    %dma_wait3A_1558 = arith.constant 0 : i32
    %dma_wait3A_1559 = tpu.memref_slice %arg9[%dma_wait3A_1556, %dma_wait3A_1557, %dma_wait3A_1558] : memref<2x128x128xf32, #tpu.memory_space<vmem>> -> memref<1x128x128xf32, #tpu.memory_space<vmem>>
    %dma_wait3A_1560 = tpu.memref_squeeze %dma_wait3A_1559 : memref<1x128x128xf32, #tpu.memory_space<vmem>> -> memref<128x128xf32, #tpu.memory_space<vmem>>
    %dma_wait3A_1561 = arith.constant 0 : i32
    %dma_wait3A_1562 = tpu.memref_slice %arg5[%add3A_1488, %dma_wait3A_1561] : memref<100000x128xf32, #tpu.memory_space<hbm>> -> memref<128x128xf32, #tpu.memory_space<hbm>>
    %dma_wait3A_1563 = arith.constant 0 : i32
    %dma_wait3A_1564 = arith.constant 0 : i32
    %dma_wait3A_1565 = tpu.memref_slice %arg9[%dma_wait3A_1556, %dma_wait3A_1563, %dma_wait3A_1564] : memref<2x128x128xf32, #tpu.memory_space<vmem>> -> memref<1x128x128xf32, #tpu.memory_space<vmem>>
    %dma_wait3A_1566 = tpu.memref_squeeze %dma_wait3A_1565 : memref<1x128x128xf32, #tpu.memory_space<vmem>> -> memref<128x128xf32, #tpu.memory_space<vmem>>
    %dma_wait3A_1567 = arith.constant 0 : i32
    %dma_wait3A_1568 = tpu.memref_slice %arg5[%add3A_1488, %dma_wait3A_1567] : memref<100000x128xf32, #tpu.memory_space<hbm>> -> memref<128x128xf32, #tpu.memory_space<hbm>>
    tpu.wait_dma2 semaphore(%arg13 : memref<!tpu.dma_semaphore, #tpu.memory_space<semaphore_mem>>) src(%dma_wait3A_1568 : memref<128x128xf32, #tpu.memory_space<hbm>>) dst(%dma_wait3A_1566 : memref<128x128xf32, #tpu.memory_space<vmem>>)
    %dma_start3A_1569 = arith.constant 0 : i32
    %dma_start3A_1570 = arith.constant 1 : i32
    %dma_start3A_1571 = arith.constant 13 : i32
    %dma_start3A_1572 = arith.constant 0 : i32
    %dma_start3A_1573 = arith.constant 0 : i32
    %dma_start3A_1574 = tpu.memref_slice %arg9[%dma_start3A_1569, %dma_start3A_1572, %dma_start3A_1573] : memref<2x128x128xf32, #tpu.memory_space<vmem>> -> memref<1x128x128xf32, #tpu.memory_space<vmem>>
    %dma_start3A_1575 = tpu.memref_squeeze %dma_start3A_1574 : memref<1x128x128xf32, #tpu.memory_space<vmem>> -> memref<128x128xf32, #tpu.memory_space<vmem>>
    %dma_start3A_1576 = arith.constant 0 : i32
    %dma_start3A_1577 = tpu.memref_slice %arg10[%dma_start3A_1570, %dma_start3A_1571, %dma_start3A_1576] : memref<3x14x128xi32, #tpu.memory_space<vmem>> -> memref<1x1x128xi32, #tpu.memory_space<vmem>>
    %dma_start3A_1578 = tpu.memref_squeeze %dma_start3A_1577 : memref<1x1x128xi32, #tpu.memory_space<vmem>> -> memref<128xi32, #tpu.memory_space<vmem>>
    %dma_start3A_1579 = arith.constant 0 : i32
    %dma_start3A_1580 = arith.constant 0 : i32
    %dma_start3A_1581 = tpu.memref_slice %arg8[%dma_start3A_1579, %dma_start3A_1580] : memref<392x128xf32, #tpu.memory_space<vmem_shared>> -> memref<392x128xf32, #tpu.memory_space<vmem_shared>>
    tpu.enqueue_indirect_dma source(%dma_start3A_1575 : memref<128x128xf32, #tpu.memory_space<vmem>>) target(%dma_start3A_1581 : memref<392x128xf32, #tpu.memory_space<vmem_shared>>) offsets(%dma_start3A_1578 : memref<128xi32, #tpu.memory_space<vmem>>) semaphore(%arg15 : memref<!tpu.dma_semaphore, #tpu.memory_space<semaphore_mem>>) {add = true}
    %dma_wait3A_1582 = arith.constant 0 : i32
    %dma_wait3A_1583 = arith.constant 1 : i32
    %dma_wait3A_1584 = arith.constant 13 : i32
    %dma_wait3A_1585 = arith.constant 0 : i32
    %dma_wait3A_1586 = arith.constant 0 : i32
    %dma_wait3A_1587 = tpu.memref_slice %arg9[%dma_wait3A_1582, %dma_wait3A_1585, %dma_wait3A_1586] : memref<2x128x128xf32, #tpu.memory_space<vmem>> -> memref<1x128x128xf32, #tpu.memory_space<vmem>>
    %dma_wait3A_1588 = tpu.memref_squeeze %dma_wait3A_1587 : memref<1x128x128xf32, #tpu.memory_space<vmem>> -> memref<128x128xf32, #tpu.memory_space<vmem>>
    %dma_wait3A_1589 = arith.constant 0 : i32
    %dma_wait3A_1590 = tpu.memref_slice %arg10[%dma_wait3A_1583, %dma_wait3A_1584, %dma_wait3A_1589] : memref<3x14x128xi32, #tpu.memory_space<vmem>> -> memref<1x1x128xi32, #tpu.memory_space<vmem>>
    %dma_wait3A_1591 = tpu.memref_squeeze %dma_wait3A_1590 : memref<1x1x128xi32, #tpu.memory_space<vmem>> -> memref<128xi32, #tpu.memory_space<vmem>>
    %dma_wait3A_1592 = arith.constant 0 : i32
    %dma_wait3A_1593 = arith.constant 0 : i32
    %dma_wait3A_1594 = tpu.memref_slice %arg8[%dma_wait3A_1592, %dma_wait3A_1593] : memref<392x128xf32, #tpu.memory_space<vmem_shared>> -> memref<392x128xf32, #tpu.memory_space<vmem_shared>>
    tpu.wait_indirect_dma semaphore(%arg15 : memref<!tpu.dma_semaphore, #tpu.memory_space<semaphore_mem>>) src(%dma_wait3A_1588 : memref<128x128xf32, #tpu.memory_space<vmem>>) dst(%dma_wait3A_1594 : memref<392x128xf32, #tpu.memory_space<vmem_shared>>)
    %add3A_1595 = arith.constant 0 : i32
    %add3A_1596 = arith.addi %add3A_9, %add3A_1595 : i32
    %dma_start3A_1597 = arith.constant 0 : i32
    %dma_start3A_1598 = arith.constant 0 : i32
    %dma_start3A_1599 = arith.constant 0 : i32
    %dma_start3A_1600 = tpu.memref_slice %arg9[%dma_start3A_1597, %dma_start3A_1598, %dma_start3A_1599] : memref<2x128x128xf32, #tpu.memory_space<vmem>> -> memref<1x128x128xf32, #tpu.memory_space<vmem>>
    %dma_start3A_1601 = tpu.memref_squeeze %dma_start3A_1600 : memref<1x128x128xf32, #tpu.memory_space<vmem>> -> memref<128x128xf32, #tpu.memory_space<vmem>>
    %dma_start3A_1602 = arith.constant 0 : i32
    %dma_start3A_1603 = tpu.memref_slice %arg6[%add3A_1596, %dma_start3A_1602] : memref<100000x128xf32, #tpu.memory_space<hbm>> -> memref<128x128xf32, #tpu.memory_space<hbm>>
    %dma_start3A_1604 = arith.constant 0 : i32
    %dma_start3A_1605 = arith.constant 0 : i32
    %dma_start3A_1606 = tpu.memref_slice %arg9[%dma_start3A_1597, %dma_start3A_1604, %dma_start3A_1605] : memref<2x128x128xf32, #tpu.memory_space<vmem>> -> memref<1x128x128xf32, #tpu.memory_space<vmem>>
    %dma_start3A_1607 = tpu.memref_squeeze %dma_start3A_1606 : memref<1x128x128xf32, #tpu.memory_space<vmem>> -> memref<128x128xf32, #tpu.memory_space<vmem>>
    %dma_start3A_1608 = arith.constant 0 : i32
    %dma_start3A_1609 = tpu.memref_slice %arg6[%add3A_1596, %dma_start3A_1608] : memref<100000x128xf32, #tpu.memory_space<hbm>> -> memref<128x128xf32, #tpu.memory_space<hbm>>
    tpu.enqueue_dma source(%dma_start3A_1609 : memref<128x128xf32, #tpu.memory_space<hbm>>) target(%dma_start3A_1607 : memref<128x128xf32, #tpu.memory_space<vmem>>) target_semaphore(%arg13 : memref<!tpu.dma_semaphore, #tpu.memory_space<semaphore_mem>>)
    %dma_wait3A_1610 = arith.constant 1 : i32
    %dma_wait3A_1611 = arith.constant 0 : i32
    %dma_wait3A_1612 = arith.constant 0 : i32
    %dma_wait3A_1613 = tpu.memref_slice %arg9[%dma_wait3A_1610, %dma_wait3A_1611, %dma_wait3A_1612] : memref<2x128x128xf32, #tpu.memory_space<vmem>> -> memref<1x56x128xf32, #tpu.memory_space<vmem>>
    %dma_wait3A_1614 = tpu.memref_squeeze %dma_wait3A_1613 : memref<1x56x128xf32, #tpu.memory_space<vmem>> -> memref<56x128xf32, #tpu.memory_space<vmem>>
    %dma_wait3A_1615 = arith.constant 0 : i32
    %dma_wait3A_1616 = tpu.memref_slice %arg5[%add3A_1542, %dma_wait3A_1615] : memref<100000x128xf32, #tpu.memory_space<hbm>> -> memref<56x128xf32, #tpu.memory_space<hbm>>
    %dma_wait3A_1617 = arith.constant 0 : i32
    %dma_wait3A_1618 = arith.constant 0 : i32
    %dma_wait3A_1619 = tpu.memref_slice %arg9[%dma_wait3A_1610, %dma_wait3A_1617, %dma_wait3A_1618] : memref<2x128x128xf32, #tpu.memory_space<vmem>> -> memref<1x56x128xf32, #tpu.memory_space<vmem>>
    %dma_wait3A_1620 = tpu.memref_squeeze %dma_wait3A_1619 : memref<1x56x128xf32, #tpu.memory_space<vmem>> -> memref<56x128xf32, #tpu.memory_space<vmem>>
    %dma_wait3A_1621 = arith.constant 0 : i32
    %dma_wait3A_1622 = tpu.memref_slice %arg5[%add3A_1542, %dma_wait3A_1621] : memref<100000x128xf32, #tpu.memory_space<hbm>> -> memref<56x128xf32, #tpu.memory_space<hbm>>
    tpu.wait_dma2 semaphore(%arg14 : memref<!tpu.dma_semaphore, #tpu.memory_space<semaphore_mem>>) src(%dma_wait3A_1622 : memref<56x128xf32, #tpu.memory_space<hbm>>) dst(%dma_wait3A_1620 : memref<56x128xf32, #tpu.memory_space<vmem>>)
    %dma_start3A_1623 = arith.constant 1 : i32
    %dma_start3A_1624 = arith.constant 1 : i32
    %dma_start3A_1625 = arith.constant 0 : i32
    %dma_start3A_1626 = arith.constant 0 : i32
    %dma_start3A_1627 = tpu.memref_slice %arg9[%dma_start3A_1623, %dma_start3A_1625, %dma_start3A_1626] : memref<2x128x128xf32, #tpu.memory_space<vmem>> -> memref<1x56x128xf32, #tpu.memory_space<vmem>>
    %dma_start3A_1628 = tpu.memref_squeeze %dma_start3A_1627 : memref<1x56x128xf32, #tpu.memory_space<vmem>> -> memref<56x128xf32, #tpu.memory_space<vmem>>
    %dma_start3A_1629 = arith.constant 0 : i32
    %dma_start3A_1630 = tpu.memref_slice %arg11[%dma_start3A_1624, %dma_start3A_1629] : memref<8x56xi32, #tpu.memory_space<vmem>> -> memref<1x56xi32, #tpu.memory_space<vmem>>
    %dma_start3A_1631 = tpu.memref_squeeze %dma_start3A_1630 : memref<1x56xi32, #tpu.memory_space<vmem>> -> memref<56xi32, #tpu.memory_space<vmem>>
    %dma_start3A_1632 = arith.constant 0 : i32
    %dma_start3A_1633 = arith.constant 0 : i32
    %dma_start3A_1634 = tpu.memref_slice %arg8[%dma_start3A_1632, %dma_start3A_1633] : memref<392x128xf32, #tpu.memory_space<vmem_shared>> -> memref<392x128xf32, #tpu.memory_space<vmem_shared>>
    tpu.enqueue_indirect_dma source(%dma_start3A_1628 : memref<56x128xf32, #tpu.memory_space<vmem>>) target(%dma_start3A_1634 : memref<392x128xf32, #tpu.memory_space<vmem_shared>>) offsets(%dma_start3A_1631 : memref<56xi32, #tpu.memory_space<vmem>>) semaphore(%arg16 : memref<!tpu.dma_semaphore, #tpu.memory_space<semaphore_mem>>) {add = true}
    %dma_wait3A_1635 = arith.constant 1 : i32
    %dma_wait3A_1636 = arith.constant 1 : i32
    %dma_wait3A_1637 = arith.constant 0 : i32
    %dma_wait3A_1638 = arith.constant 0 : i32
    %dma_wait3A_1639 = tpu.memref_slice %arg9[%dma_wait3A_1635, %dma_wait3A_1637, %dma_wait3A_1638] : memref<2x128x128xf32, #tpu.memory_space<vmem>> -> memref<1x56x128xf32, #tpu.memory_space<vmem>>
    %dma_wait3A_1640 = tpu.memref_squeeze %dma_wait3A_1639 : memref<1x56x128xf32, #tpu.memory_space<vmem>> -> memref<56x128xf32, #tpu.memory_space<vmem>>
    %dma_wait3A_1641 = arith.constant 0 : i32
    %dma_wait3A_1642 = tpu.memref_slice %arg11[%dma_wait3A_1636, %dma_wait3A_1641] : memref<8x56xi32, #tpu.memory_space<vmem>> -> memref<1x56xi32, #tpu.memory_space<vmem>>
    %dma_wait3A_1643 = tpu.memref_squeeze %dma_wait3A_1642 : memref<1x56xi32, #tpu.memory_space<vmem>> -> memref<56xi32, #tpu.memory_space<vmem>>
    %dma_wait3A_1644 = arith.constant 0 : i32
    %dma_wait3A_1645 = arith.constant 0 : i32
    %dma_wait3A_1646 = tpu.memref_slice %arg8[%dma_wait3A_1644, %dma_wait3A_1645] : memref<392x128xf32, #tpu.memory_space<vmem_shared>> -> memref<392x128xf32, #tpu.memory_space<vmem_shared>>
    tpu.wait_indirect_dma semaphore(%arg16 : memref<!tpu.dma_semaphore, #tpu.memory_space<semaphore_mem>>) src(%dma_wait3A_1640 : memref<56x128xf32, #tpu.memory_space<vmem>>) dst(%dma_wait3A_1646 : memref<392x128xf32, #tpu.memory_space<vmem_shared>>)
    %add3A_1647 = arith.constant 128 : i32
    %add3A_1648 = arith.addi %add3A_9, %add3A_1647 : i32
    %dma_start3A_1649 = arith.constant 1 : i32
    %dma_start3A_1650 = arith.constant 0 : i32
    %dma_start3A_1651 = arith.constant 0 : i32
    %dma_start3A_1652 = tpu.memref_slice %arg9[%dma_start3A_1649, %dma_start3A_1650, %dma_start3A_1651] : memref<2x128x128xf32, #tpu.memory_space<vmem>> -> memref<1x128x128xf32, #tpu.memory_space<vmem>>
    %dma_start3A_1653 = tpu.memref_squeeze %dma_start3A_1652 : memref<1x128x128xf32, #tpu.memory_space<vmem>> -> memref<128x128xf32, #tpu.memory_space<vmem>>
    %dma_start3A_1654 = arith.constant 0 : i32
    %dma_start3A_1655 = tpu.memref_slice %arg6[%add3A_1648, %dma_start3A_1654] : memref<100000x128xf32, #tpu.memory_space<hbm>> -> memref<128x128xf32, #tpu.memory_space<hbm>>
    %dma_start3A_1656 = arith.constant 0 : i32
    %dma_start3A_1657 = arith.constant 0 : i32
    %dma_start3A_1658 = tpu.memref_slice %arg9[%dma_start3A_1649, %dma_start3A_1656, %dma_start3A_1657] : memref<2x128x128xf32, #tpu.memory_space<vmem>> -> memref<1x128x128xf32, #tpu.memory_space<vmem>>
    %dma_start3A_1659 = tpu.memref_squeeze %dma_start3A_1658 : memref<1x128x128xf32, #tpu.memory_space<vmem>> -> memref<128x128xf32, #tpu.memory_space<vmem>>
    %dma_start3A_1660 = arith.constant 0 : i32
    %dma_start3A_1661 = tpu.memref_slice %arg6[%add3A_1648, %dma_start3A_1660] : memref<100000x128xf32, #tpu.memory_space<hbm>> -> memref<128x128xf32, #tpu.memory_space<hbm>>
    tpu.enqueue_dma source(%dma_start3A_1661 : memref<128x128xf32, #tpu.memory_space<hbm>>) target(%dma_start3A_1659 : memref<128x128xf32, #tpu.memory_space<vmem>>) target_semaphore(%arg14 : memref<!tpu.dma_semaphore, #tpu.memory_space<semaphore_mem>>)
    %dma_wait3A_1662 = arith.constant 0 : i32
    %dma_wait3A_1663 = arith.constant 0 : i32
    %dma_wait3A_1664 = arith.constant 0 : i32
    %dma_wait3A_1665 = tpu.memref_slice %arg9[%dma_wait3A_1662, %dma_wait3A_1663, %dma_wait3A_1664] : memref<2x128x128xf32, #tpu.memory_space<vmem>> -> memref<1x128x128xf32, #tpu.memory_space<vmem>>
    %dma_wait3A_1666 = tpu.memref_squeeze %dma_wait3A_1665 : memref<1x128x128xf32, #tpu.memory_space<vmem>> -> memref<128x128xf32, #tpu.memory_space<vmem>>
    %dma_wait3A_1667 = arith.constant 0 : i32
    %dma_wait3A_1668 = tpu.memref_slice %arg6[%add3A_1596, %dma_wait3A_1667] : memref<100000x128xf32, #tpu.memory_space<hbm>> -> memref<128x128xf32, #tpu.memory_space<hbm>>
    %dma_wait3A_1669 = arith.constant 0 : i32
    %dma_wait3A_1670 = arith.constant 0 : i32
    %dma_wait3A_1671 = tpu.memref_slice %arg9[%dma_wait3A_1662, %dma_wait3A_1669, %dma_wait3A_1670] : memref<2x128x128xf32, #tpu.memory_space<vmem>> -> memref<1x128x128xf32, #tpu.memory_space<vmem>>
    %dma_wait3A_1672 = tpu.memref_squeeze %dma_wait3A_1671 : memref<1x128x128xf32, #tpu.memory_space<vmem>> -> memref<128x128xf32, #tpu.memory_space<vmem>>
    %dma_wait3A_1673 = arith.constant 0 : i32
    %dma_wait3A_1674 = tpu.memref_slice %arg6[%add3A_1596, %dma_wait3A_1673] : memref<100000x128xf32, #tpu.memory_space<hbm>> -> memref<128x128xf32, #tpu.memory_space<hbm>>
    tpu.wait_dma2 semaphore(%arg13 : memref<!tpu.dma_semaphore, #tpu.memory_space<semaphore_mem>>) src(%dma_wait3A_1674 : memref<128x128xf32, #tpu.memory_space<hbm>>) dst(%dma_wait3A_1672 : memref<128x128xf32, #tpu.memory_space<vmem>>)
    %dma_start3A_1675 = arith.constant 0 : i32
    %dma_start3A_1676 = arith.constant 2 : i32
    %dma_start3A_1677 = arith.constant 0 : i32
    %dma_start3A_1678 = arith.constant 0 : i32
    %dma_start3A_1679 = arith.constant 0 : i32
    %dma_start3A_1680 = tpu.memref_slice %arg9[%dma_start3A_1675, %dma_start3A_1678, %dma_start3A_1679] : memref<2x128x128xf32, #tpu.memory_space<vmem>> -> memref<1x128x128xf32, #tpu.memory_space<vmem>>
    %dma_start3A_1681 = tpu.memref_squeeze %dma_start3A_1680 : memref<1x128x128xf32, #tpu.memory_space<vmem>> -> memref<128x128xf32, #tpu.memory_space<vmem>>
    %dma_start3A_1682 = arith.constant 0 : i32
    %dma_start3A_1683 = tpu.memref_slice %arg10[%dma_start3A_1676, %dma_start3A_1677, %dma_start3A_1682] : memref<3x14x128xi32, #tpu.memory_space<vmem>> -> memref<1x1x128xi32, #tpu.memory_space<vmem>>
    %dma_start3A_1684 = tpu.memref_squeeze %dma_start3A_1683 : memref<1x1x128xi32, #tpu.memory_space<vmem>> -> memref<128xi32, #tpu.memory_space<vmem>>
    %dma_start3A_1685 = arith.constant 0 : i32
    %dma_start3A_1686 = arith.constant 0 : i32
    %dma_start3A_1687 = tpu.memref_slice %arg8[%dma_start3A_1685, %dma_start3A_1686] : memref<392x128xf32, #tpu.memory_space<vmem_shared>> -> memref<392x128xf32, #tpu.memory_space<vmem_shared>>
    tpu.enqueue_indirect_dma source(%dma_start3A_1681 : memref<128x128xf32, #tpu.memory_space<vmem>>) target(%dma_start3A_1687 : memref<392x128xf32, #tpu.memory_space<vmem_shared>>) offsets(%dma_start3A_1684 : memref<128xi32, #tpu.memory_space<vmem>>) semaphore(%arg15 : memref<!tpu.dma_semaphore, #tpu.memory_space<semaphore_mem>>) {add = true}
    %dma_wait3A_1688 = arith.constant 0 : i32
    %dma_wait3A_1689 = arith.constant 2 : i32
    %dma_wait3A_1690 = arith.constant 0 : i32
    %dma_wait3A_1691 = arith.constant 0 : i32
    %dma_wait3A_1692 = arith.constant 0 : i32
    %dma_wait3A_1693 = tpu.memref_slice %arg9[%dma_wait3A_1688, %dma_wait3A_1691, %dma_wait3A_1692] : memref<2x128x128xf32, #tpu.memory_space<vmem>> -> memref<1x128x128xf32, #tpu.memory_space<vmem>>
    %dma_wait3A_1694 = tpu.memref_squeeze %dma_wait3A_1693 : memref<1x128x128xf32, #tpu.memory_space<vmem>> -> memref<128x128xf32, #tpu.memory_space<vmem>>
    %dma_wait3A_1695 = arith.constant 0 : i32
    %dma_wait3A_1696 = tpu.memref_slice %arg10[%dma_wait3A_1689, %dma_wait3A_1690, %dma_wait3A_1695] : memref<3x14x128xi32, #tpu.memory_space<vmem>> -> memref<1x1x128xi32, #tpu.memory_space<vmem>>
    %dma_wait3A_1697 = tpu.memref_squeeze %dma_wait3A_1696 : memref<1x1x128xi32, #tpu.memory_space<vmem>> -> memref<128xi32, #tpu.memory_space<vmem>>
    %dma_wait3A_1698 = arith.constant 0 : i32
    %dma_wait3A_1699 = arith.constant 0 : i32
    %dma_wait3A_1700 = tpu.memref_slice %arg8[%dma_wait3A_1698, %dma_wait3A_1699] : memref<392x128xf32, #tpu.memory_space<vmem_shared>> -> memref<392x128xf32, #tpu.memory_space<vmem_shared>>
    tpu.wait_indirect_dma semaphore(%arg15 : memref<!tpu.dma_semaphore, #tpu.memory_space<semaphore_mem>>) src(%dma_wait3A_1694 : memref<128x128xf32, #tpu.memory_space<vmem>>) dst(%dma_wait3A_1700 : memref<392x128xf32, #tpu.memory_space<vmem_shared>>)
    %add3A_1701 = arith.constant 256 : i32
    %add3A_1702 = arith.addi %add3A_9, %add3A_1701 : i32
    %dma_start3A_1703 = arith.constant 0 : i32
    %dma_start3A_1704 = arith.constant 0 : i32
    %dma_start3A_1705 = arith.constant 0 : i32
    %dma_start3A_1706 = tpu.memref_slice %arg9[%dma_start3A_1703, %dma_start3A_1704, %dma_start3A_1705] : memref<2x128x128xf32, #tpu.memory_space<vmem>> -> memref<1x128x128xf32, #tpu.memory_space<vmem>>
    %dma_start3A_1707 = tpu.memref_squeeze %dma_start3A_1706 : memref<1x128x128xf32, #tpu.memory_space<vmem>> -> memref<128x128xf32, #tpu.memory_space<vmem>>
    %dma_start3A_1708 = arith.constant 0 : i32
    %dma_start3A_1709 = tpu.memref_slice %arg6[%add3A_1702, %dma_start3A_1708] : memref<100000x128xf32, #tpu.memory_space<hbm>> -> memref<128x128xf32, #tpu.memory_space<hbm>>
    %dma_start3A_1710 = arith.constant 0 : i32
    %dma_start3A_1711 = arith.constant 0 : i32
    %dma_start3A_1712 = tpu.memref_slice %arg9[%dma_start3A_1703, %dma_start3A_1710, %dma_start3A_1711] : memref<2x128x128xf32, #tpu.memory_space<vmem>> -> memref<1x128x128xf32, #tpu.memory_space<vmem>>
    %dma_start3A_1713 = tpu.memref_squeeze %dma_start3A_1712 : memref<1x128x128xf32, #tpu.memory_space<vmem>> -> memref<128x128xf32, #tpu.memory_space<vmem>>
    %dma_start3A_1714 = arith.constant 0 : i32
    %dma_start3A_1715 = tpu.memref_slice %arg6[%add3A_1702, %dma_start3A_1714] : memref<100000x128xf32, #tpu.memory_space<hbm>> -> memref<128x128xf32, #tpu.memory_space<hbm>>
    tpu.enqueue_dma source(%dma_start3A_1715 : memref<128x128xf32, #tpu.memory_space<hbm>>) target(%dma_start3A_1713 : memref<128x128xf32, #tpu.memory_space<vmem>>) target_semaphore(%arg13 : memref<!tpu.dma_semaphore, #tpu.memory_space<semaphore_mem>>)
    %dma_wait3A_1716 = arith.constant 1 : i32
    %dma_wait3A_1717 = arith.constant 0 : i32
    %dma_wait3A_1718 = arith.constant 0 : i32
    %dma_wait3A_1719 = tpu.memref_slice %arg9[%dma_wait3A_1716, %dma_wait3A_1717, %dma_wait3A_1718] : memref<2x128x128xf32, #tpu.memory_space<vmem>> -> memref<1x128x128xf32, #tpu.memory_space<vmem>>
    %dma_wait3A_1720 = tpu.memref_squeeze %dma_wait3A_1719 : memref<1x128x128xf32, #tpu.memory_space<vmem>> -> memref<128x128xf32, #tpu.memory_space<vmem>>
    %dma_wait3A_1721 = arith.constant 0 : i32
    %dma_wait3A_1722 = tpu.memref_slice %arg6[%add3A_1648, %dma_wait3A_1721] : memref<100000x128xf32, #tpu.memory_space<hbm>> -> memref<128x128xf32, #tpu.memory_space<hbm>>
    %dma_wait3A_1723 = arith.constant 0 : i32
    %dma_wait3A_1724 = arith.constant 0 : i32
    %dma_wait3A_1725 = tpu.memref_slice %arg9[%dma_wait3A_1716, %dma_wait3A_1723, %dma_wait3A_1724] : memref<2x128x128xf32, #tpu.memory_space<vmem>> -> memref<1x128x128xf32, #tpu.memory_space<vmem>>
    %dma_wait3A_1726 = tpu.memref_squeeze %dma_wait3A_1725 : memref<1x128x128xf32, #tpu.memory_space<vmem>> -> memref<128x128xf32, #tpu.memory_space<vmem>>
    %dma_wait3A_1727 = arith.constant 0 : i32
    %dma_wait3A_1728 = tpu.memref_slice %arg6[%add3A_1648, %dma_wait3A_1727] : memref<100000x128xf32, #tpu.memory_space<hbm>> -> memref<128x128xf32, #tpu.memory_space<hbm>>
    tpu.wait_dma2 semaphore(%arg14 : memref<!tpu.dma_semaphore, #tpu.memory_space<semaphore_mem>>) src(%dma_wait3A_1728 : memref<128x128xf32, #tpu.memory_space<hbm>>) dst(%dma_wait3A_1726 : memref<128x128xf32, #tpu.memory_space<vmem>>)
    %dma_start3A_1729 = arith.constant 1 : i32
    %dma_start3A_1730 = arith.constant 2 : i32
    %dma_start3A_1731 = arith.constant 1 : i32
    %dma_start3A_1732 = arith.constant 0 : i32
    %dma_start3A_1733 = arith.constant 0 : i32
    %dma_start3A_1734 = tpu.memref_slice %arg9[%dma_start3A_1729, %dma_start3A_1732, %dma_start3A_1733] : memref<2x128x128xf32, #tpu.memory_space<vmem>> -> memref<1x128x128xf32, #tpu.memory_space<vmem>>
    %dma_start3A_1735 = tpu.memref_squeeze %dma_start3A_1734 : memref<1x128x128xf32, #tpu.memory_space<vmem>> -> memref<128x128xf32, #tpu.memory_space<vmem>>
    %dma_start3A_1736 = arith.constant 0 : i32
    %dma_start3A_1737 = tpu.memref_slice %arg10[%dma_start3A_1730, %dma_start3A_1731, %dma_start3A_1736] : memref<3x14x128xi32, #tpu.memory_space<vmem>> -> memref<1x1x128xi32, #tpu.memory_space<vmem>>
    %dma_start3A_1738 = tpu.memref_squeeze %dma_start3A_1737 : memref<1x1x128xi32, #tpu.memory_space<vmem>> -> memref<128xi32, #tpu.memory_space<vmem>>
    %dma_start3A_1739 = arith.constant 0 : i32
    %dma_start3A_1740 = arith.constant 0 : i32
    %dma_start3A_1741 = tpu.memref_slice %arg8[%dma_start3A_1739, %dma_start3A_1740] : memref<392x128xf32, #tpu.memory_space<vmem_shared>> -> memref<392x128xf32, #tpu.memory_space<vmem_shared>>
    tpu.enqueue_indirect_dma source(%dma_start3A_1735 : memref<128x128xf32, #tpu.memory_space<vmem>>) target(%dma_start3A_1741 : memref<392x128xf32, #tpu.memory_space<vmem_shared>>) offsets(%dma_start3A_1738 : memref<128xi32, #tpu.memory_space<vmem>>) semaphore(%arg16 : memref<!tpu.dma_semaphore, #tpu.memory_space<semaphore_mem>>) {add = true}
    %dma_wait3A_1742 = arith.constant 1 : i32
    %dma_wait3A_1743 = arith.constant 2 : i32
    %dma_wait3A_1744 = arith.constant 1 : i32
    %dma_wait3A_1745 = arith.constant 0 : i32
    %dma_wait3A_1746 = arith.constant 0 : i32
    %dma_wait3A_1747 = tpu.memref_slice %arg9[%dma_wait3A_1742, %dma_wait3A_1745, %dma_wait3A_1746] : memref<2x128x128xf32, #tpu.memory_space<vmem>> -> memref<1x128x128xf32, #tpu.memory_space<vmem>>
    %dma_wait3A_1748 = tpu.memref_squeeze %dma_wait3A_1747 : memref<1x128x128xf32, #tpu.memory_space<vmem>> -> memref<128x128xf32, #tpu.memory_space<vmem>>
    %dma_wait3A_1749 = arith.constant 0 : i32
    %dma_wait3A_1750 = tpu.memref_slice %arg10[%dma_wait3A_1743, %dma_wait3A_1744, %dma_wait3A_1749] : memref<3x14x128xi32, #tpu.memory_space<vmem>> -> memref<1x1x128xi32, #tpu.memory_space<vmem>>
    %dma_wait3A_1751 = tpu.memref_squeeze %dma_wait3A_1750 : memref<1x1x128xi32, #tpu.memory_space<vmem>> -> memref<128xi32, #tpu.memory_space<vmem>>
    %dma_wait3A_1752 = arith.constant 0 : i32
    %dma_wait3A_1753 = arith.constant 0 : i32
    %dma_wait3A_1754 = tpu.memref_slice %arg8[%dma_wait3A_1752, %dma_wait3A_1753] : memref<392x128xf32, #tpu.memory_space<vmem_shared>> -> memref<392x128xf32, #tpu.memory_space<vmem_shared>>
    tpu.wait_indirect_dma semaphore(%arg16 : memref<!tpu.dma_semaphore, #tpu.memory_space<semaphore_mem>>) src(%dma_wait3A_1748 : memref<128x128xf32, #tpu.memory_space<vmem>>) dst(%dma_wait3A_1754 : memref<392x128xf32, #tpu.memory_space<vmem_shared>>)
    %add3A_1755 = arith.constant 384 : i32
    %add3A_1756 = arith.addi %add3A_9, %add3A_1755 : i32
    %dma_start3A_1757 = arith.constant 1 : i32
    %dma_start3A_1758 = arith.constant 0 : i32
    %dma_start3A_1759 = arith.constant 0 : i32
    %dma_start3A_1760 = tpu.memref_slice %arg9[%dma_start3A_1757, %dma_start3A_1758, %dma_start3A_1759] : memref<2x128x128xf32, #tpu.memory_space<vmem>> -> memref<1x128x128xf32, #tpu.memory_space<vmem>>
    %dma_start3A_1761 = tpu.memref_squeeze %dma_start3A_1760 : memref<1x128x128xf32, #tpu.memory_space<vmem>> -> memref<128x128xf32, #tpu.memory_space<vmem>>
    %dma_start3A_1762 = arith.constant 0 : i32
    %dma_start3A_1763 = tpu.memref_slice %arg6[%add3A_1756, %dma_start3A_1762] : memref<100000x128xf32, #tpu.memory_space<hbm>> -> memref<128x128xf32, #tpu.memory_space<hbm>>
    %dma_start3A_1764 = arith.constant 0 : i32
    %dma_start3A_1765 = arith.constant 0 : i32
    %dma_start3A_1766 = tpu.memref_slice %arg9[%dma_start3A_1757, %dma_start3A_1764, %dma_start3A_1765] : memref<2x128x128xf32, #tpu.memory_space<vmem>> -> memref<1x128x128xf32, #tpu.memory_space<vmem>>
    %dma_start3A_1767 = tpu.memref_squeeze %dma_start3A_1766 : memref<1x128x128xf32, #tpu.memory_space<vmem>> -> memref<128x128xf32, #tpu.memory_space<vmem>>
    %dma_start3A_1768 = arith.constant 0 : i32
    %dma_start3A_1769 = tpu.memref_slice %arg6[%add3A_1756, %dma_start3A_1768] : memref<100000x128xf32, #tpu.memory_space<hbm>> -> memref<128x128xf32, #tpu.memory_space<hbm>>
    tpu.enqueue_dma source(%dma_start3A_1769 : memref<128x128xf32, #tpu.memory_space<hbm>>) target(%dma_start3A_1767 : memref<128x128xf32, #tpu.memory_space<vmem>>) target_semaphore(%arg14 : memref<!tpu.dma_semaphore, #tpu.memory_space<semaphore_mem>>)
    %dma_wait3A_1770 = arith.constant 0 : i32
    %dma_wait3A_1771 = arith.constant 0 : i32
    %dma_wait3A_1772 = arith.constant 0 : i32
    %dma_wait3A_1773 = tpu.memref_slice %arg9[%dma_wait3A_1770, %dma_wait3A_1771, %dma_wait3A_1772] : memref<2x128x128xf32, #tpu.memory_space<vmem>> -> memref<1x128x128xf32, #tpu.memory_space<vmem>>
    %dma_wait3A_1774 = tpu.memref_squeeze %dma_wait3A_1773 : memref<1x128x128xf32, #tpu.memory_space<vmem>> -> memref<128x128xf32, #tpu.memory_space<vmem>>
    %dma_wait3A_1775 = arith.constant 0 : i32
    %dma_wait3A_1776 = tpu.memref_slice %arg6[%add3A_1702, %dma_wait3A_1775] : memref<100000x128xf32, #tpu.memory_space<hbm>> -> memref<128x128xf32, #tpu.memory_space<hbm>>
    %dma_wait3A_1777 = arith.constant 0 : i32
    %dma_wait3A_1778 = arith.constant 0 : i32
    %dma_wait3A_1779 = tpu.memref_slice %arg9[%dma_wait3A_1770, %dma_wait3A_1777, %dma_wait3A_1778] : memref<2x128x128xf32, #tpu.memory_space<vmem>> -> memref<1x128x128xf32, #tpu.memory_space<vmem>>
    %dma_wait3A_1780 = tpu.memref_squeeze %dma_wait3A_1779 : memref<1x128x128xf32, #tpu.memory_space<vmem>> -> memref<128x128xf32, #tpu.memory_space<vmem>>
    %dma_wait3A_1781 = arith.constant 0 : i32
    %dma_wait3A_1782 = tpu.memref_slice %arg6[%add3A_1702, %dma_wait3A_1781] : memref<100000x128xf32, #tpu.memory_space<hbm>> -> memref<128x128xf32, #tpu.memory_space<hbm>>
    tpu.wait_dma2 semaphore(%arg13 : memref<!tpu.dma_semaphore, #tpu.memory_space<semaphore_mem>>) src(%dma_wait3A_1782 : memref<128x128xf32, #tpu.memory_space<hbm>>) dst(%dma_wait3A_1780 : memref<128x128xf32, #tpu.memory_space<vmem>>)
    %dma_start3A_1783 = arith.constant 0 : i32
    %dma_start3A_1784 = arith.constant 2 : i32
    %dma_start3A_1785 = arith.constant 2 : i32
    %dma_start3A_1786 = arith.constant 0 : i32
    %dma_start3A_1787 = arith.constant 0 : i32
    %dma_start3A_1788 = tpu.memref_slice %arg9[%dma_start3A_1783, %dma_start3A_1786, %dma_start3A_1787] : memref<2x128x128xf32, #tpu.memory_space<vmem>> -> memref<1x128x128xf32, #tpu.memory_space<vmem>>
    %dma_start3A_1789 = tpu.memref_squeeze %dma_start3A_1788 : memref<1x128x128xf32, #tpu.memory_space<vmem>> -> memref<128x128xf32, #tpu.memory_space<vmem>>
    %dma_start3A_1790 = arith.constant 0 : i32
    %dma_start3A_1791 = tpu.memref_slice %arg10[%dma_start3A_1784, %dma_start3A_1785, %dma_start3A_1790] : memref<3x14x128xi32, #tpu.memory_space<vmem>> -> memref<1x1x128xi32, #tpu.memory_space<vmem>>
    %dma_start3A_1792 = tpu.memref_squeeze %dma_start3A_1791 : memref<1x1x128xi32, #tpu.memory_space<vmem>> -> memref<128xi32, #tpu.memory_space<vmem>>
    %dma_start3A_1793 = arith.constant 0 : i32
    %dma_start3A_1794 = arith.constant 0 : i32
    %dma_start3A_1795 = tpu.memref_slice %arg8[%dma_start3A_1793, %dma_start3A_1794] : memref<392x128xf32, #tpu.memory_space<vmem_shared>> -> memref<392x128xf32, #tpu.memory_space<vmem_shared>>
    tpu.enqueue_indirect_dma source(%dma_start3A_1789 : memref<128x128xf32, #tpu.memory_space<vmem>>) target(%dma_start3A_1795 : memref<392x128xf32, #tpu.memory_space<vmem_shared>>) offsets(%dma_start3A_1792 : memref<128xi32, #tpu.memory_space<vmem>>) semaphore(%arg15 : memref<!tpu.dma_semaphore, #tpu.memory_space<semaphore_mem>>) {add = true}
    %dma_wait3A_1796 = arith.constant 0 : i32
    %dma_wait3A_1797 = arith.constant 2 : i32
    %dma_wait3A_1798 = arith.constant 2 : i32
    %dma_wait3A_1799 = arith.constant 0 : i32
    %dma_wait3A_1800 = arith.constant 0 : i32
    %dma_wait3A_1801 = tpu.memref_slice %arg9[%dma_wait3A_1796, %dma_wait3A_1799, %dma_wait3A_1800] : memref<2x128x128xf32, #tpu.memory_space<vmem>> -> memref<1x128x128xf32, #tpu.memory_space<vmem>>
    %dma_wait3A_1802 = tpu.memref_squeeze %dma_wait3A_1801 : memref<1x128x128xf32, #tpu.memory_space<vmem>> -> memref<128x128xf32, #tpu.memory_space<vmem>>
    %dma_wait3A_1803 = arith.constant 0 : i32
    %dma_wait3A_1804 = tpu.memref_slice %arg10[%dma_wait3A_1797, %dma_wait3A_1798, %dma_wait3A_1803] : memref<3x14x128xi32, #tpu.memory_space<vmem>> -> memref<1x1x128xi32, #tpu.memory_space<vmem>>
    %dma_wait3A_1805 = tpu.memref_squeeze %dma_wait3A_1804 : memref<1x1x128xi32, #tpu.memory_space<vmem>> -> memref<128xi32, #tpu.memory_space<vmem>>
    %dma_wait3A_1806 = arith.constant 0 : i32
    %dma_wait3A_1807 = arith.constant 0 : i32
    %dma_wait3A_1808 = tpu.memref_slice %arg8[%dma_wait3A_1806, %dma_wait3A_1807] : memref<392x128xf32, #tpu.memory_space<vmem_shared>> -> memref<392x128xf32, #tpu.memory_space<vmem_shared>>
    tpu.wait_indirect_dma semaphore(%arg15 : memref<!tpu.dma_semaphore, #tpu.memory_space<semaphore_mem>>) src(%dma_wait3A_1802 : memref<128x128xf32, #tpu.memory_space<vmem>>) dst(%dma_wait3A_1808 : memref<392x128xf32, #tpu.memory_space<vmem_shared>>)
    %add3A_1809 = arith.constant 512 : i32
    %add3A_1810 = arith.addi %add3A_9, %add3A_1809 : i32
    %dma_start3A_1811 = arith.constant 0 : i32
    %dma_start3A_1812 = arith.constant 0 : i32
    %dma_start3A_1813 = arith.constant 0 : i32
    %dma_start3A_1814 = tpu.memref_slice %arg9[%dma_start3A_1811, %dma_start3A_1812, %dma_start3A_1813] : memref<2x128x128xf32, #tpu.memory_space<vmem>> -> memref<1x128x128xf32, #tpu.memory_space<vmem>>
    %dma_start3A_1815 = tpu.memref_squeeze %dma_start3A_1814 : memref<1x128x128xf32, #tpu.memory_space<vmem>> -> memref<128x128xf32, #tpu.memory_space<vmem>>
    %dma_start3A_1816 = arith.constant 0 : i32
    %dma_start3A_1817 = tpu.memref_slice %arg6[%add3A_1810, %dma_start3A_1816] : memref<100000x128xf32, #tpu.memory_space<hbm>> -> memref<128x128xf32, #tpu.memory_space<hbm>>
    %dma_start3A_1818 = arith.constant 0 : i32
    %dma_start3A_1819 = arith.constant 0 : i32
    %dma_start3A_1820 = tpu.memref_slice %arg9[%dma_start3A_1811, %dma_start3A_1818, %dma_start3A_1819] : memref<2x128x128xf32, #tpu.memory_space<vmem>> -> memref<1x128x128xf32, #tpu.memory_space<vmem>>
    %dma_start3A_1821 = tpu.memref_squeeze %dma_start3A_1820 : memref<1x128x128xf32, #tpu.memory_space<vmem>> -> memref<128x128xf32, #tpu.memory_space<vmem>>
    %dma_start3A_1822 = arith.constant 0 : i32
    %dma_start3A_1823 = tpu.memref_slice %arg6[%add3A_1810, %dma_start3A_1822] : memref<100000x128xf32, #tpu.memory_space<hbm>> -> memref<128x128xf32, #tpu.memory_space<hbm>>
    tpu.enqueue_dma source(%dma_start3A_1823 : memref<128x128xf32, #tpu.memory_space<hbm>>) target(%dma_start3A_1821 : memref<128x128xf32, #tpu.memory_space<vmem>>) target_semaphore(%arg13 : memref<!tpu.dma_semaphore, #tpu.memory_space<semaphore_mem>>)
    %dma_wait3A_1824 = arith.constant 1 : i32
    %dma_wait3A_1825 = arith.constant 0 : i32
    %dma_wait3A_1826 = arith.constant 0 : i32
    %dma_wait3A_1827 = tpu.memref_slice %arg9[%dma_wait3A_1824, %dma_wait3A_1825, %dma_wait3A_1826] : memref<2x128x128xf32, #tpu.memory_space<vmem>> -> memref<1x128x128xf32, #tpu.memory_space<vmem>>
    %dma_wait3A_1828 = tpu.memref_squeeze %dma_wait3A_1827 : memref<1x128x128xf32, #tpu.memory_space<vmem>> -> memref<128x128xf32, #tpu.memory_space<vmem>>
    %dma_wait3A_1829 = arith.constant 0 : i32
    %dma_wait3A_1830 = tpu.memref_slice %arg6[%add3A_1756, %dma_wait3A_1829] : memref<100000x128xf32, #tpu.memory_space<hbm>> -> memref<128x128xf32, #tpu.memory_space<hbm>>
    %dma_wait3A_1831 = arith.constant 0 : i32
    %dma_wait3A_1832 = arith.constant 0 : i32
    %dma_wait3A_1833 = tpu.memref_slice %arg9[%dma_wait3A_1824, %dma_wait3A_1831, %dma_wait3A_1832] : memref<2x128x128xf32, #tpu.memory_space<vmem>> -> memref<1x128x128xf32, #tpu.memory_space<vmem>>
    %dma_wait3A_1834 = tpu.memref_squeeze %dma_wait3A_1833 : memref<1x128x128xf32, #tpu.memory_space<vmem>> -> memref<128x128xf32, #tpu.memory_space<vmem>>
    %dma_wait3A_1835 = arith.constant 0 : i32
    %dma_wait3A_1836 = tpu.memref_slice %arg6[%add3A_1756, %dma_wait3A_1835] : memref<100000x128xf32, #tpu.memory_space<hbm>> -> memref<128x128xf32, #tpu.memory_space<hbm>>
    tpu.wait_dma2 semaphore(%arg14 : memref<!tpu.dma_semaphore, #tpu.memory_space<semaphore_mem>>) src(%dma_wait3A_1836 : memref<128x128xf32, #tpu.memory_space<hbm>>) dst(%dma_wait3A_1834 : memref<128x128xf32, #tpu.memory_space<vmem>>)
    %dma_start3A_1837 = arith.constant 1 : i32
    %dma_start3A_1838 = arith.constant 2 : i32
    %dma_start3A_1839 = arith.constant 3 : i32
    %dma_start3A_1840 = arith.constant 0 : i32
    %dma_start3A_1841 = arith.constant 0 : i32
    %dma_start3A_1842 = tpu.memref_slice %arg9[%dma_start3A_1837, %dma_start3A_1840, %dma_start3A_1841] : memref<2x128x128xf32, #tpu.memory_space<vmem>> -> memref<1x128x128xf32, #tpu.memory_space<vmem>>
    %dma_start3A_1843 = tpu.memref_squeeze %dma_start3A_1842 : memref<1x128x128xf32, #tpu.memory_space<vmem>> -> memref<128x128xf32, #tpu.memory_space<vmem>>
    %dma_start3A_1844 = arith.constant 0 : i32
    %dma_start3A_1845 = tpu.memref_slice %arg10[%dma_start3A_1838, %dma_start3A_1839, %dma_start3A_1844] : memref<3x14x128xi32, #tpu.memory_space<vmem>> -> memref<1x1x128xi32, #tpu.memory_space<vmem>>
    %dma_start3A_1846 = tpu.memref_squeeze %dma_start3A_1845 : memref<1x1x128xi32, #tpu.memory_space<vmem>> -> memref<128xi32, #tpu.memory_space<vmem>>
    %dma_start3A_1847 = arith.constant 0 : i32
    %dma_start3A_1848 = arith.constant 0 : i32
    %dma_start3A_1849 = tpu.memref_slice %arg8[%dma_start3A_1847, %dma_start3A_1848] : memref<392x128xf32, #tpu.memory_space<vmem_shared>> -> memref<392x128xf32, #tpu.memory_space<vmem_shared>>
    tpu.enqueue_indirect_dma source(%dma_start3A_1843 : memref<128x128xf32, #tpu.memory_space<vmem>>) target(%dma_start3A_1849 : memref<392x128xf32, #tpu.memory_space<vmem_shared>>) offsets(%dma_start3A_1846 : memref<128xi32, #tpu.memory_space<vmem>>) semaphore(%arg16 : memref<!tpu.dma_semaphore, #tpu.memory_space<semaphore_mem>>) {add = true}
    %dma_wait3A_1850 = arith.constant 1 : i32
    %dma_wait3A_1851 = arith.constant 2 : i32
    %dma_wait3A_1852 = arith.constant 3 : i32
    %dma_wait3A_1853 = arith.constant 0 : i32
    %dma_wait3A_1854 = arith.constant 0 : i32
    %dma_wait3A_1855 = tpu.memref_slice %arg9[%dma_wait3A_1850, %dma_wait3A_1853, %dma_wait3A_1854] : memref<2x128x128xf32, #tpu.memory_space<vmem>> -> memref<1x128x128xf32, #tpu.memory_space<vmem>>
    %dma_wait3A_1856 = tpu.memref_squeeze %dma_wait3A_1855 : memref<1x128x128xf32, #tpu.memory_space<vmem>> -> memref<128x128xf32, #tpu.memory_space<vmem>>
    %dma_wait3A_1857 = arith.constant 0 : i32
    %dma_wait3A_1858 = tpu.memref_slice %arg10[%dma_wait3A_1851, %dma_wait3A_1852, %dma_wait3A_1857] : memref<3x14x128xi32, #tpu.memory_space<vmem>> -> memref<1x1x128xi32, #tpu.memory_space<vmem>>
    %dma_wait3A_1859 = tpu.memref_squeeze %dma_wait3A_1858 : memref<1x1x128xi32, #tpu.memory_space<vmem>> -> memref<128xi32, #tpu.memory_space<vmem>>
    %dma_wait3A_1860 = arith.constant 0 : i32
    %dma_wait3A_1861 = arith.constant 0 : i32
    %dma_wait3A_1862 = tpu.memref_slice %arg8[%dma_wait3A_1860, %dma_wait3A_1861] : memref<392x128xf32, #tpu.memory_space<vmem_shared>> -> memref<392x128xf32, #tpu.memory_space<vmem_shared>>
    tpu.wait_indirect_dma semaphore(%arg16 : memref<!tpu.dma_semaphore, #tpu.memory_space<semaphore_mem>>) src(%dma_wait3A_1856 : memref<128x128xf32, #tpu.memory_space<vmem>>) dst(%dma_wait3A_1862 : memref<392x128xf32, #tpu.memory_space<vmem_shared>>)
    %add3A_1863 = arith.constant 640 : i32
    %add3A_1864 = arith.addi %add3A_9, %add3A_1863 : i32
    %dma_start3A_1865 = arith.constant 1 : i32
    %dma_start3A_1866 = arith.constant 0 : i32
    %dma_start3A_1867 = arith.constant 0 : i32
    %dma_start3A_1868 = tpu.memref_slice %arg9[%dma_start3A_1865, %dma_start3A_1866, %dma_start3A_1867] : memref<2x128x128xf32, #tpu.memory_space<vmem>> -> memref<1x128x128xf32, #tpu.memory_space<vmem>>
    %dma_start3A_1869 = tpu.memref_squeeze %dma_start3A_1868 : memref<1x128x128xf32, #tpu.memory_space<vmem>> -> memref<128x128xf32, #tpu.memory_space<vmem>>
    %dma_start3A_1870 = arith.constant 0 : i32
    %dma_start3A_1871 = tpu.memref_slice %arg6[%add3A_1864, %dma_start3A_1870] : memref<100000x128xf32, #tpu.memory_space<hbm>> -> memref<128x128xf32, #tpu.memory_space<hbm>>
    %dma_start3A_1872 = arith.constant 0 : i32
    %dma_start3A_1873 = arith.constant 0 : i32
    %dma_start3A_1874 = tpu.memref_slice %arg9[%dma_start3A_1865, %dma_start3A_1872, %dma_start3A_1873] : memref<2x128x128xf32, #tpu.memory_space<vmem>> -> memref<1x128x128xf32, #tpu.memory_space<vmem>>
    %dma_start3A_1875 = tpu.memref_squeeze %dma_start3A_1874 : memref<1x128x128xf32, #tpu.memory_space<vmem>> -> memref<128x128xf32, #tpu.memory_space<vmem>>
    %dma_start3A_1876 = arith.constant 0 : i32
    %dma_start3A_1877 = tpu.memref_slice %arg6[%add3A_1864, %dma_start3A_1876] : memref<100000x128xf32, #tpu.memory_space<hbm>> -> memref<128x128xf32, #tpu.memory_space<hbm>>
    tpu.enqueue_dma source(%dma_start3A_1877 : memref<128x128xf32, #tpu.memory_space<hbm>>) target(%dma_start3A_1875 : memref<128x128xf32, #tpu.memory_space<vmem>>) target_semaphore(%arg14 : memref<!tpu.dma_semaphore, #tpu.memory_space<semaphore_mem>>)
    %dma_wait3A_1878 = arith.constant 0 : i32
    %dma_wait3A_1879 = arith.constant 0 : i32
    %dma_wait3A_1880 = arith.constant 0 : i32
    %dma_wait3A_1881 = tpu.memref_slice %arg9[%dma_wait3A_1878, %dma_wait3A_1879, %dma_wait3A_1880] : memref<2x128x128xf32, #tpu.memory_space<vmem>> -> memref<1x128x128xf32, #tpu.memory_space<vmem>>
    %dma_wait3A_1882 = tpu.memref_squeeze %dma_wait3A_1881 : memref<1x128x128xf32, #tpu.memory_space<vmem>> -> memref<128x128xf32, #tpu.memory_space<vmem>>
    %dma_wait3A_1883 = arith.constant 0 : i32
    %dma_wait3A_1884 = tpu.memref_slice %arg6[%add3A_1810, %dma_wait3A_1883] : memref<100000x128xf32, #tpu.memory_space<hbm>> -> memref<128x128xf32, #tpu.memory_space<hbm>>
    %dma_wait3A_1885 = arith.constant 0 : i32
    %dma_wait3A_1886 = arith.constant 0 : i32
    %dma_wait3A_1887 = tpu.memref_slice %arg9[%dma_wait3A_1878, %dma_wait3A_1885, %dma_wait3A_1886] : memref<2x128x128xf32, #tpu.memory_space<vmem>> -> memref<1x128x128xf32, #tpu.memory_space<vmem>>
    %dma_wait3A_1888 = tpu.memref_squeeze %dma_wait3A_1887 : memref<1x128x128xf32, #tpu.memory_space<vmem>> -> memref<128x128xf32, #tpu.memory_space<vmem>>
    %dma_wait3A_1889 = arith.constant 0 : i32
    %dma_wait3A_1890 = tpu.memref_slice %arg6[%add3A_1810, %dma_wait3A_1889] : memref<100000x128xf32, #tpu.memory_space<hbm>> -> memref<128x128xf32, #tpu.memory_space<hbm>>
    tpu.wait_dma2 semaphore(%arg13 : memref<!tpu.dma_semaphore, #tpu.memory_space<semaphore_mem>>) src(%dma_wait3A_1890 : memref<128x128xf32, #tpu.memory_space<hbm>>) dst(%dma_wait3A_1888 : memref<128x128xf32, #tpu.memory_space<vmem>>)
    %dma_start3A_1891 = arith.constant 0 : i32
    %dma_start3A_1892 = arith.constant 2 : i32
    %dma_start3A_1893 = arith.constant 4 : i32
    %dma_start3A_1894 = arith.constant 0 : i32
    %dma_start3A_1895 = arith.constant 0 : i32
    %dma_start3A_1896 = tpu.memref_slice %arg9[%dma_start3A_1891, %dma_start3A_1894, %dma_start3A_1895] : memref<2x128x128xf32, #tpu.memory_space<vmem>> -> memref<1x128x128xf32, #tpu.memory_space<vmem>>
    %dma_start3A_1897 = tpu.memref_squeeze %dma_start3A_1896 : memref<1x128x128xf32, #tpu.memory_space<vmem>> -> memref<128x128xf32, #tpu.memory_space<vmem>>
    %dma_start3A_1898 = arith.constant 0 : i32
    %dma_start3A_1899 = tpu.memref_slice %arg10[%dma_start3A_1892, %dma_start3A_1893, %dma_start3A_1898] : memref<3x14x128xi32, #tpu.memory_space<vmem>> -> memref<1x1x128xi32, #tpu.memory_space<vmem>>
    %dma_start3A_1900 = tpu.memref_squeeze %dma_start3A_1899 : memref<1x1x128xi32, #tpu.memory_space<vmem>> -> memref<128xi32, #tpu.memory_space<vmem>>
    %dma_start3A_1901 = arith.constant 0 : i32
    %dma_start3A_1902 = arith.constant 0 : i32
    %dma_start3A_1903 = tpu.memref_slice %arg8[%dma_start3A_1901, %dma_start3A_1902] : memref<392x128xf32, #tpu.memory_space<vmem_shared>> -> memref<392x128xf32, #tpu.memory_space<vmem_shared>>
    tpu.enqueue_indirect_dma source(%dma_start3A_1897 : memref<128x128xf32, #tpu.memory_space<vmem>>) target(%dma_start3A_1903 : memref<392x128xf32, #tpu.memory_space<vmem_shared>>) offsets(%dma_start3A_1900 : memref<128xi32, #tpu.memory_space<vmem>>) semaphore(%arg15 : memref<!tpu.dma_semaphore, #tpu.memory_space<semaphore_mem>>) {add = true}
    %dma_wait3A_1904 = arith.constant 0 : i32
    %dma_wait3A_1905 = arith.constant 2 : i32
    %dma_wait3A_1906 = arith.constant 4 : i32
    %dma_wait3A_1907 = arith.constant 0 : i32
    %dma_wait3A_1908 = arith.constant 0 : i32
    %dma_wait3A_1909 = tpu.memref_slice %arg9[%dma_wait3A_1904, %dma_wait3A_1907, %dma_wait3A_1908] : memref<2x128x128xf32, #tpu.memory_space<vmem>> -> memref<1x128x128xf32, #tpu.memory_space<vmem>>
    %dma_wait3A_1910 = tpu.memref_squeeze %dma_wait3A_1909 : memref<1x128x128xf32, #tpu.memory_space<vmem>> -> memref<128x128xf32, #tpu.memory_space<vmem>>
    %dma_wait3A_1911 = arith.constant 0 : i32
    %dma_wait3A_1912 = tpu.memref_slice %arg10[%dma_wait3A_1905, %dma_wait3A_1906, %dma_wait3A_1911] : memref<3x14x128xi32, #tpu.memory_space<vmem>> -> memref<1x1x128xi32, #tpu.memory_space<vmem>>
    %dma_wait3A_1913 = tpu.memref_squeeze %dma_wait3A_1912 : memref<1x1x128xi32, #tpu.memory_space<vmem>> -> memref<128xi32, #tpu.memory_space<vmem>>
    %dma_wait3A_1914 = arith.constant 0 : i32
    %dma_wait3A_1915 = arith.constant 0 : i32
    %dma_wait3A_1916 = tpu.memref_slice %arg8[%dma_wait3A_1914, %dma_wait3A_1915] : memref<392x128xf32, #tpu.memory_space<vmem_shared>> -> memref<392x128xf32, #tpu.memory_space<vmem_shared>>
    tpu.wait_indirect_dma semaphore(%arg15 : memref<!tpu.dma_semaphore, #tpu.memory_space<semaphore_mem>>) src(%dma_wait3A_1910 : memref<128x128xf32, #tpu.memory_space<vmem>>) dst(%dma_wait3A_1916 : memref<392x128xf32, #tpu.memory_space<vmem_shared>>)
    %add3A_1917 = arith.constant 768 : i32
    %add3A_1918 = arith.addi %add3A_9, %add3A_1917 : i32
    %dma_start3A_1919 = arith.constant 0 : i32
    %dma_start3A_1920 = arith.constant 0 : i32
    %dma_start3A_1921 = arith.constant 0 : i32
    %dma_start3A_1922 = tpu.memref_slice %arg9[%dma_start3A_1919, %dma_start3A_1920, %dma_start3A_1921] : memref<2x128x128xf32, #tpu.memory_space<vmem>> -> memref<1x128x128xf32, #tpu.memory_space<vmem>>
    %dma_start3A_1923 = tpu.memref_squeeze %dma_start3A_1922 : memref<1x128x128xf32, #tpu.memory_space<vmem>> -> memref<128x128xf32, #tpu.memory_space<vmem>>
    %dma_start3A_1924 = arith.constant 0 : i32
    %dma_start3A_1925 = tpu.memref_slice %arg6[%add3A_1918, %dma_start3A_1924] : memref<100000x128xf32, #tpu.memory_space<hbm>> -> memref<128x128xf32, #tpu.memory_space<hbm>>
    %dma_start3A_1926 = arith.constant 0 : i32
    %dma_start3A_1927 = arith.constant 0 : i32
    %dma_start3A_1928 = tpu.memref_slice %arg9[%dma_start3A_1919, %dma_start3A_1926, %dma_start3A_1927] : memref<2x128x128xf32, #tpu.memory_space<vmem>> -> memref<1x128x128xf32, #tpu.memory_space<vmem>>
    %dma_start3A_1929 = tpu.memref_squeeze %dma_start3A_1928 : memref<1x128x128xf32, #tpu.memory_space<vmem>> -> memref<128x128xf32, #tpu.memory_space<vmem>>
    %dma_start3A_1930 = arith.constant 0 : i32
    %dma_start3A_1931 = tpu.memref_slice %arg6[%add3A_1918, %dma_start3A_1930] : memref<100000x128xf32, #tpu.memory_space<hbm>> -> memref<128x128xf32, #tpu.memory_space<hbm>>
    tpu.enqueue_dma source(%dma_start3A_1931 : memref<128x128xf32, #tpu.memory_space<hbm>>) target(%dma_start3A_1929 : memref<128x128xf32, #tpu.memory_space<vmem>>) target_semaphore(%arg13 : memref<!tpu.dma_semaphore, #tpu.memory_space<semaphore_mem>>)
    %dma_wait3A_1932 = arith.constant 1 : i32
    %dma_wait3A_1933 = arith.constant 0 : i32
    %dma_wait3A_1934 = arith.constant 0 : i32
    %dma_wait3A_1935 = tpu.memref_slice %arg9[%dma_wait3A_1932, %dma_wait3A_1933, %dma_wait3A_1934] : memref<2x128x128xf32, #tpu.memory_space<vmem>> -> memref<1x128x128xf32, #tpu.memory_space<vmem>>
    %dma_wait3A_1936 = tpu.memref_squeeze %dma_wait3A_1935 : memref<1x128x128xf32, #tpu.memory_space<vmem>> -> memref<128x128xf32, #tpu.memory_space<vmem>>
    %dma_wait3A_1937 = arith.constant 0 : i32
    %dma_wait3A_1938 = tpu.memref_slice %arg6[%add3A_1864, %dma_wait3A_1937] : memref<100000x128xf32, #tpu.memory_space<hbm>> -> memref<128x128xf32, #tpu.memory_space<hbm>>
    %dma_wait3A_1939 = arith.constant 0 : i32
    %dma_wait3A_1940 = arith.constant 0 : i32
    %dma_wait3A_1941 = tpu.memref_slice %arg9[%dma_wait3A_1932, %dma_wait3A_1939, %dma_wait3A_1940] : memref<2x128x128xf32, #tpu.memory_space<vmem>> -> memref<1x128x128xf32, #tpu.memory_space<vmem>>
    %dma_wait3A_1942 = tpu.memref_squeeze %dma_wait3A_1941 : memref<1x128x128xf32, #tpu.memory_space<vmem>> -> memref<128x128xf32, #tpu.memory_space<vmem>>
    %dma_wait3A_1943 = arith.constant 0 : i32
    %dma_wait3A_1944 = tpu.memref_slice %arg6[%add3A_1864, %dma_wait3A_1943] : memref<100000x128xf32, #tpu.memory_space<hbm>> -> memref<128x128xf32, #tpu.memory_space<hbm>>
    tpu.wait_dma2 semaphore(%arg14 : memref<!tpu.dma_semaphore, #tpu.memory_space<semaphore_mem>>) src(%dma_wait3A_1944 : memref<128x128xf32, #tpu.memory_space<hbm>>) dst(%dma_wait3A_1942 : memref<128x128xf32, #tpu.memory_space<vmem>>)
    %dma_start3A_1945 = arith.constant 1 : i32
    %dma_start3A_1946 = arith.constant 2 : i32
    %dma_start3A_1947 = arith.constant 5 : i32
    %dma_start3A_1948 = arith.constant 0 : i32
    %dma_start3A_1949 = arith.constant 0 : i32
    %dma_start3A_1950 = tpu.memref_slice %arg9[%dma_start3A_1945, %dma_start3A_1948, %dma_start3A_1949] : memref<2x128x128xf32, #tpu.memory_space<vmem>> -> memref<1x128x128xf32, #tpu.memory_space<vmem>>
    %dma_start3A_1951 = tpu.memref_squeeze %dma_start3A_1950 : memref<1x128x128xf32, #tpu.memory_space<vmem>> -> memref<128x128xf32, #tpu.memory_space<vmem>>
    %dma_start3A_1952 = arith.constant 0 : i32
    %dma_start3A_1953 = tpu.memref_slice %arg10[%dma_start3A_1946, %dma_start3A_1947, %dma_start3A_1952] : memref<3x14x128xi32, #tpu.memory_space<vmem>> -> memref<1x1x128xi32, #tpu.memory_space<vmem>>
    %dma_start3A_1954 = tpu.memref_squeeze %dma_start3A_1953 : memref<1x1x128xi32, #tpu.memory_space<vmem>> -> memref<128xi32, #tpu.memory_space<vmem>>
    %dma_start3A_1955 = arith.constant 0 : i32
    %dma_start3A_1956 = arith.constant 0 : i32
    %dma_start3A_1957 = tpu.memref_slice %arg8[%dma_start3A_1955, %dma_start3A_1956] : memref<392x128xf32, #tpu.memory_space<vmem_shared>> -> memref<392x128xf32, #tpu.memory_space<vmem_shared>>
    tpu.enqueue_indirect_dma source(%dma_start3A_1951 : memref<128x128xf32, #tpu.memory_space<vmem>>) target(%dma_start3A_1957 : memref<392x128xf32, #tpu.memory_space<vmem_shared>>) offsets(%dma_start3A_1954 : memref<128xi32, #tpu.memory_space<vmem>>) semaphore(%arg16 : memref<!tpu.dma_semaphore, #tpu.memory_space<semaphore_mem>>) {add = true}
    %dma_wait3A_1958 = arith.constant 1 : i32
    %dma_wait3A_1959 = arith.constant 2 : i32
    %dma_wait3A_1960 = arith.constant 5 : i32
    %dma_wait3A_1961 = arith.constant 0 : i32
    %dma_wait3A_1962 = arith.constant 0 : i32
    %dma_wait3A_1963 = tpu.memref_slice %arg9[%dma_wait3A_1958, %dma_wait3A_1961, %dma_wait3A_1962] : memref<2x128x128xf32, #tpu.memory_space<vmem>> -> memref<1x128x128xf32, #tpu.memory_space<vmem>>
    %dma_wait3A_1964 = tpu.memref_squeeze %dma_wait3A_1963 : memref<1x128x128xf32, #tpu.memory_space<vmem>> -> memref<128x128xf32, #tpu.memory_space<vmem>>
    %dma_wait3A_1965 = arith.constant 0 : i32
    %dma_wait3A_1966 = tpu.memref_slice %arg10[%dma_wait3A_1959, %dma_wait3A_1960, %dma_wait3A_1965] : memref<3x14x128xi32, #tpu.memory_space<vmem>> -> memref<1x1x128xi32, #tpu.memory_space<vmem>>
    %dma_wait3A_1967 = tpu.memref_squeeze %dma_wait3A_1966 : memref<1x1x128xi32, #tpu.memory_space<vmem>> -> memref<128xi32, #tpu.memory_space<vmem>>
    %dma_wait3A_1968 = arith.constant 0 : i32
    %dma_wait3A_1969 = arith.constant 0 : i32
    %dma_wait3A_1970 = tpu.memref_slice %arg8[%dma_wait3A_1968, %dma_wait3A_1969] : memref<392x128xf32, #tpu.memory_space<vmem_shared>> -> memref<392x128xf32, #tpu.memory_space<vmem_shared>>
    tpu.wait_indirect_dma semaphore(%arg16 : memref<!tpu.dma_semaphore, #tpu.memory_space<semaphore_mem>>) src(%dma_wait3A_1964 : memref<128x128xf32, #tpu.memory_space<vmem>>) dst(%dma_wait3A_1970 : memref<392x128xf32, #tpu.memory_space<vmem_shared>>)
    %add3A_1971 = arith.constant 896 : i32
    %add3A_1972 = arith.addi %add3A_9, %add3A_1971 : i32
    %dma_start3A_1973 = arith.constant 1 : i32
    %dma_start3A_1974 = arith.constant 0 : i32
    %dma_start3A_1975 = arith.constant 0 : i32
    %dma_start3A_1976 = tpu.memref_slice %arg9[%dma_start3A_1973, %dma_start3A_1974, %dma_start3A_1975] : memref<2x128x128xf32, #tpu.memory_space<vmem>> -> memref<1x128x128xf32, #tpu.memory_space<vmem>>
    %dma_start3A_1977 = tpu.memref_squeeze %dma_start3A_1976 : memref<1x128x128xf32, #tpu.memory_space<vmem>> -> memref<128x128xf32, #tpu.memory_space<vmem>>
    %dma_start3A_1978 = arith.constant 0 : i32
    %dma_start3A_1979 = tpu.memref_slice %arg6[%add3A_1972, %dma_start3A_1978] : memref<100000x128xf32, #tpu.memory_space<hbm>> -> memref<128x128xf32, #tpu.memory_space<hbm>>
    %dma_start3A_1980 = arith.constant 0 : i32
    %dma_start3A_1981 = arith.constant 0 : i32
    %dma_start3A_1982 = tpu.memref_slice %arg9[%dma_start3A_1973, %dma_start3A_1980, %dma_start3A_1981] : memref<2x128x128xf32, #tpu.memory_space<vmem>> -> memref<1x128x128xf32, #tpu.memory_space<vmem>>
    %dma_start3A_1983 = tpu.memref_squeeze %dma_start3A_1982 : memref<1x128x128xf32, #tpu.memory_space<vmem>> -> memref<128x128xf32, #tpu.memory_space<vmem>>
    %dma_start3A_1984 = arith.constant 0 : i32
    %dma_start3A_1985 = tpu.memref_slice %arg6[%add3A_1972, %dma_start3A_1984] : memref<100000x128xf32, #tpu.memory_space<hbm>> -> memref<128x128xf32, #tpu.memory_space<hbm>>
    tpu.enqueue_dma source(%dma_start3A_1985 : memref<128x128xf32, #tpu.memory_space<hbm>>) target(%dma_start3A_1983 : memref<128x128xf32, #tpu.memory_space<vmem>>) target_semaphore(%arg14 : memref<!tpu.dma_semaphore, #tpu.memory_space<semaphore_mem>>)
    %dma_wait3A_1986 = arith.constant 0 : i32
    %dma_wait3A_1987 = arith.constant 0 : i32
    %dma_wait3A_1988 = arith.constant 0 : i32
    %dma_wait3A_1989 = tpu.memref_slice %arg9[%dma_wait3A_1986, %dma_wait3A_1987, %dma_wait3A_1988] : memref<2x128x128xf32, #tpu.memory_space<vmem>> -> memref<1x128x128xf32, #tpu.memory_space<vmem>>
    %dma_wait3A_1990 = tpu.memref_squeeze %dma_wait3A_1989 : memref<1x128x128xf32, #tpu.memory_space<vmem>> -> memref<128x128xf32, #tpu.memory_space<vmem>>
    %dma_wait3A_1991 = arith.constant 0 : i32
    %dma_wait3A_1992 = tpu.memref_slice %arg6[%add3A_1918, %dma_wait3A_1991] : memref<100000x128xf32, #tpu.memory_space<hbm>> -> memref<128x128xf32, #tpu.memory_space<hbm>>
    %dma_wait3A_1993 = arith.constant 0 : i32
    %dma_wait3A_1994 = arith.constant 0 : i32
    %dma_wait3A_1995 = tpu.memref_slice %arg9[%dma_wait3A_1986, %dma_wait3A_1993, %dma_wait3A_1994] : memref<2x128x128xf32, #tpu.memory_space<vmem>> -> memref<1x128x128xf32, #tpu.memory_space<vmem>>
    %dma_wait3A_1996 = tpu.memref_squeeze %dma_wait3A_1995 : memref<1x128x128xf32, #tpu.memory_space<vmem>> -> memref<128x128xf32, #tpu.memory_space<vmem>>
    %dma_wait3A_1997 = arith.constant 0 : i32
    %dma_wait3A_1998 = tpu.memref_slice %arg6[%add3A_1918, %dma_wait3A_1997] : memref<100000x128xf32, #tpu.memory_space<hbm>> -> memref<128x128xf32, #tpu.memory_space<hbm>>
    tpu.wait_dma2 semaphore(%arg13 : memref<!tpu.dma_semaphore, #tpu.memory_space<semaphore_mem>>) src(%dma_wait3A_1998 : memref<128x128xf32, #tpu.memory_space<hbm>>) dst(%dma_wait3A_1996 : memref<128x128xf32, #tpu.memory_space<vmem>>)
    %dma_start3A_1999 = arith.constant 0 : i32
    %dma_start3A_2000 = arith.constant 2 : i32
    %dma_start3A_2001 = arith.constant 6 : i32
    %dma_start3A_2002 = arith.constant 0 : i32
    %dma_start3A_2003 = arith.constant 0 : i32
    %dma_start3A_2004 = tpu.memref_slice %arg9[%dma_start3A_1999, %dma_start3A_2002, %dma_start3A_2003] : memref<2x128x128xf32, #tpu.memory_space<vmem>> -> memref<1x128x128xf32, #tpu.memory_space<vmem>>
    %dma_start3A_2005 = tpu.memref_squeeze %dma_start3A_2004 : memref<1x128x128xf32, #tpu.memory_space<vmem>> -> memref<128x128xf32, #tpu.memory_space<vmem>>
    %dma_start3A_2006 = arith.constant 0 : i32
    %dma_start3A_2007 = tpu.memref_slice %arg10[%dma_start3A_2000, %dma_start3A_2001, %dma_start3A_2006] : memref<3x14x128xi32, #tpu.memory_space<vmem>> -> memref<1x1x128xi32, #tpu.memory_space<vmem>>
    %dma_start3A_2008 = tpu.memref_squeeze %dma_start3A_2007 : memref<1x1x128xi32, #tpu.memory_space<vmem>> -> memref<128xi32, #tpu.memory_space<vmem>>
    %dma_start3A_2009 = arith.constant 0 : i32
    %dma_start3A_2010 = arith.constant 0 : i32
    %dma_start3A_2011 = tpu.memref_slice %arg8[%dma_start3A_2009, %dma_start3A_2010] : memref<392x128xf32, #tpu.memory_space<vmem_shared>> -> memref<392x128xf32, #tpu.memory_space<vmem_shared>>
    tpu.enqueue_indirect_dma source(%dma_start3A_2005 : memref<128x128xf32, #tpu.memory_space<vmem>>) target(%dma_start3A_2011 : memref<392x128xf32, #tpu.memory_space<vmem_shared>>) offsets(%dma_start3A_2008 : memref<128xi32, #tpu.memory_space<vmem>>) semaphore(%arg15 : memref<!tpu.dma_semaphore, #tpu.memory_space<semaphore_mem>>) {add = true}
    %dma_wait3A_2012 = arith.constant 0 : i32
    %dma_wait3A_2013 = arith.constant 2 : i32
    %dma_wait3A_2014 = arith.constant 6 : i32
    %dma_wait3A_2015 = arith.constant 0 : i32
    %dma_wait3A_2016 = arith.constant 0 : i32
    %dma_wait3A_2017 = tpu.memref_slice %arg9[%dma_wait3A_2012, %dma_wait3A_2015, %dma_wait3A_2016] : memref<2x128x128xf32, #tpu.memory_space<vmem>> -> memref<1x128x128xf32, #tpu.memory_space<vmem>>
    %dma_wait3A_2018 = tpu.memref_squeeze %dma_wait3A_2017 : memref<1x128x128xf32, #tpu.memory_space<vmem>> -> memref<128x128xf32, #tpu.memory_space<vmem>>
    %dma_wait3A_2019 = arith.constant 0 : i32
    %dma_wait3A_2020 = tpu.memref_slice %arg10[%dma_wait3A_2013, %dma_wait3A_2014, %dma_wait3A_2019] : memref<3x14x128xi32, #tpu.memory_space<vmem>> -> memref<1x1x128xi32, #tpu.memory_space<vmem>>
    %dma_wait3A_2021 = tpu.memref_squeeze %dma_wait3A_2020 : memref<1x1x128xi32, #tpu.memory_space<vmem>> -> memref<128xi32, #tpu.memory_space<vmem>>
    %dma_wait3A_2022 = arith.constant 0 : i32
    %dma_wait3A_2023 = arith.constant 0 : i32
    %dma_wait3A_2024 = tpu.memref_slice %arg8[%dma_wait3A_2022, %dma_wait3A_2023] : memref<392x128xf32, #tpu.memory_space<vmem_shared>> -> memref<392x128xf32, #tpu.memory_space<vmem_shared>>
    tpu.wait_indirect_dma semaphore(%arg15 : memref<!tpu.dma_semaphore, #tpu.memory_space<semaphore_mem>>) src(%dma_wait3A_2018 : memref<128x128xf32, #tpu.memory_space<vmem>>) dst(%dma_wait3A_2024 : memref<392x128xf32, #tpu.memory_space<vmem_shared>>)
    %add3A_2025 = arith.constant 1024 : i32
    %add3A_2026 = arith.addi %add3A_9, %add3A_2025 : i32
    %dma_start3A_2027 = arith.constant 0 : i32
    %dma_start3A_2028 = arith.constant 0 : i32
    %dma_start3A_2029 = arith.constant 0 : i32
    %dma_start3A_2030 = tpu.memref_slice %arg9[%dma_start3A_2027, %dma_start3A_2028, %dma_start3A_2029] : memref<2x128x128xf32, #tpu.memory_space<vmem>> -> memref<1x128x128xf32, #tpu.memory_space<vmem>>
    %dma_start3A_2031 = tpu.memref_squeeze %dma_start3A_2030 : memref<1x128x128xf32, #tpu.memory_space<vmem>> -> memref<128x128xf32, #tpu.memory_space<vmem>>
    %dma_start3A_2032 = arith.constant 0 : i32
    %dma_start3A_2033 = tpu.memref_slice %arg6[%add3A_2026, %dma_start3A_2032] : memref<100000x128xf32, #tpu.memory_space<hbm>> -> memref<128x128xf32, #tpu.memory_space<hbm>>
    %dma_start3A_2034 = arith.constant 0 : i32
    %dma_start3A_2035 = arith.constant 0 : i32
    %dma_start3A_2036 = tpu.memref_slice %arg9[%dma_start3A_2027, %dma_start3A_2034, %dma_start3A_2035] : memref<2x128x128xf32, #tpu.memory_space<vmem>> -> memref<1x128x128xf32, #tpu.memory_space<vmem>>
    %dma_start3A_2037 = tpu.memref_squeeze %dma_start3A_2036 : memref<1x128x128xf32, #tpu.memory_space<vmem>> -> memref<128x128xf32, #tpu.memory_space<vmem>>
    %dma_start3A_2038 = arith.constant 0 : i32
    %dma_start3A_2039 = tpu.memref_slice %arg6[%add3A_2026, %dma_start3A_2038] : memref<100000x128xf32, #tpu.memory_space<hbm>> -> memref<128x128xf32, #tpu.memory_space<hbm>>
    tpu.enqueue_dma source(%dma_start3A_2039 : memref<128x128xf32, #tpu.memory_space<hbm>>) target(%dma_start3A_2037 : memref<128x128xf32, #tpu.memory_space<vmem>>) target_semaphore(%arg13 : memref<!tpu.dma_semaphore, #tpu.memory_space<semaphore_mem>>)
    %dma_wait3A_2040 = arith.constant 1 : i32
    %dma_wait3A_2041 = arith.constant 0 : i32
    %dma_wait3A_2042 = arith.constant 0 : i32
    %dma_wait3A_2043 = tpu.memref_slice %arg9[%dma_wait3A_2040, %dma_wait3A_2041, %dma_wait3A_2042] : memref<2x128x128xf32, #tpu.memory_space<vmem>> -> memref<1x128x128xf32, #tpu.memory_space<vmem>>
    %dma_wait3A_2044 = tpu.memref_squeeze %dma_wait3A_2043 : memref<1x128x128xf32, #tpu.memory_space<vmem>> -> memref<128x128xf32, #tpu.memory_space<vmem>>
    %dma_wait3A_2045 = arith.constant 0 : i32
    %dma_wait3A_2046 = tpu.memref_slice %arg6[%add3A_1972, %dma_wait3A_2045] : memref<100000x128xf32, #tpu.memory_space<hbm>> -> memref<128x128xf32, #tpu.memory_space<hbm>>
    %dma_wait3A_2047 = arith.constant 0 : i32
    %dma_wait3A_2048 = arith.constant 0 : i32
    %dma_wait3A_2049 = tpu.memref_slice %arg9[%dma_wait3A_2040, %dma_wait3A_2047, %dma_wait3A_2048] : memref<2x128x128xf32, #tpu.memory_space<vmem>> -> memref<1x128x128xf32, #tpu.memory_space<vmem>>
    %dma_wait3A_2050 = tpu.memref_squeeze %dma_wait3A_2049 : memref<1x128x128xf32, #tpu.memory_space<vmem>> -> memref<128x128xf32, #tpu.memory_space<vmem>>
    %dma_wait3A_2051 = arith.constant 0 : i32
    %dma_wait3A_2052 = tpu.memref_slice %arg6[%add3A_1972, %dma_wait3A_2051] : memref<100000x128xf32, #tpu.memory_space<hbm>> -> memref<128x128xf32, #tpu.memory_space<hbm>>
    tpu.wait_dma2 semaphore(%arg14 : memref<!tpu.dma_semaphore, #tpu.memory_space<semaphore_mem>>) src(%dma_wait3A_2052 : memref<128x128xf32, #tpu.memory_space<hbm>>) dst(%dma_wait3A_2050 : memref<128x128xf32, #tpu.memory_space<vmem>>)
    %dma_start3A_2053 = arith.constant 1 : i32
    %dma_start3A_2054 = arith.constant 2 : i32
    %dma_start3A_2055 = arith.constant 7 : i32
    %dma_start3A_2056 = arith.constant 0 : i32
    %dma_start3A_2057 = arith.constant 0 : i32
    %dma_start3A_2058 = tpu.memref_slice %arg9[%dma_start3A_2053, %dma_start3A_2056, %dma_start3A_2057] : memref<2x128x128xf32, #tpu.memory_space<vmem>> -> memref<1x128x128xf32, #tpu.memory_space<vmem>>
    %dma_start3A_2059 = tpu.memref_squeeze %dma_start3A_2058 : memref<1x128x128xf32, #tpu.memory_space<vmem>> -> memref<128x128xf32, #tpu.memory_space<vmem>>
    %dma_start3A_2060 = arith.constant 0 : i32
    %dma_start3A_2061 = tpu.memref_slice %arg10[%dma_start3A_2054, %dma_start3A_2055, %dma_start3A_2060] : memref<3x14x128xi32, #tpu.memory_space<vmem>> -> memref<1x1x128xi32, #tpu.memory_space<vmem>>
    %dma_start3A_2062 = tpu.memref_squeeze %dma_start3A_2061 : memref<1x1x128xi32, #tpu.memory_space<vmem>> -> memref<128xi32, #tpu.memory_space<vmem>>
    %dma_start3A_2063 = arith.constant 0 : i32
    %dma_start3A_2064 = arith.constant 0 : i32
    %dma_start3A_2065 = tpu.memref_slice %arg8[%dma_start3A_2063, %dma_start3A_2064] : memref<392x128xf32, #tpu.memory_space<vmem_shared>> -> memref<392x128xf32, #tpu.memory_space<vmem_shared>>
    tpu.enqueue_indirect_dma source(%dma_start3A_2059 : memref<128x128xf32, #tpu.memory_space<vmem>>) target(%dma_start3A_2065 : memref<392x128xf32, #tpu.memory_space<vmem_shared>>) offsets(%dma_start3A_2062 : memref<128xi32, #tpu.memory_space<vmem>>) semaphore(%arg16 : memref<!tpu.dma_semaphore, #tpu.memory_space<semaphore_mem>>) {add = true}
    %dma_wait3A_2066 = arith.constant 1 : i32
    %dma_wait3A_2067 = arith.constant 2 : i32
    %dma_wait3A_2068 = arith.constant 7 : i32
    %dma_wait3A_2069 = arith.constant 0 : i32
    %dma_wait3A_2070 = arith.constant 0 : i32
    %dma_wait3A_2071 = tpu.memref_slice %arg9[%dma_wait3A_2066, %dma_wait3A_2069, %dma_wait3A_2070] : memref<2x128x128xf32, #tpu.memory_space<vmem>> -> memref<1x128x128xf32, #tpu.memory_space<vmem>>
    %dma_wait3A_2072 = tpu.memref_squeeze %dma_wait3A_2071 : memref<1x128x128xf32, #tpu.memory_space<vmem>> -> memref<128x128xf32, #tpu.memory_space<vmem>>
    %dma_wait3A_2073 = arith.constant 0 : i32
    %dma_wait3A_2074 = tpu.memref_slice %arg10[%dma_wait3A_2067, %dma_wait3A_2068, %dma_wait3A_2073] : memref<3x14x128xi32, #tpu.memory_space<vmem>> -> memref<1x1x128xi32, #tpu.memory_space<vmem>>
    %dma_wait3A_2075 = tpu.memref_squeeze %dma_wait3A_2074 : memref<1x1x128xi32, #tpu.memory_space<vmem>> -> memref<128xi32, #tpu.memory_space<vmem>>
    %dma_wait3A_2076 = arith.constant 0 : i32
    %dma_wait3A_2077 = arith.constant 0 : i32
    %dma_wait3A_2078 = tpu.memref_slice %arg8[%dma_wait3A_2076, %dma_wait3A_2077] : memref<392x128xf32, #tpu.memory_space<vmem_shared>> -> memref<392x128xf32, #tpu.memory_space<vmem_shared>>
    tpu.wait_indirect_dma semaphore(%arg16 : memref<!tpu.dma_semaphore, #tpu.memory_space<semaphore_mem>>) src(%dma_wait3A_2072 : memref<128x128xf32, #tpu.memory_space<vmem>>) dst(%dma_wait3A_2078 : memref<392x128xf32, #tpu.memory_space<vmem_shared>>)
    %add3A_2079 = arith.constant 1152 : i32
    %add3A_2080 = arith.addi %add3A_9, %add3A_2079 : i32
    %dma_start3A_2081 = arith.constant 1 : i32
    %dma_start3A_2082 = arith.constant 0 : i32
    %dma_start3A_2083 = arith.constant 0 : i32
    %dma_start3A_2084 = tpu.memref_slice %arg9[%dma_start3A_2081, %dma_start3A_2082, %dma_start3A_2083] : memref<2x128x128xf32, #tpu.memory_space<vmem>> -> memref<1x128x128xf32, #tpu.memory_space<vmem>>
    %dma_start3A_2085 = tpu.memref_squeeze %dma_start3A_2084 : memref<1x128x128xf32, #tpu.memory_space<vmem>> -> memref<128x128xf32, #tpu.memory_space<vmem>>
    %dma_start3A_2086 = arith.constant 0 : i32
    %dma_start3A_2087 = tpu.memref_slice %arg6[%add3A_2080, %dma_start3A_2086] : memref<100000x128xf32, #tpu.memory_space<hbm>> -> memref<128x128xf32, #tpu.memory_space<hbm>>
    %dma_start3A_2088 = arith.constant 0 : i32
    %dma_start3A_2089 = arith.constant 0 : i32
    %dma_start3A_2090 = tpu.memref_slice %arg9[%dma_start3A_2081, %dma_start3A_2088, %dma_start3A_2089] : memref<2x128x128xf32, #tpu.memory_space<vmem>> -> memref<1x128x128xf32, #tpu.memory_space<vmem>>
    %dma_start3A_2091 = tpu.memref_squeeze %dma_start3A_2090 : memref<1x128x128xf32, #tpu.memory_space<vmem>> -> memref<128x128xf32, #tpu.memory_space<vmem>>
    %dma_start3A_2092 = arith.constant 0 : i32
    %dma_start3A_2093 = tpu.memref_slice %arg6[%add3A_2080, %dma_start3A_2092] : memref<100000x128xf32, #tpu.memory_space<hbm>> -> memref<128x128xf32, #tpu.memory_space<hbm>>
    tpu.enqueue_dma source(%dma_start3A_2093 : memref<128x128xf32, #tpu.memory_space<hbm>>) target(%dma_start3A_2091 : memref<128x128xf32, #tpu.memory_space<vmem>>) target_semaphore(%arg14 : memref<!tpu.dma_semaphore, #tpu.memory_space<semaphore_mem>>)
    %dma_wait3A_2094 = arith.constant 0 : i32
    %dma_wait3A_2095 = arith.constant 0 : i32
    %dma_wait3A_2096 = arith.constant 0 : i32
    %dma_wait3A_2097 = tpu.memref_slice %arg9[%dma_wait3A_2094, %dma_wait3A_2095, %dma_wait3A_2096] : memref<2x128x128xf32, #tpu.memory_space<vmem>> -> memref<1x128x128xf32, #tpu.memory_space<vmem>>
    %dma_wait3A_2098 = tpu.memref_squeeze %dma_wait3A_2097 : memref<1x128x128xf32, #tpu.memory_space<vmem>> -> memref<128x128xf32, #tpu.memory_space<vmem>>
    %dma_wait3A_2099 = arith.constant 0 : i32
    %dma_wait3A_2100 = tpu.memref_slice %arg6[%add3A_2026, %dma_wait3A_2099] : memref<100000x128xf32, #tpu.memory_space<hbm>> -> memref<128x128xf32, #tpu.memory_space<hbm>>
    %dma_wait3A_2101 = arith.constant 0 : i32
    %dma_wait3A_2102 = arith.constant 0 : i32
    %dma_wait3A_2103 = tpu.memref_slice %arg9[%dma_wait3A_2094, %dma_wait3A_2101, %dma_wait3A_2102] : memref<2x128x128xf32, #tpu.memory_space<vmem>> -> memref<1x128x128xf32, #tpu.memory_space<vmem>>
    %dma_wait3A_2104 = tpu.memref_squeeze %dma_wait3A_2103 : memref<1x128x128xf32, #tpu.memory_space<vmem>> -> memref<128x128xf32, #tpu.memory_space<vmem>>
    %dma_wait3A_2105 = arith.constant 0 : i32
    %dma_wait3A_2106 = tpu.memref_slice %arg6[%add3A_2026, %dma_wait3A_2105] : memref<100000x128xf32, #tpu.memory_space<hbm>> -> memref<128x128xf32, #tpu.memory_space<hbm>>
    tpu.wait_dma2 semaphore(%arg13 : memref<!tpu.dma_semaphore, #tpu.memory_space<semaphore_mem>>) src(%dma_wait3A_2106 : memref<128x128xf32, #tpu.memory_space<hbm>>) dst(%dma_wait3A_2104 : memref<128x128xf32, #tpu.memory_space<vmem>>)
    %dma_start3A_2107 = arith.constant 0 : i32
    %dma_start3A_2108 = arith.constant 2 : i32
    %dma_start3A_2109 = arith.constant 8 : i32
    %dma_start3A_2110 = arith.constant 0 : i32
    %dma_start3A_2111 = arith.constant 0 : i32
    %dma_start3A_2112 = tpu.memref_slice %arg9[%dma_start3A_2107, %dma_start3A_2110, %dma_start3A_2111] : memref<2x128x128xf32, #tpu.memory_space<vmem>> -> memref<1x128x128xf32, #tpu.memory_space<vmem>>
    %dma_start3A_2113 = tpu.memref_squeeze %dma_start3A_2112 : memref<1x128x128xf32, #tpu.memory_space<vmem>> -> memref<128x128xf32, #tpu.memory_space<vmem>>
    %dma_start3A_2114 = arith.constant 0 : i32
    %dma_start3A_2115 = tpu.memref_slice %arg10[%dma_start3A_2108, %dma_start3A_2109, %dma_start3A_2114] : memref<3x14x128xi32, #tpu.memory_space<vmem>> -> memref<1x1x128xi32, #tpu.memory_space<vmem>>
    %dma_start3A_2116 = tpu.memref_squeeze %dma_start3A_2115 : memref<1x1x128xi32, #tpu.memory_space<vmem>> -> memref<128xi32, #tpu.memory_space<vmem>>
    %dma_start3A_2117 = arith.constant 0 : i32
    %dma_start3A_2118 = arith.constant 0 : i32
    %dma_start3A_2119 = tpu.memref_slice %arg8[%dma_start3A_2117, %dma_start3A_2118] : memref<392x128xf32, #tpu.memory_space<vmem_shared>> -> memref<392x128xf32, #tpu.memory_space<vmem_shared>>
    tpu.enqueue_indirect_dma source(%dma_start3A_2113 : memref<128x128xf32, #tpu.memory_space<vmem>>) target(%dma_start3A_2119 : memref<392x128xf32, #tpu.memory_space<vmem_shared>>) offsets(%dma_start3A_2116 : memref<128xi32, #tpu.memory_space<vmem>>) semaphore(%arg15 : memref<!tpu.dma_semaphore, #tpu.memory_space<semaphore_mem>>) {add = true}
    %dma_wait3A_2120 = arith.constant 0 : i32
    %dma_wait3A_2121 = arith.constant 2 : i32
    %dma_wait3A_2122 = arith.constant 8 : i32
    %dma_wait3A_2123 = arith.constant 0 : i32
    %dma_wait3A_2124 = arith.constant 0 : i32
    %dma_wait3A_2125 = tpu.memref_slice %arg9[%dma_wait3A_2120, %dma_wait3A_2123, %dma_wait3A_2124] : memref<2x128x128xf32, #tpu.memory_space<vmem>> -> memref<1x128x128xf32, #tpu.memory_space<vmem>>
    %dma_wait3A_2126 = tpu.memref_squeeze %dma_wait3A_2125 : memref<1x128x128xf32, #tpu.memory_space<vmem>> -> memref<128x128xf32, #tpu.memory_space<vmem>>
    %dma_wait3A_2127 = arith.constant 0 : i32
    %dma_wait3A_2128 = tpu.memref_slice %arg10[%dma_wait3A_2121, %dma_wait3A_2122, %dma_wait3A_2127] : memref<3x14x128xi32, #tpu.memory_space<vmem>> -> memref<1x1x128xi32, #tpu.memory_space<vmem>>
    %dma_wait3A_2129 = tpu.memref_squeeze %dma_wait3A_2128 : memref<1x1x128xi32, #tpu.memory_space<vmem>> -> memref<128xi32, #tpu.memory_space<vmem>>
    %dma_wait3A_2130 = arith.constant 0 : i32
    %dma_wait3A_2131 = arith.constant 0 : i32
    %dma_wait3A_2132 = tpu.memref_slice %arg8[%dma_wait3A_2130, %dma_wait3A_2131] : memref<392x128xf32, #tpu.memory_space<vmem_shared>> -> memref<392x128xf32, #tpu.memory_space<vmem_shared>>
    tpu.wait_indirect_dma semaphore(%arg15 : memref<!tpu.dma_semaphore, #tpu.memory_space<semaphore_mem>>) src(%dma_wait3A_2126 : memref<128x128xf32, #tpu.memory_space<vmem>>) dst(%dma_wait3A_2132 : memref<392x128xf32, #tpu.memory_space<vmem_shared>>)
    %add3A_2133 = arith.constant 1280 : i32
    %add3A_2134 = arith.addi %add3A_9, %add3A_2133 : i32
    %dma_start3A_2135 = arith.constant 0 : i32
    %dma_start3A_2136 = arith.constant 0 : i32
    %dma_start3A_2137 = arith.constant 0 : i32
    %dma_start3A_2138 = tpu.memref_slice %arg9[%dma_start3A_2135, %dma_start3A_2136, %dma_start3A_2137] : memref<2x128x128xf32, #tpu.memory_space<vmem>> -> memref<1x128x128xf32, #tpu.memory_space<vmem>>
    %dma_start3A_2139 = tpu.memref_squeeze %dma_start3A_2138 : memref<1x128x128xf32, #tpu.memory_space<vmem>> -> memref<128x128xf32, #tpu.memory_space<vmem>>
    %dma_start3A_2140 = arith.constant 0 : i32
    %dma_start3A_2141 = tpu.memref_slice %arg6[%add3A_2134, %dma_start3A_2140] : memref<100000x128xf32, #tpu.memory_space<hbm>> -> memref<128x128xf32, #tpu.memory_space<hbm>>
    %dma_start3A_2142 = arith.constant 0 : i32
    %dma_start3A_2143 = arith.constant 0 : i32
    %dma_start3A_2144 = tpu.memref_slice %arg9[%dma_start3A_2135, %dma_start3A_2142, %dma_start3A_2143] : memref<2x128x128xf32, #tpu.memory_space<vmem>> -> memref<1x128x128xf32, #tpu.memory_space<vmem>>
    %dma_start3A_2145 = tpu.memref_squeeze %dma_start3A_2144 : memref<1x128x128xf32, #tpu.memory_space<vmem>> -> memref<128x128xf32, #tpu.memory_space<vmem>>
    %dma_start3A_2146 = arith.constant 0 : i32
    %dma_start3A_2147 = tpu.memref_slice %arg6[%add3A_2134, %dma_start3A_2146] : memref<100000x128xf32, #tpu.memory_space<hbm>> -> memref<128x128xf32, #tpu.memory_space<hbm>>
    tpu.enqueue_dma source(%dma_start3A_2147 : memref<128x128xf32, #tpu.memory_space<hbm>>) target(%dma_start3A_2145 : memref<128x128xf32, #tpu.memory_space<vmem>>) target_semaphore(%arg13 : memref<!tpu.dma_semaphore, #tpu.memory_space<semaphore_mem>>)
    %dma_wait3A_2148 = arith.constant 1 : i32
    %dma_wait3A_2149 = arith.constant 0 : i32
    %dma_wait3A_2150 = arith.constant 0 : i32
    %dma_wait3A_2151 = tpu.memref_slice %arg9[%dma_wait3A_2148, %dma_wait3A_2149, %dma_wait3A_2150] : memref<2x128x128xf32, #tpu.memory_space<vmem>> -> memref<1x128x128xf32, #tpu.memory_space<vmem>>
    %dma_wait3A_2152 = tpu.memref_squeeze %dma_wait3A_2151 : memref<1x128x128xf32, #tpu.memory_space<vmem>> -> memref<128x128xf32, #tpu.memory_space<vmem>>
    %dma_wait3A_2153 = arith.constant 0 : i32
    %dma_wait3A_2154 = tpu.memref_slice %arg6[%add3A_2080, %dma_wait3A_2153] : memref<100000x128xf32, #tpu.memory_space<hbm>> -> memref<128x128xf32, #tpu.memory_space<hbm>>
    %dma_wait3A_2155 = arith.constant 0 : i32
    %dma_wait3A_2156 = arith.constant 0 : i32
    %dma_wait3A_2157 = tpu.memref_slice %arg9[%dma_wait3A_2148, %dma_wait3A_2155, %dma_wait3A_2156] : memref<2x128x128xf32, #tpu.memory_space<vmem>> -> memref<1x128x128xf32, #tpu.memory_space<vmem>>
    %dma_wait3A_2158 = tpu.memref_squeeze %dma_wait3A_2157 : memref<1x128x128xf32, #tpu.memory_space<vmem>> -> memref<128x128xf32, #tpu.memory_space<vmem>>
    %dma_wait3A_2159 = arith.constant 0 : i32
    %dma_wait3A_2160 = tpu.memref_slice %arg6[%add3A_2080, %dma_wait3A_2159] : memref<100000x128xf32, #tpu.memory_space<hbm>> -> memref<128x128xf32, #tpu.memory_space<hbm>>
    tpu.wait_dma2 semaphore(%arg14 : memref<!tpu.dma_semaphore, #tpu.memory_space<semaphore_mem>>) src(%dma_wait3A_2160 : memref<128x128xf32, #tpu.memory_space<hbm>>) dst(%dma_wait3A_2158 : memref<128x128xf32, #tpu.memory_space<vmem>>)
    %dma_start3A_2161 = arith.constant 1 : i32
    %dma_start3A_2162 = arith.constant 2 : i32
    %dma_start3A_2163 = arith.constant 9 : i32
    %dma_start3A_2164 = arith.constant 0 : i32
    %dma_start3A_2165 = arith.constant 0 : i32
    %dma_start3A_2166 = tpu.memref_slice %arg9[%dma_start3A_2161, %dma_start3A_2164, %dma_start3A_2165] : memref<2x128x128xf32, #tpu.memory_space<vmem>> -> memref<1x128x128xf32, #tpu.memory_space<vmem>>
    %dma_start3A_2167 = tpu.memref_squeeze %dma_start3A_2166 : memref<1x128x128xf32, #tpu.memory_space<vmem>> -> memref<128x128xf32, #tpu.memory_space<vmem>>
    %dma_start3A_2168 = arith.constant 0 : i32
    %dma_start3A_2169 = tpu.memref_slice %arg10[%dma_start3A_2162, %dma_start3A_2163, %dma_start3A_2168] : memref<3x14x128xi32, #tpu.memory_space<vmem>> -> memref<1x1x128xi32, #tpu.memory_space<vmem>>
    %dma_start3A_2170 = tpu.memref_squeeze %dma_start3A_2169 : memref<1x1x128xi32, #tpu.memory_space<vmem>> -> memref<128xi32, #tpu.memory_space<vmem>>
    %dma_start3A_2171 = arith.constant 0 : i32
    %dma_start3A_2172 = arith.constant 0 : i32
    %dma_start3A_2173 = tpu.memref_slice %arg8[%dma_start3A_2171, %dma_start3A_2172] : memref<392x128xf32, #tpu.memory_space<vmem_shared>> -> memref<392x128xf32, #tpu.memory_space<vmem_shared>>
    tpu.enqueue_indirect_dma source(%dma_start3A_2167 : memref<128x128xf32, #tpu.memory_space<vmem>>) target(%dma_start3A_2173 : memref<392x128xf32, #tpu.memory_space<vmem_shared>>) offsets(%dma_start3A_2170 : memref<128xi32, #tpu.memory_space<vmem>>) semaphore(%arg16 : memref<!tpu.dma_semaphore, #tpu.memory_space<semaphore_mem>>) {add = true}
    %dma_wait3A_2174 = arith.constant 1 : i32
    %dma_wait3A_2175 = arith.constant 2 : i32
    %dma_wait3A_2176 = arith.constant 9 : i32
    %dma_wait3A_2177 = arith.constant 0 : i32
    %dma_wait3A_2178 = arith.constant 0 : i32
    %dma_wait3A_2179 = tpu.memref_slice %arg9[%dma_wait3A_2174, %dma_wait3A_2177, %dma_wait3A_2178] : memref<2x128x128xf32, #tpu.memory_space<vmem>> -> memref<1x128x128xf32, #tpu.memory_space<vmem>>
    %dma_wait3A_2180 = tpu.memref_squeeze %dma_wait3A_2179 : memref<1x128x128xf32, #tpu.memory_space<vmem>> -> memref<128x128xf32, #tpu.memory_space<vmem>>
    %dma_wait3A_2181 = arith.constant 0 : i32
    %dma_wait3A_2182 = tpu.memref_slice %arg10[%dma_wait3A_2175, %dma_wait3A_2176, %dma_wait3A_2181] : memref<3x14x128xi32, #tpu.memory_space<vmem>> -> memref<1x1x128xi32, #tpu.memory_space<vmem>>
    %dma_wait3A_2183 = tpu.memref_squeeze %dma_wait3A_2182 : memref<1x1x128xi32, #tpu.memory_space<vmem>> -> memref<128xi32, #tpu.memory_space<vmem>>
    %dma_wait3A_2184 = arith.constant 0 : i32
    %dma_wait3A_2185 = arith.constant 0 : i32
    %dma_wait3A_2186 = tpu.memref_slice %arg8[%dma_wait3A_2184, %dma_wait3A_2185] : memref<392x128xf32, #tpu.memory_space<vmem_shared>> -> memref<392x128xf32, #tpu.memory_space<vmem_shared>>
    tpu.wait_indirect_dma semaphore(%arg16 : memref<!tpu.dma_semaphore, #tpu.memory_space<semaphore_mem>>) src(%dma_wait3A_2180 : memref<128x128xf32, #tpu.memory_space<vmem>>) dst(%dma_wait3A_2186 : memref<392x128xf32, #tpu.memory_space<vmem_shared>>)
    %add3A_2187 = arith.constant 1408 : i32
    %add3A_2188 = arith.addi %add3A_9, %add3A_2187 : i32
    %dma_start3A_2189 = arith.constant 1 : i32
    %dma_start3A_2190 = arith.constant 0 : i32
    %dma_start3A_2191 = arith.constant 0 : i32
    %dma_start3A_2192 = tpu.memref_slice %arg9[%dma_start3A_2189, %dma_start3A_2190, %dma_start3A_2191] : memref<2x128x128xf32, #tpu.memory_space<vmem>> -> memref<1x128x128xf32, #tpu.memory_space<vmem>>
    %dma_start3A_2193 = tpu.memref_squeeze %dma_start3A_2192 : memref<1x128x128xf32, #tpu.memory_space<vmem>> -> memref<128x128xf32, #tpu.memory_space<vmem>>
    %dma_start3A_2194 = arith.constant 0 : i32
    %dma_start3A_2195 = tpu.memref_slice %arg6[%add3A_2188, %dma_start3A_2194] : memref<100000x128xf32, #tpu.memory_space<hbm>> -> memref<128x128xf32, #tpu.memory_space<hbm>>
    %dma_start3A_2196 = arith.constant 0 : i32
    %dma_start3A_2197 = arith.constant 0 : i32
    %dma_start3A_2198 = tpu.memref_slice %arg9[%dma_start3A_2189, %dma_start3A_2196, %dma_start3A_2197] : memref<2x128x128xf32, #tpu.memory_space<vmem>> -> memref<1x128x128xf32, #tpu.memory_space<vmem>>
    %dma_start3A_2199 = tpu.memref_squeeze %dma_start3A_2198 : memref<1x128x128xf32, #tpu.memory_space<vmem>> -> memref<128x128xf32, #tpu.memory_space<vmem>>
    %dma_start3A_2200 = arith.constant 0 : i32
    %dma_start3A_2201 = tpu.memref_slice %arg6[%add3A_2188, %dma_start3A_2200] : memref<100000x128xf32, #tpu.memory_space<hbm>> -> memref<128x128xf32, #tpu.memory_space<hbm>>
    tpu.enqueue_dma source(%dma_start3A_2201 : memref<128x128xf32, #tpu.memory_space<hbm>>) target(%dma_start3A_2199 : memref<128x128xf32, #tpu.memory_space<vmem>>) target_semaphore(%arg14 : memref<!tpu.dma_semaphore, #tpu.memory_space<semaphore_mem>>)
    %dma_wait3A_2202 = arith.constant 0 : i32
    %dma_wait3A_2203 = arith.constant 0 : i32
    %dma_wait3A_2204 = arith.constant 0 : i32
    %dma_wait3A_2205 = tpu.memref_slice %arg9[%dma_wait3A_2202, %dma_wait3A_2203, %dma_wait3A_2204] : memref<2x128x128xf32, #tpu.memory_space<vmem>> -> memref<1x128x128xf32, #tpu.memory_space<vmem>>
    %dma_wait3A_2206 = tpu.memref_squeeze %dma_wait3A_2205 : memref<1x128x128xf32, #tpu.memory_space<vmem>> -> memref<128x128xf32, #tpu.memory_space<vmem>>
    %dma_wait3A_2207 = arith.constant 0 : i32
    %dma_wait3A_2208 = tpu.memref_slice %arg6[%add3A_2134, %dma_wait3A_2207] : memref<100000x128xf32, #tpu.memory_space<hbm>> -> memref<128x128xf32, #tpu.memory_space<hbm>>
    %dma_wait3A_2209 = arith.constant 0 : i32
    %dma_wait3A_2210 = arith.constant 0 : i32
    %dma_wait3A_2211 = tpu.memref_slice %arg9[%dma_wait3A_2202, %dma_wait3A_2209, %dma_wait3A_2210] : memref<2x128x128xf32, #tpu.memory_space<vmem>> -> memref<1x128x128xf32, #tpu.memory_space<vmem>>
    %dma_wait3A_2212 = tpu.memref_squeeze %dma_wait3A_2211 : memref<1x128x128xf32, #tpu.memory_space<vmem>> -> memref<128x128xf32, #tpu.memory_space<vmem>>
    %dma_wait3A_2213 = arith.constant 0 : i32
    %dma_wait3A_2214 = tpu.memref_slice %arg6[%add3A_2134, %dma_wait3A_2213] : memref<100000x128xf32, #tpu.memory_space<hbm>> -> memref<128x128xf32, #tpu.memory_space<hbm>>
    tpu.wait_dma2 semaphore(%arg13 : memref<!tpu.dma_semaphore, #tpu.memory_space<semaphore_mem>>) src(%dma_wait3A_2214 : memref<128x128xf32, #tpu.memory_space<hbm>>) dst(%dma_wait3A_2212 : memref<128x128xf32, #tpu.memory_space<vmem>>)
    %dma_start3A_2215 = arith.constant 0 : i32
    %dma_start3A_2216 = arith.constant 2 : i32
    %dma_start3A_2217 = arith.constant 10 : i32
    %dma_start3A_2218 = arith.constant 0 : i32
    %dma_start3A_2219 = arith.constant 0 : i32
    %dma_start3A_2220 = tpu.memref_slice %arg9[%dma_start3A_2215, %dma_start3A_2218, %dma_start3A_2219] : memref<2x128x128xf32, #tpu.memory_space<vmem>> -> memref<1x128x128xf32, #tpu.memory_space<vmem>>
    %dma_start3A_2221 = tpu.memref_squeeze %dma_start3A_2220 : memref<1x128x128xf32, #tpu.memory_space<vmem>> -> memref<128x128xf32, #tpu.memory_space<vmem>>
    %dma_start3A_2222 = arith.constant 0 : i32
    %dma_start3A_2223 = tpu.memref_slice %arg10[%dma_start3A_2216, %dma_start3A_2217, %dma_start3A_2222] : memref<3x14x128xi32, #tpu.memory_space<vmem>> -> memref<1x1x128xi32, #tpu.memory_space<vmem>>
    %dma_start3A_2224 = tpu.memref_squeeze %dma_start3A_2223 : memref<1x1x128xi32, #tpu.memory_space<vmem>> -> memref<128xi32, #tpu.memory_space<vmem>>
    %dma_start3A_2225 = arith.constant 0 : i32
    %dma_start3A_2226 = arith.constant 0 : i32
    %dma_start3A_2227 = tpu.memref_slice %arg8[%dma_start3A_2225, %dma_start3A_2226] : memref<392x128xf32, #tpu.memory_space<vmem_shared>> -> memref<392x128xf32, #tpu.memory_space<vmem_shared>>
    tpu.enqueue_indirect_dma source(%dma_start3A_2221 : memref<128x128xf32, #tpu.memory_space<vmem>>) target(%dma_start3A_2227 : memref<392x128xf32, #tpu.memory_space<vmem_shared>>) offsets(%dma_start3A_2224 : memref<128xi32, #tpu.memory_space<vmem>>) semaphore(%arg15 : memref<!tpu.dma_semaphore, #tpu.memory_space<semaphore_mem>>) {add = true}
    %dma_wait3A_2228 = arith.constant 0 : i32
    %dma_wait3A_2229 = arith.constant 2 : i32
    %dma_wait3A_2230 = arith.constant 10 : i32
    %dma_wait3A_2231 = arith.constant 0 : i32
    %dma_wait3A_2232 = arith.constant 0 : i32
    %dma_wait3A_2233 = tpu.memref_slice %arg9[%dma_wait3A_2228, %dma_wait3A_2231, %dma_wait3A_2232] : memref<2x128x128xf32, #tpu.memory_space<vmem>> -> memref<1x128x128xf32, #tpu.memory_space<vmem>>
    %dma_wait3A_2234 = tpu.memref_squeeze %dma_wait3A_2233 : memref<1x128x128xf32, #tpu.memory_space<vmem>> -> memref<128x128xf32, #tpu.memory_space<vmem>>
    %dma_wait3A_2235 = arith.constant 0 : i32
    %dma_wait3A_2236 = tpu.memref_slice %arg10[%dma_wait3A_2229, %dma_wait3A_2230, %dma_wait3A_2235] : memref<3x14x128xi32, #tpu.memory_space<vmem>> -> memref<1x1x128xi32, #tpu.memory_space<vmem>>
    %dma_wait3A_2237 = tpu.memref_squeeze %dma_wait3A_2236 : memref<1x1x128xi32, #tpu.memory_space<vmem>> -> memref<128xi32, #tpu.memory_space<vmem>>
    %dma_wait3A_2238 = arith.constant 0 : i32
    %dma_wait3A_2239 = arith.constant 0 : i32
    %dma_wait3A_2240 = tpu.memref_slice %arg8[%dma_wait3A_2238, %dma_wait3A_2239] : memref<392x128xf32, #tpu.memory_space<vmem_shared>> -> memref<392x128xf32, #tpu.memory_space<vmem_shared>>
    tpu.wait_indirect_dma semaphore(%arg15 : memref<!tpu.dma_semaphore, #tpu.memory_space<semaphore_mem>>) src(%dma_wait3A_2234 : memref<128x128xf32, #tpu.memory_space<vmem>>) dst(%dma_wait3A_2240 : memref<392x128xf32, #tpu.memory_space<vmem_shared>>)
    %add3A_2241 = arith.constant 1536 : i32
    %add3A_2242 = arith.addi %add3A_9, %add3A_2241 : i32
    %dma_start3A_2243 = arith.constant 0 : i32
    %dma_start3A_2244 = arith.constant 0 : i32
    %dma_start3A_2245 = arith.constant 0 : i32
    %dma_start3A_2246 = tpu.memref_slice %arg9[%dma_start3A_2243, %dma_start3A_2244, %dma_start3A_2245] : memref<2x128x128xf32, #tpu.memory_space<vmem>> -> memref<1x128x128xf32, #tpu.memory_space<vmem>>
    %dma_start3A_2247 = tpu.memref_squeeze %dma_start3A_2246 : memref<1x128x128xf32, #tpu.memory_space<vmem>> -> memref<128x128xf32, #tpu.memory_space<vmem>>
    %dma_start3A_2248 = arith.constant 0 : i32
    %dma_start3A_2249 = tpu.memref_slice %arg6[%add3A_2242, %dma_start3A_2248] : memref<100000x128xf32, #tpu.memory_space<hbm>> -> memref<128x128xf32, #tpu.memory_space<hbm>>
    %dma_start3A_2250 = arith.constant 0 : i32
    %dma_start3A_2251 = arith.constant 0 : i32
    %dma_start3A_2252 = tpu.memref_slice %arg9[%dma_start3A_2243, %dma_start3A_2250, %dma_start3A_2251] : memref<2x128x128xf32, #tpu.memory_space<vmem>> -> memref<1x128x128xf32, #tpu.memory_space<vmem>>
    %dma_start3A_2253 = tpu.memref_squeeze %dma_start3A_2252 : memref<1x128x128xf32, #tpu.memory_space<vmem>> -> memref<128x128xf32, #tpu.memory_space<vmem>>
    %dma_start3A_2254 = arith.constant 0 : i32
    %dma_start3A_2255 = tpu.memref_slice %arg6[%add3A_2242, %dma_start3A_2254] : memref<100000x128xf32, #tpu.memory_space<hbm>> -> memref<128x128xf32, #tpu.memory_space<hbm>>
    tpu.enqueue_dma source(%dma_start3A_2255 : memref<128x128xf32, #tpu.memory_space<hbm>>) target(%dma_start3A_2253 : memref<128x128xf32, #tpu.memory_space<vmem>>) target_semaphore(%arg13 : memref<!tpu.dma_semaphore, #tpu.memory_space<semaphore_mem>>)
    %dma_wait3A_2256 = arith.constant 1 : i32
    %dma_wait3A_2257 = arith.constant 0 : i32
    %dma_wait3A_2258 = arith.constant 0 : i32
    %dma_wait3A_2259 = tpu.memref_slice %arg9[%dma_wait3A_2256, %dma_wait3A_2257, %dma_wait3A_2258] : memref<2x128x128xf32, #tpu.memory_space<vmem>> -> memref<1x128x128xf32, #tpu.memory_space<vmem>>
    %dma_wait3A_2260 = tpu.memref_squeeze %dma_wait3A_2259 : memref<1x128x128xf32, #tpu.memory_space<vmem>> -> memref<128x128xf32, #tpu.memory_space<vmem>>
    %dma_wait3A_2261 = arith.constant 0 : i32
    %dma_wait3A_2262 = tpu.memref_slice %arg6[%add3A_2188, %dma_wait3A_2261] : memref<100000x128xf32, #tpu.memory_space<hbm>> -> memref<128x128xf32, #tpu.memory_space<hbm>>
    %dma_wait3A_2263 = arith.constant 0 : i32
    %dma_wait3A_2264 = arith.constant 0 : i32
    %dma_wait3A_2265 = tpu.memref_slice %arg9[%dma_wait3A_2256, %dma_wait3A_2263, %dma_wait3A_2264] : memref<2x128x128xf32, #tpu.memory_space<vmem>> -> memref<1x128x128xf32, #tpu.memory_space<vmem>>
    %dma_wait3A_2266 = tpu.memref_squeeze %dma_wait3A_2265 : memref<1x128x128xf32, #tpu.memory_space<vmem>> -> memref<128x128xf32, #tpu.memory_space<vmem>>
    %dma_wait3A_2267 = arith.constant 0 : i32
    %dma_wait3A_2268 = tpu.memref_slice %arg6[%add3A_2188, %dma_wait3A_2267] : memref<100000x128xf32, #tpu.memory_space<hbm>> -> memref<128x128xf32, #tpu.memory_space<hbm>>
    tpu.wait_dma2 semaphore(%arg14 : memref<!tpu.dma_semaphore, #tpu.memory_space<semaphore_mem>>) src(%dma_wait3A_2268 : memref<128x128xf32, #tpu.memory_space<hbm>>) dst(%dma_wait3A_2266 : memref<128x128xf32, #tpu.memory_space<vmem>>)
    %dma_start3A_2269 = arith.constant 1 : i32
    %dma_start3A_2270 = arith.constant 2 : i32
    %dma_start3A_2271 = arith.constant 11 : i32
    %dma_start3A_2272 = arith.constant 0 : i32
    %dma_start3A_2273 = arith.constant 0 : i32
    %dma_start3A_2274 = tpu.memref_slice %arg9[%dma_start3A_2269, %dma_start3A_2272, %dma_start3A_2273] : memref<2x128x128xf32, #tpu.memory_space<vmem>> -> memref<1x128x128xf32, #tpu.memory_space<vmem>>
    %dma_start3A_2275 = tpu.memref_squeeze %dma_start3A_2274 : memref<1x128x128xf32, #tpu.memory_space<vmem>> -> memref<128x128xf32, #tpu.memory_space<vmem>>
    %dma_start3A_2276 = arith.constant 0 : i32
    %dma_start3A_2277 = tpu.memref_slice %arg10[%dma_start3A_2270, %dma_start3A_2271, %dma_start3A_2276] : memref<3x14x128xi32, #tpu.memory_space<vmem>> -> memref<1x1x128xi32, #tpu.memory_space<vmem>>
    %dma_start3A_2278 = tpu.memref_squeeze %dma_start3A_2277 : memref<1x1x128xi32, #tpu.memory_space<vmem>> -> memref<128xi32, #tpu.memory_space<vmem>>
    %dma_start3A_2279 = arith.constant 0 : i32
    %dma_start3A_2280 = arith.constant 0 : i32
    %dma_start3A_2281 = tpu.memref_slice %arg8[%dma_start3A_2279, %dma_start3A_2280] : memref<392x128xf32, #tpu.memory_space<vmem_shared>> -> memref<392x128xf32, #tpu.memory_space<vmem_shared>>
    tpu.enqueue_indirect_dma source(%dma_start3A_2275 : memref<128x128xf32, #tpu.memory_space<vmem>>) target(%dma_start3A_2281 : memref<392x128xf32, #tpu.memory_space<vmem_shared>>) offsets(%dma_start3A_2278 : memref<128xi32, #tpu.memory_space<vmem>>) semaphore(%arg16 : memref<!tpu.dma_semaphore, #tpu.memory_space<semaphore_mem>>) {add = true}
    %dma_wait3A_2282 = arith.constant 1 : i32
    %dma_wait3A_2283 = arith.constant 2 : i32
    %dma_wait3A_2284 = arith.constant 11 : i32
    %dma_wait3A_2285 = arith.constant 0 : i32
    %dma_wait3A_2286 = arith.constant 0 : i32
    %dma_wait3A_2287 = tpu.memref_slice %arg9[%dma_wait3A_2282, %dma_wait3A_2285, %dma_wait3A_2286] : memref<2x128x128xf32, #tpu.memory_space<vmem>> -> memref<1x128x128xf32, #tpu.memory_space<vmem>>
    %dma_wait3A_2288 = tpu.memref_squeeze %dma_wait3A_2287 : memref<1x128x128xf32, #tpu.memory_space<vmem>> -> memref<128x128xf32, #tpu.memory_space<vmem>>
    %dma_wait3A_2289 = arith.constant 0 : i32
    %dma_wait3A_2290 = tpu.memref_slice %arg10[%dma_wait3A_2283, %dma_wait3A_2284, %dma_wait3A_2289] : memref<3x14x128xi32, #tpu.memory_space<vmem>> -> memref<1x1x128xi32, #tpu.memory_space<vmem>>
    %dma_wait3A_2291 = tpu.memref_squeeze %dma_wait3A_2290 : memref<1x1x128xi32, #tpu.memory_space<vmem>> -> memref<128xi32, #tpu.memory_space<vmem>>
    %dma_wait3A_2292 = arith.constant 0 : i32
    %dma_wait3A_2293 = arith.constant 0 : i32
    %dma_wait3A_2294 = tpu.memref_slice %arg8[%dma_wait3A_2292, %dma_wait3A_2293] : memref<392x128xf32, #tpu.memory_space<vmem_shared>> -> memref<392x128xf32, #tpu.memory_space<vmem_shared>>
    tpu.wait_indirect_dma semaphore(%arg16 : memref<!tpu.dma_semaphore, #tpu.memory_space<semaphore_mem>>) src(%dma_wait3A_2288 : memref<128x128xf32, #tpu.memory_space<vmem>>) dst(%dma_wait3A_2294 : memref<392x128xf32, #tpu.memory_space<vmem_shared>>)
    %add3A_2295 = arith.constant 1664 : i32
    %add3A_2296 = arith.addi %add3A_9, %add3A_2295 : i32
    %dma_start3A_2297 = arith.constant 1 : i32
    %dma_start3A_2298 = arith.constant 0 : i32
    %dma_start3A_2299 = arith.constant 0 : i32
    %dma_start3A_2300 = tpu.memref_slice %arg9[%dma_start3A_2297, %dma_start3A_2298, %dma_start3A_2299] : memref<2x128x128xf32, #tpu.memory_space<vmem>> -> memref<1x128x128xf32, #tpu.memory_space<vmem>>
    %dma_start3A_2301 = tpu.memref_squeeze %dma_start3A_2300 : memref<1x128x128xf32, #tpu.memory_space<vmem>> -> memref<128x128xf32, #tpu.memory_space<vmem>>
    %dma_start3A_2302 = arith.constant 0 : i32
    %dma_start3A_2303 = tpu.memref_slice %arg6[%add3A_2296, %dma_start3A_2302] : memref<100000x128xf32, #tpu.memory_space<hbm>> -> memref<128x128xf32, #tpu.memory_space<hbm>>
    %dma_start3A_2304 = arith.constant 0 : i32
    %dma_start3A_2305 = arith.constant 0 : i32
    %dma_start3A_2306 = tpu.memref_slice %arg9[%dma_start3A_2297, %dma_start3A_2304, %dma_start3A_2305] : memref<2x128x128xf32, #tpu.memory_space<vmem>> -> memref<1x128x128xf32, #tpu.memory_space<vmem>>
    %dma_start3A_2307 = tpu.memref_squeeze %dma_start3A_2306 : memref<1x128x128xf32, #tpu.memory_space<vmem>> -> memref<128x128xf32, #tpu.memory_space<vmem>>
    %dma_start3A_2308 = arith.constant 0 : i32
    %dma_start3A_2309 = tpu.memref_slice %arg6[%add3A_2296, %dma_start3A_2308] : memref<100000x128xf32, #tpu.memory_space<hbm>> -> memref<128x128xf32, #tpu.memory_space<hbm>>
    tpu.enqueue_dma source(%dma_start3A_2309 : memref<128x128xf32, #tpu.memory_space<hbm>>) target(%dma_start3A_2307 : memref<128x128xf32, #tpu.memory_space<vmem>>) target_semaphore(%arg14 : memref<!tpu.dma_semaphore, #tpu.memory_space<semaphore_mem>>)
    %dma_wait3A_2310 = arith.constant 0 : i32
    %dma_wait3A_2311 = arith.constant 0 : i32
    %dma_wait3A_2312 = arith.constant 0 : i32
    %dma_wait3A_2313 = tpu.memref_slice %arg9[%dma_wait3A_2310, %dma_wait3A_2311, %dma_wait3A_2312] : memref<2x128x128xf32, #tpu.memory_space<vmem>> -> memref<1x128x128xf32, #tpu.memory_space<vmem>>
    %dma_wait3A_2314 = tpu.memref_squeeze %dma_wait3A_2313 : memref<1x128x128xf32, #tpu.memory_space<vmem>> -> memref<128x128xf32, #tpu.memory_space<vmem>>
    %dma_wait3A_2315 = arith.constant 0 : i32
    %dma_wait3A_2316 = tpu.memref_slice %arg6[%add3A_2242, %dma_wait3A_2315] : memref<100000x128xf32, #tpu.memory_space<hbm>> -> memref<128x128xf32, #tpu.memory_space<hbm>>
    %dma_wait3A_2317 = arith.constant 0 : i32
    %dma_wait3A_2318 = arith.constant 0 : i32
    %dma_wait3A_2319 = tpu.memref_slice %arg9[%dma_wait3A_2310, %dma_wait3A_2317, %dma_wait3A_2318] : memref<2x128x128xf32, #tpu.memory_space<vmem>> -> memref<1x128x128xf32, #tpu.memory_space<vmem>>
    %dma_wait3A_2320 = tpu.memref_squeeze %dma_wait3A_2319 : memref<1x128x128xf32, #tpu.memory_space<vmem>> -> memref<128x128xf32, #tpu.memory_space<vmem>>
    %dma_wait3A_2321 = arith.constant 0 : i32
    %dma_wait3A_2322 = tpu.memref_slice %arg6[%add3A_2242, %dma_wait3A_2321] : memref<100000x128xf32, #tpu.memory_space<hbm>> -> memref<128x128xf32, #tpu.memory_space<hbm>>
    tpu.wait_dma2 semaphore(%arg13 : memref<!tpu.dma_semaphore, #tpu.memory_space<semaphore_mem>>) src(%dma_wait3A_2322 : memref<128x128xf32, #tpu.memory_space<hbm>>) dst(%dma_wait3A_2320 : memref<128x128xf32, #tpu.memory_space<vmem>>)
    %dma_start3A_2323 = arith.constant 0 : i32
    %dma_start3A_2324 = arith.constant 2 : i32
    %dma_start3A_2325 = arith.constant 12 : i32
    %dma_start3A_2326 = arith.constant 0 : i32
    %dma_start3A_2327 = arith.constant 0 : i32
    %dma_start3A_2328 = tpu.memref_slice %arg9[%dma_start3A_2323, %dma_start3A_2326, %dma_start3A_2327] : memref<2x128x128xf32, #tpu.memory_space<vmem>> -> memref<1x128x128xf32, #tpu.memory_space<vmem>>
    %dma_start3A_2329 = tpu.memref_squeeze %dma_start3A_2328 : memref<1x128x128xf32, #tpu.memory_space<vmem>> -> memref<128x128xf32, #tpu.memory_space<vmem>>
    %dma_start3A_2330 = arith.constant 0 : i32
    %dma_start3A_2331 = tpu.memref_slice %arg10[%dma_start3A_2324, %dma_start3A_2325, %dma_start3A_2330] : memref<3x14x128xi32, #tpu.memory_space<vmem>> -> memref<1x1x128xi32, #tpu.memory_space<vmem>>
    %dma_start3A_2332 = tpu.memref_squeeze %dma_start3A_2331 : memref<1x1x128xi32, #tpu.memory_space<vmem>> -> memref<128xi32, #tpu.memory_space<vmem>>
    %dma_start3A_2333 = arith.constant 0 : i32
    %dma_start3A_2334 = arith.constant 0 : i32
    %dma_start3A_2335 = tpu.memref_slice %arg8[%dma_start3A_2333, %dma_start3A_2334] : memref<392x128xf32, #tpu.memory_space<vmem_shared>> -> memref<392x128xf32, #tpu.memory_space<vmem_shared>>
    tpu.enqueue_indirect_dma source(%dma_start3A_2329 : memref<128x128xf32, #tpu.memory_space<vmem>>) target(%dma_start3A_2335 : memref<392x128xf32, #tpu.memory_space<vmem_shared>>) offsets(%dma_start3A_2332 : memref<128xi32, #tpu.memory_space<vmem>>) semaphore(%arg15 : memref<!tpu.dma_semaphore, #tpu.memory_space<semaphore_mem>>) {add = true}
    %dma_wait3A_2336 = arith.constant 0 : i32
    %dma_wait3A_2337 = arith.constant 2 : i32
    %dma_wait3A_2338 = arith.constant 12 : i32
    %dma_wait3A_2339 = arith.constant 0 : i32
    %dma_wait3A_2340 = arith.constant 0 : i32
    %dma_wait3A_2341 = tpu.memref_slice %arg9[%dma_wait3A_2336, %dma_wait3A_2339, %dma_wait3A_2340] : memref<2x128x128xf32, #tpu.memory_space<vmem>> -> memref<1x128x128xf32, #tpu.memory_space<vmem>>
    %dma_wait3A_2342 = tpu.memref_squeeze %dma_wait3A_2341 : memref<1x128x128xf32, #tpu.memory_space<vmem>> -> memref<128x128xf32, #tpu.memory_space<vmem>>
    %dma_wait3A_2343 = arith.constant 0 : i32
    %dma_wait3A_2344 = tpu.memref_slice %arg10[%dma_wait3A_2337, %dma_wait3A_2338, %dma_wait3A_2343] : memref<3x14x128xi32, #tpu.memory_space<vmem>> -> memref<1x1x128xi32, #tpu.memory_space<vmem>>
    %dma_wait3A_2345 = tpu.memref_squeeze %dma_wait3A_2344 : memref<1x1x128xi32, #tpu.memory_space<vmem>> -> memref<128xi32, #tpu.memory_space<vmem>>
    %dma_wait3A_2346 = arith.constant 0 : i32
    %dma_wait3A_2347 = arith.constant 0 : i32
    %dma_wait3A_2348 = tpu.memref_slice %arg8[%dma_wait3A_2346, %dma_wait3A_2347] : memref<392x128xf32, #tpu.memory_space<vmem_shared>> -> memref<392x128xf32, #tpu.memory_space<vmem_shared>>
    tpu.wait_indirect_dma semaphore(%arg15 : memref<!tpu.dma_semaphore, #tpu.memory_space<semaphore_mem>>) src(%dma_wait3A_2342 : memref<128x128xf32, #tpu.memory_space<vmem>>) dst(%dma_wait3A_2348 : memref<392x128xf32, #tpu.memory_space<vmem_shared>>)
    %add3A_2349 = arith.constant 1792 : i32
    %add3A_2350 = arith.addi %add3A_9, %add3A_2349 : i32
    %dma_start3A_2351 = arith.constant 0 : i32
    %dma_start3A_2352 = arith.constant 0 : i32
    %dma_start3A_2353 = arith.constant 0 : i32
    %dma_start3A_2354 = tpu.memref_slice %arg9[%dma_start3A_2351, %dma_start3A_2352, %dma_start3A_2353] : memref<2x128x128xf32, #tpu.memory_space<vmem>> -> memref<1x56x128xf32, #tpu.memory_space<vmem>>
    %dma_start3A_2355 = tpu.memref_squeeze %dma_start3A_2354 : memref<1x56x128xf32, #tpu.memory_space<vmem>> -> memref<56x128xf32, #tpu.memory_space<vmem>>
    %dma_start3A_2356 = arith.constant 0 : i32
    %dma_start3A_2357 = tpu.memref_slice %arg6[%add3A_2350, %dma_start3A_2356] : memref<100000x128xf32, #tpu.memory_space<hbm>> -> memref<56x128xf32, #tpu.memory_space<hbm>>
    %dma_start3A_2358 = arith.constant 0 : i32
    %dma_start3A_2359 = arith.constant 0 : i32
    %dma_start3A_2360 = tpu.memref_slice %arg9[%dma_start3A_2351, %dma_start3A_2358, %dma_start3A_2359] : memref<2x128x128xf32, #tpu.memory_space<vmem>> -> memref<1x56x128xf32, #tpu.memory_space<vmem>>
    %dma_start3A_2361 = tpu.memref_squeeze %dma_start3A_2360 : memref<1x56x128xf32, #tpu.memory_space<vmem>> -> memref<56x128xf32, #tpu.memory_space<vmem>>
    %dma_start3A_2362 = arith.constant 0 : i32
    %dma_start3A_2363 = tpu.memref_slice %arg6[%add3A_2350, %dma_start3A_2362] : memref<100000x128xf32, #tpu.memory_space<hbm>> -> memref<56x128xf32, #tpu.memory_space<hbm>>
    tpu.enqueue_dma source(%dma_start3A_2363 : memref<56x128xf32, #tpu.memory_space<hbm>>) target(%dma_start3A_2361 : memref<56x128xf32, #tpu.memory_space<vmem>>) target_semaphore(%arg13 : memref<!tpu.dma_semaphore, #tpu.memory_space<semaphore_mem>>)
    %dma_wait3A_2364 = arith.constant 1 : i32
    %dma_wait3A_2365 = arith.constant 0 : i32
    %dma_wait3A_2366 = arith.constant 0 : i32
    %dma_wait3A_2367 = tpu.memref_slice %arg9[%dma_wait3A_2364, %dma_wait3A_2365, %dma_wait3A_2366] : memref<2x128x128xf32, #tpu.memory_space<vmem>> -> memref<1x128x128xf32, #tpu.memory_space<vmem>>
    %dma_wait3A_2368 = tpu.memref_squeeze %dma_wait3A_2367 : memref<1x128x128xf32, #tpu.memory_space<vmem>> -> memref<128x128xf32, #tpu.memory_space<vmem>>
    %dma_wait3A_2369 = arith.constant 0 : i32
    %dma_wait3A_2370 = tpu.memref_slice %arg6[%add3A_2296, %dma_wait3A_2369] : memref<100000x128xf32, #tpu.memory_space<hbm>> -> memref<128x128xf32, #tpu.memory_space<hbm>>
    %dma_wait3A_2371 = arith.constant 0 : i32
    %dma_wait3A_2372 = arith.constant 0 : i32
    %dma_wait3A_2373 = tpu.memref_slice %arg9[%dma_wait3A_2364, %dma_wait3A_2371, %dma_wait3A_2372] : memref<2x128x128xf32, #tpu.memory_space<vmem>> -> memref<1x128x128xf32, #tpu.memory_space<vmem>>
    %dma_wait3A_2374 = tpu.memref_squeeze %dma_wait3A_2373 : memref<1x128x128xf32, #tpu.memory_space<vmem>> -> memref<128x128xf32, #tpu.memory_space<vmem>>
    %dma_wait3A_2375 = arith.constant 0 : i32
    %dma_wait3A_2376 = tpu.memref_slice %arg6[%add3A_2296, %dma_wait3A_2375] : memref<100000x128xf32, #tpu.memory_space<hbm>> -> memref<128x128xf32, #tpu.memory_space<hbm>>
    tpu.wait_dma2 semaphore(%arg14 : memref<!tpu.dma_semaphore, #tpu.memory_space<semaphore_mem>>) src(%dma_wait3A_2376 : memref<128x128xf32, #tpu.memory_space<hbm>>) dst(%dma_wait3A_2374 : memref<128x128xf32, #tpu.memory_space<vmem>>)
    %dma_start3A_2377 = arith.constant 1 : i32
    %dma_start3A_2378 = arith.constant 2 : i32
    %dma_start3A_2379 = arith.constant 13 : i32
    %dma_start3A_2380 = arith.constant 0 : i32
    %dma_start3A_2381 = arith.constant 0 : i32
    %dma_start3A_2382 = tpu.memref_slice %arg9[%dma_start3A_2377, %dma_start3A_2380, %dma_start3A_2381] : memref<2x128x128xf32, #tpu.memory_space<vmem>> -> memref<1x128x128xf32, #tpu.memory_space<vmem>>
    %dma_start3A_2383 = tpu.memref_squeeze %dma_start3A_2382 : memref<1x128x128xf32, #tpu.memory_space<vmem>> -> memref<128x128xf32, #tpu.memory_space<vmem>>
    %dma_start3A_2384 = arith.constant 0 : i32
    %dma_start3A_2385 = tpu.memref_slice %arg10[%dma_start3A_2378, %dma_start3A_2379, %dma_start3A_2384] : memref<3x14x128xi32, #tpu.memory_space<vmem>> -> memref<1x1x128xi32, #tpu.memory_space<vmem>>
    %dma_start3A_2386 = tpu.memref_squeeze %dma_start3A_2385 : memref<1x1x128xi32, #tpu.memory_space<vmem>> -> memref<128xi32, #tpu.memory_space<vmem>>
    %dma_start3A_2387 = arith.constant 0 : i32
    %dma_start3A_2388 = arith.constant 0 : i32
    %dma_start3A_2389 = tpu.memref_slice %arg8[%dma_start3A_2387, %dma_start3A_2388] : memref<392x128xf32, #tpu.memory_space<vmem_shared>> -> memref<392x128xf32, #tpu.memory_space<vmem_shared>>
    tpu.enqueue_indirect_dma source(%dma_start3A_2383 : memref<128x128xf32, #tpu.memory_space<vmem>>) target(%dma_start3A_2389 : memref<392x128xf32, #tpu.memory_space<vmem_shared>>) offsets(%dma_start3A_2386 : memref<128xi32, #tpu.memory_space<vmem>>) semaphore(%arg16 : memref<!tpu.dma_semaphore, #tpu.memory_space<semaphore_mem>>) {add = true}
    %dma_wait3A_2390 = arith.constant 0 : i32
    %dma_wait3A_2391 = arith.constant 0 : i32
    %dma_wait3A_2392 = arith.constant 0 : i32
    %dma_wait3A_2393 = tpu.memref_slice %arg9[%dma_wait3A_2390, %dma_wait3A_2391, %dma_wait3A_2392] : memref<2x128x128xf32, #tpu.memory_space<vmem>> -> memref<1x56x128xf32, #tpu.memory_space<vmem>>
    %dma_wait3A_2394 = tpu.memref_squeeze %dma_wait3A_2393 : memref<1x56x128xf32, #tpu.memory_space<vmem>> -> memref<56x128xf32, #tpu.memory_space<vmem>>
    %dma_wait3A_2395 = arith.constant 0 : i32
    %dma_wait3A_2396 = tpu.memref_slice %arg6[%add3A_2350, %dma_wait3A_2395] : memref<100000x128xf32, #tpu.memory_space<hbm>> -> memref<56x128xf32, #tpu.memory_space<hbm>>
    %dma_wait3A_2397 = arith.constant 0 : i32
    %dma_wait3A_2398 = arith.constant 0 : i32
    %dma_wait3A_2399 = tpu.memref_slice %arg9[%dma_wait3A_2390, %dma_wait3A_2397, %dma_wait3A_2398] : memref<2x128x128xf32, #tpu.memory_space<vmem>> -> memref<1x56x128xf32, #tpu.memory_space<vmem>>
    %dma_wait3A_2400 = tpu.memref_squeeze %dma_wait3A_2399 : memref<1x56x128xf32, #tpu.memory_space<vmem>> -> memref<56x128xf32, #tpu.memory_space<vmem>>
    %dma_wait3A_2401 = arith.constant 0 : i32
    %dma_wait3A_2402 = tpu.memref_slice %arg6[%add3A_2350, %dma_wait3A_2401] : memref<100000x128xf32, #tpu.memory_space<hbm>> -> memref<56x128xf32, #tpu.memory_space<hbm>>
    tpu.wait_dma2 semaphore(%arg13 : memref<!tpu.dma_semaphore, #tpu.memory_space<semaphore_mem>>) src(%dma_wait3A_2402 : memref<56x128xf32, #tpu.memory_space<hbm>>) dst(%dma_wait3A_2400 : memref<56x128xf32, #tpu.memory_space<vmem>>)
    %dma_start3A_2403 = arith.constant 0 : i32
    %dma_start3A_2404 = arith.constant 2 : i32
    %dma_start3A_2405 = arith.constant 0 : i32
    %dma_start3A_2406 = arith.constant 0 : i32
    %dma_start3A_2407 = tpu.memref_slice %arg9[%dma_start3A_2403, %dma_start3A_2405, %dma_start3A_2406] : memref<2x128x128xf32, #tpu.memory_space<vmem>> -> memref<1x56x128xf32, #tpu.memory_space<vmem>>
    %dma_start3A_2408 = tpu.memref_squeeze %dma_start3A_2407 : memref<1x56x128xf32, #tpu.memory_space<vmem>> -> memref<56x128xf32, #tpu.memory_space<vmem>>
    %dma_start3A_2409 = arith.constant 0 : i32
    %dma_start3A_2410 = tpu.memref_slice %arg11[%dma_start3A_2404, %dma_start3A_2409] : memref<8x56xi32, #tpu.memory_space<vmem>> -> memref<1x56xi32, #tpu.memory_space<vmem>>
    %dma_start3A_2411 = tpu.memref_squeeze %dma_start3A_2410 : memref<1x56xi32, #tpu.memory_space<vmem>> -> memref<56xi32, #tpu.memory_space<vmem>>
    %dma_start3A_2412 = arith.constant 0 : i32
    %dma_start3A_2413 = arith.constant 0 : i32
    %dma_start3A_2414 = tpu.memref_slice %arg8[%dma_start3A_2412, %dma_start3A_2413] : memref<392x128xf32, #tpu.memory_space<vmem_shared>> -> memref<392x128xf32, #tpu.memory_space<vmem_shared>>
    tpu.enqueue_indirect_dma source(%dma_start3A_2408 : memref<56x128xf32, #tpu.memory_space<vmem>>) target(%dma_start3A_2414 : memref<392x128xf32, #tpu.memory_space<vmem_shared>>) offsets(%dma_start3A_2411 : memref<56xi32, #tpu.memory_space<vmem>>) semaphore(%arg15 : memref<!tpu.dma_semaphore, #tpu.memory_space<semaphore_mem>>) {add = true}
    %dma_wait3A_2415 = arith.constant 1 : i32
    %dma_wait3A_2416 = arith.constant 2 : i32
    %dma_wait3A_2417 = arith.constant 13 : i32
    %dma_wait3A_2418 = arith.constant 0 : i32
    %dma_wait3A_2419 = arith.constant 0 : i32
    %dma_wait3A_2420 = tpu.memref_slice %arg9[%dma_wait3A_2415, %dma_wait3A_2418, %dma_wait3A_2419] : memref<2x128x128xf32, #tpu.memory_space<vmem>> -> memref<1x128x128xf32, #tpu.memory_space<vmem>>
    %dma_wait3A_2421 = tpu.memref_squeeze %dma_wait3A_2420 : memref<1x128x128xf32, #tpu.memory_space<vmem>> -> memref<128x128xf32, #tpu.memory_space<vmem>>
    %dma_wait3A_2422 = arith.constant 0 : i32
    %dma_wait3A_2423 = tpu.memref_slice %arg10[%dma_wait3A_2416, %dma_wait3A_2417, %dma_wait3A_2422] : memref<3x14x128xi32, #tpu.memory_space<vmem>> -> memref<1x1x128xi32, #tpu.memory_space<vmem>>
    %dma_wait3A_2424 = tpu.memref_squeeze %dma_wait3A_2423 : memref<1x1x128xi32, #tpu.memory_space<vmem>> -> memref<128xi32, #tpu.memory_space<vmem>>
    %dma_wait3A_2425 = arith.constant 0 : i32
    %dma_wait3A_2426 = arith.constant 0 : i32
    %dma_wait3A_2427 = tpu.memref_slice %arg8[%dma_wait3A_2425, %dma_wait3A_2426] : memref<392x128xf32, #tpu.memory_space<vmem_shared>> -> memref<392x128xf32, #tpu.memory_space<vmem_shared>>
    tpu.wait_indirect_dma semaphore(%arg16 : memref<!tpu.dma_semaphore, #tpu.memory_space<semaphore_mem>>) src(%dma_wait3A_2421 : memref<128x128xf32, #tpu.memory_space<vmem>>) dst(%dma_wait3A_2427 : memref<392x128xf32, #tpu.memory_space<vmem_shared>>)
    %dma_wait3A_2428 = arith.constant 0 : i32
    %dma_wait3A_2429 = arith.constant 2 : i32
    %dma_wait3A_2430 = arith.constant 0 : i32
    %dma_wait3A_2431 = arith.constant 0 : i32
    %dma_wait3A_2432 = tpu.memref_slice %arg9[%dma_wait3A_2428, %dma_wait3A_2430, %dma_wait3A_2431] : memref<2x128x128xf32, #tpu.memory_space<vmem>> -> memref<1x56x128xf32, #tpu.memory_space<vmem>>
    %dma_wait3A_2433 = tpu.memref_squeeze %dma_wait3A_2432 : memref<1x56x128xf32, #tpu.memory_space<vmem>> -> memref<56x128xf32, #tpu.memory_space<vmem>>
    %dma_wait3A_2434 = arith.constant 0 : i32
    %dma_wait3A_2435 = tpu.memref_slice %arg11[%dma_wait3A_2429, %dma_wait3A_2434] : memref<8x56xi32, #tpu.memory_space<vmem>> -> memref<1x56xi32, #tpu.memory_space<vmem>>
    %dma_wait3A_2436 = tpu.memref_squeeze %dma_wait3A_2435 : memref<1x56xi32, #tpu.memory_space<vmem>> -> memref<56xi32, #tpu.memory_space<vmem>>
    %dma_wait3A_2437 = arith.constant 0 : i32
    %dma_wait3A_2438 = arith.constant 0 : i32
    %dma_wait3A_2439 = tpu.memref_slice %arg8[%dma_wait3A_2437, %dma_wait3A_2438] : memref<392x128xf32, #tpu.memory_space<vmem_shared>> -> memref<392x128xf32, #tpu.memory_space<vmem_shared>>
    tpu.wait_indirect_dma semaphore(%arg15 : memref<!tpu.dma_semaphore, #tpu.memory_space<semaphore_mem>>) src(%dma_wait3A_2433 : memref<56x128xf32, #tpu.memory_space<vmem>>) dst(%dma_wait3A_2439 : memref<392x128xf32, #tpu.memory_space<vmem_shared>>)
    %barrier3A_2440 = arith.constant 0 : index
    tpu.barrier barrier_id(%barrier3A_2440)
    %eq3A_2441 = arith.constant 0 : i32
    %eq3A_2442 = arith.cmpi eq, %arg1, %eq3A_2441 : i32
    %convert_element_type3A_2443 = arith.extui %eq3A_2442 : i1 to i32
    %cond3A_2444 = arith.constant 0 : i32
    %cond3A_2445 = arith.cmpi ne, %convert_element_type3A_2443, %cond3A_2444 : i32
    scf.if %cond3A_2445 {
      "tpu.region"() ({
        %run_scoped3A = tpu.sem_alloc : memref<!tpu.dma_semaphore, #tpu.memory_space<semaphore_mem>>
        %dma_start3A_2446 = arith.constant 0 : i32
        %dma_start3A_2447 = arith.constant 0 : i32
        %dma_start3A_2448 = tpu.memref_slice %arg7[%arg0, %dma_start3A_2446, %dma_start3A_2447] : memref<2x384x128xf32, #tpu.memory_space<hbm>> -> memref<1x384x128xf32, #tpu.memory_space<hbm>>
        %dma_start3A_2449 = tpu.memref_squeeze %dma_start3A_2448 : memref<1x384x128xf32, #tpu.memory_space<hbm>> -> memref<384x128xf32, #tpu.memory_space<hbm>>
        %dma_start3A_2450 = arith.constant 0 : i32
        %dma_start3A_2451 = arith.constant 0 : i32
        %dma_start3A_2452 = tpu.memref_slice %arg8[%dma_start3A_2450, %dma_start3A_2451] : memref<392x128xf32, #tpu.memory_space<vmem_shared>> -> memref<384x128xf32, #tpu.memory_space<vmem_shared>>
        tpu.enqueue_dma source(%dma_start3A_2452 : memref<384x128xf32, #tpu.memory_space<vmem_shared>>) target(%dma_start3A_2449 : memref<384x128xf32, #tpu.memory_space<hbm>>) target_semaphore(%run_scoped3A : memref<!tpu.dma_semaphore, #tpu.memory_space<semaphore_mem>>)
        %dma_wait3A_2453 = arith.constant 0 : i32
        %dma_wait3A_2454 = arith.constant 0 : i32
        %dma_wait3A_2455 = tpu.memref_slice %arg7[%arg0, %dma_wait3A_2453, %dma_wait3A_2454] : memref<2x384x128xf32, #tpu.memory_space<hbm>> -> memref<1x384x128xf32, #tpu.memory_space<hbm>>
        %dma_wait3A_2456 = tpu.memref_squeeze %dma_wait3A_2455 : memref<1x384x128xf32, #tpu.memory_space<hbm>> -> memref<384x128xf32, #tpu.memory_space<hbm>>
        %dma_wait3A_2457 = arith.constant 0 : i32
        %dma_wait3A_2458 = arith.constant 0 : i32
        %dma_wait3A_2459 = tpu.memref_slice %arg8[%dma_wait3A_2457, %dma_wait3A_2458] : memref<392x128xf32, #tpu.memory_space<vmem_shared>> -> memref<384x128xf32, #tpu.memory_space<vmem_shared>>
        tpu.wait_dma2 semaphore(%run_scoped3A : memref<!tpu.dma_semaphore, #tpu.memory_space<semaphore_mem>>) src(%dma_wait3A_2459 : memref<384x128xf32, #tpu.memory_space<vmem_shared>>) dst(%dma_wait3A_2456 : memref<384x128xf32, #tpu.memory_space<hbm>>)
        tpu.yield
      }) : () -> ()
    } else {
    }
    return
  }
}

module attributes {stable_mosaic.version = 14 : i64} {
  func.func @_pool_tc_body(%arg0: i32, %arg1: memref<1x1x2048xi32, #tpu.memory_space<vmem>>, %arg2: memref<2048x128xf32, #tpu.memory_space<vmem>>, %arg3: memref<128x128xf32, #tpu.memory_space<vmem>>) attributes {dimension_semantics = [#tpu.dimension_semantics<arbitrary>], iteration_bounds = array<i64: 20>, scalar_prefetch = 0 : i64, scratch_operands = 0 : i64, tpu.core_type = #tpu.core_type<tc>, window_params = [{transform_indices = @transform_0, window_bounds = array<i64: 1, 1, 2048>}, {transform_indices = @transform_1, window_bounds = array<i64: 2048, 128>}, {pipeline_mode = #tpu.pipeline_mode<synchronous>, transform_indices = @transform_2, window_bounds = array<i64: 128, 128>}]} {
    %get3A = arith.constant 0 : index
    %get3A_0 = arith.constant 0 : index
    %get3A_1 = arith.constant 0 : index
    %get3A_2 = vector.load %arg1[%get3A, %get3A_0, %get3A_1] : memref<1x1x2048xi32, #tpu.memory_space<vmem>>, vector<1x1x2048xi32>
    %reshape3A = vector.shape_cast %get3A_2 : vector<1x1x2048xi32> to vector<1x2048xi32>
    %iota3A = tpu.iota {dimensions = array<i32: 0>} : vector<128x2048xi32>
    %eq3A = vector.broadcast %reshape3A : vector<1x2048xi32> to vector<128x2048xi32>
    %eq3A_3 = arith.cmpi eq, %iota3A, %eq3A : vector<128x2048xi32>
    %convert_element_type3A = arith.extui %eq3A_3 : vector<128x2048xi1> to vector<128x2048xi32>
    %convert_element_type3A_4 = arith.sitofp %convert_element_type3A : vector<128x2048xi32> to vector<128x2048xf32>
    %get3A_5 = arith.constant 0 : index
    %get3A_6 = arith.constant 0 : index
    %get3A_7 = vector.load %arg2[%get3A_5, %get3A_6] : memref<2048x128xf32, #tpu.memory_space<vmem>>, vector<2048x128xf32>
    %dot_general3A = arith.constant dense<0.000000e+00> : vector<128x128xf32>
    %dot_general3A_8 = tpu.matmul %convert_element_type3A_4, %get3A_7, %dot_general3A {dimension_numbers = #tpu.dot_dimension_numbers<[1], [0], [0], [1], [0, 0, 1, 1], [], []>, transpose_lhs_hint = false} : vector<128x2048xf32>, vector<2048x128xf32>, vector<128x128xf32> -> vector<128x128xf32>
    %eq3A_9 = arith.constant 0 : i32
    %eq3A_10 = arith.cmpi eq, %arg0, %eq3A_9 : i32
    %convert_element_type3A_11 = arith.extui %eq3A_10 : i1 to i32
    %cond3A = arith.constant 0 : i32
    %cond3A_12 = arith.cmpi ne, %convert_element_type3A_11, %cond3A : i32
    scf.if %cond3A_12 {
      %broadcast_in_dim3A = arith.constant 0.000000e+00 : f32
      %broadcast_in_dim3A_18 = vector.broadcast %broadcast_in_dim3A : f32 to vector<128x128xf32>
      %swap3A_19 = arith.constant 0 : index
      %swap3A_20 = arith.constant 0 : index
      %swap3A_21 = vector.load %arg3[%swap3A_19, %swap3A_20] : memref<128x128xf32, #tpu.memory_space<vmem>>, vector<128x128xf32>
      tpu.vector_store %arg3[%swap3A_19, %swap3A_20], %broadcast_in_dim3A_18 {strides = array<i32>} : memref<128x128xf32, #tpu.memory_space<vmem>>, vector<128x128xf32>,
    } else {
    }
    %get3A_13 = arith.constant 0 : index
    %get3A_14 = arith.constant 0 : index
    %get3A_15 = vector.load %arg3[%get3A_13, %get3A_14] : memref<128x128xf32, #tpu.memory_space<vmem>>, vector<128x128xf32>
    %add3A = arith.addf %get3A_15, %dot_general3A_8 : vector<128x128xf32>
    %swap3A = arith.constant 0 : index
    %swap3A_16 = arith.constant 0 : index
    %swap3A_17 = vector.load %arg3[%swap3A, %swap3A_16] : memref<128x128xf32, #tpu.memory_space<vmem>>, vector<128x128xf32>
    tpu.vector_store %arg3[%swap3A, %swap3A_16], %add3A {strides = array<i32>} : memref<128x128xf32, #tpu.memory_space<vmem>>, vector<128x128xf32>,
    return
  }
  func.func @transform_0(%arg0: i32) -> (i32, i32, i32) {
    %c0_i32 = arith.constant 0 : i32
    %c0_i32_0 = arith.constant 0 : i32
    %c0_i32_1 = arith.constant 0 : i32
    return %arg0, %c0_i32, %c0_i32_0 : i32, i32, i32
  }
  func.func @transform_1(%arg0: i32) -> (i32, i32) {
    %c0_i32 = arith.constant 0 : i32
    %c0_i32_0 = arith.constant 0 : i32
    return %arg0, %c0_i32 : i32, i32
  }
  func.func @transform_2(%arg0: i32) -> (i32, i32) {
    %c0_i32 = arith.constant 0 : i32
    %c0_i32_0 = arith.constant 0 : i32
    %c0_i32_1 = arith.constant 0 : i32
    return %c0_i32, %c0_i32_0 : i32, i32
  }
}

module attributes {stable_mosaic.version = 14 : i64} {
  func.func @_loss_body(%arg0: memref<2x384x128xf32, #tpu.memory_space<vmem>>, %arg1: memref<128x128xf32, #tpu.memory_space<vmem>>, %arg2: memref<128x128xf32, #tpu.memory_space<vmem>>, %arg3: memref<128x128xf32, #tpu.memory_space<vmem>>, %arg4: memref<128x1xf32, #tpu.memory_space<vmem>>, %arg5: memref<128x1xf32, #tpu.memory_space<vmem>>, %arg6: memref<128x1xf32, #tpu.memory_space<vmem>>, %arg7: memref<1x1xf32, #tpu.memory_space<vmem>>) attributes {dimension_semantics = [], scalar_prefetch = 0 : i64, scratch_operands = 0 : i64, tpu.core_type = #tpu.core_type<tc>} {
    %get3A = arith.constant 0 : index
    %get3A_0 = arith.constant 0 : index
    %get3A_1 = arith.constant 0 : index
    %get3A_2 = vector.load %arg0[%get3A, %get3A_0, %get3A_1] : memref<2x384x128xf32, #tpu.memory_space<vmem>>, vector<1x384x128xf32>
    %get3A_3 = vector.shape_cast %get3A_2 : vector<1x384x128xf32> to vector<384x128xf32>
    %get3A_4 = arith.constant 1 : index
    %get3A_5 = arith.constant 0 : index
    %get3A_6 = arith.constant 0 : index
    %get3A_7 = vector.load %arg0[%get3A_4, %get3A_5, %get3A_6] : memref<2x384x128xf32, #tpu.memory_space<vmem>>, vector<1x384x128xf32>
    %get3A_8 = vector.shape_cast %get3A_7 : vector<1x384x128xf32> to vector<384x128xf32>
    %add3A = arith.addf %get3A_3, %get3A_8 : vector<384x128xf32>
    %slice3A = vector.extract_strided_slice %add3A {offsets = [0, 0], sizes = [128, 128], strides = [1, 1]} : vector<384x128xf32> to vector<128x128xf32>
    %get3A_9 = arith.constant 0 : index
    %get3A_10 = arith.constant 0 : index
    %get3A_11 = vector.load %arg1[%get3A_9, %get3A_10] : memref<128x128xf32, #tpu.memory_space<vmem>>, vector<128x128xf32>
    %add3A_12 = arith.addf %slice3A, %get3A_11 : vector<128x128xf32>
    %slice3A_13 = vector.extract_strided_slice %add3A {offsets = [128, 0], sizes = [128, 128], strides = [1, 1]} : vector<384x128xf32> to vector<128x128xf32>
    %get3A_14 = arith.constant 0 : index
    %get3A_15 = arith.constant 0 : index
    %get3A_16 = vector.load %arg2[%get3A_14, %get3A_15] : memref<128x128xf32, #tpu.memory_space<vmem>>, vector<128x128xf32>
    %add3A_17 = arith.addf %slice3A_13, %get3A_16 : vector<128x128xf32>
    %slice3A_18 = vector.extract_strided_slice %add3A {offsets = [256, 0], sizes = [128, 128], strides = [1, 1]} : vector<384x128xf32> to vector<128x128xf32>
    %get3A_19 = arith.constant 0 : index
    %get3A_20 = arith.constant 0 : index
    %get3A_21 = vector.load %arg3[%get3A_19, %get3A_20] : memref<128x128xf32, #tpu.memory_space<vmem>>, vector<128x128xf32>
    %add3A_22 = arith.addf %slice3A_18, %get3A_21 : vector<128x128xf32>
    %sub3A = arith.subf %add3A_17, %add3A_12 : vector<128x128xf32>
    %integer_pow3A = arith.mulf %sub3A, %sub3A : vector<128x128xf32>
    %reduce_sum3A = arith.constant dense<0.000000e+00> : vector<128xf32>
    %reduce_sum3A_23 = vector.multi_reduction <add>, %integer_pow3A, %reduce_sum3A [1] : vector<128x128xf32> to vector<128xf32>
    %broadcast_in_dim3A = vector.shape_cast %reduce_sum3A_23 : vector<128xf32> to vector<128x1xf32>
    %sqrt3A = math.sqrt %broadcast_in_dim3A : vector<128x1xf32>
    %sub3A_24 = arith.subf %add3A_22, %add3A_12 : vector<128x128xf32>
    %integer_pow3A_25 = arith.mulf %sub3A_24, %sub3A_24 : vector<128x128xf32>
    %reduce_sum3A_26 = arith.constant dense<0.000000e+00> : vector<128xf32>
    %reduce_sum3A_27 = vector.multi_reduction <add>, %integer_pow3A_25, %reduce_sum3A_26 [1] : vector<128x128xf32> to vector<128xf32>
    %broadcast_in_dim3A_28 = vector.shape_cast %reduce_sum3A_27 : vector<128xf32> to vector<128x1xf32>
    %sqrt3A_29 = math.sqrt %broadcast_in_dim3A_28 : vector<128x1xf32>
    %get3A_30 = arith.constant 0 : index
    %get3A_31 = arith.constant 0 : index
    %get3A_32 = vector.load %arg4[%get3A_30, %get3A_31] : memref<128x1xf32, #tpu.memory_space<vmem>>, vector<128x1xf32>
    %get3A_33 = arith.constant 0 : index
    %get3A_34 = arith.constant 0 : index
    %get3A_35 = vector.load %arg6[%get3A_33, %get3A_34] : memref<128x1xf32, #tpu.memory_space<vmem>>, vector<128x1xf32>
    %sub3A_36 = arith.subf %get3A_35, %get3A_32 : vector<128x1xf32>
    %abs3A = math.absf %sub3A_36 : vector<128x1xf32>
    %get3A_37 = arith.constant 0 : index
    %get3A_38 = arith.constant 0 : index
    %get3A_39 = vector.load %arg5[%get3A_37, %get3A_38] : memref<128x1xf32, #tpu.memory_space<vmem>>, vector<128x1xf32>
    %sub3A_40 = arith.subf %get3A_39, %get3A_32 : vector<128x1xf32>
    %abs3A_41 = math.absf %sub3A_40 : vector<128x1xf32>
    %add3A_42 = arith.constant 9.99999997E-7 : f32
    %add3A_43 = vector.broadcast %add3A_42 : f32 to vector<128x1xf32>
    %add3A_44 = arith.addf %abs3A_41, %add3A_43 : vector<128x1xf32>
    %div3A = arith.divf %abs3A, %add3A_44 : vector<128x1xf32>
    %mul3A = arith.mulf %div3A, %sqrt3A_29 : vector<128x1xf32>
    %sub3A_45 = arith.subf %sqrt3A, %mul3A : vector<128x1xf32>
    %add3A_46 = arith.constant 0.000000e+00 : f32
    %add3A_47 = vector.broadcast %add3A_46 : f32 to vector<128x1xf32>
    %add3A_48 = arith.addf %sub3A_45, %add3A_47 : vector<128x1xf32>
    %max3A = arith.constant 0.000000e+00 : f32
    %max3A_49 = vector.broadcast %max3A : f32 to vector<128x1xf32>
    %max3A_50 = arith.maximumf %add3A_48, %max3A_49 : vector<128x1xf32>
    %reduce_sum3A_51 = vector.shape_cast %max3A_50 : vector<128x1xf32> to vector<1x128x1xf32>
    %reduce_sum3A_52 = arith.constant dense<0.000000e+00> : vector<1xf32>
    %reduce_sum3A_53 = vector.multi_reduction <add>, %reduce_sum3A_51, %reduce_sum3A_52 [1, 2] : vector<1x128x1xf32> to vector<1xf32>
    %reduce_sum3A_54 = vector.shape_cast %reduce_sum3A_53 : vector<1xf32> to vector<1x1x1xf32>
    %reduce_sum3A_55 = vector.extract %reduce_sum3A_54[0, 0, 0] : f32 from vector<1x1x1xf32>
    %div3A_56 = arith.constant 1.280000e+02 : f32
    %div3A_57 = arith.divf %reduce_sum3A_55, %div3A_56 : f32
    %reshape3A = vector.broadcast %div3A_57 : f32 to vector<1x1xf32>
    %swap3A = arith.constant 0 : index
    %swap3A_58 = arith.constant 0 : index
    %swap3A_59 = vector.load %arg7[%swap3A, %swap3A_58] : memref<1x1xf32, #tpu.memory_space<vmem>>, vector<1x1xf32>
    tpu.vector_store %arg7[%swap3A, %swap3A_58], %reshape3A {strides = array<i32>} : memref<1x1xf32, #tpu.memory_space<vmem>>, vector<1x1xf32>,
    return
  }
}

</mosaic_0001>

<sc_bundles>
// kernel: kernel.7.cloned.1.call-start
scs
__scs_entry_jumppad:
0x0: {  	(pc) =	sbr.rel $0x88, $3  }
0x1: {  	(tag) =	ssettag $0x0;
	lr =	simm.s32 $0x1  }
0x2: {  	[smem:$0x3F98] =	sst lr;
	_ =	strace $0xD0000000  }
0x3: {  	_ = 	snop  }
0x4: {  	_ = 	snop  }
0x5: {  	_ = 	snop  }
0x6: {  	_ = 	snop  }
0x7: {  	_ = 	snop  }
__scs_overlays_trampoline_lowered:
0x8: {  	[smem:$0x3FA7] =	sst s0  }
0x9: {  	[smem:$0x3FA8] =	sst s1  }
0xa: {  	[smem:$0x3FA9] =	sst s2  }
0xb: {  	[smem:$0x3FAA] =	sst s3  }
0xc: {  	[smem:$0x3FAB] =	sst s4  }
0xd: {  	[smem:$0x3FAC] =	sst s5  }
0xe: {  	[smem:$0x3FAD] =	sst s6  }
0xf: {  	[smem:$0x3FAE] =	sst s7  }
0x10: {  	[smem:$0x3FAF] =	sst s8  }
0x11: {  	[smem:$0x3FB0] =	sst s9;
	s0 =	simm.s32 @!p0 $0x0  }
0x12: {  	s1 =	sld [smem:$0x3F96];
	s0 =	simm.s32 @p0 $0x1  }
0x13: {  	[smem:$0x3FB1] =	sst s0;
	s0 =	simm.s32 @!p1 $0x0  }
0x14: {  	s2 =	sld [smem:$0x3F95];
	s0 =	simm.s32 @p1 $0x1  }
0x15: {  	[smem:$0x3FB2] =	sst s0;
	s0 =	simm.s32 @!p2 $0x0  }
0x16: {  	s3 =	sld [smem:$0x3FDB];
	s0 =	simm.s32 @p2 $0x1  }
0x17: {  	s4 =	simm.s32 $0x1BF5;
	[smem:$0x3FB4] =	sst s0  }
0x18: {  	s0 =	sld [smem:$0x3F97];
	_ =	swait.ge [sflag:s4], $0x0  }
0x19: {  	s7 =	sld [smem:$0x3F98]  }
0x1a: {  	s8 =	sadd.s32 $0xFFFFE003, lr  }
0x1b: {  	s9 =	sadd.s32 $0xFFFFFEF7, lr;
	s5 =	simm.s32 $0xFFFFFFFF;
	p2 =	slt.u32 s8, $0xFFFFF086  }
0x1c: {  	p1 =	slt.u32 s9, $0xF7A;
	s5 =	simm.s32 @!p2 $0x0  }
0x1d: {  	s5 =	simm.s32 @p1 $0x1;
	p0 =	seq.s32 s7, s2  }
0x1e: {  	s7 =	smul.u32 @!p0 $0xF7A, s2;
	p2 =	seq.s32 @!p0 s5, $0x0  }
0x1f: {  	s9 =	smul.u32 $0xF7A, s1;
	s8 =	simm.s32 @!p0 $0x1BF5;
	p2 =	por !p2, p0  }
0x20: {  	[sflag:s8] =	ssyncset.s32 @!p0 $0xFFFFF086;
	s6 =	sadd.s32 @!p0 s3, s7;
	s7 =	simm.s32 @!p0 $0x108  }
0x21: {  	s3 =	sadd.s32 s3, s9;
	s6 =	sadd.s32 @!p0 $0x88, s6;
	s7 =	simm.s32 @p2 $0x1082  }
0x22: {  	[simem:s7], [sflag:s8] =	dma.local @!p0 [hbm:s6], $0xF7A  }
0x23: {  	s9 =	sor.u32 $0xD0000000, s2;
	s6 =	simm.s32 $0x108;
	_ =	swait.ge @!p0 [sflag:s8], $0x0  }
0x24: {  	s3 =	sadd.s32 $0x88, s3;
	s6 =	simm.s32 @!p1 $0x1082;
	[sflag:s4] =	ssyncset.s32 $0xFFFFF086  }
0x25: {  	[simem:s6], [sflag:s4] =	dma.local [hbm:s3], $0xF7A  }
0x26: {  	[smem:$0x3F98] =	sst s1;
	(tag) =	ssettag s2;
	_ =	strace s9  }
0x27: {  	s1 =	sld [smem:$0x3FA8]  }
0x28: {  	s2 =	sld [smem:$0x3FA9]  }
0x29: {  	s4 =	sld [smem:$0x3FAB]  }
0x2a: {  	p0 =	seq.s32 s5, $0x0;
	s5 =	sld [smem:$0x3FAC]  }
0x2b: {  	s6 =	sld [smem:$0x3FAD]  }
0x2c: {  	s7 =	sld [smem:$0x3FAE]  }
0x2d: {  	s3 =	simm.s32 $0x108;
	s8 =	sld [smem:$0x3FAF]  }
0x2e: {  	s3 =	simm.s32 @!p0 $0x1082;
	s9 =	sld [smem:$0x3FB0]  }
0x2f: {  	lr =	sadd.s32 s0, s3;
	s0 =	sld [smem:$0x3FA7]  }
0x30: {  	s3 =	sld [smem:$0x3FAA]  }
0x31: {  	[smem:$0x3FB3] =	sst s10  }
0x32: {  	s10 =	sld [smem:$0x3FB1];
	_ =	sdelay $0x3  }
0x33: {  	p0 =	seq.s32 s10, $0x1;
	s10 =	sld [smem:$0x3FB3];
	_ =	sdelay $0x3  }
0x34: {  	[smem:$0x3FB3] =	sst s10  }
0x35: {  	s10 =	sld [smem:$0x3FB2];
	_ =	sdelay $0x3  }
0x36: {  	p1 =	seq.s32 s10, $0x1;
	s10 =	sld [smem:$0x3FB3];
	_ =	sdelay $0x3  }
0x37: {  	[smem:$0x3FB3] =	sst s10  }
0x38: {  	s10 =	sld [smem:$0x3FB4]  }
0x39: {  	_ = 	snop;
	(pc) =	sbr.ind lr, $3  }
0x3a: {  	_ = 	snop  }
0x3b: {  	_ = 	snop  }
0x3c: {  	p2 =	seq.s32 s10, $0x1;
	s10 =	sld [smem:$0x3FB3]  }
0x3d: {  	_ =	shalt  }
0x3e: {  	_ =	shalt  }
0x3f: {  	_ =	shalt  }
0x40: {  	_ =	shalt  }
0x41: {  	_ =	shalt  }
0x42: {  	_ =	shalt  }
0x43: {  	_ =	shalt  }
0x44: {  	_ =	shalt  }
0x45: {  	_ =	shalt  }
0x46: {  	_ =	shalt  }
0x47: {  	_ =	shalt  }
0x48: {  	_ =	shalt  }
0x49: {  	_ =	shalt  }
0x4a: {  	_ =	shalt  }
0x4b: {  	_ =	shalt  }
0x4c: {  	_ =	shalt  }
0x4d: {  	_ =	shalt  }
0x4e: {  	_ =	shalt  }
0x4f: {  	_ =	shalt  }
0x50: {  	_ =	shalt  }
0x51: {  	_ =	shalt  }
0x52: {  	_ =	shalt  }
0x53: {  	_ =	shalt  }
0x54: {  	_ =	shalt  }
0x55: {  	_ =	shalt  }
0x56: {  	_ =	shalt  }
0x57: {  	_ =	shalt  }
0x58: {  	_ =	shalt  }
0x59: {  	_ =	shalt  }
0x5a: {  	_ =	shalt  }
0x5b: {  	_ =	shalt  }
0x5c: {  	_ =	shalt  }
0x5d: {  	_ =	shalt  }
0x5e: {  	_ =	shalt  }
0x5f: {  	_ =	shalt  }
0x60: {  	_ =	shalt  }
0x61: {  	_ =	shalt  }
0x62: {  	_ =	shalt  }
0x63: {  	_ =	shalt  }
0x64: {  	_ =	shalt  }
0x65: {  	_ =	shalt  }
0x66: {  	_ =	shalt  }
0x67: {  	_ =	shalt  }
0x68: {  	_ =	shalt  }
0x69: {  	_ =	shalt  }
0x6a: {  	_ =	shalt  }
0x6b: {  	_ =	shalt  }
0x6c: {  	_ =	shalt  }
0x6d: {  	_ =	shalt  }
0x6e: {  	_ =	shalt  }
0x6f: {  	_ =	shalt  }
0x70: {  	_ =	shalt  }
0x71: {  	_ =	shalt  }
0x72: {  	_ =	shalt  }
0x73: {  	_ =	shalt  }
0x74: {  	_ =	shalt  }
0x75: {  	_ =	shalt  }
0x76: {  	_ =	shalt  }
0x77: {  	_ =	shalt  }
0x78: {  	_ =	shalt  }
0x79: {  	_ =	shalt  }
0x7a: {  	_ =	shalt  }
0x7b: {  	_ =	shalt  }
0x7c: {  	_ =	shalt  }
0x7d: {  	_ =	shalt  }
0x7e: {  	_ =	shalt  }
0x7f: {  	_ =	shalt  }
0x80: {  	_ =	shalt  }
0x81: {  	_ =	shalt  }
0x82: {  	_ =	shalt  }
0x83: {  	_ =	shalt  }
0x84: {  	_ =	shalt  }
0x85: {  	_ =	shalt  }
0x86: {  	_ =	shalt  }
0x87: {  	_ =	shalt  }
.Lfunc_end0:
.L_simem_size_0:
called_computation_lowered:
.L_overlay_start_0:
0x88: {  	s2 =	sld [smem:$0x3FD9]  }
0x89: {  	s3 =	sld [smem:$0x3FFE];
	_ =	sdelay $0x1  }
0x8a: {  	s1 =	srdreg.scid  }
0x8b: {  	s0 =	sand.u32 $0x1, s1  }
0x8c: {  	s17 =	sshll.u32 s0, $0xA;
	s2 =	sadd.s32 s3, s2  }
0x8d: {  	s2 =	sadd.s32 s2, s17  }
0x8e: {  	[smem:$0x3FBF] =	sst s2  }
0x8f: {  	_ = 	snop  }
0x90: {  	s2 =	sld [smem:$0x3FC6]  }
0x91: {  	s18 =	sld [smem:$0x3FC5]  }
0x92: {  	s4 =	sld [smem:$0x3FC4];
	(tm) =	ssettm $0x1  }
0x93: {  	s5 =	sld [smem:$0x3FFB];
	_ =	sdelay $0x3  }
0x94: {  	_ =	strace s5  }
0x95: {  	s5 =	sld [smem:$0x3FFC];
	_ =	sdelay $0x3  }
0x96: {  	_ =	strace s5  }
0x97: {  	s5 =	sld [smem:$0x3FFD];
	_ =	sdelay $0x3  }
0x98: {  	_ =	strace s5  }
0x99: {  	_ =	strace $0x8FFFFFFF  }
0x9a: {  	s19 =	sld [smem:$0x3FDB];
	_ =	sdelay $0x1  }
0x9b: {  	s6 =	simm.s32 $_scs_section_size  }
0x9c: {  	s7 =	simm.s32 $_size__tile_overlayer_lowered;
	s8 =	simm.s32 $_tile_overlayer_lowered  }
0x9d: {  	s22 =	simm.s32 $0x1BFF;
	s21 =	sshll.u32 s8, $0x1;
	s5 =	sadd.s32 s6, s19  }
0x9e: {  	s9 =	simm.s32 $0x0;
	s20 =	sshll.u32 s7, $0x1;
	s7 =	sadd.s32 s21, s5  }
0x9f: {  	[timem:s9], [sflag:s22] =	dma.local [hbm:s7], s20  }
0xa0: {  	_ =	swait.ge [sflag:s22], s20  }
0xa1: {  	s6 =	ssub.s32 $0x0, s20;
	[sflag:s22] =	ssyncset.done $0x0  }
0xa2: {  	[sflag:s22] =	ssyncadd.s32 s6;
	_ =	sdelay $0x1  }
0xa3: {  	s23 =	simm.s32 $0x1B8B  }
0xa4: {  	_ =	swait.ge [sflag:s23], $0x1  }
0xa5: {  	[sflag:s23] =	ssyncset.done $0x0  }
0xa6: {  	s25 =	simm.s32 $0x1B8E;
	s24 =	sld [smem:$0x3FFE];
	[sflag:s23] =	ssyncadd.s32 $0xFFFFFFFF  }
0xa7: {  	s26 =	simm.s32 $execute0_lowered;
	[smem:$0x3FD2] =	sst s25  }
0xa8: {  	s7 =	sshll.u32 s26, $0x1;
	_ =	strace $0x80000046;
	[dreg:$0x1] =	wrdreg $0xFFFFFFFF  }
0xa9: {  	s28 =	simm.s32 $_size_execute0_lowered;
	s5 =	sadd.s32 s5, s7;
	[dreg:$0x0] =	wrdreg $0x0  }
0xaa: {  	s7 =	sshll.u32 s28, $0x1;
	[dreg:$0x2] =	wrdreg s5  }
0xab: {  	[dreg:$0x3] =	wrdreg s7  }
0xac: {  	[dreg:$0x4] =	wrdreg $0xC0  }
0xad: {  	_ =	task [dreg:s9], $0x5FFFF  }
0xae: {  	[dreg:$0x1] =	wrdreg $0xFFFFFFFF  }
0xaf: {  	[dreg:$0x0] =	wrdreg $0x60  }
0xb0: {  	[dreg:$0x2] =	wrdreg s24  }
0xb1: {  	[dreg:$0x3] =	wrdreg s2  }
0xb2: {  	[dreg:$0x4] =	wrdreg s4  }
0xb3: {  	[dreg:$0x5] =	wrdreg s18  }
0xb4: {  	[dreg:$0x6] =	wrdreg $0x0  }
0xb5: {  	[dreg:$0x7] =	wrdreg $0x9  }
0xb6: {  	_ =	task.clear_ibuf [dreg:s9], $0x8FFFF;
	_ =	strace $0x90000046  }
0xb7: {  	s29 =	simm.s32 $0x9;
	_ =	strace $0x80000048  }
0xb8: {  	_ =	swait.ge [sflag:s29], $0x1  }
0xb9: {  	[sflag:s29] =	ssyncadd.s32 $0xFFFFFFFF  }
0xba: {  	_ =	strace $0x90000048  }
0xbb: {  	_ =	sfence  }
0xbc: {  	s30 =	sld [smem:$0x0];
	_ =	sdelay $0x2  }
0xbd: {  	s31 =	sshll.u32 s1, $0xD;
	s1 =	sshrl.u32 s1, $0x2  }
0xbe: {  	s3 =	sand.u32 $0x4000, s31;
	s1 =	sadd.s32 s1, s30  }
0xbf: {  	s0 =	sor.u32 s3, s0;
	s1 =	sshll.u32 s1, $0x11  }
0xc0: {  	s0 =	sor.u32 s1, s0  }
0xc1: {  	s0 =	sadd.s32 $0x8F2B, s0  }
0xc2: {  	[sflag:s0] =	ssyncadd.remote.s32 $0x1  }
0xc3: {  	_ =	sfence.sel $0xFFFF  }
0xc4: {  	[dreg:$0x0] =	wrdreg $0xFFFFFFFF;
	(pc) =	sbr.abs _section_cstart, $3  }
0xc5: {  	[dreg:$0x1] =	wrdreg $0xFFFFFFFF  }
0xc6: {  	_ =	task.clear_ibuf [dreg:s9], $0x2FFFF;
	_ =	strace $0x9FFFFFFF  }
0xc7: {  	(tm) =	ssettm $0x7FFFFFFF  }
tec
execute0_lowered:
.L_overlay_start_1:
0x0: {  	(tag) =	ssettag $0x1  }
0x1: {  	s0 =	srdreg.scid;
	s4 =	rddreg [dreg:$0x0]  }
0x2: {  	s6 =	rddreg [dreg:$0x1];
	s3 =	sand.u32 $0x1, s0  }
0x3: {  	s1 =	stileid.u32;
	s7 =	rddreg [dreg:$0x2];
	s0 =	sshll.u32 s3, $0x4  }
0x4: {  	s10 =	smul.u32 $0x1800, s3;
	s11 =	ssub.s32 $0x2, s3;
	s5 =	sor.u32 s1, s0  }
0x5: {  	s0 =	simm.s32 $0x0;
	s25 =	sshrl.u32 s11, $0x1;
	s8 =	smul.u32 $0xE6, s5  }
0x6: {  	s2 =	smul.u32 $0x300, s5;
	s9 =	sshll.u32 s5, $0x7;
	s5 =	smax.u32 s5, $0xC  }
0x7: {  	[smem:$0x7FF] =	sst s0;
	s3 =	sadd.s32 s9, s4;
	s5 =	sadd.s32 s8, s5  }
0x8: {  	s2 =	sadd.s32 s2, s4;
	s4 =	sadd.s32 s10, s4;
	s26 =	sshll.u32 s5, $0x7  }
0x9: {  	s5 =	ssub.s32 s11, s25;
	s8 =	sadd.s32 $0x9FA00, s26;
	s10 =	sadd.s32 $0xA0200, s26  }
0xa: {  	s11 =	sadd.s32 $0xA0A00, s26;
	s13 =	sadd.s32 $0xA1A00, s26;
	s14 =	sadd.s32 $0xA2200, s26  }
0xb: {  	s15 =	sadd.s32 $0xA2A00, s26;
	s16 =	sadd.s32 $0xA3200, s26;
	s17 =	sadd.s32 $0xA3A00, s26  }
0xc: {  	s18 =	sadd.s32 $0xA4200, s26;
	s19 =	sadd.s32 $0xA4A00, s26;
	s22 =	sadd.s32 s6, s8  }
0xd: {  	s20 =	sadd.s32 $0xA5200, s26;
	s12 =	sadd.s32 s6, s10;
	[dreg:$0x6] =	wrdreg s22  }
0xe: {  	s21 =	sadd.s32 $0xA5A00, s26;
	s23 =	sadd.s32 s6, s11;
	[dreg:$0x7] =	wrdreg s12  }
0xf: {  	s9 =	sadd.s32 $0xA6A00, s26;
	s24 =	sadd.s32 s6, s13;
	[dreg:$0x8] =	wrdreg s23  }
0x10: {  	s25 =	sadd.s32 s6, s14;
	s12 =	sadd.s32 $0xA1200, s26;
	[dreg:$0xa] =	wrdreg s24  }
0x11: {  	s22 =	sadd.s32 $0xA6200, s26;
	[dreg:$0xb] =	wrdreg s25;
	s26 =	sadd.s32 s6, s15  }
0x12: {  	s24 =	sadd.s32 s6, s16;
	[dreg:$0xc] =	wrdreg s26  }
0x13: {  	s25 =	sadd.s32 s6, s17;
	[dreg:$0xd] =	wrdreg s24  }
0x14: {  	s23 =	sadd.s32 s6, s12;
	[dreg:$0xe] =	wrdreg s25  }
0x15: {  	s26 =	sadd.s32 s6, s18;
	[dreg:$0x9] =	wrdreg s23  }
0x16: {  	s24 =	sadd.s32 s6, s19;
	[dreg:$0xf] =	wrdreg s26  }
0x17: {  	s25 =	sadd.s32 s6, s20;
	[dreg:$0x10] =	wrdreg s24  }
0x18: {  	[dreg:$0x11] =	wrdreg s25;
	s26 =	sadd.s32 s6, s21  }
0x19: {  	s24 =	sadd.s32 s6, s22;
	[dreg:$0x12] =	wrdreg s26  }
0x1a: {  	s6 =	sadd.s32 s6, s9;
	[dreg:$0x13] =	wrdreg s24  }
0x1b: {  	s25 =	sadd.s32 s7, s8;
	[dreg:$0x14] =	wrdreg s6  }
0x1c: {  	s23 =	sadd.s32 s7, s11;
	[dreg:$0x15] =	wrdreg s25  }
0x1d: {  	[dreg:$0x17] =	wrdreg s23  }
0x1e: {  	s26 =	sadd.s32 s7, s10;
	s6 =	rddreg [dreg:$0x3]  }
0x1f: {  	s24 =	sadd.s32 s7, s12;
	[dreg:$0x16] =	wrdreg s26  }
0x20: {  	s25 =	sadd.s32 s7, s13;
	[dreg:$0x18] =	wrdreg s24  }
0x21: {  	s23 =	sadd.s32 s7, s15;
	[dreg:$0x19] =	wrdreg s25  }
0x22: {  	s26 =	sadd.s32 s7, s14;
	[dreg:$0x1b] =	wrdreg s23  }
0x23: {  	s24 =	sadd.s32 s7, s16;
	[dreg:$0x1a] =	wrdreg s26  }
0x24: {  	s25 =	sadd.s32 s7, s17;
	[dreg:$0x1c] =	wrdreg s24  }
0x25: {  	s28 =	simm.s32 $0x5;
	s23 =	sadd.s32 s7, s19;
	[dreg:$0x1d] =	wrdreg s25  }
0x26: {  	s29 =	simm.s32 $0xA440;
	s8 =	sadd.s32 s6, s8;
	[dreg:$0x1f] =	wrdreg s23  }
0x27: {  	s30 =	simm.s32 $0xC40;
	s10 =	sadd.s32 s6, s10;
	[smem:$0x7F3] =	sst s8  }
0x28: {  	s31 =	simm.s32 $0x4C40;
	s11 =	sadd.s32 s6, s11;
	[smem:$0x7F4] =	sst s10  }
0x29: {  	p0 =	sne.s32 s1, $0x0;
	s12 =	sadd.s32 s6, s12;
	[smem:$0x7F5] =	sst s11  }
0x2a: {  	s1 =	simm.s32 $0x1;
	s13 =	sadd.s32 s6, s13;
	[smem:$0x7F6] =	sst s12  }
0x2b: {  	s14 =	sadd.s32 s6, s14;
	s15 =	sadd.s32 s6, s15;
	[smem:$0x7F7] =	sst s13  }
0x2c: {  	s26 =	sadd.s32 s7, s18;
	s24 =	sadd.s32 s7, s20;
	[smem:$0x7F8] =	sst s14  }
0x2d: {  	s25 =	sadd.s32 s7, s21;
	[smem:$0x7F9] =	sst s15;
	s23 =	sadd.s32 s6, s16  }
0x2e: {  	s12 =	sadd.s32 s6, s20;
	s13 =	sadd.s32 s6, s21;
	s15 =	rddreg [dreg:$0x4]  }
0x2f: {  	s14 =	sadd.s32 s6, s22;
	s16 =	sadd.s32 s6, s9;
	[dreg:$0x1e] =	wrdreg s26  }
0x30: {  	s20 =	smax.u32 s5, $0x1;
	s5 =	simm.s32 $0x4;
	[smem:$0x7EF] =	sst s24  }
0x31: {  	[smem:$0x7F0] =	sst s25;
	s26 =	sadd.s32 s7, s22;
	s7 =	sadd.s32 s7, s9  }
0x32: {  	[smem:$0x7FA] =	sst s23;
	s24 =	sadd.s32 s6, s17;
	s25 =	sadd.s32 s6, s18  }
0x33: {  	s17 =	sadd.s32 $0xC00, s2;
	s18 =	sadd.s32 $0x6C00, s3;
	[smem:$0x7F1] =	sst s26  }
0x34: {  	s21 =	sadd.s32 $0x4000, s15;
	s22 =	sadd.s32 $0x8000, s15;
	[smem:$0x7F2] =	sst s7  }
0x35: {  	s23 =	sadd.s32 $0xC000, s15;
	s2 =	simm.s32 $0x80;
	[smem:$0x7FB] =	sst s24  }
0x36: {  	s3 =	simm.s32 $0x3;
	[smem:$0x7FC] =	sst s25;
	s26 =	sadd.s32 s6, s19  }
0x37: {  	s19 =	sadd.s32 $0x7C00, s4;
	s24 =	simm.s32 $0x8C40;
	s25 =	simm.s32 $0x9440  }
0x38: {  	s4 =	simm.s32 $0x2;
	s6 =	simm.s32 $0x38;
	[smem:$0x7FD] =	sst s26  }
0x39: {  	v0 =	vimm.f32 $0.0e+00;
	s7 =	simm.s32 $0x0;
	s26 =	simm.s32 $0x9C40;
	_ =	strace $0x80000047  }
.LBB2_1:
0x3a: {  	s8 =	sand.u32 $0xFE00, s0  }
0x3b: {  	s9 =	sand.u32 $0x70, s0;
	s10 =	sshrl.u32 s8, $0x2  }
0x3c: {  	s8 =	simm.s32 $0x40;
	s10 =	sor.u32 s9, s10;
	s9 =	simm.s32 $0x0  }
.LBB2_2:
0x3d: {  	p1 =	sne.s32 s8, $0xFFC0  }
0x3e: {  	[tilespmem:s10+$0xA840] =	vst v0;
	s9 =	sadd.s32 $0x10, s9;
	s10 =	smov.u32 s8;
	s8 =	sadd.s32 $0x40, s8  }
.Ltmp0:
0x3f: {  	(pc) =	sbr.rel @p1 .LBB2_2-.Ltmp0, $4  }
0x40: {  	_ = 	snop  }
0x41: {  	s10 =	sand.u32 $0xFE00, s10  }
0x42: {  	s11 =	sand.u32 $0x70, s9;
	s10 =	sshrl.u32 s10, $0x2  }
0x43: {  	s10 =	sor.u32 s11, s10  }
0x44: {  	[tilespmem:s10+$0xA840] =	vst v0;
	s9 =	simm.s32 @!p0 $0xA840;
	s8 =	simm.s32 @!p0 $0x5  }
0x45: {  	[spmem:s15] =	stream.linear.scatter @!p0 [tilespmem:s9], [sflag:$0x5], $0x4000, $0x38;
	[tilespmem:$0xE840] =	vst v63  }
0x46: {  	_ =	swait.ge @!p0 [sflag:s8], $0x4000  }
0x47: {  	[sflag:s8] =	ssyncset.done @!p0 $0x0  }
0x48: {  	[sflag:s8] =	ssyncadd.s32 @!p0 $0xFFFFC000  }
0x49: {  	[spmem:s21] =	stream.linear.scatter @!p0 [tilespmem:s9], [sflag:$0x5], $0x4000, $0x38;
	[tilespmem:$0xE840] =	vst v63  }
0x4a: {  	_ =	swait.ge @!p0 [sflag:s8], $0x4000  }
0x4b: {  	[sflag:s8] =	ssyncset.done @!p0 $0x0  }
0x4c: {  	[sflag:s8] =	ssyncadd.s32 @!p0 $0xFFFFC000  }
0x4d: {  	[spmem:s22] =	stream.linear.scatter @!p0 [tilespmem:s9], [sflag:$0x5], $0x4000, $0x38;
	[tilespmem:$0xE840] =	vst v63  }
0x4e: {  	_ =	swait.ge @!p0 [sflag:s8], $0x4000  }
0x4f: {  	[sflag:s8] =	ssyncset.done @!p0 $0x0  }
0x50: {  	[sflag:s8] =	ssyncadd.s32 @!p0 $0xFFFFC000  }
0x51: {  	[spmem:s23] =	stream.linear.scatter @!p0 [tilespmem:s9], [sflag:$0x5], $0x400, $0x38;
	[tilespmem:$0xE840] =	vst v63  }
0x52: {  	_ =	swait.ge @!p0 [sflag:s8], $0x400  }
0x53: {  	[sflag:s8] =	ssyncset.done @!p0 $0x0  }
0x54: {  	[sflag:s8] =	ssyncadd.s32 @!p0 $0xFFFFFC00  }
0x55: {  	[bflag:$0x0] =	sbarrier.arrive $0xFFFF  }
0x56: {  	[tilespmem:s24], [sflag:$0x5] =	stream.linear.gather [hbm4b:s17+s0], $0x700, $0x38;
	[tilespmem:$0xE840] =	vst v63  }
0x57: {  	s10 =	sadd.s32 $0x100, s17  }
0x58: {  	[tilespmem:s25], [sflag:$0x5] =	stream.linear.gather [hbm4b:s10+s0], $0x700, $0x38;
	[tilespmem:$0xE840] =	vst v63  }
0x59: {  	s11 =	sadd.s32 $0x200, s17  }
0x5a: {  	[tilespmem:s26], [sflag:$0x5] =	stream.linear.gather [hbm4b:s11+s0], $0x700, $0x38;
	[tilespmem:$0xE840] =	vst v63  }
0x5b: {  	_ =	swait.ge [sflag:s28], $0x1500  }
0x5c: {  	[sflag:s28] =	ssyncset.done $0x0  }
0x5d: {  	[sflag:s28] =	ssyncadd.s32 $0xFFFFEB00  }
0x5e: {  	[tilespmem:s29], [sflag:$0x5] =	stream.linear.gather [hbm4b:s18+s0], $0x400, $0x38;
	[tilespmem:$0xE840] =	vst v63  }
0x5f: {  	_ =	swait.ge [sflag:s28], $0x400  }
0x60: {  	[sflag:s28] =	ssyncset.done $0x0  }
0x61: {  	s10 =	rddreg [dreg:$0x6];
	[sflag:s28] =	ssyncadd.s32 $0xFFFFFC00  }
0x62: {  	[tilespmem:s30], [sflag:$0x1] =	stream.linear.gather [hbm4b:s10+s0], $0x4000, $0x38;
	[tilespmem:$0xE840] =	vst v63  }
0x63: {  	s11 =	rddreg [dreg:$0x7]  }
0x64: {  	[tilespmem:s31], [sflag:$0x2] =	stream.linear.gather [hbm4b:s11+s0], $0x4000, $0x38;
	[tilespmem:$0xE840] =	vst v63  }
0x65: {  	_ =	swait.ge [sflag:s1], $0x4000  }
0x66: {  	[sflag:s1] =	ssyncset.done $0x0  }
0x67: {  	[sflag:s1] =	ssyncadd.s32 $0xFFFFC000  }
0x68: {  	[spmem:s15] =	stream.indirect.scatter.add.f32 [tilespmem:s30], [sflag:$0x3], $0x80, s24, s2, $0xb8;
	[tilespmem:$0xE840] =	vst v63  }
0x69: {  	_ =	swait.ge [sflag:s3], $0x4000  }
0x6a: {  	[sflag:s3] =	ssyncset.done $0x0  }
0x6b: {  	s10 =	rddreg [dreg:$0x8];
	[sflag:s3] =	ssyncadd.s32 $0xFFFFC000  }
0x6c: {  	[tilespmem:s30], [sflag:$0x1] =	stream.linear.gather [hbm4b:s10+s0], $0x4000, $0x38;
	[tilespmem:$0xE840] =	vst v63  }
0x6d: {  	_ =	swait.ge [sflag:s4], $0x4000  }
0x6e: {  	[sflag:s4] =	ssyncset.done $0x0  }
0x6f: {  	s11 =	simm.s32 $0x8CC0;
	[sflag:s4] =	ssyncadd.s32 $0xFFFFC000  }
0x70: {  	[spmem:s15] =	stream.indirect.scatter.add.f32 [tilespmem:s31], [sflag:$0x4], $0x80, s11, s2, $0xb8;
	[tilespmem:$0xE840] =	vst v63  }
0x71: {  	_ =	swait.ge [sflag:s5], $0x4000  }
0x72: {  	[sflag:s5] =	ssyncset.done $0x0  }
0x73: {  	s10 =	rddreg [dreg:$0x9];
	[sflag:s5] =	ssyncadd.s32 $0xFFFFC000  }
0x74: {  	[tilespmem:s31], [sflag:$0x2] =	stream.linear.gather [hbm4b:s10+s0], $0x4000, $0x38;
	[tilespmem:$0xE840] =	vst v63  }
0x75: {  	_ =	swait.ge [sflag:s1], $0x4000  }
0x76: {  	[sflag:s1] =	ssyncset.done $0x0  }
0x77: {  	s11 =	simm.s32 $0x8D40;
	[sflag:s1] =	ssyncadd.s32 $0xFFFFC000  }
0x78: {  	[spmem:s15] =	stream.indirect.scatter.add.f32 [tilespmem:s30], [sflag:$0x3], $0x80, s11, s2, $0xb8;
	[tilespmem:$0xE840] =	vst v63  }
0x79: {  	_ =	swait.ge [sflag:s3], $0x4000  }
0x7a: {  	[sflag:s3] =	ssyncset.done $0x0  }
0x7b: {  	s10 =	rddreg [dreg:$0xa];
	[sflag:s3] =	ssyncadd.s32 $0xFFFFC000  }
0x7c: {  	[tilespmem:s30], [sflag:$0x1] =	stream.linear.gather [hbm4b:s10+s0], $0x4000, $0x38;
	[tilespmem:$0xE840] =	vst v63  }
0x7d: {  	_ =	swait.ge [sflag:s4], $0x4000  }
0x7e: {  	[sflag:s4] =	ssyncset.done $0x0  }
0x7f: {  	s11 =	simm.s32 $0x8DC0;
	[sflag:s4] =	ssyncadd.s32 $0xFFFFC000  }
0x80: {  	[spmem:s15] =	stream.indirect.scatter.add.f32 [tilespmem:s31], [sflag:$0x4], $0x80, s11, s2, $0xb8;
	[tilespmem:$0xE840] =	vst v63  }
0x81: {  	_ =	swait.ge [sflag:s5], $0x4000  }
0x82: {  	[sflag:s5] =	ssyncset.done $0x0  }
0x83: {  	s10 =	rddreg [dreg:$0xb];
	[sflag:s5] =	ssyncadd.s32 $0xFFFFC000  }
0x84: {  	[tilespmem:s31], [sflag:$0x2] =	stream.linear.gather [hbm4b:s10+s0], $0x4000, $0x38;
	[tilespmem:$0xE840] =	vst v63  }
0x85: {  	_ =	swait.ge [sflag:s1], $0x4000  }
0x86: {  	[sflag:s1] =	ssyncset.done $0x0  }
0x87: {  	s11 =	simm.s32 $0x8E40;
	[sflag:s1] =	ssyncadd.s32 $0xFFFFC000  }
0x88: {  	[spmem:s15] =	stream.indirect.scatter.add.f32 [tilespmem:s30], [sflag:$0x3], $0x80, s11, s2, $0xb8;
	[tilespmem:$0xE840] =	vst v63  }
0x89: {  	_ =	swait.ge [sflag:s3], $0x4000  }
0x8a: {  	[sflag:s3] =	ssyncset.done $0x0  }
0x8b: {  	s10 =	rddreg [dreg:$0xc];
	[sflag:s3] =	ssyncadd.s32 $0xFFFFC000  }
0x8c: {  	[tilespmem:s30], [sflag:$0x1] =	stream.linear.gather [hbm4b:s10+s0], $0x4000, $0x38;
	[tilespmem:$0xE840] =	vst v63  }
0x8d: {  	_ =	swait.ge [sflag:s4], $0x4000  }
0x8e: {  	[sflag:s4] =	ssyncset.done $0x0  }
0x8f: {  	s11 =	simm.s32 $0x8EC0;
	[sflag:s4] =	ssyncadd.s32 $0xFFFFC000  }
0x90: {  	[spmem:s15] =	stream.indirect.scatter.add.f32 [tilespmem:s31], [sflag:$0x4], $0x80, s11, s2, $0xb8;
	[tilespmem:$0xE840] =	vst v63  }
0x91: {  	_ =	swait.ge [sflag:s5], $0x4000  }
0x92: {  	[sflag:s5] =	ssyncset.done $0x0  }
0x93: {  	s10 =	rddreg [dreg:$0xd];
	[sflag:s5] =	ssyncadd.s32 $0xFFFFC000  }
0x94: {  	[tilespmem:s31], [sflag:$0x2] =	stream.linear.gather [hbm4b:s10+s0], $0x4000, $0x38;
	[tilespmem:$0xE840] =	vst v63  }
0x95: {  	_ =	swait.ge [sflag:s1], $0x4000  }
0x96: {  	[sflag:s1] =	ssyncset.done $0x0  }
0x97: {  	s11 =	simm.s32 $0x8F40;
	[sflag:s1] =	ssyncadd.s32 $0xFFFFC000  }
0x98: {  	[spmem:s15] =	stream.indirect.scatter.add.f32 [tilespmem:s30], [sflag:$0x3], $0x80, s11, s2, $0xb8;
	[tilespmem:$0xE840] =	vst v63  }
0x99: {  	_ =	swait.ge [sflag:s3], $0x4000  }
0x9a: {  	[sflag:s3] =	ssyncset.done $0x0  }
0x9b: {  	s10 =	rddreg [dreg:$0xe];
	[sflag:s3] =	ssyncadd.s32 $0xFFFFC000  }
0x9c: {  	[tilespmem:s30], [sflag:$0x1] =	stream.linear.gather [hbm4b:s10+s0], $0x4000, $0x38;
	[tilespmem:$0xE840] =	vst v63  }
0x9d: {  	_ =	swait.ge [sflag:s4], $0x4000  }
0x9e: {  	[sflag:s4] =	ssyncset.done $0x0  }
0x9f: {  	s11 =	simm.s32 $0x8FC0;
	[sflag:s4] =	ssyncadd.s32 $0xFFFFC000  }
0xa0: {  	[spmem:s15] =	stream.indirect.scatter.add.f32 [tilespmem:s31], [sflag:$0x4], $0x80, s11, s2, $0xb8;
	[tilespmem:$0xE840] =	vst v63  }
0xa1: {  	_ =	swait.ge [sflag:s5], $0x4000  }
0xa2: {  	[sflag:s5] =	ssyncset.done $0x0  }
0xa3: {  	s10 =	rddreg [dreg:$0xf];
	[sflag:s5] =	ssyncadd.s32 $0xFFFFC000  }
0xa4: {  	[tilespmem:s31], [sflag:$0x2] =	stream.linear.gather [hbm4b:s10+s0], $0x4000, $0x38;
	[tilespmem:$0xE840] =	vst v63  }
0xa5: {  	_ =	swait.ge [sflag:s1], $0x4000  }
0xa6: {  	[sflag:s1] =	ssyncset.done $0x0  }
0xa7: {  	s11 =	simm.s32 $0x9040;
	[sflag:s1] =	ssyncadd.s32 $0xFFFFC000  }
0xa8: {  	[spmem:s15] =	stream.indirect.scatter.add.f32 [tilespmem:s30], [sflag:$0x3], $0x80, s11, s2, $0xb8;
	[tilespmem:$0xE840] =	vst v63  }
0xa9: {  	_ =	swait.ge [sflag:s3], $0x4000  }
0xaa: {  	[sflag:s3] =	ssyncset.done $0x0  }
0xab: {  	s10 =	rddreg [dreg:$0x10];
	[sflag:s3] =	ssyncadd.s32 $0xFFFFC000  }
0xac: {  	[tilespmem:s30], [sflag:$0x1] =	stream.linear.gather [hbm4b:s10+s0], $0x4000, $0x38;
	[tilespmem:$0xE840] =	vst v63  }
0xad: {  	_ =	swait.ge [sflag:s4], $0x4000  }
0xae: {  	[sflag:s4] =	ssyncset.done $0x0  }
0xaf: {  	s11 =	simm.s32 $0x90C0;
	[sflag:s4] =	ssyncadd.s32 $0xFFFFC000  }
0xb0: {  	[spmem:s15] =	stream.indirect.scatter.add.f32 [tilespmem:s31], [sflag:$0x4], $0x80, s11, s2, $0xb8;
	[tilespmem:$0xE840] =	vst v63  }
0xb1: {  	_ =	swait.ge [sflag:s5], $0x4000  }
0xb2: {  	[sflag:s5] =	ssyncset.done $0x0  }
0xb3: {  	s10 =	rddreg [dreg:$0x11];
	[sflag:s5] =	ssyncadd.s32 $0xFFFFC000  }
0xb4: {  	[tilespmem:s31], [sflag:$0x2] =	stream.linear.gather [hbm4b:s10+s0], $0x4000, $0x38;
	[tilespmem:$0xE840] =	vst v63  }
0xb5: {  	_ =	swait.ge [sflag:s1], $0x4000  }
0xb6: {  	[sflag:s1] =	ssyncset.done $0x0  }
0xb7: {  	s11 =	simm.s32 $0x9140;
	[sflag:s1] =	ssyncadd.s32 $0xFFFFC000  }
0xb8: {  	[spmem:s15] =	stream.indirect.scatter.add.f32 [tilespmem:s30], [sflag:$0x3], $0x80, s11, s2, $0xb8;
	[tilespmem:$0xE840] =	vst v63  }
0xb9: {  	_ =	swait.ge [sflag:s3], $0x4000  }
0xba: {  	[sflag:s3] =	ssyncset.done $0x0  }
0xbb: {  	s10 =	rddreg [dreg:$0x12];
	[sflag:s3] =	ssyncadd.s32 $0xFFFFC000  }
0xbc: {  	[tilespmem:s30], [sflag:$0x1] =	stream.linear.gather [hbm4b:s10+s0], $0x4000, $0x38;
	[tilespmem:$0xE840] =	vst v63  }
0xbd: {  	_ =	swait.ge [sflag:s4], $0x4000  }
0xbe: {  	[sflag:s4] =	ssyncset.done $0x0  }
0xbf: {  	s11 =	simm.s32 $0x91C0;
	[sflag:s4] =	ssyncadd.s32 $0xFFFFC000  }
0xc0: {  	[spmem:s15] =	stream.indirect.scatter.add.f32 [tilespmem:s31], [sflag:$0x4], $0x80, s11, s2, $0xb8;
	[tilespmem:$0xE840] =	vst v63  }
0xc1: {  	_ =	swait.ge [sflag:s5], $0x4000  }
0xc2: {  	[sflag:s5] =	ssyncset.done $0x0  }
0xc3: {  	s10 =	rddreg [dreg:$0x13];
	[sflag:s5] =	ssyncadd.s32 $0xFFFFC000  }
0xc4: {  	[tilespmem:s31], [sflag:$0x2] =	stream.linear.gather [hbm4b:s10+s0], $0x4000, $0x38;
	[tilespmem:$0xE840] =	vst v63  }
0xc5: {  	_ =	swait.ge [sflag:s1], $0x4000  }
0xc6: {  	[sflag:s1] =	ssyncset.done $0x0  }
0xc7: {  	s11 =	simm.s32 $0x9240;
	[sflag:s1] =	ssyncadd.s32 $0xFFFFC000  }
0xc8: {  	[spmem:s15] =	stream.indirect.scatter.add.f32 [tilespmem:s30], [sflag:$0x3], $0x80, s11, s2, $0xb8;
	[tilespmem:$0xE840] =	vst v63  }
0xc9: {  	_ =	swait.ge [sflag:s3], $0x4000  }
0xca: {  	[sflag:s3] =	ssyncset.done $0x0  }
0xcb: {  	s10 =	rddreg [dreg:$0x14];
	[sflag:s3] =	ssyncadd.s32 $0xFFFFC000  }
0xcc: {  	[tilespmem:s30], [sflag:$0x1] =	stream.linear.gather [hbm4b:s10+s0], $0x1C00, $0x38;
	[tilespmem:$0xE840] =	vst v63  }
0xcd: {  	_ =	swait.ge [sflag:s4], $0x4000  }
0xce: {  	[sflag:s4] =	ssyncset.done $0x0  }
0xcf: {  	s11 =	simm.s32 $0x92C0;
	[sflag:s4] =	ssyncadd.s32 $0xFFFFC000  }
0xd0: {  	[spmem:s15] =	stream.indirect.scatter.add.f32 [tilespmem:s31], [sflag:$0x4], $0x80, s11, s2, $0xb8;
	[tilespmem:$0xE840] =	vst v63  }
0xd1: {  	_ =	swait.ge [sflag:s5], $0x4000  }
0xd2: {  	[sflag:s5] =	ssyncset.done $0x0  }
0xd3: {  	s10 =	rddreg [dreg:$0x15];
	[sflag:s5] =	ssyncadd.s32 $0xFFFFC000  }
0xd4: {  	[tilespmem:s31], [sflag:$0x2] =	stream.linear.gather [hbm4b:s10+s0], $0x4000, $0x38;
	[tilespmem:$0xE840] =	vst v63  }
0xd5: {  	_ =	swait.ge [sflag:s1], $0x1C00  }
0xd6: {  	[sflag:s1] =	ssyncset.done $0x0  }
0xd7: {  	[sflag:s1] =	ssyncadd.s32 $0xFFFFE400  }
0xd8: {  	[spmem:s15] =	stream.indirect.scatter.add.f32 [tilespmem:s30], [sflag:$0x3], $0x80, s29, s6, $0xb8;
	[tilespmem:$0xE840] =	vst v63  }
0xd9: {  	_ =	swait.ge [sflag:s3], $0x1C00  }
0xda: {  	[sflag:s3] =	ssyncset.done $0x0  }
0xdb: {  	s11 =	rddreg [dreg:$0x16];
	[sflag:s3] =	ssyncadd.s32 $0xFFFFE400  }
0xdc: {  	[tilespmem:s30], [sflag:$0x1] =	stream.linear.gather [hbm4b:s11+s0], $0x4000, $0x38;
	[tilespmem:$0xE840] =	vst v63  }
0xdd: {  	_ =	swait.ge [sflag:s4], $0x4000  }
0xde: {  	[sflag:s4] =	ssyncset.done $0x0  }
0xdf: {  	[sflag:s4] =	ssyncadd.s32 $0xFFFFC000  }
0xe0: {  	[spmem:s15] =	stream.indirect.scatter.add.f32 [tilespmem:s31], [sflag:$0x4], $0x80, s25, s2, $0xb8;
	[tilespmem:$0xE840] =	vst v63  }
0xe1: {  	_ =	swait.ge [sflag:s5], $0x4000  }
0xe2: {  	[sflag:s5] =	ssyncset.done $0x0  }
0xe3: {  	s10 =	rddreg [dreg:$0x17];
	[sflag:s5] =	ssyncadd.s32 $0xFFFFC000  }
0xe4: {  	[tilespmem:s31], [sflag:$0x2] =	stream.linear.gather [hbm4b:s10+s0], $0x4000, $0x38;
	[tilespmem:$0xE840] =	vst v63  }
0xe5: {  	_ =	swait.ge [sflag:s1], $0x4000  }
0xe6: {  	[sflag:s1] =	ssyncset.done $0x0  }
0xe7: {  	s11 =	simm.s32 $0x94C0;
	[sflag:s1] =	ssyncadd.s32 $0xFFFFC000  }
0xe8: {  	[spmem:s15] =	stream.indirect.scatter.add.f32 [tilespmem:s30], [sflag:$0x3], $0x80, s11, s2, $0xb8;
	[tilespmem:$0xE840] =	vst v63  }
0xe9: {  	_ =	swait.ge [sflag:s3], $0x4000  }
0xea: {  	[sflag:s3] =	ssyncset.done $0x0  }
0xeb: {  	s10 =	rddreg [dreg:$0x18];
	[sflag:s3] =	ssyncadd.s32 $0xFFFFC000  }
0xec: {  	[tilespmem:s30], [sflag:$0x1] =	stream.linear.gather [hbm4b:s10+s0], $0x4000, $0x38;
	[tilespmem:$0xE840] =	vst v63  }
0xed: {  	_ =	swait.ge [sflag:s4], $0x4000  }
0xee: {  	[sflag:s4] =	ssyncset.done $0x0  }
0xef: {  	s11 =	simm.s32 $0x9540;
	[sflag:s4] =	ssyncadd.s32 $0xFFFFC000  }
0xf0: {  	[spmem:s15] =	stream.indirect.scatter.add.f32 [tilespmem:s31], [sflag:$0x4], $0x80, s11, s2, $0xb8;
	[tilespmem:$0xE840] =	vst v63  }
0xf1: {  	_ =	swait.ge [sflag:s5], $0x4000  }
0xf2: {  	[sflag:s5] =	ssyncset.done $0x0  }
0xf3: {  	s10 =	rddreg [dreg:$0x19];
	[sflag:s5] =	ssyncadd.s32 $0xFFFFC000  }
0xf4: {  	[tilespmem:s31], [sflag:$0x2] =	stream.linear.gather [hbm4b:s10+s0], $0x4000, $0x38;
	[tilespmem:$0xE840] =	vst v63  }
0xf5: {  	_ =	swait.ge [sflag:s1], $0x4000  }
0xf6: {  	[sflag:s1] =	ssyncset.done $0x0  }
0xf7: {  	s11 =	simm.s32 $0x95C0;
	[sflag:s1] =	ssyncadd.s32 $0xFFFFC000  }
0xf8: {  	[spmem:s15] =	stream.indirect.scatter.add.f32 [tilespmem:s30], [sflag:$0x3], $0x80, s11, s2, $0xb8;
	[tilespmem:$0xE840] =	vst v63  }
0xf9: {  	_ =	swait.ge [sflag:s3], $0x4000  }
0xfa: {  	[sflag:s3] =	ssyncset.done $0x0  }
0xfb: {  	s10 =	rddreg [dreg:$0x1a];
	[sflag:s3] =	ssyncadd.s32 $0xFFFFC000  }
0xfc: {  	[tilespmem:s30], [sflag:$0x1] =	stream.linear.gather [hbm4b:s10+s0], $0x4000, $0x38;
	[tilespmem:$0xE840] =	vst v63  }
0xfd: {  	_ =	swait.ge [sflag:s4], $0x4000  }
0xfe: {  	[sflag:s4] =	ssyncset.done $0x0  }
0xff: {  	s11 =	simm.s32 $0x9640;
	[sflag:s4] =	ssyncadd.s32 $0xFFFFC000  }
0x100: {  	[spmem:s15] =	stream.indirect.scatter.add.f32 [tilespmem:s31], [sflag:$0x4], $0x80, s11, s2, $0xb8;
	[tilespmem:$0xE840] =	vst v63  }
0x101: {  	_ =	swait.ge [sflag:s5], $0x4000  }
0x102: {  	[sflag:s5] =	ssyncset.done $0x0  }
0x103: {  	s10 =	rddreg [dreg:$0x1b];
	[sflag:s5] =	ssyncadd.s32 $0xFFFFC000  }
0x104: {  	[tilespmem:s31], [sflag:$0x2] =	stream.linear.gather [hbm4b:s10+s0], $0x4000, $0x38;
	[tilespmem:$0xE840] =	vst v63  }
0x105: {  	_ =	swait.ge [sflag:s1], $0x4000  }
0x106: {  	[sflag:s1] =	ssyncset.done $0x0  }
0x107: {  	s11 =	simm.s32 $0x96C0;
	[sflag:s1] =	ssyncadd.s32 $0xFFFFC000  }
0x108: {  	[spmem:s15] =	stream.indirect.scatter.add.f32 [tilespmem:s30], [sflag:$0x3], $0x80, s11, s2, $0xb8;
	[tilespmem:$0xE840] =	vst v63  }
0x109: {  	_ =	swait.ge [sflag:s3], $0x4000  }
0x10a: {  	[sflag:s3] =	ssyncset.done $0x0  }
0x10b: {  	s10 =	rddreg [dreg:$0x1c];
	[sflag:s3] =	ssyncadd.s32 $0xFFFFC000  }
0x10c: {  	[tilespmem:s30], [sflag:$0x1] =	stream.linear.gather [hbm4b:s10+s0], $0x4000, $0x38;
	[tilespmem:$0xE840] =	vst v63  }
0x10d: {  	_ =	swait.ge [sflag:s4], $0x4000  }
0x10e: {  	[sflag:s4] =	ssyncset.done $0x0  }
0x10f: {  	s11 =	simm.s32 $0x9740;
	[sflag:s4] =	ssyncadd.s32 $0xFFFFC000  }
0x110: {  	[spmem:s15] =	stream.indirect.scatter.add.f32 [tilespmem:s31], [sflag:$0x4], $0x80, s11, s2, $0xb8;
	[tilespmem:$0xE840] =	vst v63  }
0x111: {  	_ =	swait.ge [sflag:s5], $0x4000  }
0x112: {  	[sflag:s5] =	ssyncset.done $0x0  }
0x113: {  	s10 =	rddreg [dreg:$0x1d];
	[sflag:s5] =	ssyncadd.s32 $0xFFFFC000  }
0x114: {  	[tilespmem:s31], [sflag:$0x2] =	stream.linear.gather [hbm4b:s10+s0], $0x4000, $0x38;
	[tilespmem:$0xE840] =	vst v63  }
0x115: {  	_ =	swait.ge [sflag:s1], $0x4000  }
0x116: {  	[sflag:s1] =	ssyncset.done $0x0  }
0x117: {  	s11 =	simm.s32 $0x97C0;
	[sflag:s1] =	ssyncadd.s32 $0xFFFFC000  }
0x118: {  	[spmem:s15] =	stream.indirect.scatter.add.f32 [tilespmem:s30], [sflag:$0x3], $0x80, s11, s2, $0xb8;
	[tilespmem:$0xE840] =	vst v63  }
0x119: {  	_ =	swait.ge [sflag:s3], $0x4000  }
0x11a: {  	[sflag:s3] =	ssyncset.done $0x0  }
0x11b: {  	s10 =	rddreg [dreg:$0x1e];
	[sflag:s3] =	ssyncadd.s32 $0xFFFFC000  }
0x11c: {  	[tilespmem:s30], [sflag:$0x1] =	stream.linear.gather [hbm4b:s10+s0], $0x4000, $0x38;
	[tilespmem:$0xE840] =	vst v63  }
0x11d: {  	_ =	swait.ge [sflag:s4], $0x4000  }
0x11e: {  	[sflag:s4] =	ssyncset.done $0x0  }
0x11f: {  	s11 =	simm.s32 $0x9840;
	[sflag:s4] =	ssyncadd.s32 $0xFFFFC000  }
0x120: {  	[spmem:s15] =	stream.indirect.scatter.add.f32 [tilespmem:s31], [sflag:$0x4], $0x80, s11, s2, $0xb8;
	[tilespmem:$0xE840] =	vst v63  }
0x121: {  	_ =	swait.ge [sflag:s5], $0x4000  }
0x122: {  	[sflag:s5] =	ssyncset.done $0x0  }
0x123: {  	s10 =	rddreg [dreg:$0x1f];
	[sflag:s5] =	ssyncadd.s32 $0xFFFFC000  }
0x124: {  	[tilespmem:s31], [sflag:$0x2] =	stream.linear.gather [hbm4b:s10+s0], $0x4000, $0x38;
	[tilespmem:$0xE840] =	vst v63  }
0x125: {  	_ =	swait.ge [sflag:s1], $0x4000  }
0x126: {  	[sflag:s1] =	ssyncset.done $0x0  }
0x127: {  	s11 =	simm.s32 $0x98C0;
	[sflag:s1] =	ssyncadd.s32 $0xFFFFC000  }
0x128: {  	[spmem:s15] =	stream.indirect.scatter.add.f32 [tilespmem:s30], [sflag:$0x3], $0x80, s11, s2, $0xb8;
	[tilespmem:$0xE840] =	vst v63  }
0x129: {  	_ =	swait.ge [sflag:s3], $0x4000  }
0x12a: {  	s10 =	sld [smem:$0x7EF]  }
0x12b: {  	[sflag:s3] =	ssyncset.done $0x0  }
0x12c: {  	[sflag:s3] =	ssyncadd.s32 $0xFFFFC000  }
0x12d: {  	[tilespmem:s30], [sflag:$0x1] =	stream.linear.gather [hbm4b:s10+s0], $0x4000, $0x38;
	[tilespmem:$0xE840] =	vst v63  }
0x12e: {  	_ =	swait.ge [sflag:s4], $0x4000  }
0x12f: {  	[sflag:s4] =	ssyncset.done $0x0  }
0x130: {  	s11 =	simm.s32 $0x9940;
	[sflag:s4] =	ssyncadd.s32 $0xFFFFC000  }
0x131: {  	[spmem:s15] =	stream.indirect.scatter.add.f32 [tilespmem:s31], [sflag:$0x4], $0x80, s11, s2, $0xb8;
	[tilespmem:$0xE840] =	vst v63  }
0x132: {  	_ =	swait.ge [sflag:s5], $0x4000  }
0x133: {  	s10 =	sld [smem:$0x7F0]  }
0x134: {  	[sflag:s5] =	ssyncset.done $0x0  }
0x135: {  	[sflag:s5] =	ssyncadd.s32 $0xFFFFC000  }
0x136: {  	[tilespmem:s31], [sflag:$0x2] =	stream.linear.gather [hbm4b:s10+s0], $0x4000, $0x38;
	[tilespmem:$0xE840] =	vst v63  }
0x137: {  	_ =	swait.ge [sflag:s1], $0x4000  }
0x138: {  	[sflag:s1] =	ssyncset.done $0x0  }
0x139: {  	s11 =	simm.s32 $0x99C0;
	[sflag:s1] =	ssyncadd.s32 $0xFFFFC000  }
0x13a: {  	[spmem:s15] =	stream.indirect.scatter.add.f32 [tilespmem:s30], [sflag:$0x3], $0x80, s11, s2, $0xb8;
	[tilespmem:$0xE840] =	vst v63  }
0x13b: {  	_ =	swait.ge [sflag:s3], $0x4000  }
0x13c: {  	s10 =	sld [smem:$0x7F1]  }
0x13d: {  	[sflag:s3] =	ssyncset.done $0x0  }
0x13e: {  	[sflag:s3] =	ssyncadd.s32 $0xFFFFC000  }
0x13f: {  	[tilespmem:s30], [sflag:$0x1] =	stream.linear.gather [hbm4b:s10+s0], $0x4000, $0x38;
	[tilespmem:$0xE840] =	vst v63  }
0x140: {  	_ =	swait.ge [sflag:s4], $0x4000  }
0x141: {  	[sflag:s4] =	ssyncset.done $0x0  }
0x142: {  	s11 =	simm.s32 $0x9A40;
	[sflag:s4] =	ssyncadd.s32 $0xFFFFC000  }
0x143: {  	[spmem:s15] =	stream.indirect.scatter.add.f32 [tilespmem:s31], [sflag:$0x4], $0x80, s11, s2, $0xb8;
	[tilespmem:$0xE840] =	vst v63  }
0x144: {  	_ =	swait.ge [sflag:s5], $0x4000  }
0x145: {  	s10 =	sld [smem:$0x7F2]  }
0x146: {  	[sflag:s5] =	ssyncset.done $0x0  }
0x147: {  	[sflag:s5] =	ssyncadd.s32 $0xFFFFC000  }
0x148: {  	[tilespmem:s31], [sflag:$0x2] =	stream.linear.gather [hbm4b:s10+s0], $0x1C00, $0x38;
	[tilespmem:$0xE840] =	vst v63  }
0x149: {  	_ =	swait.ge [sflag:s1], $0x4000  }
0x14a: {  	[sflag:s1] =	ssyncset.done $0x0  }
0x14b: {  	s11 =	simm.s32 $0x9AC0;
	[sflag:s1] =	ssyncadd.s32 $0xFFFFC000  }
0x14c: {  	[spmem:s15] =	stream.indirect.scatter.add.f32 [tilespmem:s30], [sflag:$0x3], $0x80, s11, s2, $0xb8;
	[tilespmem:$0xE840] =	vst v63  }
0x14d: {  	_ =	swait.ge [sflag:s3], $0x4000  }
0x14e: {  	s10 =	sld [smem:$0x7F3]  }
0x14f: {  	[sflag:s3] =	ssyncset.done $0x0  }
0x150: {  	[sflag:s3] =	ssyncadd.s32 $0xFFFFC000  }
0x151: {  	[tilespmem:s30], [sflag:$0x1] =	stream.linear.gather [hbm4b:s10+s0], $0x4000, $0x38;
	[tilespmem:$0xE840] =	vst v63  }
0x152: {  	_ =	swait.ge [sflag:s4], $0x1C00  }
0x153: {  	[sflag:s4] =	ssyncset.done $0x0  }
0x154: {  	s11 =	simm.s32 $0xA4C0;
	[sflag:s4] =	ssyncadd.s32 $0xFFFFE400  }
0x155: {  	[spmem:s15] =	stream.indirect.scatter.add.f32 [tilespmem:s31], [sflag:$0x4], $0x80, s11, s6, $0xb8;
	[tilespmem:$0xE840] =	vst v63  }
0x156: {  	_ =	swait.ge [sflag:s5], $0x1C00  }
0x157: {  	s10 =	sld [smem:$0x7F4]  }
0x158: {  	[sflag:s5] =	ssyncset.done $0x0  }
0x159: {  	[sflag:s5] =	ssyncadd.s32 $0xFFFFE400  }
0x15a: {  	[tilespmem:s31], [sflag:$0x2] =	stream.linear.gather [hbm4b:s10+s0], $0x4000, $0x38;
	[tilespmem:$0xE840] =	vst v63  }
0x15b: {  	_ =	swait.ge [sflag:s1], $0x4000  }
0x15c: {  	[sflag:s1] =	ssyncset.done $0x0  }
0x15d: {  	[sflag:s1] =	ssyncadd.s32 $0xFFFFC000  }
0x15e: {  	[spmem:s15] =	stream.indirect.scatter.add.f32 [tilespmem:s30], [sflag:$0x3], $0x80, s26, s2, $0xb8;
	[tilespmem:$0xE840] =	vst v63  }
0x15f: {  	_ =	swait.ge [sflag:s3], $0x4000  }
0x160: {  	s11 =	sld [smem:$0x7F5]  }
0x161: {  	[sflag:s3] =	ssyncset.done $0x0  }
0x162: {  	[sflag:s3] =	ssyncadd.s32 $0xFFFFC000  }
0x163: {  	[tilespmem:s30], [sflag:$0x1] =	stream.linear.gather [hbm4b:s11+s0], $0x4000, $0x38;
	[tilespmem:$0xE840] =	vst v63  }
0x164: {  	_ =	swait.ge [sflag:s4], $0x4000  }
0x165: {  	[sflag:s4] =	ssyncset.done $0x0  }
0x166: {  	s10 =	simm.s32 $0x9CC0;
	[sflag:s4] =	ssyncadd.s32 $0xFFFFC000  }
0x167: {  	[spmem:s15] =	stream.indirect.scatter.add.f32 [tilespmem:s31], [sflag:$0x4], $0x80, s10, s2, $0xb8;
	[tilespmem:$0xE840] =	vst v63  }
0x168: {  	_ =	swait.ge [sflag:s5], $0x4000  }
0x169: {  	s11 =	sld [smem:$0x7F6]  }
0x16a: {  	[sflag:s5] =	ssyncset.done $0x0  }
0x16b: {  	[sflag:s5] =	ssyncadd.s32 $0xFFFFC000  }
0x16c: {  	[tilespmem:s31], [sflag:$0x2] =	stream.linear.gather [hbm4b:s11+s0], $0x4000, $0x38;
	[tilespmem:$0xE840] =	vst v63  }
0x16d: {  	_ =	swait.ge [sflag:s1], $0x4000  }
0x16e: {  	[sflag:s1] =	ssyncset.done $0x0  }
0x16f: {  	s10 =	simm.s32 $0x9D40;
	[sflag:s1] =	ssyncadd.s32 $0xFFFFC000  }
0x170: {  	[spmem:s15] =	stream.indirect.scatter.add.f32 [tilespmem:s30], [sflag:$0x3], $0x80, s10, s2, $0xb8;
	[tilespmem:$0xE840] =	vst v63  }
0x171: {  	_ =	swait.ge [sflag:s3], $0x4000  }
0x172: {  	s11 =	sld [smem:$0x7F7]  }
0x173: {  	[sflag:s3] =	ssyncset.done $0x0  }
0x174: {  	[sflag:s3] =	ssyncadd.s32 $0xFFFFC000  }
0x175: {  	[tilespmem:s30], [sflag:$0x1] =	stream.linear.gather [hbm4b:s11+s0], $0x4000, $0x38;
	[tilespmem:$0xE840] =	vst v63  }
0x176: {  	_ =	swait.ge [sflag:s4], $0x4000  }
0x177: {  	[sflag:s4] =	ssyncset.done $0x0  }
0x178: {  	s10 =	simm.s32 $0x9DC0;
	[sflag:s4] =	ssyncadd.s32 $0xFFFFC000  }
0x179: {  	[spmem:s15] =	stream.indirect.scatter.add.f32 [tilespmem:s31], [sflag:$0x4], $0x80, s10, s2, $0xb8;
	[tilespmem:$0xE840] =	vst v63  }
0x17a: {  	_ =	swait.ge [sflag:s5], $0x4000  }
0x17b: {  	s11 =	sld [smem:$0x7F8]  }
0x17c: {  	[sflag:s5] =	ssyncset.done $0x0  }
0x17d: {  	[sflag:s5] =	ssyncadd.s32 $0xFFFFC000  }
0x17e: {  	[tilespmem:s31], [sflag:$0x2] =	stream.linear.gather [hbm4b:s11+s0], $0x4000, $0x38;
	[tilespmem:$0xE840] =	vst v63  }
0x17f: {  	_ =	swait.ge [sflag:s1], $0x4000  }
0x180: {  	[sflag:s1] =	ssyncset.done $0x0  }
0x181: {  	s10 =	simm.s32 $0x9E40;
	[sflag:s1] =	ssyncadd.s32 $0xFFFFC000  }
0x182: {  	[spmem:s15] =	stream.indirect.scatter.add.f32 [tilespmem:s30], [sflag:$0x3], $0x80, s10, s2, $0xb8;
	[tilespmem:$0xE840] =	vst v63  }
0x183: {  	_ =	swait.ge [sflag:s3], $0x4000  }
0x184: {  	s11 =	sld [smem:$0x7F9]  }
0x185: {  	[sflag:s3] =	ssyncset.done $0x0  }
0x186: {  	[sflag:s3] =	ssyncadd.s32 $0xFFFFC000  }
0x187: {  	[tilespmem:s30], [sflag:$0x1] =	stream.linear.gather [hbm4b:s11+s0], $0x4000, $0x38;
	[tilespmem:$0xE840] =	vst v63  }
0x188: {  	_ =	swait.ge [sflag:s4], $0x4000  }
0x189: {  	[sflag:s4] =	ssyncset.done $0x0  }
0x18a: {  	s10 =	simm.s32 $0x9EC0;
	[sflag:s4] =	ssyncadd.s32 $0xFFFFC000  }
0x18b: {  	[spmem:s15] =	stream.indirect.scatter.add.f32 [tilespmem:s31], [sflag:$0x4], $0x80, s10, s2, $0xb8;
	[tilespmem:$0xE840] =	vst v63  }
0x18c: {  	_ =	swait.ge [sflag:s5], $0x4000  }
0x18d: {  	s11 =	sld [smem:$0x7FA]  }
0x18e: {  	[sflag:s5] =	ssyncset.done $0x0  }
0x18f: {  	[sflag:s5] =	ssyncadd.s32 $0xFFFFC000  }
0x190: {  	[tilespmem:s31], [sflag:$0x2] =	stream.linear.gather [hbm4b:s11+s0], $0x4000, $0x38;
	[tilespmem:$0xE840] =	vst v63  }
0x191: {  	_ =	swait.ge [sflag:s1], $0x4000  }
0x192: {  	[sflag:s1] =	ssyncset.done $0x0  }
0x193: {  	s10 =	simm.s32 $0x9F40;
	[sflag:s1] =	ssyncadd.s32 $0xFFFFC000  }
0x194: {  	[spmem:s15] =	stream.indirect.scatter.add.f32 [tilespmem:s30], [sflag:$0x3], $0x80, s10, s2, $0xb8;
	[tilespmem:$0xE840] =	vst v63  }
0x195: {  	_ =	swait.ge [sflag:s3], $0x4000  }
0x196: {  	s11 =	sld [smem:$0x7FB]  }
0x197: {  	[sflag:s3] =	ssyncset.done $0x0  }
0x198: {  	[sflag:s3] =	ssyncadd.s32 $0xFFFFC000  }
0x199: {  	[tilespmem:s30], [sflag:$0x1] =	stream.linear.gather [hbm4b:s11+s0], $0x4000, $0x38;
	[tilespmem:$0xE840] =	vst v63  }
0x19a: {  	_ =	swait.ge [sflag:s4], $0x4000  }
0x19b: {  	[sflag:s4] =	ssyncset.done $0x0  }
0x19c: {  	s10 =	simm.s32 $0x9FC0;
	[sflag:s4] =	ssyncadd.s32 $0xFFFFC000  }
0x19d: {  	[spmem:s15] =	stream.indirect.scatter.add.f32 [tilespmem:s31], [sflag:$0x4], $0x80, s10, s2, $0xb8;
	[tilespmem:$0xE840] =	vst v63  }
0x19e: {  	_ =	swait.ge [sflag:s5], $0x4000  }
0x19f: {  	s11 =	sld [smem:$0x7FC]  }
0x1a0: {  	[sflag:s5] =	ssyncset.done $0x0  }
0x1a1: {  	[sflag:s5] =	ssyncadd.s32 $0xFFFFC000  }
0x1a2: {  	[tilespmem:s31], [sflag:$0x2] =	stream.linear.gather [hbm4b:s11+s0], $0x4000, $0x38;
	[tilespmem:$0xE840] =	vst v63  }
0x1a3: {  	_ =	swait.ge [sflag:s1], $0x4000  }
0x1a4: {  	[sflag:s1] =	ssyncset.done $0x0  }
0x1a5: {  	s10 =	simm.s32 $0xA040;
	[sflag:s1] =	ssyncadd.s32 $0xFFFFC000  }
0x1a6: {  	[spmem:s15] =	stream.indirect.scatter.add.f32 [tilespmem:s30], [sflag:$0x3], $0x80, s10, s2, $0xb8;
	[tilespmem:$0xE840] =	vst v63  }
0x1a7: {  	_ =	swait.ge [sflag:s3], $0x4000  }
0x1a8: {  	s11 =	sld [smem:$0x7FD]  }
0x1a9: {  	[sflag:s3] =	ssyncset.done $0x0  }
0x1aa: {  	[sflag:s3] =	ssyncadd.s32 $0xFFFFC000  }
0x1ab: {  	[tilespmem:s30], [sflag:$0x1] =	stream.linear.gather [hbm4b:s11+s0], $0x4000, $0x38;
	[tilespmem:$0xE840] =	vst v63  }
0x1ac: {  	_ =	swait.ge [sflag:s4], $0x4000  }
0x1ad: {  	[sflag:s4] =	ssyncset.done $0x0  }
0x1ae: {  	s10 =	simm.s32 $0xA0C0;
	[sflag:s4] =	ssyncadd.s32 $0xFFFFC000  }
0x1af: {  	[spmem:s15] =	stream.indirect.scatter.add.f32 [tilespmem:s31], [sflag:$0x4], $0x80, s10, s2, $0xb8;
	[tilespmem:$0xE840] =	vst v63  }
0x1b0: {  	_ =	swait.ge [sflag:s5], $0x4000  }
0x1b1: {  	[sflag:s5] =	ssyncset.done $0x0  }
0x1b2: {  	[sflag:s5] =	ssyncadd.s32 $0xFFFFC000  }
0x1b3: {  	[tilespmem:s31], [sflag:$0x2] =	stream.linear.gather [hbm4b:s12+s0], $0x4000, $0x38;
	[tilespmem:$0xE840] =	vst v63  }
0x1b4: {  	_ =	swait.ge [sflag:s1], $0x4000  }
0x1b5: {  	[sflag:s1] =	ssyncset.done $0x0  }
0x1b6: {  	s11 =	simm.s32 $0xA140;
	[sflag:s1] =	ssyncadd.s32 $0xFFFFC000  }
0x1b7: {  	[spmem:s15] =	stream.indirect.scatter.add.f32 [tilespmem:s30], [sflag:$0x3], $0x80, s11, s2, $0xb8;
	[tilespmem:$0xE840] =	vst v63  }
0x1b8: {  	_ =	swait.ge [sflag:s3], $0x4000  }
0x1b9: {  	[sflag:s3] =	ssyncset.done $0x0  }
0x1ba: {  	[sflag:s3] =	ssyncadd.s32 $0xFFFFC000  }
0x1bb: {  	[tilespmem:s30], [sflag:$0x1] =	stream.linear.gather [hbm4b:s13+s0], $0x4000, $0x38;
	[tilespmem:$0xE840] =	vst v63  }
0x1bc: {  	_ =	swait.ge [sflag:s4], $0x4000  }
0x1bd: {  	[sflag:s4] =	ssyncset.done $0x0  }
0x1be: {  	s10 =	simm.s32 $0xA1C0;
	[sflag:s4] =	ssyncadd.s32 $0xFFFFC000  }
0x1bf: {  	[spmem:s15] =	stream.indirect.scatter.add.f32 [tilespmem:s31], [sflag:$0x4], $0x80, s10, s2, $0xb8;
	[tilespmem:$0xE840] =	vst v63  }
0x1c0: {  	_ =	swait.ge [sflag:s5], $0x4000  }
0x1c1: {  	[sflag:s5] =	ssyncset.done $0x0  }
0x1c2: {  	[sflag:s5] =	ssyncadd.s32 $0xFFFFC000  }
0x1c3: {  	[tilespmem:s31], [sflag:$0x2] =	stream.linear.gather [hbm4b:s14+s0], $0x4000, $0x38;
	[tilespmem:$0xE840] =	vst v63  }
0x1c4: {  	_ =	swait.ge [sflag:s1], $0x4000  }
0x1c5: {  	[sflag:s1] =	ssyncset.done $0x0  }
0x1c6: {  	s11 =	simm.s32 $0xA240;
	[sflag:s1] =	ssyncadd.s32 $0xFFFFC000  }
0x1c7: {  	[spmem:s15] =	stream.indirect.scatter.add.f32 [tilespmem:s30], [sflag:$0x3], $0x80, s11, s2, $0xb8;
	[tilespmem:$0xE840] =	vst v63  }
0x1c8: {  	_ =	swait.ge [sflag:s3], $0x4000  }
0x1c9: {  	[sflag:s3] =	ssyncset.done $0x0  }
0x1ca: {  	[sflag:s3] =	ssyncadd.s32 $0xFFFFC000  }
0x1cb: {  	[tilespmem:s30], [sflag:$0x1] =	stream.linear.gather [hbm4b:s16+s0], $0x1C00, $0x38;
	[tilespmem:$0xE840] =	vst v63  }
0x1cc: {  	_ =	swait.ge [sflag:s4], $0x4000  }
0x1cd: {  	[sflag:s4] =	ssyncset.done $0x0  }
0x1ce: {  	s10 =	simm.s32 $0xA2C0;
	[sflag:s4] =	ssyncadd.s32 $0xFFFFC000  }
0x1cf: {  	[spmem:s15] =	stream.indirect.scatter.add.f32 [tilespmem:s31], [sflag:$0x4], $0x80, s10, s2, $0xb8;
	[tilespmem:$0xE840] =	vst v63  }
0x1d0: {  	_ =	swait.ge [sflag:s1], $0x1C00  }
0x1d1: {  	[sflag:s1] =	ssyncset.done $0x0  }
0x1d2: {  	s11 =	simm.s32 $0xA540;
	[sflag:s1] =	ssyncadd.s32 $0xFFFFE400  }
0x1d3: {  	[spmem:s15] =	stream.indirect.scatter.add.f32 [tilespmem:s30], [sflag:$0x3], $0x80, s11, s6, $0xb8;
	[tilespmem:$0xE840] =	vst v63  }
0x1d4: {  	_ =	swait.ge [sflag:s5], $0x4000  }
0x1d5: {  	[sflag:s5] =	ssyncset.done $0x0  }
0x1d6: {  	[sflag:s5] =	ssyncadd.s32 $0xFFFFC000  }
0x1d7: {  	_ =	swait.ge [sflag:s3], $0x1C00  }
0x1d8: {  	s7 =	sadd.s32 $0x1, s7;
	[sflag:s3] =	ssyncset.done $0x0  }
0x1d9: {  	p1 =	sne.s32 s7, s20;
	s9 =	sshrl.u32 @!p0 s15, $0x3;
	[sflag:s3] =	ssyncadd.s32 $0xFFFFE400  }
.Ltmp1:
0x1da: {  	s10 =	simm.s32 @!p0 $0x1C05;
	[bflag:$0x0] =	sbarrier.arrive $0xFFFF;
	(pc) =	sbr.rel @p1 .LBB2_1-.Ltmp1, $4  }
0x1db: {  	[hbm:s19], [sflag:s10] =	dma.local @!p0 [spmem:s9], $0x1800  }
0x1dc: {  	_ =	swait.ge @!p0 [sflag:s8], $0x1800  }
0x1dd: {  	[sflag:s8] =	ssyncset.done @!p0 $0x0  }
0x1de: {  	[sflag:s8] =	ssyncadd.s32 @!p0 $0xFFFFE800  }
0x1df: {  	_ =	sfence.sel $0x180000  }
0x1e0: {  	[bflag:$0x0] =	sbarrier.arrive $0xFFFF  }
0x1e1: {  	_ =	strace $0x90000047  }
0x1e2: {  	[bflag:$0x2] =	sbarrier.arrive $0xFFFF  }
0x1e3: {  	s0 =	rddreg [dreg:$0x5]  }
0x1e4: {  	s0 =	sadd.s32 @!p0 $0x100000, s0  }
0x1e5: {  	[sflag:s0] =	ssyncadd.tile.s32 @!p0 $0x1;
	_ =	shalt  }
.Lfunc_end2:
_tile_overlayer_lowered:
.L_overlay_start_2:
0x1e6: {  	(tag) =	ssettag $0x2  }
0x1e7: {  	s0 =	rddreg [dreg:$0x0];
	s2 =	stileid.u32  }
0x1e8: {  	s1 =	rddreg [dreg:$0x1];
	p0 =	sne.s32 s2, $0x0  }
0x1e9: {  	s3 =	rddreg [dreg:$0x2];
	[bflag:$0x3] =	sbarrier.arrive $0xFFFF;
	s2 =	simm.s32 @!p0 $0x1C05  }
0x1ea: {  	[timem:s3], [sflag:s2] =	dma.local @!p0 [hbm:s0], s1  }
0x1eb: {  	s0 =	simm.s32 @!p0 $0x5  }
0x1ec: {  	_ =	swait.ge @!p0 [sflag:s0], s1  }
0x1ed: {  	s1 =	ssub.s32 @!p0 $0x0, s1;
	[sflag:s0] =	ssyncset.done @!p0 $0x0  }
0x1ee: {  	[sflag:s0] =	ssyncadd.s32 @!p0 s1  }
0x1ef: {  	[bflag:$0x3] =	sbarrier.arrive $0xFFFF  }
0x1f0: {  	_ =	shalt  }

</sc_bundles>
